<compile_context>
chip_gen: v7x
topology: tpu7x:2x2x1
jax: 0.10.2.dev20260603
libtpu: 0.0.44.dev20260713+nightly
codegen_flags: <defaults>
</compile_context>

<pallas_src>
import functools

import jax
import jax.numpy as jnp
from jax import lax
from jax.experimental import pallas as pl
from jax.experimental.pallas import tpu as pltpu
from jax.experimental.pallas import tpu_sc as plsc

L16 = 16
NEG = -1.0e18
POS = 1.0e18
SEG_PAD = 304
REC = 640


def _pixel_phase_sc(csort_pad, tflat, *, n, p, hw, n_tiles):
    tiles_per_row = n_tiles // n
    chunk = hw // tiles_per_row
    groups = chunk // L16
    cpad = csort_pad.shape[1]
    trash = 299

    mesh = plsc.VectorSubcoreMesh(
        core_axis_name="c", subcore_axis_name="s", num_cores=2,
        num_subcores=16,
    )

    @functools.partial(
        pl.kernel,
        out_type=jax.ShapeDtypeStruct((n_tiles, REC), jnp.float32),
        mesh=mesh,
        compiler_params=pltpu.CompilerParams(
            use_tc_tiling_on_sc=False, needs_layout_passes=False),
        scratch_types=dict(
            vals_v=pltpu.VMEM((chunk,), jnp.float32),
            cs_v=pltpu.VMEM((cpad,), jnp.float32),
            imax_v=pltpu.VMEM((SEG_PAD,), jnp.float32),
            imin_v=pltpu.VMEM((SEG_PAD,), jnp.float32),
            sbuf_v=pltpu.VMEM((32,), jnp.int32),
            stats_v=pltpu.VMEM((L16,), jnp.float32),
        ),
    )
    def k(cs_hbm, t_hbm, recs_hbm, vals_v, cs_v, imax_v, imin_v, sbuf_v,
          stats_v):
        wid = lax.axis_index("c") * 16 + lax.axis_index("s")
        row = wid // tiles_per_row
        slot = wid % tiles_per_row
        base = row * hw + slot * chunk

        pltpu.sync_copy(t_hbm.at[pl.ds(base, chunk)], vals_v)
        pltpu.sync_copy(cs_hbm.at[row], cs_v)

        fneg = jnp.full((L16,), NEG, jnp.float32)
        fpos = jnp.full((L16,), POS, jnp.float32)
        for g in range(SEG_PAD // L16):
            imax_v[pl.ds(g * L16, L16)] = fneg
            imin_v[pl.ds(g * L16, L16)] = fpos
        im1 = jnp.full((L16,), -1, jnp.int32)
        sbuf_v[pl.ds(0, L16)] = im1
        sbuf_v[pl.ds(L16, L16)] = im1

        def body(g, carry):
            b_acc, l_acc = carry
            v = vals_v[pl.ds(g * L16, L16)]
            valid = v >= 0.001
            l_acc = l_acc + jnp.where(valid, 1.0, 0.0).astype(jnp.float32)
            lo = jnp.zeros((L16,), jnp.int32)
            hi = jnp.full((L16,), p, jnp.int32)
            for _ in range(9):
                mid = (lo + hi) >> 1
                cm = plsc.load_gather(cs_v, [mid + 1])
                go = cm <= v
                lo = jnp.where(go, mid + 1, lo)
                hi = jnp.where(go, hi, mid)
            s = lo
            lower = plsc.load_gather(cs_v, [s])
            upper = plsc.load_gather(cs_v, [s + 1])
            d = jnp.minimum(v - lower, upper - v)
            b_acc = b_acc + jnp.where(valid, d * d, 0.0)
            key = jnp.where(valid, v, 2.0)
            sidx = jnp.where(valid, s, trash)
            ksort, isort = plsc.sort_key_val(key, sidx)
            sbuf_v[pl.ds(1, L16)] = isort
            sprev = sbuf_v[pl.ds(0, L16)]
            snext = sbuf_v[pl.ds(2, L16)]
            m_last = isort != snext
            m_first = isort != sprev
            old_mx = plsc.load_gather(imax_v, [isort])
            plsc.store_scatter(imax_v, [isort], jnp.maximum(old_mx, ksort),
                               mask=m_last)
            old_mn = plsc.load_gather(imin_v, [isort])
            plsc.store_scatter(imin_v, [isort], jnp.minimum(old_mn, ksort),
                               mask=m_first)
            return b_acc, l_acc

        zero16 = jnp.zeros((L16,), jnp.float32)
        b_acc, l_acc = lax.fori_loop(0, groups, body, (zero16, zero16))

        ii = lax.iota(jnp.int32, L16)
        stats_v[...] = jnp.where(ii == 0, jnp.sum(b_acc),
                                 jnp.where(ii == 1, jnp.sum(l_acc), 0.0)
                                 ).astype(jnp.float32)
        pltpu.sync_copy(imax_v, recs_hbm.at[wid, pl.ds(0, SEG_PAD)])
        pltpu.sync_copy(imin_v, recs_hbm.at[wid, pl.ds(SEG_PAD, SEG_PAD)])
        pltpu.sync_copy(stats_v, recs_hbm.at[wid, pl.ds(608, L16)])

    return k(csort_pad, tflat)


def _combine_sc(csort_pad, recs, *, n, p, n_tiles):
    tiles_per_row = n_tiles // n
    cpad = csort_pad.shape[1]
    a_groups = cpad // L16
    c_groups = p // L16

    mesh = plsc.VectorSubcoreMesh(
        core_axis_name="c", subcore_axis_name="s", num_cores=1,
        num_subcores=16,
    )

    @functools.partial(
        pl.kernel,
        out_type=jax.ShapeDtypeStruct((L16,), jnp.float32),
        mesh=mesh,
        compiler_params=pltpu.CompilerParams(
            use_tc_tiling_on_sc=False, needs_layout_passes=False),
        scratch_types=dict(
            row_v=pltpu.VMEM((tiles_per_row, REC), jnp.float32),
            cs_v=pltpu.VMEM((cpad,), jnp.float32),
            cimax_v=pltpu.VMEM((cpad,), jnp.float32),
            cimin_v=pltpu.VMEM((cpad,), jnp.float32),
            pmax_v=pltpu.VMEM((cpad,), jnp.float32),
            smin_v=pltpu.VMEM((cpad,), jnp.float32),
            stats_v=pltpu.VMEM((L16,), jnp.float32),
            res_v=pltpu.VMEM((n, L16), jnp.float32),
            out_v=pltpu.VMEM((L16,), jnp.float32),
            shared=pltpu.VMEM_SHARED((16, L16), jnp.float32),
        ),
    )
    def k(cs_hbm, recs_hbm, out_hbm, row_v, cs_v, cimax_v, cimin_v,
          pmax_v, smin_v, stats_v, res_v, out_v, shared):
        wid = lax.axis_index("s")
        ii = lax.iota(jnp.int32, L16)

        @pl.when(wid < n)
        def _():
            r = wid
            pltpu.sync_copy(recs_hbm.at[pl.ds(r * tiles_per_row,
                                              tiles_per_row)], row_v)
            pltpu.sync_copy(cs_hbm.at[r], cs_v)
            for g in range(a_groups):
                mx = row_v[0, pl.ds(g * L16, L16)]
                mn = row_v[0, pl.ds(SEG_PAD + g * L16, L16)]
                for t in range(1, tiles_per_row):
                    mx = jnp.maximum(mx, row_v[t, pl.ds(g * L16, L16)])
                    mn = jnp.minimum(mn, row_v[t, pl.ds(SEG_PAD + g * L16,
                                                        L16)])
                cimax_v[pl.ds(g * L16, L16)] = mx
                cimin_v[pl.ds(g * L16, L16)] = mn
            st = row_v[0, pl.ds(608, L16)]
            for t in range(1, tiles_per_row):
                st = st + row_v[t, pl.ds(608, L16)]
            b_r = st[0]
            l_r = st[1]
            carry = jnp.float32(NEG)
            for g in range(a_groups):
                x = cimax_v[pl.ds(g * L16, L16)]
                pmax_v[pl.ds(g * L16, L16)] = jnp.maximum(plsc.cummax(x),
                                                          carry)
                carry = jnp.maximum(carry, jnp.max(x))
            carry = jnp.float32(POS)
            for g in reversed(range(a_groups)):
                x = cimin_v[pl.ds(g * L16, L16)]
                suff = -lax.rev(plsc.cummax(lax.rev(-x, (0,))), (0,))
                smin_v[pl.ds(g * L16, L16)] = jnp.minimum(suff, carry)
                carry = jnp.minimum(carry, jnp.min(x))
            sa = jnp.zeros((L16,), jnp.float32)
            sac = jnp.zeros((L16,), jnp.float32)
            for h in range(c_groups):
                cp = cs_v[pl.ds(1 + h * L16, L16)]
                nb = pmax_v[pl.ds(h * L16, L16)]
                na = smin_v[pl.ds(h * L16 + 1, L16)]
                db = cp - nb
                da = na - cp
                a_p = jnp.minimum(db * db, da * da)
                sa = sa + a_p
                sac = sac + jnp.minimum(a_p, cp * cp)
            sa_s = jnp.sum(sa)
            sac_s = jnp.sum(sac)
            c0 = cs_v[pl.ds(0, L16)][1]
            w = jnp.where(ii == 0, sa_s,
                          jnp.where(ii == 1, sac_s,
                                    jnp.where(ii == 2, b_r,
                                              jnp.where(ii == 3, l_r,
                                                        jnp.where(ii == 4, c0,
                                                                  0.0)))))
            stats_v[...] = w.astype(jnp.float32)
            pltpu.sync_copy(stats_v, shared.at[wid])

        plsc.subcore_barrier()

        @pl.when(wid == 0)
        def _():
            pltpu.sync_copy(shared.at[pl.ds(0, n)], res_v)
            rv = [res_v[r, pl.ds(0, L16)] for r in range(n)]
            ls = [rv[r][3] for r in range(n)]
            t_max = ls[0]
            for r in range(1, n):
                t_max = jnp.maximum(t_max, ls[r])
            chx = jnp.float32(0.0)
            chy_num = jnp.float32(0.0)
            for r in range(n):
                sa_s = rv[r][0]
                sac_s = rv[r][1]
                b_r = rv[r][2]
                c0 = rv[r][4]
                chx = chx + jnp.where(t_max > ls[r], sac_s, sa_s) * (1.0 / p)
                chy_num = chy_num + b_r + (t_max - ls[r]) * c0 * c0
            chy_vec = (jnp.broadcast_to(chy_num, (L16,))
                       / jnp.broadcast_to(t_max, (L16,)))
            loss_vec = (0.1 / n) * (chx + chy_vec)
            out_v[...] = jnp.where(ii == 0, loss_vec, 0.0).astype(jnp.float32)
            pltpu.sync_copy(out_v, out_hbm)

    return k(csort_pad, recs)


def kernel(input, target):
    bins = input
    centers = 0.5 * (bins[:, 1:] + bins[:, :-1])
    n, p = centers.shape
    hw = target.shape[1] * target.shape[2]
    csort = jnp.sort(centers, axis=1)
    csort_pad = jnp.concatenate(
        [jnp.full((n, 1), NEG, jnp.float32),
         csort,
         jnp.full((n, 15), POS, jnp.float32)], axis=1)
    tflat = target.reshape(n * hw)
    recs = _pixel_phase_sc(csort_pad, tflat, n=n, p=p, hw=hw, n_tiles=32)
    out = _combine_sc(csort_pad, recs, n=n, p=p, n_tiles=32)
    return out[0]

# --- scband reference (transcript-rebuilt; emitter-appended) ---
"""Pipeline reference for scband-bins-chamfer-loss-82403242541717 (READ-ONLY COPY).

The authoritative reference and input builder live on the scoring server;
editing this copy changes nothing except your own understanding.
"""

import jax, jax.numpy as jnp
import numpy as np

LOSS_WEIGHT = 0.1


def setup_inputs(seed: int = 0) -> dict:
    key = jax.random.key(seed)
    k1, k2 = jax.random.split(key)
    bins = jax.random.uniform(k1, (4, 257), dtype=jnp.float32)
    target = jax.random.uniform(k2, (4, 240, 320), dtype=jnp.float32)
    return {"input": bins, "target": target}


def _chamfer(x, y, valid_t, T):
    # x: [n, p, 1], y: [n, HW, 1]; 1-D points -> pairwise squared distances [n, p, HW]
    d2 = (x[:, :, 0][:, :, None] - y[:, :, 0][:, None, :]) ** 2
    d2_x = jnp.where(valid_t[:, None, :], d2, jnp.inf)
    cham_x = jnp.min(d2_x, axis=2).mean(axis=1)  # per-cloud mean of min dist x->y
    m = jnp.min(d2, axis=1)  # [n, HW] min dist y->x per point
    cham_y = jnp.where(valid_t, m, 0.0).sum(axis=1) / T
    # batch_reduction='mean' as in pytorch3d chamfer_distance default
    return cham_x.mean() + cham_y.mean()


def reference(input, target):
    bins = input
    bin_centers = 0.5 * (bins[:, 1:] + bins[:, :-1])  # [n, p]
    n, p = bin_centers.shape
    x = bin_centers[:, :, None]  # [n, p, 1]
    tflat = target.reshape(n, -1)  # [n, H*W]
    HW = tflat.shape[1]
    mask = tflat >= 0.001
    lengths = mask.sum(axis=1)
    T = lengths.max()
    # stable argsort moves valid entries (in original index order) to the front,
    # reproducing pad_sequence(batch_first=True) with zero padding at fixed width HW
    order = jnp.argsort(jnp.logical_not(mask), axis=1, stable=True)
    sorted_vals = jnp.take_along_axis(tflat, order, axis=1)
    sorted_mask = jnp.take_along_axis(mask, order, axis=1)
    y = jnp.where(sorted_mask, sorted_vals, 0.0)[:, :, None]  # [n, HW, 1]
    valid_t = jnp.arange(HW)[None, :] < T  # columns beyond T are excluded
    loss = _chamfer(x, y, valid_t, T)
    return LOSS_WEIGHT * loss

if __name__ == "__main__":
    import jax
    _d = setup_inputs()
    print(jax.jit(kernel)(*tuple(_d.values())))

</pallas_src>

<mosaic_0001>
#map = affine_map<(d0, d1) -> (0, 0)>
#map1 = affine_map<(d0, d1) -> (0)>
module attributes {stable_mosaic.version = 14 : i64} {
  func.func @k(%arg0: i32, %arg1: i32, %arg2: memref<4x272xf32, #tpu.memory_space<hbm>>, %arg3: memref<307200xf32, #tpu.memory_space<hbm>>, %arg4: memref<32x640xf32, #tpu.memory_space<hbm>>, %arg5: memref<272xf32, #tpu.memory_space<vmem>>, %arg6: memref<304xf32, #tpu.memory_space<vmem>>, %arg7: memref<304xf32, #tpu.memory_space<vmem>>, %arg8: memref<32xi32, #tpu.memory_space<vmem>>, %arg9: memref<16xf32, #tpu.memory_space<vmem>>, %arg10: memref<9600xf32, #tpu.memory_space<vmem>>) attributes {dimension_semantics = [#tpu.dimension_semantics<core_parallel>, #tpu.dimension_semantics<subcore_parallel>], iteration_bounds = array<i64: 2, 16>, scalar_prefetch = 0 : i64, scratch_operands = 6 : i64, tpu.core_type = #tpu.core_type<sc_vector_subcore>, window_params = [{transform_indices = #map}, {transform_indices = #map1}, {transform_indices = #map}]} {
    %mul3A = arith.constant 16 : i32
    %mul3A_0 = arith.muli %arg0, %mul3A : i32
    %add3A = arith.addi %mul3A_0, %arg1 : i32
    %jit3A = arith.constant 8 : i32
    %div3A = arith.divsi %add3A, %jit3A : i32
    %sign3A = arith.constant 0 : i32
    %sign3A_1 = arith.cmpi sgt, %add3A, %sign3A : i32
    %sign3A_2 = arith.extui %sign3A_1 : i1 to i32
    %sign3A_3 = arith.constant 0 : i32
    %sign3A_4 = arith.cmpi slt, %add3A, %sign3A_3 : i32
    %sign3A_5 = arith.extui %sign3A_4 : i1 to i32
    %sign3A_6 = arith.subi %sign3A_2, %sign3A_5 : i32
    %sign3A_7 = arith.constant 0 : i32
    %sign3A_8 = arith.cmpi sgt, %jit3A, %sign3A_7 : i32
    %sign3A_9 = arith.extui %sign3A_8 : i1 to i32
    %sign3A_10 = arith.constant 0 : i32
    %sign3A_11 = arith.cmpi slt, %jit3A, %sign3A_10 : i32
    %sign3A_12 = arith.extui %sign3A_11 : i1 to i32
    %sign3A_13 = arith.subi %sign3A_9, %sign3A_12 : i32
    %ne3A = arith.cmpi ne, %sign3A_6, %sign3A_13 : i32
    %rem3A = arith.remsi %add3A, %jit3A : i32
    %ne3A_14 = arith.constant 0 : i32
    %ne3A_15 = arith.cmpi ne, %rem3A, %ne3A_14 : i32
    %and3A = arith.andi %ne3A, %ne3A_15 : i1
    %sub3A = arith.constant 1 : i32
    %sub3A_16 = arith.subi %div3A, %sub3A : i32
    %select_n3A = arith.select %and3A, %sub3A_16, %div3A : i32
    %jit3A_17 = arith.constant 8 : i32
    %eq3A = arith.constant 0 : i32
    %eq3A_18 = arith.cmpi eq, %jit3A_17, %eq3A : i32
    %jit3A_19 = arith.constant 1 : i32
    %select_n3A_20 = arith.select %eq3A_18, %jit3A_19, %jit3A_17 : i32
    %rem3A_21 = arith.remsi %add3A, %select_n3A_20 : i32
    %ne3A_22 = arith.constant 0 : i32
    %ne3A_23 = arith.cmpi ne, %rem3A_21, %ne3A_22 : i32
    %lt3A = arith.constant 0 : i32
    %lt3A_24 = arith.cmpi slt, %rem3A_21, %lt3A : i32
    %lt3A_25 = arith.constant 0 : i32
    %lt3A_26 = arith.cmpi slt, %select_n3A_20, %lt3A_25 : i32
    %ne3A_27 = arith.xori %lt3A_24, %lt3A_26 : i1
    %and3A_28 = arith.andi %ne3A_27, %ne3A_23 : i1
    %add3A_29 = arith.addi %rem3A_21, %select_n3A_20 : i32
    %select_n3A_30 = arith.select %and3A_28, %add3A_29, %rem3A_21 : i32
    %mul3A_31 = arith.constant 76800 : i32
    %mul3A_32 = arith.muli %select_n3A, %mul3A_31 : i32
    %mul3A_33 = arith.constant 9600 : i32
    %mul3A_34 = arith.muli %select_n3A_30, %mul3A_33 : i32
    %add3A_35 = arith.addi %mul3A_32, %mul3A_34 : i32
    "tpu.region"() ({
      %run_scoped3A = tpu.sem_alloc : memref<!tpu.dma_semaphore, #tpu.memory_space<semaphore_mem>>
      %dma_start3A = tpu.memref_slice %arg3[%add3A_35] : memref<307200xf32, #tpu.memory_space<hbm>> -> memref<9600xf32, #tpu.memory_space<hbm>>
      %dma_start3A_148 = tpu.memref_slice %arg3[%add3A_35] : memref<307200xf32, #tpu.memory_space<hbm>> -> memref<9600xf32, #tpu.memory_space<hbm>>
      tpu.enqueue_dma source(%dma_start3A_148 : memref<9600xf32, #tpu.memory_space<hbm>>) target(%arg10 : memref<9600xf32, #tpu.memory_space<vmem>>) target_semaphore(%run_scoped3A : memref<!tpu.dma_semaphore, #tpu.memory_space<semaphore_mem>>)
      %dma_wait3A = tpu.memref_slice %arg3[%add3A_35] : memref<307200xf32, #tpu.memory_space<hbm>> -> memref<9600xf32, #tpu.memory_space<hbm>>
      %dma_wait3A_149 = tpu.memref_slice %arg3[%add3A_35] : memref<307200xf32, #tpu.memory_space<hbm>> -> memref<9600xf32, #tpu.memory_space<hbm>>
      tpu.wait_dma2 semaphore(%run_scoped3A : memref<!tpu.dma_semaphore, #tpu.memory_space<semaphore_mem>>) src(%dma_wait3A_149 : memref<9600xf32, #tpu.memory_space<hbm>>) dst(%arg10 : memref<9600xf32, #tpu.memory_space<vmem>>)
      tpu.yield
    }) : () -> ()
    "tpu.region"() ({
      %run_scoped3A = tpu.sem_alloc : memref<!tpu.dma_semaphore, #tpu.memory_space<semaphore_mem>>
      %dma_start3A = arith.constant 0 : i32
      %dma_start3A_148 = tpu.memref_slice %arg2[%select_n3A, %dma_start3A] : memref<4x272xf32, #tpu.memory_space<hbm>> -> memref<1x272xf32, #tpu.memory_space<hbm>>
      %dma_start3A_149 = tpu.memref_squeeze %dma_start3A_148 : memref<1x272xf32, #tpu.memory_space<hbm>> -> memref<272xf32, #tpu.memory_space<hbm>>
      %dma_start3A_150 = arith.constant 0 : i32
      %dma_start3A_151 = tpu.memref_slice %arg2[%select_n3A, %dma_start3A_150] : memref<4x272xf32, #tpu.memory_space<hbm>> -> memref<1x272xf32, #tpu.memory_space<hbm>>
      %dma_start3A_152 = tpu.memref_squeeze %dma_start3A_151 : memref<1x272xf32, #tpu.memory_space<hbm>> -> memref<272xf32, #tpu.memory_space<hbm>>
      tpu.enqueue_dma source(%dma_start3A_152 : memref<272xf32, #tpu.memory_space<hbm>>) target(%arg5 : memref<272xf32, #tpu.memory_space<vmem>>) target_semaphore(%run_scoped3A : memref<!tpu.dma_semaphore, #tpu.memory_space<semaphore_mem>>)
      %dma_wait3A = arith.constant 0 : i32
      %dma_wait3A_153 = tpu.memref_slice %arg2[%select_n3A, %dma_wait3A] : memref<4x272xf32, #tpu.memory_space<hbm>> -> memref<1x272xf32, #tpu.memory_space<hbm>>
      %dma_wait3A_154 = tpu.memref_squeeze %dma_wait3A_153 : memref<1x272xf32, #tpu.memory_space<hbm>> -> memref<272xf32, #tpu.memory_space<hbm>>
      %dma_wait3A_155 = arith.constant 0 : i32
      %dma_wait3A_156 = tpu.memref_slice %arg2[%select_n3A, %dma_wait3A_155] : memref<4x272xf32, #tpu.memory_space<hbm>> -> memref<1x272xf32, #tpu.memory_space<hbm>>
      %dma_wait3A_157 = tpu.memref_squeeze %dma_wait3A_156 : memref<1x272xf32, #tpu.memory_space<hbm>> -> memref<272xf32, #tpu.memory_space<hbm>>
      tpu.wait_dma2 semaphore(%run_scoped3A : memref<!tpu.dma_semaphore, #tpu.memory_space<semaphore_mem>>) src(%dma_wait3A_157 : memref<272xf32, #tpu.memory_space<hbm>>) dst(%arg5 : memref<272xf32, #tpu.memory_space<vmem>>)
      tpu.yield
    }) : () -> ()
    %broadcast_in_dim3A = arith.constant -9.99999984E+17 : f32
    %broadcast_in_dim3A_36 = vector.broadcast %broadcast_in_dim3A : f32 to vector<16xf32>
    %broadcast_in_dim3A_37 = arith.constant 9.99999984E+17 : f32
    %broadcast_in_dim3A_38 = vector.broadcast %broadcast_in_dim3A_37 : f32 to vector<16xf32>
    %swap3A = arith.constant 0 : index
    %swap3A_39 = tpu.vector_load %arg6[%swap3A] {strides = array<i32>} : memref<304xf32, #tpu.memory_space<vmem>>, vector<16xf32>,
    tpu.vector_store %arg6[%swap3A], %broadcast_in_dim3A_36 {strides = array<i32>} : memref<304xf32, #tpu.memory_space<vmem>>, vector<16xf32>,
    %swap3A_40 = arith.constant 0 : index
    %swap3A_41 = tpu.vector_load %arg7[%swap3A_40] {strides = array<i32>} : memref<304xf32, #tpu.memory_space<vmem>>, vector<16xf32>,
    tpu.vector_store %arg7[%swap3A_40], %broadcast_in_dim3A_38 {strides = array<i32>} : memref<304xf32, #tpu.memory_space<vmem>>, vector<16xf32>,
    %swap3A_42 = arith.constant 16 : index
    %swap3A_43 = tpu.vector_load %arg6[%swap3A_42] {strides = array<i32>} : memref<304xf32, #tpu.memory_space<vmem>>, vector<16xf32>,
    tpu.vector_store %arg6[%swap3A_42], %broadcast_in_dim3A_36 {strides = array<i32>} : memref<304xf32, #tpu.memory_space<vmem>>, vector<16xf32>,
    %swap3A_44 = arith.constant 16 : index
    %swap3A_45 = tpu.vector_load %arg7[%swap3A_44] {strides = array<i32>} : memref<304xf32, #tpu.memory_space<vmem>>, vector<16xf32>,
    tpu.vector_store %arg7[%swap3A_44], %broadcast_in_dim3A_38 {strides = array<i32>} : memref<304xf32, #tpu.memory_space<vmem>>, vector<16xf32>,
    %swap3A_46 = arith.constant 32 : index
    %swap3A_47 = tpu.vector_load %arg6[%swap3A_46] {strides = array<i32>} : memref<304xf32, #tpu.memory_space<vmem>>, vector<16xf32>,
    tpu.vector_store %arg6[%swap3A_46], %broadcast_in_dim3A_36 {strides = array<i32>} : memref<304xf32, #tpu.memory_space<vmem>>, vector<16xf32>,
    %swap3A_48 = arith.constant 32 : index
    %swap3A_49 = tpu.vector_load %arg7[%swap3A_48] {strides = array<i32>} : memref<304xf32, #tpu.memory_space<vmem>>, vector<16xf32>,
    tpu.vector_store %arg7[%swap3A_48], %broadcast_in_dim3A_38 {strides = array<i32>} : memref<304xf32, #tpu.memory_space<vmem>>, vector<16xf32>,
    %swap3A_50 = arith.constant 48 : index
    %swap3A_51 = tpu.vector_load %arg6[%swap3A_50] {strides = array<i32>} : memref<304xf32, #tpu.memory_space<vmem>>, vector<16xf32>,
    tpu.vector_store %arg6[%swap3A_50], %broadcast_in_dim3A_36 {strides = array<i32>} : memref<304xf32, #tpu.memory_space<vmem>>, vector<16xf32>,
    %swap3A_52 = arith.constant 48 : index
    %swap3A_53 = tpu.vector_load %arg7[%swap3A_52] {strides = array<i32>} : memref<304xf32, #tpu.memory_space<vmem>>, vector<16xf32>,
    tpu.vector_store %arg7[%swap3A_52], %broadcast_in_dim3A_38 {strides = array<i32>} : memref<304xf32, #tpu.memory_space<vmem>>, vector<16xf32>,
    %swap3A_54 = arith.constant 64 : index
    %swap3A_55 = tpu.vector_load %arg6[%swap3A_54] {strides = array<i32>} : memref<304xf32, #tpu.memory_space<vmem>>, vector<16xf32>,
    tpu.vector_store %arg6[%swap3A_54], %broadcast_in_dim3A_36 {strides = array<i32>} : memref<304xf32, #tpu.memory_space<vmem>>, vector<16xf32>,
    %swap3A_56 = arith.constant 64 : index
    %swap3A_57 = tpu.vector_load %arg7[%swap3A_56] {strides = array<i32>} : memref<304xf32, #tpu.memory_space<vmem>>, vector<16xf32>,
    tpu.vector_store %arg7[%swap3A_56], %broadcast_in_dim3A_38 {strides = array<i32>} : memref<304xf32, #tpu.memory_space<vmem>>, vector<16xf32>,
    %swap3A_58 = arith.constant 80 : index
    %swap3A_59 = tpu.vector_load %arg6[%swap3A_58] {strides = array<i32>} : memref<304xf32, #tpu.memory_space<vmem>>, vector<16xf32>,
    tpu.vector_store %arg6[%swap3A_58], %broadcast_in_dim3A_36 {strides = array<i32>} : memref<304xf32, #tpu.memory_space<vmem>>, vector<16xf32>,
    %swap3A_60 = arith.constant 80 : index
    %swap3A_61 = tpu.vector_load %arg7[%swap3A_60] {strides = array<i32>} : memref<304xf32, #tpu.memory_space<vmem>>, vector<16xf32>,
    tpu.vector_store %arg7[%swap3A_60], %broadcast_in_dim3A_38 {strides = array<i32>} : memref<304xf32, #tpu.memory_space<vmem>>, vector<16xf32>,
    %swap3A_62 = arith.constant 96 : index
    %swap3A_63 = tpu.vector_load %arg6[%swap3A_62] {strides = array<i32>} : memref<304xf32, #tpu.memory_space<vmem>>, vector<16xf32>,
    tpu.vector_store %arg6[%swap3A_62], %broadcast_in_dim3A_36 {strides = array<i32>} : memref<304xf32, #tpu.memory_space<vmem>>, vector<16xf32>,
    %swap3A_64 = arith.constant 96 : index
    %swap3A_65 = tpu.vector_load %arg7[%swap3A_64] {strides = array<i32>} : memref<304xf32, #tpu.memory_space<vmem>>, vector<16xf32>,
    tpu.vector_store %arg7[%swap3A_64], %broadcast_in_dim3A_38 {strides = array<i32>} : memref<304xf32, #tpu.memory_space<vmem>>, vector<16xf32>,
    %swap3A_66 = arith.constant 112 : index
    %swap3A_67 = tpu.vector_load %arg6[%swap3A_66] {strides = array<i32>} : memref<304xf32, #tpu.memory_space<vmem>>, vector<16xf32>,
    tpu.vector_store %arg6[%swap3A_66], %broadcast_in_dim3A_36 {strides = array<i32>} : memref<304xf32, #tpu.memory_space<vmem>>, vector<16xf32>,
    %swap3A_68 = arith.constant 112 : index
    %swap3A_69 = tpu.vector_load %arg7[%swap3A_68] {strides = array<i32>} : memref<304xf32, #tpu.memory_space<vmem>>, vector<16xf32>,
    tpu.vector_store %arg7[%swap3A_68], %broadcast_in_dim3A_38 {strides = array<i32>} : memref<304xf32, #tpu.memory_space<vmem>>, vector<16xf32>,
    %swap3A_70 = arith.constant 128 : index
    %swap3A_71 = tpu.vector_load %arg6[%swap3A_70] {strides = array<i32>} : memref<304xf32, #tpu.memory_space<vmem>>, vector<16xf32>,
    tpu.vector_store %arg6[%swap3A_70], %broadcast_in_dim3A_36 {strides = array<i32>} : memref<304xf32, #tpu.memory_space<vmem>>, vector<16xf32>,
    %swap3A_72 = arith.constant 128 : index
    %swap3A_73 = tpu.vector_load %arg7[%swap3A_72] {strides = array<i32>} : memref<304xf32, #tpu.memory_space<vmem>>, vector<16xf32>,
    tpu.vector_store %arg7[%swap3A_72], %broadcast_in_dim3A_38 {strides = array<i32>} : memref<304xf32, #tpu.memory_space<vmem>>, vector<16xf32>,
    %swap3A_74 = arith.constant 144 : index
    %swap3A_75 = tpu.vector_load %arg6[%swap3A_74] {strides = array<i32>} : memref<304xf32, #tpu.memory_space<vmem>>, vector<16xf32>,
    tpu.vector_store %arg6[%swap3A_74], %broadcast_in_dim3A_36 {strides = array<i32>} : memref<304xf32, #tpu.memory_space<vmem>>, vector<16xf32>,
    %swap3A_76 = arith.constant 144 : index
    %swap3A_77 = tpu.vector_load %arg7[%swap3A_76] {strides = array<i32>} : memref<304xf32, #tpu.memory_space<vmem>>, vector<16xf32>,
    tpu.vector_store %arg7[%swap3A_76], %broadcast_in_dim3A_38 {strides = array<i32>} : memref<304xf32, #tpu.memory_space<vmem>>, vector<16xf32>,
    %swap3A_78 = arith.constant 160 : index
    %swap3A_79 = tpu.vector_load %arg6[%swap3A_78] {strides = array<i32>} : memref<304xf32, #tpu.memory_space<vmem>>, vector<16xf32>,
    tpu.vector_store %arg6[%swap3A_78], %broadcast_in_dim3A_36 {strides = array<i32>} : memref<304xf32, #tpu.memory_space<vmem>>, vector<16xf32>,
    %swap3A_80 = arith.constant 160 : index
    %swap3A_81 = tpu.vector_load %arg7[%swap3A_80] {strides = array<i32>} : memref<304xf32, #tpu.memory_space<vmem>>, vector<16xf32>,
    tpu.vector_store %arg7[%swap3A_80], %broadcast_in_dim3A_38 {strides = array<i32>} : memref<304xf32, #tpu.memory_space<vmem>>, vector<16xf32>,
    %swap3A_82 = arith.constant 176 : index
    %swap3A_83 = tpu.vector_load %arg6[%swap3A_82] {strides = array<i32>} : memref<304xf32, #tpu.memory_space<vmem>>, vector<16xf32>,
    tpu.vector_store %arg6[%swap3A_82], %broadcast_in_dim3A_36 {strides = array<i32>} : memref<304xf32, #tpu.memory_space<vmem>>, vector<16xf32>,
    %swap3A_84 = arith.constant 176 : index
    %swap3A_85 = tpu.vector_load %arg7[%swap3A_84] {strides = array<i32>} : memref<304xf32, #tpu.memory_space<vmem>>, vector<16xf32>,
    tpu.vector_store %arg7[%swap3A_84], %broadcast_in_dim3A_38 {strides = array<i32>} : memref<304xf32, #tpu.memory_space<vmem>>, vector<16xf32>,
    %swap3A_86 = arith.constant 192 : index
    %swap3A_87 = tpu.vector_load %arg6[%swap3A_86] {strides = array<i32>} : memref<304xf32, #tpu.memory_space<vmem>>, vector<16xf32>,
    tpu.vector_store %arg6[%swap3A_86], %broadcast_in_dim3A_36 {strides = array<i32>} : memref<304xf32, #tpu.memory_space<vmem>>, vector<16xf32>,
    %swap3A_88 = arith.constant 192 : index
    %swap3A_89 = tpu.vector_load %arg7[%swap3A_88] {strides = array<i32>} : memref<304xf32, #tpu.memory_space<vmem>>, vector<16xf32>,
    tpu.vector_store %arg7[%swap3A_88], %broadcast_in_dim3A_38 {strides = array<i32>} : memref<304xf32, #tpu.memory_space<vmem>>, vector<16xf32>,
    %swap3A_90 = arith.constant 208 : index
    %swap3A_91 = tpu.vector_load %arg6[%swap3A_90] {strides = array<i32>} : memref<304xf32, #tpu.memory_space<vmem>>, vector<16xf32>,
    tpu.vector_store %arg6[%swap3A_90], %broadcast_in_dim3A_36 {strides = array<i32>} : memref<304xf32, #tpu.memory_space<vmem>>, vector<16xf32>,
    %swap3A_92 = arith.constant 208 : index
    %swap3A_93 = tpu.vector_load %arg7[%swap3A_92] {strides = array<i32>} : memref<304xf32, #tpu.memory_space<vmem>>, vector<16xf32>,
    tpu.vector_store %arg7[%swap3A_92], %broadcast_in_dim3A_38 {strides = array<i32>} : memref<304xf32, #tpu.memory_space<vmem>>, vector<16xf32>,
    %swap3A_94 = arith.constant 224 : index
    %swap3A_95 = tpu.vector_load %arg6[%swap3A_94] {strides = array<i32>} : memref<304xf32, #tpu.memory_space<vmem>>, vector<16xf32>,
    tpu.vector_store %arg6[%swap3A_94], %broadcast_in_dim3A_36 {strides = array<i32>} : memref<304xf32, #tpu.memory_space<vmem>>, vector<16xf32>,
    %swap3A_96 = arith.constant 224 : index
    %swap3A_97 = tpu.vector_load %arg7[%swap3A_96] {strides = array<i32>} : memref<304xf32, #tpu.memory_space<vmem>>, vector<16xf32>,
    tpu.vector_store %arg7[%swap3A_96], %broadcast_in_dim3A_38 {strides = array<i32>} : memref<304xf32, #tpu.memory_space<vmem>>, vector<16xf32>,
    %swap3A_98 = arith.constant 240 : index
    %swap3A_99 = tpu.vector_load %arg6[%swap3A_98] {strides = array<i32>} : memref<304xf32, #tpu.memory_space<vmem>>, vector<16xf32>,
    tpu.vector_store %arg6[%swap3A_98], %broadcast_in_dim3A_36 {strides = array<i32>} : memref<304xf32, #tpu.memory_space<vmem>>, vector<16xf32>,
    %swap3A_100 = arith.constant 240 : index
    %swap3A_101 = tpu.vector_load %arg7[%swap3A_100] {strides = array<i32>} : memref<304xf32, #tpu.memory_space<vmem>>, vector<16xf32>,
    tpu.vector_store %arg7[%swap3A_100], %broadcast_in_dim3A_38 {strides = array<i32>} : memref<304xf32, #tpu.memory_space<vmem>>, vector<16xf32>,
    %swap3A_102 = arith.constant 256 : index
    %swap3A_103 = tpu.vector_load %arg6[%swap3A_102] {strides = array<i32>} : memref<304xf32, #tpu.memory_space<vmem>>, vector<16xf32>,
    tpu.vector_store %arg6[%swap3A_102], %broadcast_in_dim3A_36 {strides = array<i32>} : memref<304xf32, #tpu.memory_space<vmem>>, vector<16xf32>,
    %swap3A_104 = arith.constant 256 : index
    %swap3A_105 = tpu.vector_load %arg7[%swap3A_104] {strides = array<i32>} : memref<304xf32, #tpu.memory_space<vmem>>, vector<16xf32>,
    tpu.vector_store %arg7[%swap3A_104], %broadcast_in_dim3A_38 {strides = array<i32>} : memref<304xf32, #tpu.memory_space<vmem>>, vector<16xf32>,
    %swap3A_106 = arith.constant 272 : index
    %swap3A_107 = tpu.vector_load %arg6[%swap3A_106] {strides = array<i32>} : memref<304xf32, #tpu.memory_space<vmem>>, vector<16xf32>,
    tpu.vector_store %arg6[%swap3A_106], %broadcast_in_dim3A_36 {strides = array<i32>} : memref<304xf32, #tpu.memory_space<vmem>>, vector<16xf32>,
    %swap3A_108 = arith.constant 272 : index
    %swap3A_109 = tpu.vector_load %arg7[%swap3A_108] {strides = array<i32>} : memref<304xf32, #tpu.memory_space<vmem>>, vector<16xf32>,
    tpu.vector_store %arg7[%swap3A_108], %broadcast_in_dim3A_38 {strides = array<i32>} : memref<304xf32, #tpu.memory_space<vmem>>, vector<16xf32>,
    %swap3A_110 = arith.constant 288 : index
    %swap3A_111 = tpu.vector_load %arg6[%swap3A_110] {strides = array<i32>} : memref<304xf32, #tpu.memory_space<vmem>>, vector<16xf32>,
    tpu.vector_store %arg6[%swap3A_110], %broadcast_in_dim3A_36 {strides = array<i32>} : memref<304xf32, #tpu.memory_space<vmem>>, vector<16xf32>,
    %swap3A_112 = arith.constant 288 : index
    %swap3A_113 = tpu.vector_load %arg7[%swap3A_112] {strides = array<i32>} : memref<304xf32, #tpu.memory_space<vmem>>, vector<16xf32>,
    tpu.vector_store %arg7[%swap3A_112], %broadcast_in_dim3A_38 {strides = array<i32>} : memref<304xf32, #tpu.memory_space<vmem>>, vector<16xf32>,
    %broadcast_in_dim3A_114 = arith.constant -1 : i32
    %broadcast_in_dim3A_115 = vector.broadcast %broadcast_in_dim3A_114 : i32 to vector<16xi32>
    %swap3A_116 = arith.constant 0 : index
    %swap3A_117 = tpu.vector_load %arg8[%swap3A_116] {strides = array<i32>} : memref<32xi32, #tpu.memory_space<vmem>>, vector<16xi32>,
    tpu.vector_store %arg8[%swap3A_116], %broadcast_in_dim3A_115 {strides = array<i32>} : memref<32xi32, #tpu.memory_space<vmem>>, vector<16xi32>,
    %swap3A_118 = arith.constant 16 : index
    %swap3A_119 = tpu.vector_load %arg8[%swap3A_118] {strides = array<i32>} : memref<32xi32, #tpu.memory_space<vmem>>, vector<16xi32>,
    tpu.vector_store %arg8[%swap3A_118], %broadcast_in_dim3A_115 {strides = array<i32>} : memref<32xi32, #tpu.memory_space<vmem>>, vector<16xi32>,
    %broadcast_in_dim3A_120 = arith.constant 0.000000e+00 : f32
    %broadcast_in_dim3A_121 = vector.broadcast %broadcast_in_dim3A_120 : f32 to vector<16xf32>
    %scan3A = arith.constant 0 : i32
    %scan3A_122 = arith.constant 600 : i32
    %scan3A_123 = arith.addi %scan3A, %scan3A_122 : i32
    %scan3A_124 = arith.constant 1 : i32
    %scan3A_125:2 = scf.for %scan3A_148 = %scan3A to %scan3A_123 step %scan3A_124 iter_args(%scan3A_149 = %broadcast_in_dim3A_121, %scan3A_150 = %broadcast_in_dim3A_121) -> (vector<16xf32>, vector<16xf32>)  : i32 {
      %mul3A_151 = arith.constant 16 : i32
      %mul3A_152 = arith.muli %scan3A_148, %mul3A_151 : i32
      %get3A = arith.index_cast %mul3A_152 : i32 to index
      %get3A_153 = tpu.vector_load %arg10[%get3A] {strides = array<i32>} : memref<9600xf32, #tpu.memory_space<vmem>>, vector<16xf32>,
      %ge3A = arith.constant 1.000000e-03 : f32
      %ge3A_154 = vector.broadcast %ge3A : f32 to vector<16xf32>
      %ge3A_155 = arith.cmpf oge, %get3A_153, %ge3A_154 : vector<16xf32>
      %jit3A_156 = arith.constant 1.000000e+00 : f32
      %jit3A_157 = arith.constant 0.000000e+00 : f32
      %broadcast_in_dim3A_158 = vector.broadcast %jit3A_156 : f32 to vector<16xf32>
      %broadcast_in_dim3A_159 = vector.broadcast %jit3A_157 : f32 to vector<16xf32>
      %select_n3A_160 = arith.select %ge3A_155, %broadcast_in_dim3A_158, %broadcast_in_dim3A_159 : vector<16xi1>, vector<16xf32>
      %add3A_161 = arith.addf %scan3A_150, %select_n3A_160 : vector<16xf32>
      %broadcast_in_dim3A_162 = arith.constant 0 : i32
      %broadcast_in_dim3A_163 = vector.broadcast %broadcast_in_dim3A_162 : i32 to vector<16xi32>
      %broadcast_in_dim3A_164 = arith.constant 256 : i32
      %broadcast_in_dim3A_165 = vector.broadcast %broadcast_in_dim3A_164 : i32 to vector<16xi32>
      %add3A_166 = arith.addi %broadcast_in_dim3A_163, %broadcast_in_dim3A_165 : vector<16xi32>
      %shift_right_arithmetic3A = arith.constant 1 : i32
      %shift_right_arithmetic3A_167 = vector.broadcast %shift_right_arithmetic3A : i32 to vector<16xi32>
      %shift_right_arithmetic3A_168 = arith.shrsi %add3A_166, %shift_right_arithmetic3A_167 : vector<16xi32>
      %add3A_169 = arith.constant 1 : i32
      %add3A_170 = vector.broadcast %add3A_169 : i32 to vector<16xi32>
      %add3A_171 = arith.addi %shift_right_arithmetic3A_168, %add3A_170 : vector<16xi32>
      %gather3A = tpu.vector_load_idx %arg5[%add3A_171] : memref<272xf32, #tpu.memory_space<vmem>>[vector<16xi32>], vector<16xf32>,
      %le3A = arith.cmpf ole, %gather3A, %get3A_153 : vector<16xf32>
      %add3A_172 = arith.constant 1 : i32
      %add3A_173 = vector.broadcast %add3A_172 : i32 to vector<16xi32>
      %add3A_174 = arith.addi %shift_right_arithmetic3A_168, %add3A_173 : vector<16xi32>
      %select_n3A_175 = arith.select %le3A, %add3A_174, %broadcast_in_dim3A_163 : vector<16xi1>, vector<16xi32>
      %select_n3A_176 = arith.select %le3A, %broadcast_in_dim3A_165, %shift_right_arithmetic3A_168 : vector<16xi1>, vector<16xi32>
      %add3A_177 = arith.addi %select_n3A_175, %select_n3A_176 : vector<16xi32>
      %shift_right_arithmetic3A_178 = arith.constant 1 : i32
      %shift_right_arithmetic3A_179 = vector.broadcast %shift_right_arithmetic3A_178 : i32 to vector<16xi32>
      %shift_right_arithmetic3A_180 = arith.shrsi %add3A_177, %shift_right_arithmetic3A_179 : vector<16xi32>
      %add3A_181 = arith.constant 1 : i32
      %add3A_182 = vector.broadcast %add3A_181 : i32 to vector<16xi32>
      %add3A_183 = arith.addi %shift_right_arithmetic3A_180, %add3A_182 : vector<16xi32>
      %gather3A_184 = tpu.vector_load_idx %arg5[%add3A_183] : memref<272xf32, #tpu.memory_space<vmem>>[vector<16xi32>], vector<16xf32>,
      %le3A_185 = arith.cmpf ole, %gather3A_184, %get3A_153 : vector<16xf32>
      %add3A_186 = arith.constant 1 : i32
      %add3A_187 = vector.broadcast %add3A_186 : i32 to vector<16xi32>
      %add3A_188 = arith.addi %shift_right_arithmetic3A_180, %add3A_187 : vector<16xi32>
      %select_n3A_189 = arith.select %le3A_185, %add3A_188, %select_n3A_175 : vector<16xi1>, vector<16xi32>
      %select_n3A_190 = arith.select %le3A_185, %select_n3A_176, %shift_right_arithmetic3A_180 : vector<16xi1>, vector<16xi32>
      %add3A_191 = arith.addi %select_n3A_189, %select_n3A_190 : vector<16xi32>
      %shift_right_arithmetic3A_192 = arith.constant 1 : i32
      %shift_right_arithmetic3A_193 = vector.broadcast %shift_right_arithmetic3A_192 : i32 to vector<16xi32>
      %shift_right_arithmetic3A_194 = arith.shrsi %add3A_191, %shift_right_arithmetic3A_193 : vector<16xi32>
      %add3A_195 = arith.constant 1 : i32
      %add3A_196 = vector.broadcast %add3A_195 : i32 to vector<16xi32>
      %add3A_197 = arith.addi %shift_right_arithmetic3A_194, %add3A_196 : vector<16xi32>
      %gather3A_198 = tpu.vector_load_idx %arg5[%add3A_197] : memref<272xf32, #tpu.memory_space<vmem>>[vector<16xi32>], vector<16xf32>,
      %le3A_199 = arith.cmpf ole, %gather3A_198, %get3A_153 : vector<16xf32>
      %add3A_200 = arith.constant 1 : i32
      %add3A_201 = vector.broadcast %add3A_200 : i32 to vector<16xi32>
      %add3A_202 = arith.addi %shift_right_arithmetic3A_194, %add3A_201 : vector<16xi32>
      %select_n3A_203 = arith.select %le3A_199, %add3A_202, %select_n3A_189 : vector<16xi1>, vector<16xi32>
      %select_n3A_204 = arith.select %le3A_199, %select_n3A_190, %shift_right_arithmetic3A_194 : vector<16xi1>, vector<16xi32>
      %add3A_205 = arith.addi %select_n3A_203, %select_n3A_204 : vector<16xi32>
      %shift_right_arithmetic3A_206 = arith.constant 1 : i32
      %shift_right_arithmetic3A_207 = vector.broadcast %shift_right_arithmetic3A_206 : i32 to vector<16xi32>
      %shift_right_arithmetic3A_208 = arith.shrsi %add3A_205, %shift_right_arithmetic3A_207 : vector<16xi32>
      %add3A_209 = arith.constant 1 : i32
      %add3A_210 = vector.broadcast %add3A_209 : i32 to vector<16xi32>
      %add3A_211 = arith.addi %shift_right_arithmetic3A_208, %add3A_210 : vector<16xi32>
      %gather3A_212 = tpu.vector_load_idx %arg5[%add3A_211] : memref<272xf32, #tpu.memory_space<vmem>>[vector<16xi32>], vector<16xf32>,
      %le3A_213 = arith.cmpf ole, %gather3A_212, %get3A_153 : vector<16xf32>
      %add3A_214 = arith.constant 1 : i32
      %add3A_215 = vector.broadcast %add3A_214 : i32 to vector<16xi32>
      %add3A_216 = arith.addi %shift_right_arithmetic3A_208, %add3A_215 : vector<16xi32>
      %select_n3A_217 = arith.select %le3A_213, %add3A_216, %select_n3A_203 : vector<16xi1>, vector<16xi32>
      %select_n3A_218 = arith.select %le3A_213, %select_n3A_204, %shift_right_arithmetic3A_208 : vector<16xi1>, vector<16xi32>
      %add3A_219 = arith.addi %select_n3A_217, %select_n3A_218 : vector<16xi32>
      %shift_right_arithmetic3A_220 = arith.constant 1 : i32
      %shift_right_arithmetic3A_221 = vector.broadcast %shift_right_arithmetic3A_220 : i32 to vector<16xi32>
      %shift_right_arithmetic3A_222 = arith.shrsi %add3A_219, %shift_right_arithmetic3A_221 : vector<16xi32>
      %add3A_223 = arith.constant 1 : i32
      %add3A_224 = vector.broadcast %add3A_223 : i32 to vector<16xi32>
      %add3A_225 = arith.addi %shift_right_arithmetic3A_222, %add3A_224 : vector<16xi32>
      %gather3A_226 = tpu.vector_load_idx %arg5[%add3A_225] : memref<272xf32, #tpu.memory_space<vmem>>[vector<16xi32>], vector<16xf32>,
      %le3A_227 = arith.cmpf ole, %gather3A_226, %get3A_153 : vector<16xf32>
      %add3A_228 = arith.constant 1 : i32
      %add3A_229 = vector.broadcast %add3A_228 : i32 to vector<16xi32>
      %add3A_230 = arith.addi %shift_right_arithmetic3A_222, %add3A_229 : vector<16xi32>
      %select_n3A_231 = arith.select %le3A_227, %add3A_230, %select_n3A_217 : vector<16xi1>, vector<16xi32>
      %select_n3A_232 = arith.select %le3A_227, %select_n3A_218, %shift_right_arithmetic3A_222 : vector<16xi1>, vector<16xi32>
      %add3A_233 = arith.addi %select_n3A_231, %select_n3A_232 : vector<16xi32>
      %shift_right_arithmetic3A_234 = arith.constant 1 : i32
      %shift_right_arithmetic3A_235 = vector.broadcast %shift_right_arithmetic3A_234 : i32 to vector<16xi32>
      %shift_right_arithmetic3A_236 = arith.shrsi %add3A_233, %shift_right_arithmetic3A_235 : vector<16xi32>
      %add3A_237 = arith.constant 1 : i32
      %add3A_238 = vector.broadcast %add3A_237 : i32 to vector<16xi32>
      %add3A_239 = arith.addi %shift_right_arithmetic3A_236, %add3A_238 : vector<16xi32>
      %gather3A_240 = tpu.vector_load_idx %arg5[%add3A_239] : memref<272xf32, #tpu.memory_space<vmem>>[vector<16xi32>], vector<16xf32>,
      %le3A_241 = arith.cmpf ole, %gather3A_240, %get3A_153 : vector<16xf32>
      %add3A_242 = arith.constant 1 : i32
      %add3A_243 = vector.broadcast %add3A_242 : i32 to vector<16xi32>
      %add3A_244 = arith.addi %shift_right_arithmetic3A_236, %add3A_243 : vector<16xi32>
      %select_n3A_245 = arith.select %le3A_241, %add3A_244, %select_n3A_231 : vector<16xi1>, vector<16xi32>
      %select_n3A_246 = arith.select %le3A_241, %select_n3A_232, %shift_right_arithmetic3A_236 : vector<16xi1>, vector<16xi32>
      %add3A_247 = arith.addi %select_n3A_245, %select_n3A_246 : vector<16xi32>
      %shift_right_arithmetic3A_248 = arith.constant 1 : i32
      %shift_right_arithmetic3A_249 = vector.broadcast %shift_right_arithmetic3A_248 : i32 to vector<16xi32>
      %shift_right_arithmetic3A_250 = arith.shrsi %add3A_247, %shift_right_arithmetic3A_249 : vector<16xi32>
      %add3A_251 = arith.constant 1 : i32
      %add3A_252 = vector.broadcast %add3A_251 : i32 to vector<16xi32>
      %add3A_253 = arith.addi %shift_right_arithmetic3A_250, %add3A_252 : vector<16xi32>
      %gather3A_254 = tpu.vector_load_idx %arg5[%add3A_253] : memref<272xf32, #tpu.memory_space<vmem>>[vector<16xi32>], vector<16xf32>,
      %le3A_255 = arith.cmpf ole, %gather3A_254, %get3A_153 : vector<16xf32>
      %add3A_256 = arith.constant 1 : i32
      %add3A_257 = vector.broadcast %add3A_256 : i32 to vector<16xi32>
      %add3A_258 = arith.addi %shift_right_arithmetic3A_250, %add3A_257 : vector<16xi32>
      %select_n3A_259 = arith.select %le3A_255, %add3A_258, %select_n3A_245 : vector<16xi1>, vector<16xi32>
      %select_n3A_260 = arith.select %le3A_255, %select_n3A_246, %shift_right_arithmetic3A_250 : vector<16xi1>, vector<16xi32>
      %add3A_261 = arith.addi %select_n3A_259, %select_n3A_260 : vector<16xi32>
      %shift_right_arithmetic3A_262 = arith.constant 1 : i32
      %shift_right_arithmetic3A_263 = vector.broadcast %shift_right_arithmetic3A_262 : i32 to vector<16xi32>
      %shift_right_arithmetic3A_264 = arith.shrsi %add3A_261, %shift_right_arithmetic3A_263 : vector<16xi32>
      %add3A_265 = arith.constant 1 : i32
      %add3A_266 = vector.broadcast %add3A_265 : i32 to vector<16xi32>
      %add3A_267 = arith.addi %shift_right_arithmetic3A_264, %add3A_266 : vector<16xi32>
      %gather3A_268 = tpu.vector_load_idx %arg5[%add3A_267] : memref<272xf32, #tpu.memory_space<vmem>>[vector<16xi32>], vector<16xf32>,
      %le3A_269 = arith.cmpf ole, %gather3A_268, %get3A_153 : vector<16xf32>
      %add3A_270 = arith.constant 1 : i32
      %add3A_271 = vector.broadcast %add3A_270 : i32 to vector<16xi32>
      %add3A_272 = arith.addi %shift_right_arithmetic3A_264, %add3A_271 : vector<16xi32>
      %select_n3A_273 = arith.select %le3A_269, %add3A_272, %select_n3A_259 : vector<16xi1>, vector<16xi32>
      %select_n3A_274 = arith.select %le3A_269, %select_n3A_260, %shift_right_arithmetic3A_264 : vector<16xi1>, vector<16xi32>
      %add3A_275 = arith.addi %select_n3A_273, %select_n3A_274 : vector<16xi32>
      %shift_right_arithmetic3A_276 = arith.constant 1 : i32
      %shift_right_arithmetic3A_277 = vector.broadcast %shift_right_arithmetic3A_276 : i32 to vector<16xi32>
      %shift_right_arithmetic3A_278 = arith.shrsi %add3A_275, %shift_right_arithmetic3A_277 : vector<16xi32>
      %add3A_279 = arith.constant 1 : i32
      %add3A_280 = vector.broadcast %add3A_279 : i32 to vector<16xi32>
      %add3A_281 = arith.addi %shift_right_arithmetic3A_278, %add3A_280 : vector<16xi32>
      %gather3A_282 = tpu.vector_load_idx %arg5[%add3A_281] : memref<272xf32, #tpu.memory_space<vmem>>[vector<16xi32>], vector<16xf32>,
      %le3A_283 = arith.cmpf ole, %gather3A_282, %get3A_153 : vector<16xf32>
      %add3A_284 = arith.constant 1 : i32
      %add3A_285 = vector.broadcast %add3A_284 : i32 to vector<16xi32>
      %add3A_286 = arith.addi %shift_right_arithmetic3A_278, %add3A_285 : vector<16xi32>
      %select_n3A_287 = arith.select %le3A_283, %add3A_286, %select_n3A_273 : vector<16xi1>, vector<16xi32>
      %select_n3A_288 = arith.select %le3A_283, %select_n3A_274, %shift_right_arithmetic3A_278 : vector<16xi1>, vector<16xi32>
      %gather3A_289 = tpu.vector_load_idx %arg5[%select_n3A_287] : memref<272xf32, #tpu.memory_space<vmem>>[vector<16xi32>], vector<16xf32>,
      %add3A_290 = arith.constant 1 : i32
      %add3A_291 = vector.broadcast %add3A_290 : i32 to vector<16xi32>
      %add3A_292 = arith.addi %select_n3A_287, %add3A_291 : vector<16xi32>
      %gather3A_293 = tpu.vector_load_idx %arg5[%add3A_292] : memref<272xf32, #tpu.memory_space<vmem>>[vector<16xi32>], vector<16xf32>,
      %sub3A_294 = arith.subf %get3A_153, %gather3A_289 : vector<16xf32>
      %sub3A_295 = arith.subf %gather3A_293, %get3A_153 : vector<16xf32>
      %min3A = arith.minimumf %sub3A_294, %sub3A_295 : vector<16xf32>
      %mul3A_296 = arith.mulf %min3A, %min3A : vector<16xf32>
      %jit3A_297 = arith.constant 0.000000e+00 : f32
      %broadcast_in_dim3A_298 = vector.broadcast %jit3A_297 : f32 to vector<16xf32>
      %select_n3A_299 = arith.select %ge3A_155, %mul3A_296, %broadcast_in_dim3A_298 : vector<16xi1>, vector<16xf32>
      %add3A_300 = arith.addf %scan3A_149, %select_n3A_299 : vector<16xf32>
      %jit3A_301 = arith.constant 2.000000e+00 : f32
      %broadcast_in_dim3A_302 = vector.broadcast %jit3A_301 : f32 to vector<16xf32>
      %select_n3A_303 = arith.select %ge3A_155, %get3A_153, %broadcast_in_dim3A_302 : vector<16xi1>, vector<16xf32>
      %jit3A_304 = arith.constant 299 : i32
      %broadcast_in_dim3A_305 = vector.broadcast %jit3A_304 : i32 to vector<16xi32>
      %select_n3A_306 = arith.select %ge3A_155, %select_n3A_287, %broadcast_in_dim3A_305 : vector<16xi1>, vector<16xi32>
      %masked_sort3A = arith.constant dense<true> : vector<16xi1>
      %masked_sort3A_307, %masked_sort3A_308, %masked_sort3A_309 = tpu.sort %select_n3A_303, %select_n3A_306 masked %masked_sort3A : (vector<16xf32>, vector<16xi32>, vector<16xi1>) -> (vector<16xi1>, vector<16xf32>, vector<16xi32>)
      %swap3A_310 = arith.constant 1 : index
      %swap3A_311 = tpu.vector_load %arg8[%swap3A_310] {strides = array<i32>} : memref<32xi32, #tpu.memory_space<vmem>>, vector<16xi32>,
      tpu.vector_store %arg8[%swap3A_310], %masked_sort3A_309 {strides = array<i32>} : memref<32xi32, #tpu.memory_space<vmem>>, vector<16xi32>,
      %get3A_312 = arith.constant 0 : index
      %get3A_313 = tpu.vector_load %arg8[%get3A_312] {strides = array<i32>} : memref<32xi32, #tpu.memory_space<vmem>>, vector<16xi32>,
      %get3A_314 = arith.constant 2 : index
      %get3A_315 = tpu.vector_load %arg8[%get3A_314] {strides = array<i32>} : memref<32xi32, #tpu.memory_space<vmem>>, vector<16xi32>,
      %ne3A_316 = arith.cmpi ne, %masked_sort3A_309, %get3A_315 : vector<16xi32>
      %ne3A_317 = arith.cmpi ne, %masked_sort3A_309, %get3A_313 : vector<16xi32>
      %gather3A_318 = tpu.vector_load_idx %arg6[%masked_sort3A_309] : memref<304xf32, #tpu.memory_space<vmem>>[vector<16xi32>], vector<16xf32>,
      %max3A = arith.maximumf %gather3A_318, %masked_sort3A_308 : vector<16xf32>
      tpu.vector_store_idx %arg6[%masked_sort3A_309], %max3A masked %ne3A_316 : memref<304xf32, #tpu.memory_space<vmem>>[vector<16xi32>], vector<16xf32>, vector<16xi1>
      %gather3A_319 = tpu.vector_load_idx %arg7[%masked_sort3A_309] : memref<304xf32, #tpu.memory_space<vmem>>[vector<16xi32>], vector<16xf32>,
      %min3A_320 = arith.minimumf %gather3A_319, %masked_sort3A_308 : vector<16xf32>
      tpu.vector_store_idx %arg7[%masked_sort3A_309], %min3A_320 masked %ne3A_317 : memref<304xf32, #tpu.memory_space<vmem>>[vector<16xi32>], vector<16xf32>, vector<16xi1>
      scf.yield %add3A_300, %add3A_161 : vector<16xf32>, vector<16xf32>
    }
    %scan3A_126 = arith.constant 600 : i32
    %iota3A = tpu.iota {dimensions = array<i32: 0>} : vector<16xi32>
    %eq3A_127 = arith.constant 0 : i32
    %eq3A_128 = vector.broadcast %eq3A_127 : i32 to vector<16xi32>
    %eq3A_129 = arith.cmpi eq, %iota3A, %eq3A_128 : vector<16xi32>
    %reduce_sum3A = arith.constant true
    %reduce_sum3A_130 = vector.broadcast %reduce_sum3A : i1 to vector<16xi1>
    %reduce_sum3A_131 = tpu.scan <sum>, %scan3A_125#0 masked %reduce_sum3A_130 : vector<16xf32>, vector<16xi1> -> vector<16xf32>
    %reduce_sum3A_132 = vector.extract %reduce_sum3A_131[15] : f32 from vector<16xf32>
    %eq3A_133 = arith.constant 1 : i32
    %eq3A_134 = vector.broadcast %eq3A_133 : i32 to vector<16xi32>
    %eq3A_135 = arith.cmpi eq, %iota3A, %eq3A_134 : vector<16xi32>
    %reduce_sum3A_136 = arith.constant true
    %reduce_sum3A_137 = vector.broadcast %reduce_sum3A_136 : i1 to vector<16xi1>
    %reduce_sum3A_138 = tpu.scan <sum>, %scan3A_125#1 masked %reduce_sum3A_137 : vector<16xf32>, vector<16xi1> -> vector<16xf32>
    %reduce_sum3A_139 = vector.extract %reduce_sum3A_138[15] : f32 from vector<16xf32>
    %jit3A_140 = arith.constant 0.000000e+00 : f32
    %broadcast_in_dim3A_141 = vector.broadcast %reduce_sum3A_139 : f32 to vector<16xf32>
    %broadcast_in_dim3A_142 = vector.broadcast %jit3A_140 : f32 to vector<16xf32>
    %select_n3A_143 = arith.select %eq3A_135, %broadcast_in_dim3A_141, %broadcast_in_dim3A_142 : vector<16xi1>, vector<16xf32>
    %broadcast_in_dim3A_144 = vector.broadcast %reduce_sum3A_132 : f32 to vector<16xf32>
    %select_n3A_145 = arith.select %eq3A_129, %broadcast_in_dim3A_144, %select_n3A_143 : vector<16xi1>, vector<16xf32>
    %swap3A_146 = arith.constant 0 : index
    %swap3A_147 = tpu.vector_load %arg9[%swap3A_146] {strides = array<i32>} : memref<16xf32, #tpu.memory_space<vmem>>, vector<16xf32>,
    tpu.vector_store %arg9[%swap3A_146], %select_n3A_145 {strides = array<i32>} : memref<16xf32, #tpu.memory_space<vmem>>, vector<16xf32>,
    "tpu.region"() ({
      %run_scoped3A = tpu.sem_alloc : memref<!tpu.dma_semaphore, #tpu.memory_space<semaphore_mem>>
      %dma_start3A = arith.constant 0 : i32
      %dma_start3A_148 = tpu.memref_slice %arg4[%add3A, %dma_start3A] : memref<32x640xf32, #tpu.memory_space<hbm>> -> memref<1x304xf32, #tpu.memory_space<hbm>>
      %dma_start3A_149 = tpu.memref_squeeze %dma_start3A_148 : memref<1x304xf32, #tpu.memory_space<hbm>> -> memref<304xf32, #tpu.memory_space<hbm>>
      %dma_start3A_150 = arith.constant 0 : i32
      %dma_start3A_151 = tpu.memref_slice %arg4[%add3A, %dma_start3A_150] : memref<32x640xf32, #tpu.memory_space<hbm>> -> memref<1x304xf32, #tpu.memory_space<hbm>>
      %dma_start3A_152 = tpu.memref_squeeze %dma_start3A_151 : memref<1x304xf32, #tpu.memory_space<hbm>> -> memref<304xf32, #tpu.memory_space<hbm>>
      tpu.enqueue_dma source(%arg6 : memref<304xf32, #tpu.memory_space<vmem>>) target(%dma_start3A_152 : memref<304xf32, #tpu.memory_space<hbm>>) target_semaphore(%run_scoped3A : memref<!tpu.dma_semaphore, #tpu.memory_space<semaphore_mem>>)
      %dma_wait3A = arith.constant 0 : i32
      %dma_wait3A_153 = tpu.memref_slice %arg4[%add3A, %dma_wait3A] : memref<32x640xf32, #tpu.memory_space<hbm>> -> memref<1x304xf32, #tpu.memory_space<hbm>>
      %dma_wait3A_154 = tpu.memref_squeeze %dma_wait3A_153 : memref<1x304xf32, #tpu.memory_space<hbm>> -> memref<304xf32, #tpu.memory_space<hbm>>
      %dma_wait3A_155 = arith.constant 0 : i32
      %dma_wait3A_156 = tpu.memref_slice %arg4[%add3A, %dma_wait3A_155] : memref<32x640xf32, #tpu.memory_space<hbm>> -> memref<1x304xf32, #tpu.memory_space<hbm>>
      %dma_wait3A_157 = tpu.memref_squeeze %dma_wait3A_156 : memref<1x304xf32, #tpu.memory_space<hbm>> -> memref<304xf32, #tpu.memory_space<hbm>>
      tpu.wait_dma2 semaphore(%run_scoped3A : memref<!tpu.dma_semaphore, #tpu.memory_space<semaphore_mem>>) src(%arg6 : memref<304xf32, #tpu.memory_space<vmem>>) dst(%dma_wait3A_157 : memref<304xf32, #tpu.memory_space<hbm>>)
      tpu.yield
    }) : () -> ()
    "tpu.region"() ({
      %run_scoped3A = tpu.sem_alloc : memref<!tpu.dma_semaphore, #tpu.memory_space<semaphore_mem>>
      %dma_start3A = arith.constant 304 : i32
      %dma_start3A_148 = tpu.memref_slice %arg4[%add3A, %dma_start3A] : memref<32x640xf32, #tpu.memory_space<hbm>> -> memref<1x304xf32, #tpu.memory_space<hbm>>
      %dma_start3A_149 = tpu.memref_squeeze %dma_start3A_148 : memref<1x304xf32, #tpu.memory_space<hbm>> -> memref<304xf32, #tpu.memory_space<hbm>>
      %dma_start3A_150 = arith.constant 304 : i32
      %dma_start3A_151 = tpu.memref_slice %arg4[%add3A, %dma_start3A_150] : memref<32x640xf32, #tpu.memory_space<hbm>> -> memref<1x304xf32, #tpu.memory_space<hbm>>
      %dma_start3A_152 = tpu.memref_squeeze %dma_start3A_151 : memref<1x304xf32, #tpu.memory_space<hbm>> -> memref<304xf32, #tpu.memory_space<hbm>>
      tpu.enqueue_dma source(%arg7 : memref<304xf32, #tpu.memory_space<vmem>>) target(%dma_start3A_152 : memref<304xf32, #tpu.memory_space<hbm>>) target_semaphore(%run_scoped3A : memref<!tpu.dma_semaphore, #tpu.memory_space<semaphore_mem>>)
      %dma_wait3A = arith.constant 304 : i32
      %dma_wait3A_153 = tpu.memref_slice %arg4[%add3A, %dma_wait3A] : memref<32x640xf32, #tpu.memory_space<hbm>> -> memref<1x304xf32, #tpu.memory_space<hbm>>
      %dma_wait3A_154 = tpu.memref_squeeze %dma_wait3A_153 : memref<1x304xf32, #tpu.memory_space<hbm>> -> memref<304xf32, #tpu.memory_space<hbm>>
      %dma_wait3A_155 = arith.constant 304 : i32
      %dma_wait3A_156 = tpu.memref_slice %arg4[%add3A, %dma_wait3A_155] : memref<32x640xf32, #tpu.memory_space<hbm>> -> memref<1x304xf32, #tpu.memory_space<hbm>>
      %dma_wait3A_157 = tpu.memref_squeeze %dma_wait3A_156 : memref<1x304xf32, #tpu.memory_space<hbm>> -> memref<304xf32, #tpu.memory_space<hbm>>
      tpu.wait_dma2 semaphore(%run_scoped3A : memref<!tpu.dma_semaphore, #tpu.memory_space<semaphore_mem>>) src(%arg7 : memref<304xf32, #tpu.memory_space<vmem>>) dst(%dma_wait3A_157 : memref<304xf32, #tpu.memory_space<hbm>>)
      tpu.yield
    }) : () -> ()
    "tpu.region"() ({
      %run_scoped3A = tpu.sem_alloc : memref<!tpu.dma_semaphore, #tpu.memory_space<semaphore_mem>>
      %dma_start3A = arith.constant 608 : i32
      %dma_start3A_148 = tpu.memref_slice %arg4[%add3A, %dma_start3A] : memref<32x640xf32, #tpu.memory_space<hbm>> -> memref<1x16xf32, #tpu.memory_space<hbm>>
      %dma_start3A_149 = tpu.memref_squeeze %dma_start3A_148 : memref<1x16xf32, #tpu.memory_space<hbm>> -> memref<16xf32, #tpu.memory_space<hbm>>
      %dma_start3A_150 = arith.constant 608 : i32
      %dma_start3A_151 = tpu.memref_slice %arg4[%add3A, %dma_start3A_150] : memref<32x640xf32, #tpu.memory_space<hbm>> -> memref<1x16xf32, #tpu.memory_space<hbm>>
      %dma_start3A_152 = tpu.memref_squeeze %dma_start3A_151 : memref<1x16xf32, #tpu.memory_space<hbm>> -> memref<16xf32, #tpu.memory_space<hbm>>
      tpu.enqueue_dma source(%arg9 : memref<16xf32, #tpu.memory_space<vmem>>) target(%dma_start3A_152 : memref<16xf32, #tpu.memory_space<hbm>>) target_semaphore(%run_scoped3A : memref<!tpu.dma_semaphore, #tpu.memory_space<semaphore_mem>>)
      %dma_wait3A = arith.constant 608 : i32
      %dma_wait3A_153 = tpu.memref_slice %arg4[%add3A, %dma_wait3A] : memref<32x640xf32, #tpu.memory_space<hbm>> -> memref<1x16xf32, #tpu.memory_space<hbm>>
      %dma_wait3A_154 = tpu.memref_squeeze %dma_wait3A_153 : memref<1x16xf32, #tpu.memory_space<hbm>> -> memref<16xf32, #tpu.memory_space<hbm>>
      %dma_wait3A_155 = arith.constant 608 : i32
      %dma_wait3A_156 = tpu.memref_slice %arg4[%add3A, %dma_wait3A_155] : memref<32x640xf32, #tpu.memory_space<hbm>> -> memref<1x16xf32, #tpu.memory_space<hbm>>
      %dma_wait3A_157 = tpu.memref_squeeze %dma_wait3A_156 : memref<1x16xf32, #tpu.memory_space<hbm>> -> memref<16xf32, #tpu.memory_space<hbm>>
      tpu.wait_dma2 semaphore(%run_scoped3A : memref<!tpu.dma_semaphore, #tpu.memory_space<semaphore_mem>>) src(%arg9 : memref<16xf32, #tpu.memory_space<vmem>>) dst(%dma_wait3A_157 : memref<16xf32, #tpu.memory_space<hbm>>)
      tpu.yield
    }) : () -> ()
    return
  }
}

#map = affine_map<(d0, d1) -> (0, 0)>
#map1 = affine_map<(d0, d1) -> (0)>
module attributes {stable_mosaic.version = 14 : i64} {
  func.func @k(%arg0: i32, %arg1: i32, %arg2: memref<4x272xf32, #tpu.memory_space<hbm>>, %arg3: memref<32x640xf32, #tpu.memory_space<hbm>>, %arg4: memref<16xf32, #tpu.memory_space<hbm>>, %arg5: memref<272xf32, #tpu.memory_space<vmem>>, %arg6: memref<272xf32, #tpu.memory_space<vmem>>, %arg7: memref<272xf32, #tpu.memory_space<vmem>>, %arg8: memref<16xf32, #tpu.memory_space<vmem>>, %arg9: memref<272xf32, #tpu.memory_space<vmem>>, %arg10: memref<4x16xf32, #tpu.memory_space<vmem>>, %arg11: memref<8x640xf32, #tpu.memory_space<vmem>>, %arg12: memref<16x16xf32, #tpu.memory_space<vmem_shared>>, %arg13: memref<272xf32, #tpu.memory_space<vmem>>, %arg14: memref<16xf32, #tpu.memory_space<vmem>>) attributes {dimension_semantics = [#tpu.dimension_semantics<core_parallel>, #tpu.dimension_semantics<subcore_parallel>], iteration_bounds = array<i64: 1, 16>, scalar_prefetch = 0 : i64, scratch_operands = 10 : i64, tpu.core_type = #tpu.core_type<sc_vector_subcore>, window_params = [{transform_indices = #map}, {transform_indices = #map}, {transform_indices = #map1}]} {
    %iota3A = tpu.iota {dimensions = array<i32: 0>} : vector<16xi32>
    %lt3A = arith.constant 4 : i32
    %lt3A_0 = arith.cmpi slt, %arg1, %lt3A : i32
    %convert_element_type3A = arith.extui %lt3A_0 : i1 to i32
    %cond3A = arith.constant 0 : i32
    %cond3A_1 = arith.cmpi ne, %convert_element_type3A, %cond3A : i32
    scf.if %cond3A_1 {
      %mul3A = arith.constant 8 : i32
      %mul3A_6 = arith.muli %arg1, %mul3A : i32
      "tpu.region"() ({
        %run_scoped3A = tpu.sem_alloc : memref<!tpu.dma_semaphore, #tpu.memory_space<semaphore_mem>>
        %dma_start3A = arith.constant 0 : i32
        %dma_start3A_2464 = tpu.memref_slice %arg3[%mul3A_6, %dma_start3A] : memref<32x640xf32, #tpu.memory_space<hbm>> -> memref<8x640xf32, #tpu.memory_space<hbm>>
        %dma_start3A_2465 = arith.constant 0 : i32
        %dma_start3A_2466 = tpu.memref_slice %arg3[%mul3A_6, %dma_start3A_2465] : memref<32x640xf32, #tpu.memory_space<hbm>> -> memref<8x640xf32, #tpu.memory_space<hbm>>
        tpu.enqueue_dma source(%dma_start3A_2466 : memref<8x640xf32, #tpu.memory_space<hbm>>) target(%arg11 : memref<8x640xf32, #tpu.memory_space<vmem>>) target_semaphore(%run_scoped3A : memref<!tpu.dma_semaphore, #tpu.memory_space<semaphore_mem>>)
        %dma_wait3A = arith.constant 0 : i32
        %dma_wait3A_2467 = tpu.memref_slice %arg3[%mul3A_6, %dma_wait3A] : memref<32x640xf32, #tpu.memory_space<hbm>> -> memref<8x640xf32, #tpu.memory_space<hbm>>
        %dma_wait3A_2468 = arith.constant 0 : i32
        %dma_wait3A_2469 = tpu.memref_slice %arg3[%mul3A_6, %dma_wait3A_2468] : memref<32x640xf32, #tpu.memory_space<hbm>> -> memref<8x640xf32, #tpu.memory_space<hbm>>
        tpu.wait_dma2 semaphore(%run_scoped3A : memref<!tpu.dma_semaphore, #tpu.memory_space<semaphore_mem>>) src(%dma_wait3A_2469 : memref<8x640xf32, #tpu.memory_space<hbm>>) dst(%arg11 : memref<8x640xf32, #tpu.memory_space<vmem>>)
        tpu.yield
      }) : () -> ()
      "tpu.region"() ({
        %run_scoped3A = tpu.sem_alloc : memref<!tpu.dma_semaphore, #tpu.memory_space<semaphore_mem>>
        %dma_start3A = arith.constant 0 : i32
        %dma_start3A_2464 = tpu.memref_slice %arg2[%arg1, %dma_start3A] : memref<4x272xf32, #tpu.memory_space<hbm>> -> memref<1x272xf32, #tpu.memory_space<hbm>>
        %dma_start3A_2465 = tpu.memref_squeeze %dma_start3A_2464 : memref<1x272xf32, #tpu.memory_space<hbm>> -> memref<272xf32, #tpu.memory_space<hbm>>
        %dma_start3A_2466 = arith.constant 0 : i32
        %dma_start3A_2467 = tpu.memref_slice %arg2[%arg1, %dma_start3A_2466] : memref<4x272xf32, #tpu.memory_space<hbm>> -> memref<1x272xf32, #tpu.memory_space<hbm>>
        %dma_start3A_2468 = tpu.memref_squeeze %dma_start3A_2467 : memref<1x272xf32, #tpu.memory_space<hbm>> -> memref<272xf32, #tpu.memory_space<hbm>>
        tpu.enqueue_dma source(%dma_start3A_2468 : memref<272xf32, #tpu.memory_space<hbm>>) target(%arg7 : memref<272xf32, #tpu.memory_space<vmem>>) target_semaphore(%run_scoped3A : memref<!tpu.dma_semaphore, #tpu.memory_space<semaphore_mem>>)
        %dma_wait3A = arith.constant 0 : i32
        %dma_wait3A_2469 = tpu.memref_slice %arg2[%arg1, %dma_wait3A] : memref<4x272xf32, #tpu.memory_space<hbm>> -> memref<1x272xf32, #tpu.memory_space<hbm>>
        %dma_wait3A_2470 = tpu.memref_squeeze %dma_wait3A_2469 : memref<1x272xf32, #tpu.memory_space<hbm>> -> memref<272xf32, #tpu.memory_space<hbm>>
        %dma_wait3A_2471 = arith.constant 0 : i32
        %dma_wait3A_2472 = tpu.memref_slice %arg2[%arg1, %dma_wait3A_2471] : memref<4x272xf32, #tpu.memory_space<hbm>> -> memref<1x272xf32, #tpu.memory_space<hbm>>
        %dma_wait3A_2473 = tpu.memref_squeeze %dma_wait3A_2472 : memref<1x272xf32, #tpu.memory_space<hbm>> -> memref<272xf32, #tpu.memory_space<hbm>>
        tpu.wait_dma2 semaphore(%run_scoped3A : memref<!tpu.dma_semaphore, #tpu.memory_space<semaphore_mem>>) src(%dma_wait3A_2473 : memref<272xf32, #tpu.memory_space<hbm>>) dst(%arg7 : memref<272xf32, #tpu.memory_space<vmem>>)
        tpu.yield
      }) : () -> ()
      %get3A = arith.constant 0 : i32
      %get3A_7 = arith.index_cast %get3A : i32 to index
      %get3A_8 = arith.constant 0 : index
      %get3A_9 = tpu.vector_load %arg11[%get3A_7, %get3A_8] {strides = array<i32>} : memref<8x640xf32, #tpu.memory_space<vmem>>, vector<16xf32>,
      %get3A_10 = arith.constant 0 : i32
      %get3A_11 = arith.index_cast %get3A_10 : i32 to index
      %get3A_12 = arith.constant 304 : index
      %get3A_13 = tpu.vector_load %arg11[%get3A_11, %get3A_12] {strides = array<i32>} : memref<8x640xf32, #tpu.memory_space<vmem>>, vector<16xf32>,
      %get3A_14 = arith.constant 1 : i32
      %get3A_15 = arith.index_cast %get3A_14 : i32 to index
      %get3A_16 = arith.constant 0 : index
      %get3A_17 = tpu.vector_load %arg11[%get3A_15, %get3A_16] {strides = array<i32>} : memref<8x640xf32, #tpu.memory_space<vmem>>, vector<16xf32>,
      %max3A = arith.maximumf %get3A_9, %get3A_17 : vector<16xf32>
      %get3A_18 = arith.constant 1 : i32
      %get3A_19 = arith.index_cast %get3A_18 : i32 to index
      %get3A_20 = arith.constant 304 : index
      %get3A_21 = tpu.vector_load %arg11[%get3A_19, %get3A_20] {strides = array<i32>} : memref<8x640xf32, #tpu.memory_space<vmem>>, vector<16xf32>,
      %min3A = arith.minimumf %get3A_13, %get3A_21 : vector<16xf32>
      %get3A_22 = arith.constant 2 : i32
      %get3A_23 = arith.index_cast %get3A_22 : i32 to index
      %get3A_24 = arith.constant 0 : index
      %get3A_25 = tpu.vector_load %arg11[%get3A_23, %get3A_24] {strides = array<i32>} : memref<8x640xf32, #tpu.memory_space<vmem>>, vector<16xf32>,
      %max3A_26 = arith.maximumf %max3A, %get3A_25 : vector<16xf32>
      %get3A_27 = arith.constant 2 : i32
      %get3A_28 = arith.index_cast %get3A_27 : i32 to index
      %get3A_29 = arith.constant 304 : index
      %get3A_30 = tpu.vector_load %arg11[%get3A_28, %get3A_29] {strides = array<i32>} : memref<8x640xf32, #tpu.memory_space<vmem>>, vector<16xf32>,
      %min3A_31 = arith.minimumf %min3A, %get3A_30 : vector<16xf32>
      %get3A_32 = arith.constant 3 : i32
      %get3A_33 = arith.index_cast %get3A_32 : i32 to index
      %get3A_34 = arith.constant 0 : index
      %get3A_35 = tpu.vector_load %arg11[%get3A_33, %get3A_34] {strides = array<i32>} : memref<8x640xf32, #tpu.memory_space<vmem>>, vector<16xf32>,
      %max3A_36 = arith.maximumf %max3A_26, %get3A_35 : vector<16xf32>
      %get3A_37 = arith.constant 3 : i32
      %get3A_38 = arith.index_cast %get3A_37 : i32 to index
      %get3A_39 = arith.constant 304 : index
      %get3A_40 = tpu.vector_load %arg11[%get3A_38, %get3A_39] {strides = array<i32>} : memref<8x640xf32, #tpu.memory_space<vmem>>, vector<16xf32>,
      %min3A_41 = arith.minimumf %min3A_31, %get3A_40 : vector<16xf32>
      %get3A_42 = arith.constant 4 : i32
      %get3A_43 = arith.index_cast %get3A_42 : i32 to index
      %get3A_44 = arith.constant 0 : index
      %get3A_45 = tpu.vector_load %arg11[%get3A_43, %get3A_44] {strides = array<i32>} : memref<8x640xf32, #tpu.memory_space<vmem>>, vector<16xf32>,
      %max3A_46 = arith.maximumf %max3A_36, %get3A_45 : vector<16xf32>
      %get3A_47 = arith.constant 4 : i32
      %get3A_48 = arith.index_cast %get3A_47 : i32 to index
      %get3A_49 = arith.constant 304 : index
      %get3A_50 = tpu.vector_load %arg11[%get3A_48, %get3A_49] {strides = array<i32>} : memref<8x640xf32, #tpu.memory_space<vmem>>, vector<16xf32>,
      %min3A_51 = arith.minimumf %min3A_41, %get3A_50 : vector<16xf32>
      %get3A_52 = arith.constant 5 : i32
      %get3A_53 = arith.index_cast %get3A_52 : i32 to index
      %get3A_54 = arith.constant 0 : index
      %get3A_55 = tpu.vector_load %arg11[%get3A_53, %get3A_54] {strides = array<i32>} : memref<8x640xf32, #tpu.memory_space<vmem>>, vector<16xf32>,
      %max3A_56 = arith.maximumf %max3A_46, %get3A_55 : vector<16xf32>
      %get3A_57 = arith.constant 5 : i32
      %get3A_58 = arith.index_cast %get3A_57 : i32 to index
      %get3A_59 = arith.constant 304 : index
      %get3A_60 = tpu.vector_load %arg11[%get3A_58, %get3A_59] {strides = array<i32>} : memref<8x640xf32, #tpu.memory_space<vmem>>, vector<16xf32>,
      %min3A_61 = arith.minimumf %min3A_51, %get3A_60 : vector<16xf32>
      %get3A_62 = arith.constant 6 : i32
      %get3A_63 = arith.index_cast %get3A_62 : i32 to index
      %get3A_64 = arith.constant 0 : index
      %get3A_65 = tpu.vector_load %arg11[%get3A_63, %get3A_64] {strides = array<i32>} : memref<8x640xf32, #tpu.memory_space<vmem>>, vector<16xf32>,
      %max3A_66 = arith.maximumf %max3A_56, %get3A_65 : vector<16xf32>
      %get3A_67 = arith.constant 6 : i32
      %get3A_68 = arith.index_cast %get3A_67 : i32 to index
      %get3A_69 = arith.constant 304 : index
      %get3A_70 = tpu.vector_load %arg11[%get3A_68, %get3A_69] {strides = array<i32>} : memref<8x640xf32, #tpu.memory_space<vmem>>, vector<16xf32>,
      %min3A_71 = arith.minimumf %min3A_61, %get3A_70 : vector<16xf32>
      %get3A_72 = arith.constant 7 : i32
      %get3A_73 = arith.index_cast %get3A_72 : i32 to index
      %get3A_74 = arith.constant 0 : index
      %get3A_75 = tpu.vector_load %arg11[%get3A_73, %get3A_74] {strides = array<i32>} : memref<8x640xf32, #tpu.memory_space<vmem>>, vector<16xf32>,
      %max3A_76 = arith.maximumf %max3A_66, %get3A_75 : vector<16xf32>
      %get3A_77 = arith.constant 7 : i32
      %get3A_78 = arith.index_cast %get3A_77 : i32 to index
      %get3A_79 = arith.constant 304 : index
      %get3A_80 = tpu.vector_load %arg11[%get3A_78, %get3A_79] {strides = array<i32>} : memref<8x640xf32, #tpu.memory_space<vmem>>, vector<16xf32>,
      %min3A_81 = arith.minimumf %min3A_71, %get3A_80 : vector<16xf32>
      %swap3A = arith.constant 0 : index
      %swap3A_82 = tpu.vector_load %arg5[%swap3A] {strides = array<i32>} : memref<272xf32, #tpu.memory_space<vmem>>, vector<16xf32>,
      tpu.vector_store %arg5[%swap3A], %max3A_76 {strides = array<i32>} : memref<272xf32, #tpu.memory_space<vmem>>, vector<16xf32>,
      %swap3A_83 = arith.constant 0 : index
      %swap3A_84 = tpu.vector_load %arg6[%swap3A_83] {strides = array<i32>} : memref<272xf32, #tpu.memory_space<vmem>>, vector<16xf32>,
      tpu.vector_store %arg6[%swap3A_83], %min3A_81 {strides = array<i32>} : memref<272xf32, #tpu.memory_space<vmem>>, vector<16xf32>,
      %get3A_85 = arith.constant 0 : i32
      %get3A_86 = arith.index_cast %get3A_85 : i32 to index
      %get3A_87 = arith.constant 16 : index
      %get3A_88 = tpu.vector_load %arg11[%get3A_86, %get3A_87] {strides = array<i32>} : memref<8x640xf32, #tpu.memory_space<vmem>>, vector<16xf32>,
      %get3A_89 = arith.constant 0 : i32
      %get3A_90 = arith.index_cast %get3A_89 : i32 to index
      %get3A_91 = arith.constant 320 : index
      %get3A_92 = tpu.vector_load %arg11[%get3A_90, %get3A_91] {strides = array<i32>} : memref<8x640xf32, #tpu.memory_space<vmem>>, vector<16xf32>,
      %get3A_93 = arith.constant 1 : i32
      %get3A_94 = arith.index_cast %get3A_93 : i32 to index
      %get3A_95 = arith.constant 16 : index
      %get3A_96 = tpu.vector_load %arg11[%get3A_94, %get3A_95] {strides = array<i32>} : memref<8x640xf32, #tpu.memory_space<vmem>>, vector<16xf32>,
      %max3A_97 = arith.maximumf %get3A_88, %get3A_96 : vector<16xf32>
      %get3A_98 = arith.constant 1 : i32
      %get3A_99 = arith.index_cast %get3A_98 : i32 to index
      %get3A_100 = arith.constant 320 : index
      %get3A_101 = tpu.vector_load %arg11[%get3A_99, %get3A_100] {strides = array<i32>} : memref<8x640xf32, #tpu.memory_space<vmem>>, vector<16xf32>,
      %min3A_102 = arith.minimumf %get3A_92, %get3A_101 : vector<16xf32>
      %get3A_103 = arith.constant 2 : i32
      %get3A_104 = arith.index_cast %get3A_103 : i32 to index
      %get3A_105 = arith.constant 16 : index
      %get3A_106 = tpu.vector_load %arg11[%get3A_104, %get3A_105] {strides = array<i32>} : memref<8x640xf32, #tpu.memory_space<vmem>>, vector<16xf32>,
      %max3A_107 = arith.maximumf %max3A_97, %get3A_106 : vector<16xf32>
      %get3A_108 = arith.constant 2 : i32
      %get3A_109 = arith.index_cast %get3A_108 : i32 to index
      %get3A_110 = arith.constant 320 : index
      %get3A_111 = tpu.vector_load %arg11[%get3A_109, %get3A_110] {strides = array<i32>} : memref<8x640xf32, #tpu.memory_space<vmem>>, vector<16xf32>,
      %min3A_112 = arith.minimumf %min3A_102, %get3A_111 : vector<16xf32>
      %get3A_113 = arith.constant 3 : i32
      %get3A_114 = arith.index_cast %get3A_113 : i32 to index
      %get3A_115 = arith.constant 16 : index
      %get3A_116 = tpu.vector_load %arg11[%get3A_114, %get3A_115] {strides = array<i32>} : memref<8x640xf32, #tpu.memory_space<vmem>>, vector<16xf32>,
      %max3A_117 = arith.maximumf %max3A_107, %get3A_116 : vector<16xf32>
      %get3A_118 = arith.constant 3 : i32
      %get3A_119 = arith.index_cast %get3A_118 : i32 to index
      %get3A_120 = arith.constant 320 : index
      %get3A_121 = tpu.vector_load %arg11[%get3A_119, %get3A_120] {strides = array<i32>} : memref<8x640xf32, #tpu.memory_space<vmem>>, vector<16xf32>,
      %min3A_122 = arith.minimumf %min3A_112, %get3A_121 : vector<16xf32>
      %get3A_123 = arith.constant 4 : i32
      %get3A_124 = arith.index_cast %get3A_123 : i32 to index
      %get3A_125 = arith.constant 16 : index
      %get3A_126 = tpu.vector_load %arg11[%get3A_124, %get3A_125] {strides = array<i32>} : memref<8x640xf32, #tpu.memory_space<vmem>>, vector<16xf32>,
      %max3A_127 = arith.maximumf %max3A_117, %get3A_126 : vector<16xf32>
      %get3A_128 = arith.constant 4 : i32
      %get3A_129 = arith.index_cast %get3A_128 : i32 to index
      %get3A_130 = arith.constant 320 : index
      %get3A_131 = tpu.vector_load %arg11[%get3A_129, %get3A_130] {strides = array<i32>} : memref<8x640xf32, #tpu.memory_space<vmem>>, vector<16xf32>,
      %min3A_132 = arith.minimumf %min3A_122, %get3A_131 : vector<16xf32>
      %get3A_133 = arith.constant 5 : i32
      %get3A_134 = arith.index_cast %get3A_133 : i32 to index
      %get3A_135 = arith.constant 16 : index
      %get3A_136 = tpu.vector_load %arg11[%get3A_134, %get3A_135] {strides = array<i32>} : memref<8x640xf32, #tpu.memory_space<vmem>>, vector<16xf32>,
      %max3A_137 = arith.maximumf %max3A_127, %get3A_136 : vector<16xf32>
      %get3A_138 = arith.constant 5 : i32
      %get3A_139 = arith.index_cast %get3A_138 : i32 to index
      %get3A_140 = arith.constant 320 : index
      %get3A_141 = tpu.vector_load %arg11[%get3A_139, %get3A_140] {strides = array<i32>} : memref<8x640xf32, #tpu.memory_space<vmem>>, vector<16xf32>,
      %min3A_142 = arith.minimumf %min3A_132, %get3A_141 : vector<16xf32>
      %get3A_143 = arith.constant 6 : i32
      %get3A_144 = arith.index_cast %get3A_143 : i32 to index
      %get3A_145 = arith.constant 16 : index
      %get3A_146 = tpu.vector_load %arg11[%get3A_144, %get3A_145] {strides = array<i32>} : memref<8x640xf32, #tpu.memory_space<vmem>>, vector<16xf32>,
      %max3A_147 = arith.maximumf %max3A_137, %get3A_146 : vector<16xf32>
      %get3A_148 = arith.constant 6 : i32
      %get3A_149 = arith.index_cast %get3A_148 : i32 to index
      %get3A_150 = arith.constant 320 : index
      %get3A_151 = tpu.vector_load %arg11[%get3A_149, %get3A_150] {strides = array<i32>} : memref<8x640xf32, #tpu.memory_space<vmem>>, vector<16xf32>,
      %min3A_152 = arith.minimumf %min3A_142, %get3A_151 : vector<16xf32>
      %get3A_153 = arith.constant 7 : i32
      %get3A_154 = arith.index_cast %get3A_153 : i32 to index
      %get3A_155 = arith.constant 16 : index
      %get3A_156 = tpu.vector_load %arg11[%get3A_154, %get3A_155] {strides = array<i32>} : memref<8x640xf32, #tpu.memory_space<vmem>>, vector<16xf32>,
      %max3A_157 = arith.maximumf %max3A_147, %get3A_156 : vector<16xf32>
      %get3A_158 = arith.constant 7 : i32
      %get3A_159 = arith.index_cast %get3A_158 : i32 to index
      %get3A_160 = arith.constant 320 : index
      %get3A_161 = tpu.vector_load %arg11[%get3A_159, %get3A_160] {strides = array<i32>} : memref<8x640xf32, #tpu.memory_space<vmem>>, vector<16xf32>,
      %min3A_162 = arith.minimumf %min3A_152, %get3A_161 : vector<16xf32>
      %swap3A_163 = arith.constant 16 : index
      %swap3A_164 = tpu.vector_load %arg5[%swap3A_163] {strides = array<i32>} : memref<272xf32, #tpu.memory_space<vmem>>, vector<16xf32>,
      tpu.vector_store %arg5[%swap3A_163], %max3A_157 {strides = array<i32>} : memref<272xf32, #tpu.memory_space<vmem>>, vector<16xf32>,
      %swap3A_165 = arith.constant 16 : index
      %swap3A_166 = tpu.vector_load %arg6[%swap3A_165] {strides = array<i32>} : memref<272xf32, #tpu.memory_space<vmem>>, vector<16xf32>,
      tpu.vector_store %arg6[%swap3A_165], %min3A_162 {strides = array<i32>} : memref<272xf32, #tpu.memory_space<vmem>>, vector<16xf32>,
      %get3A_167 = arith.constant 0 : i32
      %get3A_168 = arith.index_cast %get3A_167 : i32 to index
      %get3A_169 = arith.constant 32 : index
      %get3A_170 = tpu.vector_load %arg11[%get3A_168, %get3A_169] {strides = array<i32>} : memref<8x640xf32, #tpu.memory_space<vmem>>, vector<16xf32>,
      %get3A_171 = arith.constant 0 : i32
      %get3A_172 = arith.index_cast %get3A_171 : i32 to index
      %get3A_173 = arith.constant 336 : index
      %get3A_174 = tpu.vector_load %arg11[%get3A_172, %get3A_173] {strides = array<i32>} : memref<8x640xf32, #tpu.memory_space<vmem>>, vector<16xf32>,
      %get3A_175 = arith.constant 1 : i32
      %get3A_176 = arith.index_cast %get3A_175 : i32 to index
      %get3A_177 = arith.constant 32 : index
      %get3A_178 = tpu.vector_load %arg11[%get3A_176, %get3A_177] {strides = array<i32>} : memref<8x640xf32, #tpu.memory_space<vmem>>, vector<16xf32>,
      %max3A_179 = arith.maximumf %get3A_170, %get3A_178 : vector<16xf32>
      %get3A_180 = arith.constant 1 : i32
      %get3A_181 = arith.index_cast %get3A_180 : i32 to index
      %get3A_182 = arith.constant 336 : index
      %get3A_183 = tpu.vector_load %arg11[%get3A_181, %get3A_182] {strides = array<i32>} : memref<8x640xf32, #tpu.memory_space<vmem>>, vector<16xf32>,
      %min3A_184 = arith.minimumf %get3A_174, %get3A_183 : vector<16xf32>
      %get3A_185 = arith.constant 2 : i32
      %get3A_186 = arith.index_cast %get3A_185 : i32 to index
      %get3A_187 = arith.constant 32 : index
      %get3A_188 = tpu.vector_load %arg11[%get3A_186, %get3A_187] {strides = array<i32>} : memref<8x640xf32, #tpu.memory_space<vmem>>, vector<16xf32>,
      %max3A_189 = arith.maximumf %max3A_179, %get3A_188 : vector<16xf32>
      %get3A_190 = arith.constant 2 : i32
      %get3A_191 = arith.index_cast %get3A_190 : i32 to index
      %get3A_192 = arith.constant 336 : index
      %get3A_193 = tpu.vector_load %arg11[%get3A_191, %get3A_192] {strides = array<i32>} : memref<8x640xf32, #tpu.memory_space<vmem>>, vector<16xf32>,
      %min3A_194 = arith.minimumf %min3A_184, %get3A_193 : vector<16xf32>
      %get3A_195 = arith.constant 3 : i32
      %get3A_196 = arith.index_cast %get3A_195 : i32 to index
      %get3A_197 = arith.constant 32 : index
      %get3A_198 = tpu.vector_load %arg11[%get3A_196, %get3A_197] {strides = array<i32>} : memref<8x640xf32, #tpu.memory_space<vmem>>, vector<16xf32>,
      %max3A_199 = arith.maximumf %max3A_189, %get3A_198 : vector<16xf32>
      %get3A_200 = arith.constant 3 : i32
      %get3A_201 = arith.index_cast %get3A_200 : i32 to index
      %get3A_202 = arith.constant 336 : index
      %get3A_203 = tpu.vector_load %arg11[%get3A_201, %get3A_202] {strides = array<i32>} : memref<8x640xf32, #tpu.memory_space<vmem>>, vector<16xf32>,
      %min3A_204 = arith.minimumf %min3A_194, %get3A_203 : vector<16xf32>
      %get3A_205 = arith.constant 4 : i32
      %get3A_206 = arith.index_cast %get3A_205 : i32 to index
      %get3A_207 = arith.constant 32 : index
      %get3A_208 = tpu.vector_load %arg11[%get3A_206, %get3A_207] {strides = array<i32>} : memref<8x640xf32, #tpu.memory_space<vmem>>, vector<16xf32>,
      %max3A_209 = arith.maximumf %max3A_199, %get3A_208 : vector<16xf32>
      %get3A_210 = arith.constant 4 : i32
      %get3A_211 = arith.index_cast %get3A_210 : i32 to index
      %get3A_212 = arith.constant 336 : index
      %get3A_213 = tpu.vector_load %arg11[%get3A_211, %get3A_212] {strides = array<i32>} : memref<8x640xf32, #tpu.memory_space<vmem>>, vector<16xf32>,
      %min3A_214 = arith.minimumf %min3A_204, %get3A_213 : vector<16xf32>
      %get3A_215 = arith.constant 5 : i32
      %get3A_216 = arith.index_cast %get3A_215 : i32 to index
      %get3A_217 = arith.constant 32 : index
      %get3A_218 = tpu.vector_load %arg11[%get3A_216, %get3A_217] {strides = array<i32>} : memref<8x640xf32, #tpu.memory_space<vmem>>, vector<16xf32>,
      %max3A_219 = arith.maximumf %max3A_209, %get3A_218 : vector<16xf32>
      %get3A_220 = arith.constant 5 : i32
      %get3A_221 = arith.index_cast %get3A_220 : i32 to index
      %get3A_222 = arith.constant 336 : index
      %get3A_223 = tpu.vector_load %arg11[%get3A_221, %get3A_222] {strides = array<i32>} : memref<8x640xf32, #tpu.memory_space<vmem>>, vector<16xf32>,
      %min3A_224 = arith.minimumf %min3A_214, %get3A_223 : vector<16xf32>
      %get3A_225 = arith.constant 6 : i32
      %get3A_226 = arith.index_cast %get3A_225 : i32 to index
      %get3A_227 = arith.constant 32 : index
      %get3A_228 = tpu.vector_load %arg11[%get3A_226, %get3A_227] {strides = array<i32>} : memref<8x640xf32, #tpu.memory_space<vmem>>, vector<16xf32>,
      %max3A_229 = arith.maximumf %max3A_219, %get3A_228 : vector<16xf32>
      %get3A_230 = arith.constant 6 : i32
      %get3A_231 = arith.index_cast %get3A_230 : i32 to index
      %get3A_232 = arith.constant 336 : index
      %get3A_233 = tpu.vector_load %arg11[%get3A_231, %get3A_232] {strides = array<i32>} : memref<8x640xf32, #tpu.memory_space<vmem>>, vector<16xf32>,
      %min3A_234 = arith.minimumf %min3A_224, %get3A_233 : vector<16xf32>
      %get3A_235 = arith.constant 7 : i32
      %get3A_236 = arith.index_cast %get3A_235 : i32 to index
      %get3A_237 = arith.constant 32 : index
      %get3A_238 = tpu.vector_load %arg11[%get3A_236, %get3A_237] {strides = array<i32>} : memref<8x640xf32, #tpu.memory_space<vmem>>, vector<16xf32>,
      %max3A_239 = arith.maximumf %max3A_229, %get3A_238 : vector<16xf32>
      %get3A_240 = arith.constant 7 : i32
      %get3A_241 = arith.index_cast %get3A_240 : i32 to index
      %get3A_242 = arith.constant 336 : index
      %get3A_243 = tpu.vector_load %arg11[%get3A_241, %get3A_242] {strides = array<i32>} : memref<8x640xf32, #tpu.memory_space<vmem>>, vector<16xf32>,
      %min3A_244 = arith.minimumf %min3A_234, %get3A_243 : vector<16xf32>
      %swap3A_245 = arith.constant 32 : index
      %swap3A_246 = tpu.vector_load %arg5[%swap3A_245] {strides = array<i32>} : memref<272xf32, #tpu.memory_space<vmem>>, vector<16xf32>,
      tpu.vector_store %arg5[%swap3A_245], %max3A_239 {strides = array<i32>} : memref<272xf32, #tpu.memory_space<vmem>>, vector<16xf32>,
      %swap3A_247 = arith.constant 32 : index
      %swap3A_248 = tpu.vector_load %arg6[%swap3A_247] {strides = array<i32>} : memref<272xf32, #tpu.memory_space<vmem>>, vector<16xf32>,
      tpu.vector_store %arg6[%swap3A_247], %min3A_244 {strides = array<i32>} : memref<272xf32, #tpu.memory_space<vmem>>, vector<16xf32>,
      %get3A_249 = arith.constant 0 : i32
      %get3A_250 = arith.index_cast %get3A_249 : i32 to index
      %get3A_251 = arith.constant 48 : index
      %get3A_252 = tpu.vector_load %arg11[%get3A_250, %get3A_251] {strides = array<i32>} : memref<8x640xf32, #tpu.memory_space<vmem>>, vector<16xf32>,
      %get3A_253 = arith.constant 0 : i32
      %get3A_254 = arith.index_cast %get3A_253 : i32 to index
      %get3A_255 = arith.constant 352 : index
      %get3A_256 = tpu.vector_load %arg11[%get3A_254, %get3A_255] {strides = array<i32>} : memref<8x640xf32, #tpu.memory_space<vmem>>, vector<16xf32>,
      %get3A_257 = arith.constant 1 : i32
      %get3A_258 = arith.index_cast %get3A_257 : i32 to index
      %get3A_259 = arith.constant 48 : index
      %get3A_260 = tpu.vector_load %arg11[%get3A_258, %get3A_259] {strides = array<i32>} : memref<8x640xf32, #tpu.memory_space<vmem>>, vector<16xf32>,
      %max3A_261 = arith.maximumf %get3A_252, %get3A_260 : vector<16xf32>
      %get3A_262 = arith.constant 1 : i32
      %get3A_263 = arith.index_cast %get3A_262 : i32 to index
      %get3A_264 = arith.constant 352 : index
      %get3A_265 = tpu.vector_load %arg11[%get3A_263, %get3A_264] {strides = array<i32>} : memref<8x640xf32, #tpu.memory_space<vmem>>, vector<16xf32>,
      %min3A_266 = arith.minimumf %get3A_256, %get3A_265 : vector<16xf32>
      %get3A_267 = arith.constant 2 : i32
      %get3A_268 = arith.index_cast %get3A_267 : i32 to index
      %get3A_269 = arith.constant 48 : index
      %get3A_270 = tpu.vector_load %arg11[%get3A_268, %get3A_269] {strides = array<i32>} : memref<8x640xf32, #tpu.memory_space<vmem>>, vector<16xf32>,
      %max3A_271 = arith.maximumf %max3A_261, %get3A_270 : vector<16xf32>
      %get3A_272 = arith.constant 2 : i32
      %get3A_273 = arith.index_cast %get3A_272 : i32 to index
      %get3A_274 = arith.constant 352 : index
      %get3A_275 = tpu.vector_load %arg11[%get3A_273, %get3A_274] {strides = array<i32>} : memref<8x640xf32, #tpu.memory_space<vmem>>, vector<16xf32>,
      %min3A_276 = arith.minimumf %min3A_266, %get3A_275 : vector<16xf32>
      %get3A_277 = arith.constant 3 : i32
      %get3A_278 = arith.index_cast %get3A_277 : i32 to index
      %get3A_279 = arith.constant 48 : index
      %get3A_280 = tpu.vector_load %arg11[%get3A_278, %get3A_279] {strides = array<i32>} : memref<8x640xf32, #tpu.memory_space<vmem>>, vector<16xf32>,
      %max3A_281 = arith.maximumf %max3A_271, %get3A_280 : vector<16xf32>
      %get3A_282 = arith.constant 3 : i32
      %get3A_283 = arith.index_cast %get3A_282 : i32 to index
      %get3A_284 = arith.constant 352 : index
      %get3A_285 = tpu.vector_load %arg11[%get3A_283, %get3A_284] {strides = array<i32>} : memref<8x640xf32, #tpu.memory_space<vmem>>, vector<16xf32>,
      %min3A_286 = arith.minimumf %min3A_276, %get3A_285 : vector<16xf32>
      %get3A_287 = arith.constant 4 : i32
      %get3A_288 = arith.index_cast %get3A_287 : i32 to index
      %get3A_289 = arith.constant 48 : index
      %get3A_290 = tpu.vector_load %arg11[%get3A_288, %get3A_289] {strides = array<i32>} : memref<8x640xf32, #tpu.memory_space<vmem>>, vector<16xf32>,
      %max3A_291 = arith.maximumf %max3A_281, %get3A_290 : vector<16xf32>
      %get3A_292 = arith.constant 4 : i32
      %get3A_293 = arith.index_cast %get3A_292 : i32 to index
      %get3A_294 = arith.constant 352 : index
      %get3A_295 = tpu.vector_load %arg11[%get3A_293, %get3A_294] {strides = array<i32>} : memref<8x640xf32, #tpu.memory_space<vmem>>, vector<16xf32>,
      %min3A_296 = arith.minimumf %min3A_286, %get3A_295 : vector<16xf32>
      %get3A_297 = arith.constant 5 : i32
      %get3A_298 = arith.index_cast %get3A_297 : i32 to index
      %get3A_299 = arith.constant 48 : index
      %get3A_300 = tpu.vector_load %arg11[%get3A_298, %get3A_299] {strides = array<i32>} : memref<8x640xf32, #tpu.memory_space<vmem>>, vector<16xf32>,
      %max3A_301 = arith.maximumf %max3A_291, %get3A_300 : vector<16xf32>
      %get3A_302 = arith.constant 5 : i32
      %get3A_303 = arith.index_cast %get3A_302 : i32 to index
      %get3A_304 = arith.constant 352 : index
      %get3A_305 = tpu.vector_load %arg11[%get3A_303, %get3A_304] {strides = array<i32>} : memref<8x640xf32, #tpu.memory_space<vmem>>, vector<16xf32>,
      %min3A_306 = arith.minimumf %min3A_296, %get3A_305 : vector<16xf32>
      %get3A_307 = arith.constant 6 : i32
      %get3A_308 = arith.index_cast %get3A_307 : i32 to index
      %get3A_309 = arith.constant 48 : index
      %get3A_310 = tpu.vector_load %arg11[%get3A_308, %get3A_309] {strides = array<i32>} : memref<8x640xf32, #tpu.memory_space<vmem>>, vector<16xf32>,
      %max3A_311 = arith.maximumf %max3A_301, %get3A_310 : vector<16xf32>
      %get3A_312 = arith.constant 6 : i32
      %get3A_313 = arith.index_cast %get3A_312 : i32 to index
      %get3A_314 = arith.constant 352 : index
      %get3A_315 = tpu.vector_load %arg11[%get3A_313, %get3A_314] {strides = array<i32>} : memref<8x640xf32, #tpu.memory_space<vmem>>, vector<16xf32>,
      %min3A_316 = arith.minimumf %min3A_306, %get3A_315 : vector<16xf32>
      %get3A_317 = arith.constant 7 : i32
      %get3A_318 = arith.index_cast %get3A_317 : i32 to index
      %get3A_319 = arith.constant 48 : index
      %get3A_320 = tpu.vector_load %arg11[%get3A_318, %get3A_319] {strides = array<i32>} : memref<8x640xf32, #tpu.memory_space<vmem>>, vector<16xf32>,
      %max3A_321 = arith.maximumf %max3A_311, %get3A_320 : vector<16xf32>
      %get3A_322 = arith.constant 7 : i32
      %get3A_323 = arith.index_cast %get3A_322 : i32 to index
      %get3A_324 = arith.constant 352 : index
      %get3A_325 = tpu.vector_load %arg11[%get3A_323, %get3A_324] {strides = array<i32>} : memref<8x640xf32, #tpu.memory_space<vmem>>, vector<16xf32>,
      %min3A_326 = arith.minimumf %min3A_316, %get3A_325 : vector<16xf32>
      %swap3A_327 = arith.constant 48 : index
      %swap3A_328 = tpu.vector_load %arg5[%swap3A_327] {strides = array<i32>} : memref<272xf32, #tpu.memory_space<vmem>>, vector<16xf32>,
      tpu.vector_store %arg5[%swap3A_327], %max3A_321 {strides = array<i32>} : memref<272xf32, #tpu.memory_space<vmem>>, vector<16xf32>,
      %swap3A_329 = arith.constant 48 : index
      %swap3A_330 = tpu.vector_load %arg6[%swap3A_329] {strides = array<i32>} : memref<272xf32, #tpu.memory_space<vmem>>, vector<16xf32>,
      tpu.vector_store %arg6[%swap3A_329], %min3A_326 {strides = array<i32>} : memref<272xf32, #tpu.memory_space<vmem>>, vector<16xf32>,
      %get3A_331 = arith.constant 0 : i32
      %get3A_332 = arith.index_cast %get3A_331 : i32 to index
      %get3A_333 = arith.constant 64 : index
      %get3A_334 = tpu.vector_load %arg11[%get3A_332, %get3A_333] {strides = array<i32>} : memref<8x640xf32, #tpu.memory_space<vmem>>, vector<16xf32>,
      %get3A_335 = arith.constant 0 : i32
      %get3A_336 = arith.index_cast %get3A_335 : i32 to index
      %get3A_337 = arith.constant 368 : index
      %get3A_338 = tpu.vector_load %arg11[%get3A_336, %get3A_337] {strides = array<i32>} : memref<8x640xf32, #tpu.memory_space<vmem>>, vector<16xf32>,
      %get3A_339 = arith.constant 1 : i32
      %get3A_340 = arith.index_cast %get3A_339 : i32 to index
      %get3A_341 = arith.constant 64 : index
      %get3A_342 = tpu.vector_load %arg11[%get3A_340, %get3A_341] {strides = array<i32>} : memref<8x640xf32, #tpu.memory_space<vmem>>, vector<16xf32>,
      %max3A_343 = arith.maximumf %get3A_334, %get3A_342 : vector<16xf32>
      %get3A_344 = arith.constant 1 : i32
      %get3A_345 = arith.index_cast %get3A_344 : i32 to index
      %get3A_346 = arith.constant 368 : index
      %get3A_347 = tpu.vector_load %arg11[%get3A_345, %get3A_346] {strides = array<i32>} : memref<8x640xf32, #tpu.memory_space<vmem>>, vector<16xf32>,
      %min3A_348 = arith.minimumf %get3A_338, %get3A_347 : vector<16xf32>
      %get3A_349 = arith.constant 2 : i32
      %get3A_350 = arith.index_cast %get3A_349 : i32 to index
      %get3A_351 = arith.constant 64 : index
      %get3A_352 = tpu.vector_load %arg11[%get3A_350, %get3A_351] {strides = array<i32>} : memref<8x640xf32, #tpu.memory_space<vmem>>, vector<16xf32>,
      %max3A_353 = arith.maximumf %max3A_343, %get3A_352 : vector<16xf32>
      %get3A_354 = arith.constant 2 : i32
      %get3A_355 = arith.index_cast %get3A_354 : i32 to index
      %get3A_356 = arith.constant 368 : index
      %get3A_357 = tpu.vector_load %arg11[%get3A_355, %get3A_356] {strides = array<i32>} : memref<8x640xf32, #tpu.memory_space<vmem>>, vector<16xf32>,
      %min3A_358 = arith.minimumf %min3A_348, %get3A_357 : vector<16xf32>
      %get3A_359 = arith.constant 3 : i32
      %get3A_360 = arith.index_cast %get3A_359 : i32 to index
      %get3A_361 = arith.constant 64 : index
      %get3A_362 = tpu.vector_load %arg11[%get3A_360, %get3A_361] {strides = array<i32>} : memref<8x640xf32, #tpu.memory_space<vmem>>, vector<16xf32>,
      %max3A_363 = arith.maximumf %max3A_353, %get3A_362 : vector<16xf32>
      %get3A_364 = arith.constant 3 : i32
      %get3A_365 = arith.index_cast %get3A_364 : i32 to index
      %get3A_366 = arith.constant 368 : index
      %get3A_367 = tpu.vector_load %arg11[%get3A_365, %get3A_366] {strides = array<i32>} : memref<8x640xf32, #tpu.memory_space<vmem>>, vector<16xf32>,
      %min3A_368 = arith.minimumf %min3A_358, %get3A_367 : vector<16xf32>
      %get3A_369 = arith.constant 4 : i32
      %get3A_370 = arith.index_cast %get3A_369 : i32 to index
      %get3A_371 = arith.constant 64 : index
      %get3A_372 = tpu.vector_load %arg11[%get3A_370, %get3A_371] {strides = array<i32>} : memref<8x640xf32, #tpu.memory_space<vmem>>, vector<16xf32>,
      %max3A_373 = arith.maximumf %max3A_363, %get3A_372 : vector<16xf32>
      %get3A_374 = arith.constant 4 : i32
      %get3A_375 = arith.index_cast %get3A_374 : i32 to index
      %get3A_376 = arith.constant 368 : index
      %get3A_377 = tpu.vector_load %arg11[%get3A_375, %get3A_376] {strides = array<i32>} : memref<8x640xf32, #tpu.memory_space<vmem>>, vector<16xf32>,
      %min3A_378 = arith.minimumf %min3A_368, %get3A_377 : vector<16xf32>
      %get3A_379 = arith.constant 5 : i32
      %get3A_380 = arith.index_cast %get3A_379 : i32 to index
      %get3A_381 = arith.constant 64 : index
      %get3A_382 = tpu.vector_load %arg11[%get3A_380, %get3A_381] {strides = array<i32>} : memref<8x640xf32, #tpu.memory_space<vmem>>, vector<16xf32>,
      %max3A_383 = arith.maximumf %max3A_373, %get3A_382 : vector<16xf32>
      %get3A_384 = arith.constant 5 : i32
      %get3A_385 = arith.index_cast %get3A_384 : i32 to index
      %get3A_386 = arith.constant 368 : index
      %get3A_387 = tpu.vector_load %arg11[%get3A_385, %get3A_386] {strides = array<i32>} : memref<8x640xf32, #tpu.memory_space<vmem>>, vector<16xf32>,
      %min3A_388 = arith.minimumf %min3A_378, %get3A_387 : vector<16xf32>
      %get3A_389 = arith.constant 6 : i32
      %get3A_390 = arith.index_cast %get3A_389 : i32 to index
      %get3A_391 = arith.constant 64 : index
      %get3A_392 = tpu.vector_load %arg11[%get3A_390, %get3A_391] {strides = array<i32>} : memref<8x640xf32, #tpu.memory_space<vmem>>, vector<16xf32>,
      %max3A_393 = arith.maximumf %max3A_383, %get3A_392 : vector<16xf32>
      %get3A_394 = arith.constant 6 : i32
      %get3A_395 = arith.index_cast %get3A_394 : i32 to index
      %get3A_396 = arith.constant 368 : index
      %get3A_397 = tpu.vector_load %arg11[%get3A_395, %get3A_396] {strides = array<i32>} : memref<8x640xf32, #tpu.memory_space<vmem>>, vector<16xf32>,
      %min3A_398 = arith.minimumf %min3A_388, %get3A_397 : vector<16xf32>
      %get3A_399 = arith.constant 7 : i32
      %get3A_400 = arith.index_cast %get3A_399 : i32 to index
      %get3A_401 = arith.constant 64 : index
      %get3A_402 = tpu.vector_load %arg11[%get3A_400, %get3A_401] {strides = array<i32>} : memref<8x640xf32, #tpu.memory_space<vmem>>, vector<16xf32>,
      %max3A_403 = arith.maximumf %max3A_393, %get3A_402 : vector<16xf32>
      %get3A_404 = arith.constant 7 : i32
      %get3A_405 = arith.index_cast %get3A_404 : i32 to index
      %get3A_406 = arith.constant 368 : index
      %get3A_407 = tpu.vector_load %arg11[%get3A_405, %get3A_406] {strides = array<i32>} : memref<8x640xf32, #tpu.memory_space<vmem>>, vector<16xf32>,
      %min3A_408 = arith.minimumf %min3A_398, %get3A_407 : vector<16xf32>
      %swap3A_409 = arith.constant 64 : index
      %swap3A_410 = tpu.vector_load %arg5[%swap3A_409] {strides = array<i32>} : memref<272xf32, #tpu.memory_space<vmem>>, vector<16xf32>,
      tpu.vector_store %arg5[%swap3A_409], %max3A_403 {strides = array<i32>} : memref<272xf32, #tpu.memory_space<vmem>>, vector<16xf32>,
      %swap3A_411 = arith.constant 64 : index
      %swap3A_412 = tpu.vector_load %arg6[%swap3A_411] {strides = array<i32>} : memref<272xf32, #tpu.memory_space<vmem>>, vector<16xf32>,
      tpu.vector_store %arg6[%swap3A_411], %min3A_408 {strides = array<i32>} : memref<272xf32, #tpu.memory_space<vmem>>, vector<16xf32>,
      %get3A_413 = arith.constant 0 : i32
      %get3A_414 = arith.index_cast %get3A_413 : i32 to index
      %get3A_415 = arith.constant 80 : index
      %get3A_416 = tpu.vector_load %arg11[%get3A_414, %get3A_415] {strides = array<i32>} : memref<8x640xf32, #tpu.memory_space<vmem>>, vector<16xf32>,
      %get3A_417 = arith.constant 0 : i32
      %get3A_418 = arith.index_cast %get3A_417 : i32 to index
      %get3A_419 = arith.constant 384 : index
      %get3A_420 = tpu.vector_load %arg11[%get3A_418, %get3A_419] {strides = array<i32>} : memref<8x640xf32, #tpu.memory_space<vmem>>, vector<16xf32>,
      %get3A_421 = arith.constant 1 : i32
      %get3A_422 = arith.index_cast %get3A_421 : i32 to index
      %get3A_423 = arith.constant 80 : index
      %get3A_424 = tpu.vector_load %arg11[%get3A_422, %get3A_423] {strides = array<i32>} : memref<8x640xf32, #tpu.memory_space<vmem>>, vector<16xf32>,
      %max3A_425 = arith.maximumf %get3A_416, %get3A_424 : vector<16xf32>
      %get3A_426 = arith.constant 1 : i32
      %get3A_427 = arith.index_cast %get3A_426 : i32 to index
      %get3A_428 = arith.constant 384 : index
      %get3A_429 = tpu.vector_load %arg11[%get3A_427, %get3A_428] {strides = array<i32>} : memref<8x640xf32, #tpu.memory_space<vmem>>, vector<16xf32>,
      %min3A_430 = arith.minimumf %get3A_420, %get3A_429 : vector<16xf32>
      %get3A_431 = arith.constant 2 : i32
      %get3A_432 = arith.index_cast %get3A_431 : i32 to index
      %get3A_433 = arith.constant 80 : index
      %get3A_434 = tpu.vector_load %arg11[%get3A_432, %get3A_433] {strides = array<i32>} : memref<8x640xf32, #tpu.memory_space<vmem>>, vector<16xf32>,
      %max3A_435 = arith.maximumf %max3A_425, %get3A_434 : vector<16xf32>
      %get3A_436 = arith.constant 2 : i32
      %get3A_437 = arith.index_cast %get3A_436 : i32 to index
      %get3A_438 = arith.constant 384 : index
      %get3A_439 = tpu.vector_load %arg11[%get3A_437, %get3A_438] {strides = array<i32>} : memref<8x640xf32, #tpu.memory_space<vmem>>, vector<16xf32>,
      %min3A_440 = arith.minimumf %min3A_430, %get3A_439 : vector<16xf32>
      %get3A_441 = arith.constant 3 : i32
      %get3A_442 = arith.index_cast %get3A_441 : i32 to index
      %get3A_443 = arith.constant 80 : index
      %get3A_444 = tpu.vector_load %arg11[%get3A_442, %get3A_443] {strides = array<i32>} : memref<8x640xf32, #tpu.memory_space<vmem>>, vector<16xf32>,
      %max3A_445 = arith.maximumf %max3A_435, %get3A_444 : vector<16xf32>
      %get3A_446 = arith.constant 3 : i32
      %get3A_447 = arith.index_cast %get3A_446 : i32 to index
      %get3A_448 = arith.constant 384 : index
      %get3A_449 = tpu.vector_load %arg11[%get3A_447, %get3A_448] {strides = array<i32>} : memref<8x640xf32, #tpu.memory_space<vmem>>, vector<16xf32>,
      %min3A_450 = arith.minimumf %min3A_440, %get3A_449 : vector<16xf32>
      %get3A_451 = arith.constant 4 : i32
      %get3A_452 = arith.index_cast %get3A_451 : i32 to index
      %get3A_453 = arith.constant 80 : index
      %get3A_454 = tpu.vector_load %arg11[%get3A_452, %get3A_453] {strides = array<i32>} : memref<8x640xf32, #tpu.memory_space<vmem>>, vector<16xf32>,
      %max3A_455 = arith.maximumf %max3A_445, %get3A_454 : vector<16xf32>
      %get3A_456 = arith.constant 4 : i32
      %get3A_457 = arith.index_cast %get3A_456 : i32 to index
      %get3A_458 = arith.constant 384 : index
      %get3A_459 = tpu.vector_load %arg11[%get3A_457, %get3A_458] {strides = array<i32>} : memref<8x640xf32, #tpu.memory_space<vmem>>, vector<16xf32>,
      %min3A_460 = arith.minimumf %min3A_450, %get3A_459 : vector<16xf32>
      %get3A_461 = arith.constant 5 : i32
      %get3A_462 = arith.index_cast %get3A_461 : i32 to index
      %get3A_463 = arith.constant 80 : index
      %get3A_464 = tpu.vector_load %arg11[%get3A_462, %get3A_463] {strides = array<i32>} : memref<8x640xf32, #tpu.memory_space<vmem>>, vector<16xf32>,
      %max3A_465 = arith.maximumf %max3A_455, %get3A_464 : vector<16xf32>
      %get3A_466 = arith.constant 5 : i32
      %get3A_467 = arith.index_cast %get3A_466 : i32 to index
      %get3A_468 = arith.constant 384 : index
      %get3A_469 = tpu.vector_load %arg11[%get3A_467, %get3A_468] {strides = array<i32>} : memref<8x640xf32, #tpu.memory_space<vmem>>, vector<16xf32>,
      %min3A_470 = arith.minimumf %min3A_460, %get3A_469 : vector<16xf32>
      %get3A_471 = arith.constant 6 : i32
      %get3A_472 = arith.index_cast %get3A_471 : i32 to index
      %get3A_473 = arith.constant 80 : index
      %get3A_474 = tpu.vector_load %arg11[%get3A_472, %get3A_473] {strides = array<i32>} : memref<8x640xf32, #tpu.memory_space<vmem>>, vector<16xf32>,
      %max3A_475 = arith.maximumf %max3A_465, %get3A_474 : vector<16xf32>
      %get3A_476 = arith.constant 6 : i32
      %get3A_477 = arith.index_cast %get3A_476 : i32 to index
      %get3A_478 = arith.constant 384 : index
      %get3A_479 = tpu.vector_load %arg11[%get3A_477, %get3A_478] {strides = array<i32>} : memref<8x640xf32, #tpu.memory_space<vmem>>, vector<16xf32>,
      %min3A_480 = arith.minimumf %min3A_470, %get3A_479 : vector<16xf32>
      %get3A_481 = arith.constant 7 : i32
      %get3A_482 = arith.index_cast %get3A_481 : i32 to index
      %get3A_483 = arith.constant 80 : index
      %get3A_484 = tpu.vector_load %arg11[%get3A_482, %get3A_483] {strides = array<i32>} : memref<8x640xf32, #tpu.memory_space<vmem>>, vector<16xf32>,
      %max3A_485 = arith.maximumf %max3A_475, %get3A_484 : vector<16xf32>
      %get3A_486 = arith.constant 7 : i32
      %get3A_487 = arith.index_cast %get3A_486 : i32 to index
      %get3A_488 = arith.constant 384 : index
      %get3A_489 = tpu.vector_load %arg11[%get3A_487, %get3A_488] {strides = array<i32>} : memref<8x640xf32, #tpu.memory_space<vmem>>, vector<16xf32>,
      %min3A_490 = arith.minimumf %min3A_480, %get3A_489 : vector<16xf32>
      %swap3A_491 = arith.constant 80 : index
      %swap3A_492 = tpu.vector_load %arg5[%swap3A_491] {strides = array<i32>} : memref<272xf32, #tpu.memory_space<vmem>>, vector<16xf32>,
      tpu.vector_store %arg5[%swap3A_491], %max3A_485 {strides = array<i32>} : memref<272xf32, #tpu.memory_space<vmem>>, vector<16xf32>,
      %swap3A_493 = arith.constant 80 : index
      %swap3A_494 = tpu.vector_load %arg6[%swap3A_493] {strides = array<i32>} : memref<272xf32, #tpu.memory_space<vmem>>, vector<16xf32>,
      tpu.vector_store %arg6[%swap3A_493], %min3A_490 {strides = array<i32>} : memref<272xf32, #tpu.memory_space<vmem>>, vector<16xf32>,
      %get3A_495 = arith.constant 0 : i32
      %get3A_496 = arith.index_cast %get3A_495 : i32 to index
      %get3A_497 = arith.constant 96 : index
      %get3A_498 = tpu.vector_load %arg11[%get3A_496, %get3A_497] {strides = array<i32>} : memref<8x640xf32, #tpu.memory_space<vmem>>, vector<16xf32>,
      %get3A_499 = arith.constant 0 : i32
      %get3A_500 = arith.index_cast %get3A_499 : i32 to index
      %get3A_501 = arith.constant 400 : index
      %get3A_502 = tpu.vector_load %arg11[%get3A_500, %get3A_501] {strides = array<i32>} : memref<8x640xf32, #tpu.memory_space<vmem>>, vector<16xf32>,
      %get3A_503 = arith.constant 1 : i32
      %get3A_504 = arith.index_cast %get3A_503 : i32 to index
      %get3A_505 = arith.constant 96 : index
      %get3A_506 = tpu.vector_load %arg11[%get3A_504, %get3A_505] {strides = array<i32>} : memref<8x640xf32, #tpu.memory_space<vmem>>, vector<16xf32>,
      %max3A_507 = arith.maximumf %get3A_498, %get3A_506 : vector<16xf32>
      %get3A_508 = arith.constant 1 : i32
      %get3A_509 = arith.index_cast %get3A_508 : i32 to index
      %get3A_510 = arith.constant 400 : index
      %get3A_511 = tpu.vector_load %arg11[%get3A_509, %get3A_510] {strides = array<i32>} : memref<8x640xf32, #tpu.memory_space<vmem>>, vector<16xf32>,
      %min3A_512 = arith.minimumf %get3A_502, %get3A_511 : vector<16xf32>
      %get3A_513 = arith.constant 2 : i32
      %get3A_514 = arith.index_cast %get3A_513 : i32 to index
      %get3A_515 = arith.constant 96 : index
      %get3A_516 = tpu.vector_load %arg11[%get3A_514, %get3A_515] {strides = array<i32>} : memref<8x640xf32, #tpu.memory_space<vmem>>, vector<16xf32>,
      %max3A_517 = arith.maximumf %max3A_507, %get3A_516 : vector<16xf32>
      %get3A_518 = arith.constant 2 : i32
      %get3A_519 = arith.index_cast %get3A_518 : i32 to index
      %get3A_520 = arith.constant 400 : index
      %get3A_521 = tpu.vector_load %arg11[%get3A_519, %get3A_520] {strides = array<i32>} : memref<8x640xf32, #tpu.memory_space<vmem>>, vector<16xf32>,
      %min3A_522 = arith.minimumf %min3A_512, %get3A_521 : vector<16xf32>
      %get3A_523 = arith.constant 3 : i32
      %get3A_524 = arith.index_cast %get3A_523 : i32 to index
      %get3A_525 = arith.constant 96 : index
      %get3A_526 = tpu.vector_load %arg11[%get3A_524, %get3A_525] {strides = array<i32>} : memref<8x640xf32, #tpu.memory_space<vmem>>, vector<16xf32>,
      %max3A_527 = arith.maximumf %max3A_517, %get3A_526 : vector<16xf32>
      %get3A_528 = arith.constant 3 : i32
      %get3A_529 = arith.index_cast %get3A_528 : i32 to index
      %get3A_530 = arith.constant 400 : index
      %get3A_531 = tpu.vector_load %arg11[%get3A_529, %get3A_530] {strides = array<i32>} : memref<8x640xf32, #tpu.memory_space<vmem>>, vector<16xf32>,
      %min3A_532 = arith.minimumf %min3A_522, %get3A_531 : vector<16xf32>
      %get3A_533 = arith.constant 4 : i32
      %get3A_534 = arith.index_cast %get3A_533 : i32 to index
      %get3A_535 = arith.constant 96 : index
      %get3A_536 = tpu.vector_load %arg11[%get3A_534, %get3A_535] {strides = array<i32>} : memref<8x640xf32, #tpu.memory_space<vmem>>, vector<16xf32>,
      %max3A_537 = arith.maximumf %max3A_527, %get3A_536 : vector<16xf32>
      %get3A_538 = arith.constant 4 : i32
      %get3A_539 = arith.index_cast %get3A_538 : i32 to index
      %get3A_540 = arith.constant 400 : index
      %get3A_541 = tpu.vector_load %arg11[%get3A_539, %get3A_540] {strides = array<i32>} : memref<8x640xf32, #tpu.memory_space<vmem>>, vector<16xf32>,
      %min3A_542 = arith.minimumf %min3A_532, %get3A_541 : vector<16xf32>
      %get3A_543 = arith.constant 5 : i32
      %get3A_544 = arith.index_cast %get3A_543 : i32 to index
      %get3A_545 = arith.constant 96 : index
      %get3A_546 = tpu.vector_load %arg11[%get3A_544, %get3A_545] {strides = array<i32>} : memref<8x640xf32, #tpu.memory_space<vmem>>, vector<16xf32>,
      %max3A_547 = arith.maximumf %max3A_537, %get3A_546 : vector<16xf32>
      %get3A_548 = arith.constant 5 : i32
      %get3A_549 = arith.index_cast %get3A_548 : i32 to index
      %get3A_550 = arith.constant 400 : index
      %get3A_551 = tpu.vector_load %arg11[%get3A_549, %get3A_550] {strides = array<i32>} : memref<8x640xf32, #tpu.memory_space<vmem>>, vector<16xf32>,
      %min3A_552 = arith.minimumf %min3A_542, %get3A_551 : vector<16xf32>
      %get3A_553 = arith.constant 6 : i32
      %get3A_554 = arith.index_cast %get3A_553 : i32 to index
      %get3A_555 = arith.constant 96 : index
      %get3A_556 = tpu.vector_load %arg11[%get3A_554, %get3A_555] {strides = array<i32>} : memref<8x640xf32, #tpu.memory_space<vmem>>, vector<16xf32>,
      %max3A_557 = arith.maximumf %max3A_547, %get3A_556 : vector<16xf32>
      %get3A_558 = arith.constant 6 : i32
      %get3A_559 = arith.index_cast %get3A_558 : i32 to index
      %get3A_560 = arith.constant 400 : index
      %get3A_561 = tpu.vector_load %arg11[%get3A_559, %get3A_560] {strides = array<i32>} : memref<8x640xf32, #tpu.memory_space<vmem>>, vector<16xf32>,
      %min3A_562 = arith.minimumf %min3A_552, %get3A_561 : vector<16xf32>
      %get3A_563 = arith.constant 7 : i32
      %get3A_564 = arith.index_cast %get3A_563 : i32 to index
      %get3A_565 = arith.constant 96 : index
      %get3A_566 = tpu.vector_load %arg11[%get3A_564, %get3A_565] {strides = array<i32>} : memref<8x640xf32, #tpu.memory_space<vmem>>, vector<16xf32>,
      %max3A_567 = arith.maximumf %max3A_557, %get3A_566 : vector<16xf32>
      %get3A_568 = arith.constant 7 : i32
      %get3A_569 = arith.index_cast %get3A_568 : i32 to index
      %get3A_570 = arith.constant 400 : index
      %get3A_571 = tpu.vector_load %arg11[%get3A_569, %get3A_570] {strides = array<i32>} : memref<8x640xf32, #tpu.memory_space<vmem>>, vector<16xf32>,
      %min3A_572 = arith.minimumf %min3A_562, %get3A_571 : vector<16xf32>
      %swap3A_573 = arith.constant 96 : index
      %swap3A_574 = tpu.vector_load %arg5[%swap3A_573] {strides = array<i32>} : memref<272xf32, #tpu.memory_space<vmem>>, vector<16xf32>,
      tpu.vector_store %arg5[%swap3A_573], %max3A_567 {strides = array<i32>} : memref<272xf32, #tpu.memory_space<vmem>>, vector<16xf32>,
      %swap3A_575 = arith.constant 96 : index
      %swap3A_576 = tpu.vector_load %arg6[%swap3A_575] {strides = array<i32>} : memref<272xf32, #tpu.memory_space<vmem>>, vector<16xf32>,
      tpu.vector_store %arg6[%swap3A_575], %min3A_572 {strides = array<i32>} : memref<272xf32, #tpu.memory_space<vmem>>, vector<16xf32>,
      %get3A_577 = arith.constant 0 : i32
      %get3A_578 = arith.index_cast %get3A_577 : i32 to index
      %get3A_579 = arith.constant 112 : index
      %get3A_580 = tpu.vector_load %arg11[%get3A_578, %get3A_579] {strides = array<i32>} : memref<8x640xf32, #tpu.memory_space<vmem>>, vector<16xf32>,
      %get3A_581 = arith.constant 0 : i32
      %get3A_582 = arith.index_cast %get3A_581 : i32 to index
      %get3A_583 = arith.constant 416 : index
      %get3A_584 = tpu.vector_load %arg11[%get3A_582, %get3A_583] {strides = array<i32>} : memref<8x640xf32, #tpu.memory_space<vmem>>, vector<16xf32>,
      %get3A_585 = arith.constant 1 : i32
      %get3A_586 = arith.index_cast %get3A_585 : i32 to index
      %get3A_587 = arith.constant 112 : index
      %get3A_588 = tpu.vector_load %arg11[%get3A_586, %get3A_587] {strides = array<i32>} : memref<8x640xf32, #tpu.memory_space<vmem>>, vector<16xf32>,
      %max3A_589 = arith.maximumf %get3A_580, %get3A_588 : vector<16xf32>
      %get3A_590 = arith.constant 1 : i32
      %get3A_591 = arith.index_cast %get3A_590 : i32 to index
      %get3A_592 = arith.constant 416 : index
      %get3A_593 = tpu.vector_load %arg11[%get3A_591, %get3A_592] {strides = array<i32>} : memref<8x640xf32, #tpu.memory_space<vmem>>, vector<16xf32>,
      %min3A_594 = arith.minimumf %get3A_584, %get3A_593 : vector<16xf32>
      %get3A_595 = arith.constant 2 : i32
      %get3A_596 = arith.index_cast %get3A_595 : i32 to index
      %get3A_597 = arith.constant 112 : index
      %get3A_598 = tpu.vector_load %arg11[%get3A_596, %get3A_597] {strides = array<i32>} : memref<8x640xf32, #tpu.memory_space<vmem>>, vector<16xf32>,
      %max3A_599 = arith.maximumf %max3A_589, %get3A_598 : vector<16xf32>
      %get3A_600 = arith.constant 2 : i32
      %get3A_601 = arith.index_cast %get3A_600 : i32 to index
      %get3A_602 = arith.constant 416 : index
      %get3A_603 = tpu.vector_load %arg11[%get3A_601, %get3A_602] {strides = array<i32>} : memref<8x640xf32, #tpu.memory_space<vmem>>, vector<16xf32>,
      %min3A_604 = arith.minimumf %min3A_594, %get3A_603 : vector<16xf32>
      %get3A_605 = arith.constant 3 : i32
      %get3A_606 = arith.index_cast %get3A_605 : i32 to index
      %get3A_607 = arith.constant 112 : index
      %get3A_608 = tpu.vector_load %arg11[%get3A_606, %get3A_607] {strides = array<i32>} : memref<8x640xf32, #tpu.memory_space<vmem>>, vector<16xf32>,
      %max3A_609 = arith.maximumf %max3A_599, %get3A_608 : vector<16xf32>
      %get3A_610 = arith.constant 3 : i32
      %get3A_611 = arith.index_cast %get3A_610 : i32 to index
      %get3A_612 = arith.constant 416 : index
      %get3A_613 = tpu.vector_load %arg11[%get3A_611, %get3A_612] {strides = array<i32>} : memref<8x640xf32, #tpu.memory_space<vmem>>, vector<16xf32>,
      %min3A_614 = arith.minimumf %min3A_604, %get3A_613 : vector<16xf32>
      %get3A_615 = arith.constant 4 : i32
      %get3A_616 = arith.index_cast %get3A_615 : i32 to index
      %get3A_617 = arith.constant 112 : index
      %get3A_618 = tpu.vector_load %arg11[%get3A_616, %get3A_617] {strides = array<i32>} : memref<8x640xf32, #tpu.memory_space<vmem>>, vector<16xf32>,
      %max3A_619 = arith.maximumf %max3A_609, %get3A_618 : vector<16xf32>
      %get3A_620 = arith.constant 4 : i32
      %get3A_621 = arith.index_cast %get3A_620 : i32 to index
      %get3A_622 = arith.constant 416 : index
      %get3A_623 = tpu.vector_load %arg11[%get3A_621, %get3A_622] {strides = array<i32>} : memref<8x640xf32, #tpu.memory_space<vmem>>, vector<16xf32>,
      %min3A_624 = arith.minimumf %min3A_614, %get3A_623 : vector<16xf32>
      %get3A_625 = arith.constant 5 : i32
      %get3A_626 = arith.index_cast %get3A_625 : i32 to index
      %get3A_627 = arith.constant 112 : index
      %get3A_628 = tpu.vector_load %arg11[%get3A_626, %get3A_627] {strides = array<i32>} : memref<8x640xf32, #tpu.memory_space<vmem>>, vector<16xf32>,
      %max3A_629 = arith.maximumf %max3A_619, %get3A_628 : vector<16xf32>
      %get3A_630 = arith.constant 5 : i32
      %get3A_631 = arith.index_cast %get3A_630 : i32 to index
      %get3A_632 = arith.constant 416 : index
      %get3A_633 = tpu.vector_load %arg11[%get3A_631, %get3A_632] {strides = array<i32>} : memref<8x640xf32, #tpu.memory_space<vmem>>, vector<16xf32>,
      %min3A_634 = arith.minimumf %min3A_624, %get3A_633 : vector<16xf32>
      %get3A_635 = arith.constant 6 : i32
      %get3A_636 = arith.index_cast %get3A_635 : i32 to index
      %get3A_637 = arith.constant 112 : index
      %get3A_638 = tpu.vector_load %arg11[%get3A_636, %get3A_637] {strides = array<i32>} : memref<8x640xf32, #tpu.memory_space<vmem>>, vector<16xf32>,
      %max3A_639 = arith.maximumf %max3A_629, %get3A_638 : vector<16xf32>
      %get3A_640 = arith.constant 6 : i32
      %get3A_641 = arith.index_cast %get3A_640 : i32 to index
      %get3A_642 = arith.constant 416 : index
      %get3A_643 = tpu.vector_load %arg11[%get3A_641, %get3A_642] {strides = array<i32>} : memref<8x640xf32, #tpu.memory_space<vmem>>, vector<16xf32>,
      %min3A_644 = arith.minimumf %min3A_634, %get3A_643 : vector<16xf32>
      %get3A_645 = arith.constant 7 : i32
      %get3A_646 = arith.index_cast %get3A_645 : i32 to index
      %get3A_647 = arith.constant 112 : index
      %get3A_648 = tpu.vector_load %arg11[%get3A_646, %get3A_647] {strides = array<i32>} : memref<8x640xf32, #tpu.memory_space<vmem>>, vector<16xf32>,
      %max3A_649 = arith.maximumf %max3A_639, %get3A_648 : vector<16xf32>
      %get3A_650 = arith.constant 7 : i32
      %get3A_651 = arith.index_cast %get3A_650 : i32 to index
      %get3A_652 = arith.constant 416 : index
      %get3A_653 = tpu.vector_load %arg11[%get3A_651, %get3A_652] {strides = array<i32>} : memref<8x640xf32, #tpu.memory_space<vmem>>, vector<16xf32>,
      %min3A_654 = arith.minimumf %min3A_644, %get3A_653 : vector<16xf32>
      %swap3A_655 = arith.constant 112 : index
      %swap3A_656 = tpu.vector_load %arg5[%swap3A_655] {strides = array<i32>} : memref<272xf32, #tpu.memory_space<vmem>>, vector<16xf32>,
      tpu.vector_store %arg5[%swap3A_655], %max3A_649 {strides = array<i32>} : memref<272xf32, #tpu.memory_space<vmem>>, vector<16xf32>,
      %swap3A_657 = arith.constant 112 : index
      %swap3A_658 = tpu.vector_load %arg6[%swap3A_657] {strides = array<i32>} : memref<272xf32, #tpu.memory_space<vmem>>, vector<16xf32>,
      tpu.vector_store %arg6[%swap3A_657], %min3A_654 {strides = array<i32>} : memref<272xf32, #tpu.memory_space<vmem>>, vector<16xf32>,
      %get3A_659 = arith.constant 0 : i32
      %get3A_660 = arith.index_cast %get3A_659 : i32 to index
      %get3A_661 = arith.constant 128 : index
      %get3A_662 = tpu.vector_load %arg11[%get3A_660, %get3A_661] {strides = array<i32>} : memref<8x640xf32, #tpu.memory_space<vmem>>, vector<16xf32>,
      %get3A_663 = arith.constant 0 : i32
      %get3A_664 = arith.index_cast %get3A_663 : i32 to index
      %get3A_665 = arith.constant 432 : index
      %get3A_666 = tpu.vector_load %arg11[%get3A_664, %get3A_665] {strides = array<i32>} : memref<8x640xf32, #tpu.memory_space<vmem>>, vector<16xf32>,
      %get3A_667 = arith.constant 1 : i32
      %get3A_668 = arith.index_cast %get3A_667 : i32 to index
      %get3A_669 = arith.constant 128 : index
      %get3A_670 = tpu.vector_load %arg11[%get3A_668, %get3A_669] {strides = array<i32>} : memref<8x640xf32, #tpu.memory_space<vmem>>, vector<16xf32>,
      %max3A_671 = arith.maximumf %get3A_662, %get3A_670 : vector<16xf32>
      %get3A_672 = arith.constant 1 : i32
      %get3A_673 = arith.index_cast %get3A_672 : i32 to index
      %get3A_674 = arith.constant 432 : index
      %get3A_675 = tpu.vector_load %arg11[%get3A_673, %get3A_674] {strides = array<i32>} : memref<8x640xf32, #tpu.memory_space<vmem>>, vector<16xf32>,
      %min3A_676 = arith.minimumf %get3A_666, %get3A_675 : vector<16xf32>
      %get3A_677 = arith.constant 2 : i32
      %get3A_678 = arith.index_cast %get3A_677 : i32 to index
      %get3A_679 = arith.constant 128 : index
      %get3A_680 = tpu.vector_load %arg11[%get3A_678, %get3A_679] {strides = array<i32>} : memref<8x640xf32, #tpu.memory_space<vmem>>, vector<16xf32>,
      %max3A_681 = arith.maximumf %max3A_671, %get3A_680 : vector<16xf32>
      %get3A_682 = arith.constant 2 : i32
      %get3A_683 = arith.index_cast %get3A_682 : i32 to index
      %get3A_684 = arith.constant 432 : index
      %get3A_685 = tpu.vector_load %arg11[%get3A_683, %get3A_684] {strides = array<i32>} : memref<8x640xf32, #tpu.memory_space<vmem>>, vector<16xf32>,
      %min3A_686 = arith.minimumf %min3A_676, %get3A_685 : vector<16xf32>
      %get3A_687 = arith.constant 3 : i32
      %get3A_688 = arith.index_cast %get3A_687 : i32 to index
      %get3A_689 = arith.constant 128 : index
      %get3A_690 = tpu.vector_load %arg11[%get3A_688, %get3A_689] {strides = array<i32>} : memref<8x640xf32, #tpu.memory_space<vmem>>, vector<16xf32>,
      %max3A_691 = arith.maximumf %max3A_681, %get3A_690 : vector<16xf32>
      %get3A_692 = arith.constant 3 : i32
      %get3A_693 = arith.index_cast %get3A_692 : i32 to index
      %get3A_694 = arith.constant 432 : index
      %get3A_695 = tpu.vector_load %arg11[%get3A_693, %get3A_694] {strides = array<i32>} : memref<8x640xf32, #tpu.memory_space<vmem>>, vector<16xf32>,
      %min3A_696 = arith.minimumf %min3A_686, %get3A_695 : vector<16xf32>
      %get3A_697 = arith.constant 4 : i32
      %get3A_698 = arith.index_cast %get3A_697 : i32 to index
      %get3A_699 = arith.constant 128 : index
      %get3A_700 = tpu.vector_load %arg11[%get3A_698, %get3A_699] {strides = array<i32>} : memref<8x640xf32, #tpu.memory_space<vmem>>, vector<16xf32>,
      %max3A_701 = arith.maximumf %max3A_691, %get3A_700 : vector<16xf32>
      %get3A_702 = arith.constant 4 : i32
      %get3A_703 = arith.index_cast %get3A_702 : i32 to index
      %get3A_704 = arith.constant 432 : index
      %get3A_705 = tpu.vector_load %arg11[%get3A_703, %get3A_704] {strides = array<i32>} : memref<8x640xf32, #tpu.memory_space<vmem>>, vector<16xf32>,
      %min3A_706 = arith.minimumf %min3A_696, %get3A_705 : vector<16xf32>
      %get3A_707 = arith.constant 5 : i32
      %get3A_708 = arith.index_cast %get3A_707 : i32 to index
      %get3A_709 = arith.constant 128 : index
      %get3A_710 = tpu.vector_load %arg11[%get3A_708, %get3A_709] {strides = array<i32>} : memref<8x640xf32, #tpu.memory_space<vmem>>, vector<16xf32>,
      %max3A_711 = arith.maximumf %max3A_701, %get3A_710 : vector<16xf32>
      %get3A_712 = arith.constant 5 : i32
      %get3A_713 = arith.index_cast %get3A_712 : i32 to index
      %get3A_714 = arith.constant 432 : index
      %get3A_715 = tpu.vector_load %arg11[%get3A_713, %get3A_714] {strides = array<i32>} : memref<8x640xf32, #tpu.memory_space<vmem>>, vector<16xf32>,
      %min3A_716 = arith.minimumf %min3A_706, %get3A_715 : vector<16xf32>
      %get3A_717 = arith.constant 6 : i32
      %get3A_718 = arith.index_cast %get3A_717 : i32 to index
      %get3A_719 = arith.constant 128 : index
      %get3A_720 = tpu.vector_load %arg11[%get3A_718, %get3A_719] {strides = array<i32>} : memref<8x640xf32, #tpu.memory_space<vmem>>, vector<16xf32>,
      %max3A_721 = arith.maximumf %max3A_711, %get3A_720 : vector<16xf32>
      %get3A_722 = arith.constant 6 : i32
      %get3A_723 = arith.index_cast %get3A_722 : i32 to index
      %get3A_724 = arith.constant 432 : index
      %get3A_725 = tpu.vector_load %arg11[%get3A_723, %get3A_724] {strides = array<i32>} : memref<8x640xf32, #tpu.memory_space<vmem>>, vector<16xf32>,
      %min3A_726 = arith.minimumf %min3A_716, %get3A_725 : vector<16xf32>
      %get3A_727 = arith.constant 7 : i32
      %get3A_728 = arith.index_cast %get3A_727 : i32 to index
      %get3A_729 = arith.constant 128 : index
      %get3A_730 = tpu.vector_load %arg11[%get3A_728, %get3A_729] {strides = array<i32>} : memref<8x640xf32, #tpu.memory_space<vmem>>, vector<16xf32>,
      %max3A_731 = arith.maximumf %max3A_721, %get3A_730 : vector<16xf32>
      %get3A_732 = arith.constant 7 : i32
      %get3A_733 = arith.index_cast %get3A_732 : i32 to index
      %get3A_734 = arith.constant 432 : index
      %get3A_735 = tpu.vector_load %arg11[%get3A_733, %get3A_734] {strides = array<i32>} : memref<8x640xf32, #tpu.memory_space<vmem>>, vector<16xf32>,
      %min3A_736 = arith.minimumf %min3A_726, %get3A_735 : vector<16xf32>
      %swap3A_737 = arith.constant 128 : index
      %swap3A_738 = tpu.vector_load %arg5[%swap3A_737] {strides = array<i32>} : memref<272xf32, #tpu.memory_space<vmem>>, vector<16xf32>,
      tpu.vector_store %arg5[%swap3A_737], %max3A_731 {strides = array<i32>} : memref<272xf32, #tpu.memory_space<vmem>>, vector<16xf32>,
      %swap3A_739 = arith.constant 128 : index
      %swap3A_740 = tpu.vector_load %arg6[%swap3A_739] {strides = array<i32>} : memref<272xf32, #tpu.memory_space<vmem>>, vector<16xf32>,
      tpu.vector_store %arg6[%swap3A_739], %min3A_736 {strides = array<i32>} : memref<272xf32, #tpu.memory_space<vmem>>, vector<16xf32>,
      %get3A_741 = arith.constant 0 : i32
      %get3A_742 = arith.index_cast %get3A_741 : i32 to index
      %get3A_743 = arith.constant 144 : index
      %get3A_744 = tpu.vector_load %arg11[%get3A_742, %get3A_743] {strides = array<i32>} : memref<8x640xf32, #tpu.memory_space<vmem>>, vector<16xf32>,
      %get3A_745 = arith.constant 0 : i32
      %get3A_746 = arith.index_cast %get3A_745 : i32 to index
      %get3A_747 = arith.constant 448 : index
      %get3A_748 = tpu.vector_load %arg11[%get3A_746, %get3A_747] {strides = array<i32>} : memref<8x640xf32, #tpu.memory_space<vmem>>, vector<16xf32>,
      %get3A_749 = arith.constant 1 : i32
      %get3A_750 = arith.index_cast %get3A_749 : i32 to index
      %get3A_751 = arith.constant 144 : index
      %get3A_752 = tpu.vector_load %arg11[%get3A_750, %get3A_751] {strides = array<i32>} : memref<8x640xf32, #tpu.memory_space<vmem>>, vector<16xf32>,
      %max3A_753 = arith.maximumf %get3A_744, %get3A_752 : vector<16xf32>
      %get3A_754 = arith.constant 1 : i32
      %get3A_755 = arith.index_cast %get3A_754 : i32 to index
      %get3A_756 = arith.constant 448 : index
      %get3A_757 = tpu.vector_load %arg11[%get3A_755, %get3A_756] {strides = array<i32>} : memref<8x640xf32, #tpu.memory_space<vmem>>, vector<16xf32>,
      %min3A_758 = arith.minimumf %get3A_748, %get3A_757 : vector<16xf32>
      %get3A_759 = arith.constant 2 : i32
      %get3A_760 = arith.index_cast %get3A_759 : i32 to index
      %get3A_761 = arith.constant 144 : index
      %get3A_762 = tpu.vector_load %arg11[%get3A_760, %get3A_761] {strides = array<i32>} : memref<8x640xf32, #tpu.memory_space<vmem>>, vector<16xf32>,
      %max3A_763 = arith.maximumf %max3A_753, %get3A_762 : vector<16xf32>
      %get3A_764 = arith.constant 2 : i32
      %get3A_765 = arith.index_cast %get3A_764 : i32 to index
      %get3A_766 = arith.constant 448 : index
      %get3A_767 = tpu.vector_load %arg11[%get3A_765, %get3A_766] {strides = array<i32>} : memref<8x640xf32, #tpu.memory_space<vmem>>, vector<16xf32>,
      %min3A_768 = arith.minimumf %min3A_758, %get3A_767 : vector<16xf32>
      %get3A_769 = arith.constant 3 : i32
      %get3A_770 = arith.index_cast %get3A_769 : i32 to index
      %get3A_771 = arith.constant 144 : index
      %get3A_772 = tpu.vector_load %arg11[%get3A_770, %get3A_771] {strides = array<i32>} : memref<8x640xf32, #tpu.memory_space<vmem>>, vector<16xf32>,
      %max3A_773 = arith.maximumf %max3A_763, %get3A_772 : vector<16xf32>
      %get3A_774 = arith.constant 3 : i32
      %get3A_775 = arith.index_cast %get3A_774 : i32 to index
      %get3A_776 = arith.constant 448 : index
      %get3A_777 = tpu.vector_load %arg11[%get3A_775, %get3A_776] {strides = array<i32>} : memref<8x640xf32, #tpu.memory_space<vmem>>, vector<16xf32>,
      %min3A_778 = arith.minimumf %min3A_768, %get3A_777 : vector<16xf32>
      %get3A_779 = arith.constant 4 : i32
      %get3A_780 = arith.index_cast %get3A_779 : i32 to index
      %get3A_781 = arith.constant 144 : index
      %get3A_782 = tpu.vector_load %arg11[%get3A_780, %get3A_781] {strides = array<i32>} : memref<8x640xf32, #tpu.memory_space<vmem>>, vector<16xf32>,
      %max3A_783 = arith.maximumf %max3A_773, %get3A_782 : vector<16xf32>
      %get3A_784 = arith.constant 4 : i32
      %get3A_785 = arith.index_cast %get3A_784 : i32 to index
      %get3A_786 = arith.constant 448 : index
      %get3A_787 = tpu.vector_load %arg11[%get3A_785, %get3A_786] {strides = array<i32>} : memref<8x640xf32, #tpu.memory_space<vmem>>, vector<16xf32>,
      %min3A_788 = arith.minimumf %min3A_778, %get3A_787 : vector<16xf32>
      %get3A_789 = arith.constant 5 : i32
      %get3A_790 = arith.index_cast %get3A_789 : i32 to index
      %get3A_791 = arith.constant 144 : index
      %get3A_792 = tpu.vector_load %arg11[%get3A_790, %get3A_791] {strides = array<i32>} : memref<8x640xf32, #tpu.memory_space<vmem>>, vector<16xf32>,
      %max3A_793 = arith.maximumf %max3A_783, %get3A_792 : vector<16xf32>
      %get3A_794 = arith.constant 5 : i32
      %get3A_795 = arith.index_cast %get3A_794 : i32 to index
      %get3A_796 = arith.constant 448 : index
      %get3A_797 = tpu.vector_load %arg11[%get3A_795, %get3A_796] {strides = array<i32>} : memref<8x640xf32, #tpu.memory_space<vmem>>, vector<16xf32>,
      %min3A_798 = arith.minimumf %min3A_788, %get3A_797 : vector<16xf32>
      %get3A_799 = arith.constant 6 : i32
      %get3A_800 = arith.index_cast %get3A_799 : i32 to index
      %get3A_801 = arith.constant 144 : index
      %get3A_802 = tpu.vector_load %arg11[%get3A_800, %get3A_801] {strides = array<i32>} : memref<8x640xf32, #tpu.memory_space<vmem>>, vector<16xf32>,
      %max3A_803 = arith.maximumf %max3A_793, %get3A_802 : vector<16xf32>
      %get3A_804 = arith.constant 6 : i32
      %get3A_805 = arith.index_cast %get3A_804 : i32 to index
      %get3A_806 = arith.constant 448 : index
      %get3A_807 = tpu.vector_load %arg11[%get3A_805, %get3A_806] {strides = array<i32>} : memref<8x640xf32, #tpu.memory_space<vmem>>, vector<16xf32>,
      %min3A_808 = arith.minimumf %min3A_798, %get3A_807 : vector<16xf32>
      %get3A_809 = arith.constant 7 : i32
      %get3A_810 = arith.index_cast %get3A_809 : i32 to index
      %get3A_811 = arith.constant 144 : index
      %get3A_812 = tpu.vector_load %arg11[%get3A_810, %get3A_811] {strides = array<i32>} : memref<8x640xf32, #tpu.memory_space<vmem>>, vector<16xf32>,
      %max3A_813 = arith.maximumf %max3A_803, %get3A_812 : vector<16xf32>
      %get3A_814 = arith.constant 7 : i32
      %get3A_815 = arith.index_cast %get3A_814 : i32 to index
      %get3A_816 = arith.constant 448 : index
      %get3A_817 = tpu.vector_load %arg11[%get3A_815, %get3A_816] {strides = array<i32>} : memref<8x640xf32, #tpu.memory_space<vmem>>, vector<16xf32>,
      %min3A_818 = arith.minimumf %min3A_808, %get3A_817 : vector<16xf32>
      %swap3A_819 = arith.constant 144 : index
      %swap3A_820 = tpu.vector_load %arg5[%swap3A_819] {strides = array<i32>} : memref<272xf32, #tpu.memory_space<vmem>>, vector<16xf32>,
      tpu.vector_store %arg5[%swap3A_819], %max3A_813 {strides = array<i32>} : memref<272xf32, #tpu.memory_space<vmem>>, vector<16xf32>,
      %swap3A_821 = arith.constant 144 : index
      %swap3A_822 = tpu.vector_load %arg6[%swap3A_821] {strides = array<i32>} : memref<272xf32, #tpu.memory_space<vmem>>, vector<16xf32>,
      tpu.vector_store %arg6[%swap3A_821], %min3A_818 {strides = array<i32>} : memref<272xf32, #tpu.memory_space<vmem>>, vector<16xf32>,
      %get3A_823 = arith.constant 0 : i32
      %get3A_824 = arith.index_cast %get3A_823 : i32 to index
      %get3A_825 = arith.constant 160 : index
      %get3A_826 = tpu.vector_load %arg11[%get3A_824, %get3A_825] {strides = array<i32>} : memref<8x640xf32, #tpu.memory_space<vmem>>, vector<16xf32>,
      %get3A_827 = arith.constant 0 : i32
      %get3A_828 = arith.index_cast %get3A_827 : i32 to index
      %get3A_829 = arith.constant 464 : index
      %get3A_830 = tpu.vector_load %arg11[%get3A_828, %get3A_829] {strides = array<i32>} : memref<8x640xf32, #tpu.memory_space<vmem>>, vector<16xf32>,
      %get3A_831 = arith.constant 1 : i32
      %get3A_832 = arith.index_cast %get3A_831 : i32 to index
      %get3A_833 = arith.constant 160 : index
      %get3A_834 = tpu.vector_load %arg11[%get3A_832, %get3A_833] {strides = array<i32>} : memref<8x640xf32, #tpu.memory_space<vmem>>, vector<16xf32>,
      %max3A_835 = arith.maximumf %get3A_826, %get3A_834 : vector<16xf32>
      %get3A_836 = arith.constant 1 : i32
      %get3A_837 = arith.index_cast %get3A_836 : i32 to index
      %get3A_838 = arith.constant 464 : index
      %get3A_839 = tpu.vector_load %arg11[%get3A_837, %get3A_838] {strides = array<i32>} : memref<8x640xf32, #tpu.memory_space<vmem>>, vector<16xf32>,
      %min3A_840 = arith.minimumf %get3A_830, %get3A_839 : vector<16xf32>
      %get3A_841 = arith.constant 2 : i32
      %get3A_842 = arith.index_cast %get3A_841 : i32 to index
      %get3A_843 = arith.constant 160 : index
      %get3A_844 = tpu.vector_load %arg11[%get3A_842, %get3A_843] {strides = array<i32>} : memref<8x640xf32, #tpu.memory_space<vmem>>, vector<16xf32>,
      %max3A_845 = arith.maximumf %max3A_835, %get3A_844 : vector<16xf32>
      %get3A_846 = arith.constant 2 : i32
      %get3A_847 = arith.index_cast %get3A_846 : i32 to index
      %get3A_848 = arith.constant 464 : index
      %get3A_849 = tpu.vector_load %arg11[%get3A_847, %get3A_848] {strides = array<i32>} : memref<8x640xf32, #tpu.memory_space<vmem>>, vector<16xf32>,
      %min3A_850 = arith.minimumf %min3A_840, %get3A_849 : vector<16xf32>
      %get3A_851 = arith.constant 3 : i32
      %get3A_852 = arith.index_cast %get3A_851 : i32 to index
      %get3A_853 = arith.constant 160 : index
      %get3A_854 = tpu.vector_load %arg11[%get3A_852, %get3A_853] {strides = array<i32>} : memref<8x640xf32, #tpu.memory_space<vmem>>, vector<16xf32>,
      %max3A_855 = arith.maximumf %max3A_845, %get3A_854 : vector<16xf32>
      %get3A_856 = arith.constant 3 : i32
      %get3A_857 = arith.index_cast %get3A_856 : i32 to index
      %get3A_858 = arith.constant 464 : index
      %get3A_859 = tpu.vector_load %arg11[%get3A_857, %get3A_858] {strides = array<i32>} : memref<8x640xf32, #tpu.memory_space<vmem>>, vector<16xf32>,
      %min3A_860 = arith.minimumf %min3A_850, %get3A_859 : vector<16xf32>
      %get3A_861 = arith.constant 4 : i32
      %get3A_862 = arith.index_cast %get3A_861 : i32 to index
      %get3A_863 = arith.constant 160 : index
      %get3A_864 = tpu.vector_load %arg11[%get3A_862, %get3A_863] {strides = array<i32>} : memref<8x640xf32, #tpu.memory_space<vmem>>, vector<16xf32>,
      %max3A_865 = arith.maximumf %max3A_855, %get3A_864 : vector<16xf32>
      %get3A_866 = arith.constant 4 : i32
      %get3A_867 = arith.index_cast %get3A_866 : i32 to index
      %get3A_868 = arith.constant 464 : index
      %get3A_869 = tpu.vector_load %arg11[%get3A_867, %get3A_868] {strides = array<i32>} : memref<8x640xf32, #tpu.memory_space<vmem>>, vector<16xf32>,
      %min3A_870 = arith.minimumf %min3A_860, %get3A_869 : vector<16xf32>
      %get3A_871 = arith.constant 5 : i32
      %get3A_872 = arith.index_cast %get3A_871 : i32 to index
      %get3A_873 = arith.constant 160 : index
      %get3A_874 = tpu.vector_load %arg11[%get3A_872, %get3A_873] {strides = array<i32>} : memref<8x640xf32, #tpu.memory_space<vmem>>, vector<16xf32>,
      %max3A_875 = arith.maximumf %max3A_865, %get3A_874 : vector<16xf32>
      %get3A_876 = arith.constant 5 : i32
      %get3A_877 = arith.index_cast %get3A_876 : i32 to index
      %get3A_878 = arith.constant 464 : index
      %get3A_879 = tpu.vector_load %arg11[%get3A_877, %get3A_878] {strides = array<i32>} : memref<8x640xf32, #tpu.memory_space<vmem>>, vector<16xf32>,
      %min3A_880 = arith.minimumf %min3A_870, %get3A_879 : vector<16xf32>
      %get3A_881 = arith.constant 6 : i32
      %get3A_882 = arith.index_cast %get3A_881 : i32 to index
      %get3A_883 = arith.constant 160 : index
      %get3A_884 = tpu.vector_load %arg11[%get3A_882, %get3A_883] {strides = array<i32>} : memref<8x640xf32, #tpu.memory_space<vmem>>, vector<16xf32>,
      %max3A_885 = arith.maximumf %max3A_875, %get3A_884 : vector<16xf32>
      %get3A_886 = arith.constant 6 : i32
      %get3A_887 = arith.index_cast %get3A_886 : i32 to index
      %get3A_888 = arith.constant 464 : index
      %get3A_889 = tpu.vector_load %arg11[%get3A_887, %get3A_888] {strides = array<i32>} : memref<8x640xf32, #tpu.memory_space<vmem>>, vector<16xf32>,
      %min3A_890 = arith.minimumf %min3A_880, %get3A_889 : vector<16xf32>
      %get3A_891 = arith.constant 7 : i32
      %get3A_892 = arith.index_cast %get3A_891 : i32 to index
      %get3A_893 = arith.constant 160 : index
      %get3A_894 = tpu.vector_load %arg11[%get3A_892, %get3A_893] {strides = array<i32>} : memref<8x640xf32, #tpu.memory_space<vmem>>, vector<16xf32>,
      %max3A_895 = arith.maximumf %max3A_885, %get3A_894 : vector<16xf32>
      %get3A_896 = arith.constant 7 : i32
      %get3A_897 = arith.index_cast %get3A_896 : i32 to index
      %get3A_898 = arith.constant 464 : index
      %get3A_899 = tpu.vector_load %arg11[%get3A_897, %get3A_898] {strides = array<i32>} : memref<8x640xf32, #tpu.memory_space<vmem>>, vector<16xf32>,
      %min3A_900 = arith.minimumf %min3A_890, %get3A_899 : vector<16xf32>
      %swap3A_901 = arith.constant 160 : index
      %swap3A_902 = tpu.vector_load %arg5[%swap3A_901] {strides = array<i32>} : memref<272xf32, #tpu.memory_space<vmem>>, vector<16xf32>,
      tpu.vector_store %arg5[%swap3A_901], %max3A_895 {strides = array<i32>} : memref<272xf32, #tpu.memory_space<vmem>>, vector<16xf32>,
      %swap3A_903 = arith.constant 160 : index
      %swap3A_904 = tpu.vector_load %arg6[%swap3A_903] {strides = array<i32>} : memref<272xf32, #tpu.memory_space<vmem>>, vector<16xf32>,
      tpu.vector_store %arg6[%swap3A_903], %min3A_900 {strides = array<i32>} : memref<272xf32, #tpu.memory_space<vmem>>, vector<16xf32>,
      %get3A_905 = arith.constant 0 : i32
      %get3A_906 = arith.index_cast %get3A_905 : i32 to index
      %get3A_907 = arith.constant 176 : index
      %get3A_908 = tpu.vector_load %arg11[%get3A_906, %get3A_907] {strides = array<i32>} : memref<8x640xf32, #tpu.memory_space<vmem>>, vector<16xf32>,
      %get3A_909 = arith.constant 0 : i32
      %get3A_910 = arith.index_cast %get3A_909 : i32 to index
      %get3A_911 = arith.constant 480 : index
      %get3A_912 = tpu.vector_load %arg11[%get3A_910, %get3A_911] {strides = array<i32>} : memref<8x640xf32, #tpu.memory_space<vmem>>, vector<16xf32>,
      %get3A_913 = arith.constant 1 : i32
      %get3A_914 = arith.index_cast %get3A_913 : i32 to index
      %get3A_915 = arith.constant 176 : index
      %get3A_916 = tpu.vector_load %arg11[%get3A_914, %get3A_915] {strides = array<i32>} : memref<8x640xf32, #tpu.memory_space<vmem>>, vector<16xf32>,
      %max3A_917 = arith.maximumf %get3A_908, %get3A_916 : vector<16xf32>
      %get3A_918 = arith.constant 1 : i32
      %get3A_919 = arith.index_cast %get3A_918 : i32 to index
      %get3A_920 = arith.constant 480 : index
      %get3A_921 = tpu.vector_load %arg11[%get3A_919, %get3A_920] {strides = array<i32>} : memref<8x640xf32, #tpu.memory_space<vmem>>, vector<16xf32>,
      %min3A_922 = arith.minimumf %get3A_912, %get3A_921 : vector<16xf32>
      %get3A_923 = arith.constant 2 : i32
      %get3A_924 = arith.index_cast %get3A_923 : i32 to index
      %get3A_925 = arith.constant 176 : index
      %get3A_926 = tpu.vector_load %arg11[%get3A_924, %get3A_925] {strides = array<i32>} : memref<8x640xf32, #tpu.memory_space<vmem>>, vector<16xf32>,
      %max3A_927 = arith.maximumf %max3A_917, %get3A_926 : vector<16xf32>
      %get3A_928 = arith.constant 2 : i32
      %get3A_929 = arith.index_cast %get3A_928 : i32 to index
      %get3A_930 = arith.constant 480 : index
      %get3A_931 = tpu.vector_load %arg11[%get3A_929, %get3A_930] {strides = array<i32>} : memref<8x640xf32, #tpu.memory_space<vmem>>, vector<16xf32>,
      %min3A_932 = arith.minimumf %min3A_922, %get3A_931 : vector<16xf32>
      %get3A_933 = arith.constant 3 : i32
      %get3A_934 = arith.index_cast %get3A_933 : i32 to index
      %get3A_935 = arith.constant 176 : index
      %get3A_936 = tpu.vector_load %arg11[%get3A_934, %get3A_935] {strides = array<i32>} : memref<8x640xf32, #tpu.memory_space<vmem>>, vector<16xf32>,
      %max3A_937 = arith.maximumf %max3A_927, %get3A_936 : vector<16xf32>
      %get3A_938 = arith.constant 3 : i32
      %get3A_939 = arith.index_cast %get3A_938 : i32 to index
      %get3A_940 = arith.constant 480 : index
      %get3A_941 = tpu.vector_load %arg11[%get3A_939, %get3A_940] {strides = array<i32>} : memref<8x640xf32, #tpu.memory_space<vmem>>, vector<16xf32>,
      %min3A_942 = arith.minimumf %min3A_932, %get3A_941 : vector<16xf32>
      %get3A_943 = arith.constant 4 : i32
      %get3A_944 = arith.index_cast %get3A_943 : i32 to index
      %get3A_945 = arith.constant 176 : index
      %get3A_946 = tpu.vector_load %arg11[%get3A_944, %get3A_945] {strides = array<i32>} : memref<8x640xf32, #tpu.memory_space<vmem>>, vector<16xf32>,
      %max3A_947 = arith.maximumf %max3A_937, %get3A_946 : vector<16xf32>
      %get3A_948 = arith.constant 4 : i32
      %get3A_949 = arith.index_cast %get3A_948 : i32 to index
      %get3A_950 = arith.constant 480 : index
      %get3A_951 = tpu.vector_load %arg11[%get3A_949, %get3A_950] {strides = array<i32>} : memref<8x640xf32, #tpu.memory_space<vmem>>, vector<16xf32>,
      %min3A_952 = arith.minimumf %min3A_942, %get3A_951 : vector<16xf32>
      %get3A_953 = arith.constant 5 : i32
      %get3A_954 = arith.index_cast %get3A_953 : i32 to index
      %get3A_955 = arith.constant 176 : index
      %get3A_956 = tpu.vector_load %arg11[%get3A_954, %get3A_955] {strides = array<i32>} : memref<8x640xf32, #tpu.memory_space<vmem>>, vector<16xf32>,
      %max3A_957 = arith.maximumf %max3A_947, %get3A_956 : vector<16xf32>
      %get3A_958 = arith.constant 5 : i32
      %get3A_959 = arith.index_cast %get3A_958 : i32 to index
      %get3A_960 = arith.constant 480 : index
      %get3A_961 = tpu.vector_load %arg11[%get3A_959, %get3A_960] {strides = array<i32>} : memref<8x640xf32, #tpu.memory_space<vmem>>, vector<16xf32>,
      %min3A_962 = arith.minimumf %min3A_952, %get3A_961 : vector<16xf32>
      %get3A_963 = arith.constant 6 : i32
      %get3A_964 = arith.index_cast %get3A_963 : i32 to index
      %get3A_965 = arith.constant 176 : index
      %get3A_966 = tpu.vector_load %arg11[%get3A_964, %get3A_965] {strides = array<i32>} : memref<8x640xf32, #tpu.memory_space<vmem>>, vector<16xf32>,
      %max3A_967 = arith.maximumf %max3A_957, %get3A_966 : vector<16xf32>
      %get3A_968 = arith.constant 6 : i32
      %get3A_969 = arith.index_cast %get3A_968 : i32 to index
      %get3A_970 = arith.constant 480 : index
      %get3A_971 = tpu.vector_load %arg11[%get3A_969, %get3A_970] {strides = array<i32>} : memref<8x640xf32, #tpu.memory_space<vmem>>, vector<16xf32>,
      %min3A_972 = arith.minimumf %min3A_962, %get3A_971 : vector<16xf32>
      %get3A_973 = arith.constant 7 : i32
      %get3A_974 = arith.index_cast %get3A_973 : i32 to index
      %get3A_975 = arith.constant 176 : index
      %get3A_976 = tpu.vector_load %arg11[%get3A_974, %get3A_975] {strides = array<i32>} : memref<8x640xf32, #tpu.memory_space<vmem>>, vector<16xf32>,
      %max3A_977 = arith.maximumf %max3A_967, %get3A_976 : vector<16xf32>
      %get3A_978 = arith.constant 7 : i32
      %get3A_979 = arith.index_cast %get3A_978 : i32 to index
      %get3A_980 = arith.constant 480 : index
      %get3A_981 = tpu.vector_load %arg11[%get3A_979, %get3A_980] {strides = array<i32>} : memref<8x640xf32, #tpu.memory_space<vmem>>, vector<16xf32>,
      %min3A_982 = arith.minimumf %min3A_972, %get3A_981 : vector<16xf32>
      %swap3A_983 = arith.constant 176 : index
      %swap3A_984 = tpu.vector_load %arg5[%swap3A_983] {strides = array<i32>} : memref<272xf32, #tpu.memory_space<vmem>>, vector<16xf32>,
      tpu.vector_store %arg5[%swap3A_983], %max3A_977 {strides = array<i32>} : memref<272xf32, #tpu.memory_space<vmem>>, vector<16xf32>,
      %swap3A_985 = arith.constant 176 : index
      %swap3A_986 = tpu.vector_load %arg6[%swap3A_985] {strides = array<i32>} : memref<272xf32, #tpu.memory_space<vmem>>, vector<16xf32>,
      tpu.vector_store %arg6[%swap3A_985], %min3A_982 {strides = array<i32>} : memref<272xf32, #tpu.memory_space<vmem>>, vector<16xf32>,
      %get3A_987 = arith.constant 0 : i32
      %get3A_988 = arith.index_cast %get3A_987 : i32 to index
      %get3A_989 = arith.constant 192 : index
      %get3A_990 = tpu.vector_load %arg11[%get3A_988, %get3A_989] {strides = array<i32>} : memref<8x640xf32, #tpu.memory_space<vmem>>, vector<16xf32>,
      %get3A_991 = arith.constant 0 : i32
      %get3A_992 = arith.index_cast %get3A_991 : i32 to index
      %get3A_993 = arith.constant 496 : index
      %get3A_994 = tpu.vector_load %arg11[%get3A_992, %get3A_993] {strides = array<i32>} : memref<8x640xf32, #tpu.memory_space<vmem>>, vector<16xf32>,
      %get3A_995 = arith.constant 1 : i32
      %get3A_996 = arith.index_cast %get3A_995 : i32 to index
      %get3A_997 = arith.constant 192 : index
      %get3A_998 = tpu.vector_load %arg11[%get3A_996, %get3A_997] {strides = array<i32>} : memref<8x640xf32, #tpu.memory_space<vmem>>, vector<16xf32>,
      %max3A_999 = arith.maximumf %get3A_990, %get3A_998 : vector<16xf32>
      %get3A_1000 = arith.constant 1 : i32
      %get3A_1001 = arith.index_cast %get3A_1000 : i32 to index
      %get3A_1002 = arith.constant 496 : index
      %get3A_1003 = tpu.vector_load %arg11[%get3A_1001, %get3A_1002] {strides = array<i32>} : memref<8x640xf32, #tpu.memory_space<vmem>>, vector<16xf32>,
      %min3A_1004 = arith.minimumf %get3A_994, %get3A_1003 : vector<16xf32>
      %get3A_1005 = arith.constant 2 : i32
      %get3A_1006 = arith.index_cast %get3A_1005 : i32 to index
      %get3A_1007 = arith.constant 192 : index
      %get3A_1008 = tpu.vector_load %arg11[%get3A_1006, %get3A_1007] {strides = array<i32>} : memref<8x640xf32, #tpu.memory_space<vmem>>, vector<16xf32>,
      %max3A_1009 = arith.maximumf %max3A_999, %get3A_1008 : vector<16xf32>
      %get3A_1010 = arith.constant 2 : i32
      %get3A_1011 = arith.index_cast %get3A_1010 : i32 to index
      %get3A_1012 = arith.constant 496 : index
      %get3A_1013 = tpu.vector_load %arg11[%get3A_1011, %get3A_1012] {strides = array<i32>} : memref<8x640xf32, #tpu.memory_space<vmem>>, vector<16xf32>,
      %min3A_1014 = arith.minimumf %min3A_1004, %get3A_1013 : vector<16xf32>
      %get3A_1015 = arith.constant 3 : i32
      %get3A_1016 = arith.index_cast %get3A_1015 : i32 to index
      %get3A_1017 = arith.constant 192 : index
      %get3A_1018 = tpu.vector_load %arg11[%get3A_1016, %get3A_1017] {strides = array<i32>} : memref<8x640xf32, #tpu.memory_space<vmem>>, vector<16xf32>,
      %max3A_1019 = arith.maximumf %max3A_1009, %get3A_1018 : vector<16xf32>
      %get3A_1020 = arith.constant 3 : i32
      %get3A_1021 = arith.index_cast %get3A_1020 : i32 to index
      %get3A_1022 = arith.constant 496 : index
      %get3A_1023 = tpu.vector_load %arg11[%get3A_1021, %get3A_1022] {strides = array<i32>} : memref<8x640xf32, #tpu.memory_space<vmem>>, vector<16xf32>,
      %min3A_1024 = arith.minimumf %min3A_1014, %get3A_1023 : vector<16xf32>
      %get3A_1025 = arith.constant 4 : i32
      %get3A_1026 = arith.index_cast %get3A_1025 : i32 to index
      %get3A_1027 = arith.constant 192 : index
      %get3A_1028 = tpu.vector_load %arg11[%get3A_1026, %get3A_1027] {strides = array<i32>} : memref<8x640xf32, #tpu.memory_space<vmem>>, vector<16xf32>,
      %max3A_1029 = arith.maximumf %max3A_1019, %get3A_1028 : vector<16xf32>
      %get3A_1030 = arith.constant 4 : i32
      %get3A_1031 = arith.index_cast %get3A_1030 : i32 to index
      %get3A_1032 = arith.constant 496 : index
      %get3A_1033 = tpu.vector_load %arg11[%get3A_1031, %get3A_1032] {strides = array<i32>} : memref<8x640xf32, #tpu.memory_space<vmem>>, vector<16xf32>,
      %min3A_1034 = arith.minimumf %min3A_1024, %get3A_1033 : vector<16xf32>
      %get3A_1035 = arith.constant 5 : i32
      %get3A_1036 = arith.index_cast %get3A_1035 : i32 to index
      %get3A_1037 = arith.constant 192 : index
      %get3A_1038 = tpu.vector_load %arg11[%get3A_1036, %get3A_1037] {strides = array<i32>} : memref<8x640xf32, #tpu.memory_space<vmem>>, vector<16xf32>,
      %max3A_1039 = arith.maximumf %max3A_1029, %get3A_1038 : vector<16xf32>
      %get3A_1040 = arith.constant 5 : i32
      %get3A_1041 = arith.index_cast %get3A_1040 : i32 to index
      %get3A_1042 = arith.constant 496 : index
      %get3A_1043 = tpu.vector_load %arg11[%get3A_1041, %get3A_1042] {strides = array<i32>} : memref<8x640xf32, #tpu.memory_space<vmem>>, vector<16xf32>,
      %min3A_1044 = arith.minimumf %min3A_1034, %get3A_1043 : vector<16xf32>
      %get3A_1045 = arith.constant 6 : i32
      %get3A_1046 = arith.index_cast %get3A_1045 : i32 to index
      %get3A_1047 = arith.constant 192 : index
      %get3A_1048 = tpu.vector_load %arg11[%get3A_1046, %get3A_1047] {strides = array<i32>} : memref<8x640xf32, #tpu.memory_space<vmem>>, vector<16xf32>,
      %max3A_1049 = arith.maximumf %max3A_1039, %get3A_1048 : vector<16xf32>
      %get3A_1050 = arith.constant 6 : i32
      %get3A_1051 = arith.index_cast %get3A_1050 : i32 to index
      %get3A_1052 = arith.constant 496 : index
      %get3A_1053 = tpu.vector_load %arg11[%get3A_1051, %get3A_1052] {strides = array<i32>} : memref<8x640xf32, #tpu.memory_space<vmem>>, vector<16xf32>,
      %min3A_1054 = arith.minimumf %min3A_1044, %get3A_1053 : vector<16xf32>
      %get3A_1055 = arith.constant 7 : i32
      %get3A_1056 = arith.index_cast %get3A_1055 : i32 to index
      %get3A_1057 = arith.constant 192 : index
      %get3A_1058 = tpu.vector_load %arg11[%get3A_1056, %get3A_1057] {strides = array<i32>} : memref<8x640xf32, #tpu.memory_space<vmem>>, vector<16xf32>,
      %max3A_1059 = arith.maximumf %max3A_1049, %get3A_1058 : vector<16xf32>
      %get3A_1060 = arith.constant 7 : i32
      %get3A_1061 = arith.index_cast %get3A_1060 : i32 to index
      %get3A_1062 = arith.constant 496 : index
      %get3A_1063 = tpu.vector_load %arg11[%get3A_1061, %get3A_1062] {strides = array<i32>} : memref<8x640xf32, #tpu.memory_space<vmem>>, vector<16xf32>,
      %min3A_1064 = arith.minimumf %min3A_1054, %get3A_1063 : vector<16xf32>
      %swap3A_1065 = arith.constant 192 : index
      %swap3A_1066 = tpu.vector_load %arg5[%swap3A_1065] {strides = array<i32>} : memref<272xf32, #tpu.memory_space<vmem>>, vector<16xf32>,
      tpu.vector_store %arg5[%swap3A_1065], %max3A_1059 {strides = array<i32>} : memref<272xf32, #tpu.memory_space<vmem>>, vector<16xf32>,
      %swap3A_1067 = arith.constant 192 : index
      %swap3A_1068 = tpu.vector_load %arg6[%swap3A_1067] {strides = array<i32>} : memref<272xf32, #tpu.memory_space<vmem>>, vector<16xf32>,
      tpu.vector_store %arg6[%swap3A_1067], %min3A_1064 {strides = array<i32>} : memref<272xf32, #tpu.memory_space<vmem>>, vector<16xf32>,
      %get3A_1069 = arith.constant 0 : i32
      %get3A_1070 = arith.index_cast %get3A_1069 : i32 to index
      %get3A_1071 = arith.constant 208 : index
      %get3A_1072 = tpu.vector_load %arg11[%get3A_1070, %get3A_1071] {strides = array<i32>} : memref<8x640xf32, #tpu.memory_space<vmem>>, vector<16xf32>,
      %get3A_1073 = arith.constant 0 : i32
      %get3A_1074 = arith.index_cast %get3A_1073 : i32 to index
      %get3A_1075 = arith.constant 512 : index
      %get3A_1076 = tpu.vector_load %arg11[%get3A_1074, %get3A_1075] {strides = array<i32>} : memref<8x640xf32, #tpu.memory_space<vmem>>, vector<16xf32>,
      %get3A_1077 = arith.constant 1 : i32
      %get3A_1078 = arith.index_cast %get3A_1077 : i32 to index
      %get3A_1079 = arith.constant 208 : index
      %get3A_1080 = tpu.vector_load %arg11[%get3A_1078, %get3A_1079] {strides = array<i32>} : memref<8x640xf32, #tpu.memory_space<vmem>>, vector<16xf32>,
      %max3A_1081 = arith.maximumf %get3A_1072, %get3A_1080 : vector<16xf32>
      %get3A_1082 = arith.constant 1 : i32
      %get3A_1083 = arith.index_cast %get3A_1082 : i32 to index
      %get3A_1084 = arith.constant 512 : index
      %get3A_1085 = tpu.vector_load %arg11[%get3A_1083, %get3A_1084] {strides = array<i32>} : memref<8x640xf32, #tpu.memory_space<vmem>>, vector<16xf32>,
      %min3A_1086 = arith.minimumf %get3A_1076, %get3A_1085 : vector<16xf32>
      %get3A_1087 = arith.constant 2 : i32
      %get3A_1088 = arith.index_cast %get3A_1087 : i32 to index
      %get3A_1089 = arith.constant 208 : index
      %get3A_1090 = tpu.vector_load %arg11[%get3A_1088, %get3A_1089] {strides = array<i32>} : memref<8x640xf32, #tpu.memory_space<vmem>>, vector<16xf32>,
      %max3A_1091 = arith.maximumf %max3A_1081, %get3A_1090 : vector<16xf32>
      %get3A_1092 = arith.constant 2 : i32
      %get3A_1093 = arith.index_cast %get3A_1092 : i32 to index
      %get3A_1094 = arith.constant 512 : index
      %get3A_1095 = tpu.vector_load %arg11[%get3A_1093, %get3A_1094] {strides = array<i32>} : memref<8x640xf32, #tpu.memory_space<vmem>>, vector<16xf32>,
      %min3A_1096 = arith.minimumf %min3A_1086, %get3A_1095 : vector<16xf32>
      %get3A_1097 = arith.constant 3 : i32
      %get3A_1098 = arith.index_cast %get3A_1097 : i32 to index
      %get3A_1099 = arith.constant 208 : index
      %get3A_1100 = tpu.vector_load %arg11[%get3A_1098, %get3A_1099] {strides = array<i32>} : memref<8x640xf32, #tpu.memory_space<vmem>>, vector<16xf32>,
      %max3A_1101 = arith.maximumf %max3A_1091, %get3A_1100 : vector<16xf32>
      %get3A_1102 = arith.constant 3 : i32
      %get3A_1103 = arith.index_cast %get3A_1102 : i32 to index
      %get3A_1104 = arith.constant 512 : index
      %get3A_1105 = tpu.vector_load %arg11[%get3A_1103, %get3A_1104] {strides = array<i32>} : memref<8x640xf32, #tpu.memory_space<vmem>>, vector<16xf32>,
      %min3A_1106 = arith.minimumf %min3A_1096, %get3A_1105 : vector<16xf32>
      %get3A_1107 = arith.constant 4 : i32
      %get3A_1108 = arith.index_cast %get3A_1107 : i32 to index
      %get3A_1109 = arith.constant 208 : index
      %get3A_1110 = tpu.vector_load %arg11[%get3A_1108, %get3A_1109] {strides = array<i32>} : memref<8x640xf32, #tpu.memory_space<vmem>>, vector<16xf32>,
      %max3A_1111 = arith.maximumf %max3A_1101, %get3A_1110 : vector<16xf32>
      %get3A_1112 = arith.constant 4 : i32
      %get3A_1113 = arith.index_cast %get3A_1112 : i32 to index
      %get3A_1114 = arith.constant 512 : index
      %get3A_1115 = tpu.vector_load %arg11[%get3A_1113, %get3A_1114] {strides = array<i32>} : memref<8x640xf32, #tpu.memory_space<vmem>>, vector<16xf32>,
      %min3A_1116 = arith.minimumf %min3A_1106, %get3A_1115 : vector<16xf32>
      %get3A_1117 = arith.constant 5 : i32
      %get3A_1118 = arith.index_cast %get3A_1117 : i32 to index
      %get3A_1119 = arith.constant 208 : index
      %get3A_1120 = tpu.vector_load %arg11[%get3A_1118, %get3A_1119] {strides = array<i32>} : memref<8x640xf32, #tpu.memory_space<vmem>>, vector<16xf32>,
      %max3A_1121 = arith.maximumf %max3A_1111, %get3A_1120 : vector<16xf32>
      %get3A_1122 = arith.constant 5 : i32
      %get3A_1123 = arith.index_cast %get3A_1122 : i32 to index
      %get3A_1124 = arith.constant 512 : index
      %get3A_1125 = tpu.vector_load %arg11[%get3A_1123, %get3A_1124] {strides = array<i32>} : memref<8x640xf32, #tpu.memory_space<vmem>>, vector<16xf32>,
      %min3A_1126 = arith.minimumf %min3A_1116, %get3A_1125 : vector<16xf32>
      %get3A_1127 = arith.constant 6 : i32
      %get3A_1128 = arith.index_cast %get3A_1127 : i32 to index
      %get3A_1129 = arith.constant 208 : index
      %get3A_1130 = tpu.vector_load %arg11[%get3A_1128, %get3A_1129] {strides = array<i32>} : memref<8x640xf32, #tpu.memory_space<vmem>>, vector<16xf32>,
      %max3A_1131 = arith.maximumf %max3A_1121, %get3A_1130 : vector<16xf32>
      %get3A_1132 = arith.constant 6 : i32
      %get3A_1133 = arith.index_cast %get3A_1132 : i32 to index
      %get3A_1134 = arith.constant 512 : index
      %get3A_1135 = tpu.vector_load %arg11[%get3A_1133, %get3A_1134] {strides = array<i32>} : memref<8x640xf32, #tpu.memory_space<vmem>>, vector<16xf32>,
      %min3A_1136 = arith.minimumf %min3A_1126, %get3A_1135 : vector<16xf32>
      %get3A_1137 = arith.constant 7 : i32
      %get3A_1138 = arith.index_cast %get3A_1137 : i32 to index
      %get3A_1139 = arith.constant 208 : index
      %get3A_1140 = tpu.vector_load %arg11[%get3A_1138, %get3A_1139] {strides = array<i32>} : memref<8x640xf32, #tpu.memory_space<vmem>>, vector<16xf32>,
      %max3A_1141 = arith.maximumf %max3A_1131, %get3A_1140 : vector<16xf32>
      %get3A_1142 = arith.constant 7 : i32
      %get3A_1143 = arith.index_cast %get3A_1142 : i32 to index
      %get3A_1144 = arith.constant 512 : index
      %get3A_1145 = tpu.vector_load %arg11[%get3A_1143, %get3A_1144] {strides = array<i32>} : memref<8x640xf32, #tpu.memory_space<vmem>>, vector<16xf32>,
      %min3A_1146 = arith.minimumf %min3A_1136, %get3A_1145 : vector<16xf32>
      %swap3A_1147 = arith.constant 208 : index
      %swap3A_1148 = tpu.vector_load %arg5[%swap3A_1147] {strides = array<i32>} : memref<272xf32, #tpu.memory_space<vmem>>, vector<16xf32>,
      tpu.vector_store %arg5[%swap3A_1147], %max3A_1141 {strides = array<i32>} : memref<272xf32, #tpu.memory_space<vmem>>, vector<16xf32>,
      %swap3A_1149 = arith.constant 208 : index
      %swap3A_1150 = tpu.vector_load %arg6[%swap3A_1149] {strides = array<i32>} : memref<272xf32, #tpu.memory_space<vmem>>, vector<16xf32>,
      tpu.vector_store %arg6[%swap3A_1149], %min3A_1146 {strides = array<i32>} : memref<272xf32, #tpu.memory_space<vmem>>, vector<16xf32>,
      %get3A_1151 = arith.constant 0 : i32
      %get3A_1152 = arith.index_cast %get3A_1151 : i32 to index
      %get3A_1153 = arith.constant 224 : index
      %get3A_1154 = tpu.vector_load %arg11[%get3A_1152, %get3A_1153] {strides = array<i32>} : memref<8x640xf32, #tpu.memory_space<vmem>>, vector<16xf32>,
      %get3A_1155 = arith.constant 0 : i32
      %get3A_1156 = arith.index_cast %get3A_1155 : i32 to index
      %get3A_1157 = arith.constant 528 : index
      %get3A_1158 = tpu.vector_load %arg11[%get3A_1156, %get3A_1157] {strides = array<i32>} : memref<8x640xf32, #tpu.memory_space<vmem>>, vector<16xf32>,
      %get3A_1159 = arith.constant 1 : i32
      %get3A_1160 = arith.index_cast %get3A_1159 : i32 to index
      %get3A_1161 = arith.constant 224 : index
      %get3A_1162 = tpu.vector_load %arg11[%get3A_1160, %get3A_1161] {strides = array<i32>} : memref<8x640xf32, #tpu.memory_space<vmem>>, vector<16xf32>,
      %max3A_1163 = arith.maximumf %get3A_1154, %get3A_1162 : vector<16xf32>
      %get3A_1164 = arith.constant 1 : i32
      %get3A_1165 = arith.index_cast %get3A_1164 : i32 to index
      %get3A_1166 = arith.constant 528 : index
      %get3A_1167 = tpu.vector_load %arg11[%get3A_1165, %get3A_1166] {strides = array<i32>} : memref<8x640xf32, #tpu.memory_space<vmem>>, vector<16xf32>,
      %min3A_1168 = arith.minimumf %get3A_1158, %get3A_1167 : vector<16xf32>
      %get3A_1169 = arith.constant 2 : i32
      %get3A_1170 = arith.index_cast %get3A_1169 : i32 to index
      %get3A_1171 = arith.constant 224 : index
      %get3A_1172 = tpu.vector_load %arg11[%get3A_1170, %get3A_1171] {strides = array<i32>} : memref<8x640xf32, #tpu.memory_space<vmem>>, vector<16xf32>,
      %max3A_1173 = arith.maximumf %max3A_1163, %get3A_1172 : vector<16xf32>
      %get3A_1174 = arith.constant 2 : i32
      %get3A_1175 = arith.index_cast %get3A_1174 : i32 to index
      %get3A_1176 = arith.constant 528 : index
      %get3A_1177 = tpu.vector_load %arg11[%get3A_1175, %get3A_1176] {strides = array<i32>} : memref<8x640xf32, #tpu.memory_space<vmem>>, vector<16xf32>,
      %min3A_1178 = arith.minimumf %min3A_1168, %get3A_1177 : vector<16xf32>
      %get3A_1179 = arith.constant 3 : i32
      %get3A_1180 = arith.index_cast %get3A_1179 : i32 to index
      %get3A_1181 = arith.constant 224 : index
      %get3A_1182 = tpu.vector_load %arg11[%get3A_1180, %get3A_1181] {strides = array<i32>} : memref<8x640xf32, #tpu.memory_space<vmem>>, vector<16xf32>,
      %max3A_1183 = arith.maximumf %max3A_1173, %get3A_1182 : vector<16xf32>
      %get3A_1184 = arith.constant 3 : i32
      %get3A_1185 = arith.index_cast %get3A_1184 : i32 to index
      %get3A_1186 = arith.constant 528 : index
      %get3A_1187 = tpu.vector_load %arg11[%get3A_1185, %get3A_1186] {strides = array<i32>} : memref<8x640xf32, #tpu.memory_space<vmem>>, vector<16xf32>,
      %min3A_1188 = arith.minimumf %min3A_1178, %get3A_1187 : vector<16xf32>
      %get3A_1189 = arith.constant 4 : i32
      %get3A_1190 = arith.index_cast %get3A_1189 : i32 to index
      %get3A_1191 = arith.constant 224 : index
      %get3A_1192 = tpu.vector_load %arg11[%get3A_1190, %get3A_1191] {strides = array<i32>} : memref<8x640xf32, #tpu.memory_space<vmem>>, vector<16xf32>,
      %max3A_1193 = arith.maximumf %max3A_1183, %get3A_1192 : vector<16xf32>
      %get3A_1194 = arith.constant 4 : i32
      %get3A_1195 = arith.index_cast %get3A_1194 : i32 to index
      %get3A_1196 = arith.constant 528 : index
      %get3A_1197 = tpu.vector_load %arg11[%get3A_1195, %get3A_1196] {strides = array<i32>} : memref<8x640xf32, #tpu.memory_space<vmem>>, vector<16xf32>,
      %min3A_1198 = arith.minimumf %min3A_1188, %get3A_1197 : vector<16xf32>
      %get3A_1199 = arith.constant 5 : i32
      %get3A_1200 = arith.index_cast %get3A_1199 : i32 to index
      %get3A_1201 = arith.constant 224 : index
      %get3A_1202 = tpu.vector_load %arg11[%get3A_1200, %get3A_1201] {strides = array<i32>} : memref<8x640xf32, #tpu.memory_space<vmem>>, vector<16xf32>,
      %max3A_1203 = arith.maximumf %max3A_1193, %get3A_1202 : vector<16xf32>
      %get3A_1204 = arith.constant 5 : i32
      %get3A_1205 = arith.index_cast %get3A_1204 : i32 to index
      %get3A_1206 = arith.constant 528 : index
      %get3A_1207 = tpu.vector_load %arg11[%get3A_1205, %get3A_1206] {strides = array<i32>} : memref<8x640xf32, #tpu.memory_space<vmem>>, vector<16xf32>,
      %min3A_1208 = arith.minimumf %min3A_1198, %get3A_1207 : vector<16xf32>
      %get3A_1209 = arith.constant 6 : i32
      %get3A_1210 = arith.index_cast %get3A_1209 : i32 to index
      %get3A_1211 = arith.constant 224 : index
      %get3A_1212 = tpu.vector_load %arg11[%get3A_1210, %get3A_1211] {strides = array<i32>} : memref<8x640xf32, #tpu.memory_space<vmem>>, vector<16xf32>,
      %max3A_1213 = arith.maximumf %max3A_1203, %get3A_1212 : vector<16xf32>
      %get3A_1214 = arith.constant 6 : i32
      %get3A_1215 = arith.index_cast %get3A_1214 : i32 to index
      %get3A_1216 = arith.constant 528 : index
      %get3A_1217 = tpu.vector_load %arg11[%get3A_1215, %get3A_1216] {strides = array<i32>} : memref<8x640xf32, #tpu.memory_space<vmem>>, vector<16xf32>,
      %min3A_1218 = arith.minimumf %min3A_1208, %get3A_1217 : vector<16xf32>
      %get3A_1219 = arith.constant 7 : i32
      %get3A_1220 = arith.index_cast %get3A_1219 : i32 to index
      %get3A_1221 = arith.constant 224 : index
      %get3A_1222 = tpu.vector_load %arg11[%get3A_1220, %get3A_1221] {strides = array<i32>} : memref<8x640xf32, #tpu.memory_space<vmem>>, vector<16xf32>,
      %max3A_1223 = arith.maximumf %max3A_1213, %get3A_1222 : vector<16xf32>
      %get3A_1224 = arith.constant 7 : i32
      %get3A_1225 = arith.index_cast %get3A_1224 : i32 to index
      %get3A_1226 = arith.constant 528 : index
      %get3A_1227 = tpu.vector_load %arg11[%get3A_1225, %get3A_1226] {strides = array<i32>} : memref<8x640xf32, #tpu.memory_space<vmem>>, vector<16xf32>,
      %min3A_1228 = arith.minimumf %min3A_1218, %get3A_1227 : vector<16xf32>
      %swap3A_1229 = arith.constant 224 : index
      %swap3A_1230 = tpu.vector_load %arg5[%swap3A_1229] {strides = array<i32>} : memref<272xf32, #tpu.memory_space<vmem>>, vector<16xf32>,
      tpu.vector_store %arg5[%swap3A_1229], %max3A_1223 {strides = array<i32>} : memref<272xf32, #tpu.memory_space<vmem>>, vector<16xf32>,
      %swap3A_1231 = arith.constant 224 : index
      %swap3A_1232 = tpu.vector_load %arg6[%swap3A_1231] {strides = array<i32>} : memref<272xf32, #tpu.memory_space<vmem>>, vector<16xf32>,
      tpu.vector_store %arg6[%swap3A_1231], %min3A_1228 {strides = array<i32>} : memref<272xf32, #tpu.memory_space<vmem>>, vector<16xf32>,
      %get3A_1233 = arith.constant 0 : i32
      %get3A_1234 = arith.index_cast %get3A_1233 : i32 to index
      %get3A_1235 = arith.constant 240 : index
      %get3A_1236 = tpu.vector_load %arg11[%get3A_1234, %get3A_1235] {strides = array<i32>} : memref<8x640xf32, #tpu.memory_space<vmem>>, vector<16xf32>,
      %get3A_1237 = arith.constant 0 : i32
      %get3A_1238 = arith.index_cast %get3A_1237 : i32 to index
      %get3A_1239 = arith.constant 544 : index
      %get3A_1240 = tpu.vector_load %arg11[%get3A_1238, %get3A_1239] {strides = array<i32>} : memref<8x640xf32, #tpu.memory_space<vmem>>, vector<16xf32>,
      %get3A_1241 = arith.constant 1 : i32
      %get3A_1242 = arith.index_cast %get3A_1241 : i32 to index
      %get3A_1243 = arith.constant 240 : index
      %get3A_1244 = tpu.vector_load %arg11[%get3A_1242, %get3A_1243] {strides = array<i32>} : memref<8x640xf32, #tpu.memory_space<vmem>>, vector<16xf32>,
      %max3A_1245 = arith.maximumf %get3A_1236, %get3A_1244 : vector<16xf32>
      %get3A_1246 = arith.constant 1 : i32
      %get3A_1247 = arith.index_cast %get3A_1246 : i32 to index
      %get3A_1248 = arith.constant 544 : index
      %get3A_1249 = tpu.vector_load %arg11[%get3A_1247, %get3A_1248] {strides = array<i32>} : memref<8x640xf32, #tpu.memory_space<vmem>>, vector<16xf32>,
      %min3A_1250 = arith.minimumf %get3A_1240, %get3A_1249 : vector<16xf32>
      %get3A_1251 = arith.constant 2 : i32
      %get3A_1252 = arith.index_cast %get3A_1251 : i32 to index
      %get3A_1253 = arith.constant 240 : index
      %get3A_1254 = tpu.vector_load %arg11[%get3A_1252, %get3A_1253] {strides = array<i32>} : memref<8x640xf32, #tpu.memory_space<vmem>>, vector<16xf32>,
      %max3A_1255 = arith.maximumf %max3A_1245, %get3A_1254 : vector<16xf32>
      %get3A_1256 = arith.constant 2 : i32
      %get3A_1257 = arith.index_cast %get3A_1256 : i32 to index
      %get3A_1258 = arith.constant 544 : index
      %get3A_1259 = tpu.vector_load %arg11[%get3A_1257, %get3A_1258] {strides = array<i32>} : memref<8x640xf32, #tpu.memory_space<vmem>>, vector<16xf32>,
      %min3A_1260 = arith.minimumf %min3A_1250, %get3A_1259 : vector<16xf32>
      %get3A_1261 = arith.constant 3 : i32
      %get3A_1262 = arith.index_cast %get3A_1261 : i32 to index
      %get3A_1263 = arith.constant 240 : index
      %get3A_1264 = tpu.vector_load %arg11[%get3A_1262, %get3A_1263] {strides = array<i32>} : memref<8x640xf32, #tpu.memory_space<vmem>>, vector<16xf32>,
      %max3A_1265 = arith.maximumf %max3A_1255, %get3A_1264 : vector<16xf32>
      %get3A_1266 = arith.constant 3 : i32
      %get3A_1267 = arith.index_cast %get3A_1266 : i32 to index
      %get3A_1268 = arith.constant 544 : index
      %get3A_1269 = tpu.vector_load %arg11[%get3A_1267, %get3A_1268] {strides = array<i32>} : memref<8x640xf32, #tpu.memory_space<vmem>>, vector<16xf32>,
      %min3A_1270 = arith.minimumf %min3A_1260, %get3A_1269 : vector<16xf32>
      %get3A_1271 = arith.constant 4 : i32
      %get3A_1272 = arith.index_cast %get3A_1271 : i32 to index
      %get3A_1273 = arith.constant 240 : index
      %get3A_1274 = tpu.vector_load %arg11[%get3A_1272, %get3A_1273] {strides = array<i32>} : memref<8x640xf32, #tpu.memory_space<vmem>>, vector<16xf32>,
      %max3A_1275 = arith.maximumf %max3A_1265, %get3A_1274 : vector<16xf32>
      %get3A_1276 = arith.constant 4 : i32
      %get3A_1277 = arith.index_cast %get3A_1276 : i32 to index
      %get3A_1278 = arith.constant 544 : index
      %get3A_1279 = tpu.vector_load %arg11[%get3A_1277, %get3A_1278] {strides = array<i32>} : memref<8x640xf32, #tpu.memory_space<vmem>>, vector<16xf32>,
      %min3A_1280 = arith.minimumf %min3A_1270, %get3A_1279 : vector<16xf32>
      %get3A_1281 = arith.constant 5 : i32
      %get3A_1282 = arith.index_cast %get3A_1281 : i32 to index
      %get3A_1283 = arith.constant 240 : index
      %get3A_1284 = tpu.vector_load %arg11[%get3A_1282, %get3A_1283] {strides = array<i32>} : memref<8x640xf32, #tpu.memory_space<vmem>>, vector<16xf32>,
      %max3A_1285 = arith.maximumf %max3A_1275, %get3A_1284 : vector<16xf32>
      %get3A_1286 = arith.constant 5 : i32
      %get3A_1287 = arith.index_cast %get3A_1286 : i32 to index
      %get3A_1288 = arith.constant 544 : index
      %get3A_1289 = tpu.vector_load %arg11[%get3A_1287, %get3A_1288] {strides = array<i32>} : memref<8x640xf32, #tpu.memory_space<vmem>>, vector<16xf32>,
      %min3A_1290 = arith.minimumf %min3A_1280, %get3A_1289 : vector<16xf32>
      %get3A_1291 = arith.constant 6 : i32
      %get3A_1292 = arith.index_cast %get3A_1291 : i32 to index
      %get3A_1293 = arith.constant 240 : index
      %get3A_1294 = tpu.vector_load %arg11[%get3A_1292, %get3A_1293] {strides = array<i32>} : memref<8x640xf32, #tpu.memory_space<vmem>>, vector<16xf32>,
      %max3A_1295 = arith.maximumf %max3A_1285, %get3A_1294 : vector<16xf32>
      %get3A_1296 = arith.constant 6 : i32
      %get3A_1297 = arith.index_cast %get3A_1296 : i32 to index
      %get3A_1298 = arith.constant 544 : index
      %get3A_1299 = tpu.vector_load %arg11[%get3A_1297, %get3A_1298] {strides = array<i32>} : memref<8x640xf32, #tpu.memory_space<vmem>>, vector<16xf32>,
      %min3A_1300 = arith.minimumf %min3A_1290, %get3A_1299 : vector<16xf32>
      %get3A_1301 = arith.constant 7 : i32
      %get3A_1302 = arith.index_cast %get3A_1301 : i32 to index
      %get3A_1303 = arith.constant 240 : index
      %get3A_1304 = tpu.vector_load %arg11[%get3A_1302, %get3A_1303] {strides = array<i32>} : memref<8x640xf32, #tpu.memory_space<vmem>>, vector<16xf32>,
      %max3A_1305 = arith.maximumf %max3A_1295, %get3A_1304 : vector<16xf32>
      %get3A_1306 = arith.constant 7 : i32
      %get3A_1307 = arith.index_cast %get3A_1306 : i32 to index
      %get3A_1308 = arith.constant 544 : index
      %get3A_1309 = tpu.vector_load %arg11[%get3A_1307, %get3A_1308] {strides = array<i32>} : memref<8x640xf32, #tpu.memory_space<vmem>>, vector<16xf32>,
      %min3A_1310 = arith.minimumf %min3A_1300, %get3A_1309 : vector<16xf32>
      %swap3A_1311 = arith.constant 240 : index
      %swap3A_1312 = tpu.vector_load %arg5[%swap3A_1311] {strides = array<i32>} : memref<272xf32, #tpu.memory_space<vmem>>, vector<16xf32>,
      tpu.vector_store %arg5[%swap3A_1311], %max3A_1305 {strides = array<i32>} : memref<272xf32, #tpu.memory_space<vmem>>, vector<16xf32>,
      %swap3A_1313 = arith.constant 240 : index
      %swap3A_1314 = tpu.vector_load %arg6[%swap3A_1313] {strides = array<i32>} : memref<272xf32, #tpu.memory_space<vmem>>, vector<16xf32>,
      tpu.vector_store %arg6[%swap3A_1313], %min3A_1310 {strides = array<i32>} : memref<272xf32, #tpu.memory_space<vmem>>, vector<16xf32>,
      %get3A_1315 = arith.constant 0 : i32
      %get3A_1316 = arith.index_cast %get3A_1315 : i32 to index
      %get3A_1317 = arith.constant 256 : index
      %get3A_1318 = tpu.vector_load %arg11[%get3A_1316, %get3A_1317] {strides = array<i32>} : memref<8x640xf32, #tpu.memory_space<vmem>>, vector<16xf32>,
      %get3A_1319 = arith.constant 0 : i32
      %get3A_1320 = arith.index_cast %get3A_1319 : i32 to index
      %get3A_1321 = arith.constant 560 : index
      %get3A_1322 = tpu.vector_load %arg11[%get3A_1320, %get3A_1321] {strides = array<i32>} : memref<8x640xf32, #tpu.memory_space<vmem>>, vector<16xf32>,
      %get3A_1323 = arith.constant 1 : i32
      %get3A_1324 = arith.index_cast %get3A_1323 : i32 to index
      %get3A_1325 = arith.constant 256 : index
      %get3A_1326 = tpu.vector_load %arg11[%get3A_1324, %get3A_1325] {strides = array<i32>} : memref<8x640xf32, #tpu.memory_space<vmem>>, vector<16xf32>,
      %max3A_1327 = arith.maximumf %get3A_1318, %get3A_1326 : vector<16xf32>
      %get3A_1328 = arith.constant 1 : i32
      %get3A_1329 = arith.index_cast %get3A_1328 : i32 to index
      %get3A_1330 = arith.constant 560 : index
      %get3A_1331 = tpu.vector_load %arg11[%get3A_1329, %get3A_1330] {strides = array<i32>} : memref<8x640xf32, #tpu.memory_space<vmem>>, vector<16xf32>,
      %min3A_1332 = arith.minimumf %get3A_1322, %get3A_1331 : vector<16xf32>
      %get3A_1333 = arith.constant 2 : i32
      %get3A_1334 = arith.index_cast %get3A_1333 : i32 to index
      %get3A_1335 = arith.constant 256 : index
      %get3A_1336 = tpu.vector_load %arg11[%get3A_1334, %get3A_1335] {strides = array<i32>} : memref<8x640xf32, #tpu.memory_space<vmem>>, vector<16xf32>,
      %max3A_1337 = arith.maximumf %max3A_1327, %get3A_1336 : vector<16xf32>
      %get3A_1338 = arith.constant 2 : i32
      %get3A_1339 = arith.index_cast %get3A_1338 : i32 to index
      %get3A_1340 = arith.constant 560 : index
      %get3A_1341 = tpu.vector_load %arg11[%get3A_1339, %get3A_1340] {strides = array<i32>} : memref<8x640xf32, #tpu.memory_space<vmem>>, vector<16xf32>,
      %min3A_1342 = arith.minimumf %min3A_1332, %get3A_1341 : vector<16xf32>
      %get3A_1343 = arith.constant 3 : i32
      %get3A_1344 = arith.index_cast %get3A_1343 : i32 to index
      %get3A_1345 = arith.constant 256 : index
      %get3A_1346 = tpu.vector_load %arg11[%get3A_1344, %get3A_1345] {strides = array<i32>} : memref<8x640xf32, #tpu.memory_space<vmem>>, vector<16xf32>,
      %max3A_1347 = arith.maximumf %max3A_1337, %get3A_1346 : vector<16xf32>
      %get3A_1348 = arith.constant 3 : i32
      %get3A_1349 = arith.index_cast %get3A_1348 : i32 to index
      %get3A_1350 = arith.constant 560 : index
      %get3A_1351 = tpu.vector_load %arg11[%get3A_1349, %get3A_1350] {strides = array<i32>} : memref<8x640xf32, #tpu.memory_space<vmem>>, vector<16xf32>,
      %min3A_1352 = arith.minimumf %min3A_1342, %get3A_1351 : vector<16xf32>
      %get3A_1353 = arith.constant 4 : i32
      %get3A_1354 = arith.index_cast %get3A_1353 : i32 to index
      %get3A_1355 = arith.constant 256 : index
      %get3A_1356 = tpu.vector_load %arg11[%get3A_1354, %get3A_1355] {strides = array<i32>} : memref<8x640xf32, #tpu.memory_space<vmem>>, vector<16xf32>,
      %max3A_1357 = arith.maximumf %max3A_1347, %get3A_1356 : vector<16xf32>
      %get3A_1358 = arith.constant 4 : i32
      %get3A_1359 = arith.index_cast %get3A_1358 : i32 to index
      %get3A_1360 = arith.constant 560 : index
      %get3A_1361 = tpu.vector_load %arg11[%get3A_1359, %get3A_1360] {strides = array<i32>} : memref<8x640xf32, #tpu.memory_space<vmem>>, vector<16xf32>,
      %min3A_1362 = arith.minimumf %min3A_1352, %get3A_1361 : vector<16xf32>
      %get3A_1363 = arith.constant 5 : i32
      %get3A_1364 = arith.index_cast %get3A_1363 : i32 to index
      %get3A_1365 = arith.constant 256 : index
      %get3A_1366 = tpu.vector_load %arg11[%get3A_1364, %get3A_1365] {strides = array<i32>} : memref<8x640xf32, #tpu.memory_space<vmem>>, vector<16xf32>,
      %max3A_1367 = arith.maximumf %max3A_1357, %get3A_1366 : vector<16xf32>
      %get3A_1368 = arith.constant 5 : i32
      %get3A_1369 = arith.index_cast %get3A_1368 : i32 to index
      %get3A_1370 = arith.constant 560 : index
      %get3A_1371 = tpu.vector_load %arg11[%get3A_1369, %get3A_1370] {strides = array<i32>} : memref<8x640xf32, #tpu.memory_space<vmem>>, vector<16xf32>,
      %min3A_1372 = arith.minimumf %min3A_1362, %get3A_1371 : vector<16xf32>
      %get3A_1373 = arith.constant 6 : i32
      %get3A_1374 = arith.index_cast %get3A_1373 : i32 to index
      %get3A_1375 = arith.constant 256 : index
      %get3A_1376 = tpu.vector_load %arg11[%get3A_1374, %get3A_1375] {strides = array<i32>} : memref<8x640xf32, #tpu.memory_space<vmem>>, vector<16xf32>,
      %max3A_1377 = arith.maximumf %max3A_1367, %get3A_1376 : vector<16xf32>
      %get3A_1378 = arith.constant 6 : i32
      %get3A_1379 = arith.index_cast %get3A_1378 : i32 to index
      %get3A_1380 = arith.constant 560 : index
      %get3A_1381 = tpu.vector_load %arg11[%get3A_1379, %get3A_1380] {strides = array<i32>} : memref<8x640xf32, #tpu.memory_space<vmem>>, vector<16xf32>,
      %min3A_1382 = arith.minimumf %min3A_1372, %get3A_1381 : vector<16xf32>
      %get3A_1383 = arith.constant 7 : i32
      %get3A_1384 = arith.index_cast %get3A_1383 : i32 to index
      %get3A_1385 = arith.constant 256 : index
      %get3A_1386 = tpu.vector_load %arg11[%get3A_1384, %get3A_1385] {strides = array<i32>} : memref<8x640xf32, #tpu.memory_space<vmem>>, vector<16xf32>,
      %max3A_1387 = arith.maximumf %max3A_1377, %get3A_1386 : vector<16xf32>
      %get3A_1388 = arith.constant 7 : i32
      %get3A_1389 = arith.index_cast %get3A_1388 : i32 to index
      %get3A_1390 = arith.constant 560 : index
      %get3A_1391 = tpu.vector_load %arg11[%get3A_1389, %get3A_1390] {strides = array<i32>} : memref<8x640xf32, #tpu.memory_space<vmem>>, vector<16xf32>,
      %min3A_1392 = arith.minimumf %min3A_1382, %get3A_1391 : vector<16xf32>
      %swap3A_1393 = arith.constant 256 : index
      %swap3A_1394 = tpu.vector_load %arg5[%swap3A_1393] {strides = array<i32>} : memref<272xf32, #tpu.memory_space<vmem>>, vector<16xf32>,
      tpu.vector_store %arg5[%swap3A_1393], %max3A_1387 {strides = array<i32>} : memref<272xf32, #tpu.memory_space<vmem>>, vector<16xf32>,
      %swap3A_1395 = arith.constant 256 : index
      %swap3A_1396 = tpu.vector_load %arg6[%swap3A_1395] {strides = array<i32>} : memref<272xf32, #tpu.memory_space<vmem>>, vector<16xf32>,
      tpu.vector_store %arg6[%swap3A_1395], %min3A_1392 {strides = array<i32>} : memref<272xf32, #tpu.memory_space<vmem>>, vector<16xf32>,
      %get3A_1397 = arith.constant 0 : i32
      %get3A_1398 = arith.index_cast %get3A_1397 : i32 to index
      %get3A_1399 = arith.constant 608 : index
      %get3A_1400 = tpu.vector_load %arg11[%get3A_1398, %get3A_1399] {strides = array<i32>} : memref<8x640xf32, #tpu.memory_space<vmem>>, vector<16xf32>,
      %get3A_1401 = arith.constant 1 : i32
      %get3A_1402 = arith.index_cast %get3A_1401 : i32 to index
      %get3A_1403 = arith.constant 608 : index
      %get3A_1404 = tpu.vector_load %arg11[%get3A_1402, %get3A_1403] {strides = array<i32>} : memref<8x640xf32, #tpu.memory_space<vmem>>, vector<16xf32>,
      %add3A = arith.addf %get3A_1400, %get3A_1404 : vector<16xf32>
      %get3A_1405 = arith.constant 2 : i32
      %get3A_1406 = arith.index_cast %get3A_1405 : i32 to index
      %get3A_1407 = arith.constant 608 : index
      %get3A_1408 = tpu.vector_load %arg11[%get3A_1406, %get3A_1407] {strides = array<i32>} : memref<8x640xf32, #tpu.memory_space<vmem>>, vector<16xf32>,
      %add3A_1409 = arith.addf %add3A, %get3A_1408 : vector<16xf32>
      %get3A_1410 = arith.constant 3 : i32
      %get3A_1411 = arith.index_cast %get3A_1410 : i32 to index
      %get3A_1412 = arith.constant 608 : index
      %get3A_1413 = tpu.vector_load %arg11[%get3A_1411, %get3A_1412] {strides = array<i32>} : memref<8x640xf32, #tpu.memory_space<vmem>>, vector<16xf32>,
      %add3A_1414 = arith.addf %add3A_1409, %get3A_1413 : vector<16xf32>
      %get3A_1415 = arith.constant 4 : i32
      %get3A_1416 = arith.index_cast %get3A_1415 : i32 to index
      %get3A_1417 = arith.constant 608 : index
      %get3A_1418 = tpu.vector_load %arg11[%get3A_1416, %get3A_1417] {strides = array<i32>} : memref<8x640xf32, #tpu.memory_space<vmem>>, vector<16xf32>,
      %add3A_1419 = arith.addf %add3A_1414, %get3A_1418 : vector<16xf32>
      %get3A_1420 = arith.constant 5 : i32
      %get3A_1421 = arith.index_cast %get3A_1420 : i32 to index
      %get3A_1422 = arith.constant 608 : index
      %get3A_1423 = tpu.vector_load %arg11[%get3A_1421, %get3A_1422] {strides = array<i32>} : memref<8x640xf32, #tpu.memory_space<vmem>>, vector<16xf32>,
      %add3A_1424 = arith.addf %add3A_1419, %get3A_1423 : vector<16xf32>
      %get3A_1425 = arith.constant 6 : i32
      %get3A_1426 = arith.index_cast %get3A_1425 : i32 to index
      %get3A_1427 = arith.constant 608 : index
      %get3A_1428 = tpu.vector_load %arg11[%get3A_1426, %get3A_1427] {strides = array<i32>} : memref<8x640xf32, #tpu.memory_space<vmem>>, vector<16xf32>,
      %add3A_1429 = arith.addf %add3A_1424, %get3A_1428 : vector<16xf32>
      %get3A_1430 = arith.constant 7 : i32
      %get3A_1431 = arith.index_cast %get3A_1430 : i32 to index
      %get3A_1432 = arith.constant 608 : index
      %get3A_1433 = tpu.vector_load %arg11[%get3A_1431, %get3A_1432] {strides = array<i32>} : memref<8x640xf32, #tpu.memory_space<vmem>>, vector<16xf32>,
      %add3A_1434 = arith.addf %add3A_1429, %get3A_1433 : vector<16xf32>
      %slice3A = vector.extract_strided_slice %add3A_1434 {offsets = [0], sizes = [1], strides = [1]} : vector<16xf32> to vector<1xf32>
      %squeeze3A = vector.extract %slice3A[0] : f32 from vector<1xf32>
      %slice3A_1435 = vector.extract_strided_slice %add3A_1434 {offsets = [1], sizes = [1], strides = [1]} : vector<16xf32> to vector<1xf32>
      %squeeze3A_1436 = vector.extract %slice3A_1435[0] : f32 from vector<1xf32>
      %get3A_1437 = arith.constant 0 : index
      %get3A_1438 = tpu.vector_load %arg5[%get3A_1437] {strides = array<i32>} : memref<272xf32, #tpu.memory_space<vmem>>, vector<16xf32>,
      %broadcast_in_dim3A = arith.constant true
      %broadcast_in_dim3A_1439 = vector.broadcast %broadcast_in_dim3A : i1 to vector<16xi1>
      %masked_cummax3A = tpu.scan <max>, %get3A_1438 masked %broadcast_in_dim3A_1439 : vector<16xf32>, vector<16xi1> -> vector<16xf32>
      %max3A_1440 = arith.constant -9.99999984E+17 : f32
      %max3A_1441 = vector.broadcast %max3A_1440 : f32 to vector<16xf32>
      %max3A_1442 = arith.maximumf %masked_cummax3A, %max3A_1441 : vector<16xf32>
      %swap3A_1443 = arith.constant 0 : index
      %swap3A_1444 = tpu.vector_load %arg9[%swap3A_1443] {strides = array<i32>} : memref<272xf32, #tpu.memory_space<vmem>>, vector<16xf32>,
      tpu.vector_store %arg9[%swap3A_1443], %max3A_1442 {strides = array<i32>} : memref<272xf32, #tpu.memory_space<vmem>>, vector<16xf32>,
      %reduce_max3A = arith.constant true
      %reduce_max3A_1445 = vector.broadcast %reduce_max3A : i1 to vector<16xi1>
      %reduce_max3A_1446 = tpu.scan <max>, %get3A_1438 masked %reduce_max3A_1445 : vector<16xf32>, vector<16xi1> -> vector<16xf32>
      %reduce_max3A_1447 = vector.extract %reduce_max3A_1446[15] : f32 from vector<16xf32>
      %max3A_1448 = arith.constant -9.99999984E+17 : f32
      %max3A_1449 = arith.maximumf %max3A_1448, %reduce_max3A_1447 : f32
      %get3A_1450 = arith.constant 16 : index
      %get3A_1451 = tpu.vector_load %arg5[%get3A_1450] {strides = array<i32>} : memref<272xf32, #tpu.memory_space<vmem>>, vector<16xf32>,
      %broadcast_in_dim3A_1452 = arith.constant true
      %broadcast_in_dim3A_1453 = vector.broadcast %broadcast_in_dim3A_1452 : i1 to vector<16xi1>
      %masked_cummax3A_1454 = tpu.scan <max>, %get3A_1451 masked %broadcast_in_dim3A_1453 : vector<16xf32>, vector<16xi1> -> vector<16xf32>
      %max3A_1455 = vector.broadcast %max3A_1449 : f32 to vector<16xf32>
      %max3A_1456 = arith.maximumf %masked_cummax3A_1454, %max3A_1455 : vector<16xf32>
      %swap3A_1457 = arith.constant 16 : index
      %swap3A_1458 = tpu.vector_load %arg9[%swap3A_1457] {strides = array<i32>} : memref<272xf32, #tpu.memory_space<vmem>>, vector<16xf32>,
      tpu.vector_store %arg9[%swap3A_1457], %max3A_1456 {strides = array<i32>} : memref<272xf32, #tpu.memory_space<vmem>>, vector<16xf32>,
      %reduce_max3A_1459 = arith.constant true
      %reduce_max3A_1460 = vector.broadcast %reduce_max3A_1459 : i1 to vector<16xi1>
      %reduce_max3A_1461 = tpu.scan <max>, %get3A_1451 masked %reduce_max3A_1460 : vector<16xf32>, vector<16xi1> -> vector<16xf32>
      %reduce_max3A_1462 = vector.extract %reduce_max3A_1461[15] : f32 from vector<16xf32>
      %max3A_1463 = arith.maximumf %max3A_1449, %reduce_max3A_1462 : f32
      %get3A_1464 = arith.constant 32 : index
      %get3A_1465 = tpu.vector_load %arg5[%get3A_1464] {strides = array<i32>} : memref<272xf32, #tpu.memory_space<vmem>>, vector<16xf32>,
      %broadcast_in_dim3A_1466 = arith.constant true
      %broadcast_in_dim3A_1467 = vector.broadcast %broadcast_in_dim3A_1466 : i1 to vector<16xi1>
      %masked_cummax3A_1468 = tpu.scan <max>, %get3A_1465 masked %broadcast_in_dim3A_1467 : vector<16xf32>, vector<16xi1> -> vector<16xf32>
      %max3A_1469 = vector.broadcast %max3A_1463 : f32 to vector<16xf32>
      %max3A_1470 = arith.maximumf %masked_cummax3A_1468, %max3A_1469 : vector<16xf32>
      %swap3A_1471 = arith.constant 32 : index
      %swap3A_1472 = tpu.vector_load %arg9[%swap3A_1471] {strides = array<i32>} : memref<272xf32, #tpu.memory_space<vmem>>, vector<16xf32>,
      tpu.vector_store %arg9[%swap3A_1471], %max3A_1470 {strides = array<i32>} : memref<272xf32, #tpu.memory_space<vmem>>, vector<16xf32>,
      %reduce_max3A_1473 = arith.constant true
      %reduce_max3A_1474 = vector.broadcast %reduce_max3A_1473 : i1 to vector<16xi1>
      %reduce_max3A_1475 = tpu.scan <max>, %get3A_1465 masked %reduce_max3A_1474 : vector<16xf32>, vector<16xi1> -> vector<16xf32>
      %reduce_max3A_1476 = vector.extract %reduce_max3A_1475[15] : f32 from vector<16xf32>
      %max3A_1477 = arith.maximumf %max3A_1463, %reduce_max3A_1476 : f32
      %get3A_1478 = arith.constant 48 : index
      %get3A_1479 = tpu.vector_load %arg5[%get3A_1478] {strides = array<i32>} : memref<272xf32, #tpu.memory_space<vmem>>, vector<16xf32>,
      %broadcast_in_dim3A_1480 = arith.constant true
      %broadcast_in_dim3A_1481 = vector.broadcast %broadcast_in_dim3A_1480 : i1 to vector<16xi1>
      %masked_cummax3A_1482 = tpu.scan <max>, %get3A_1479 masked %broadcast_in_dim3A_1481 : vector<16xf32>, vector<16xi1> -> vector<16xf32>
      %max3A_1483 = vector.broadcast %max3A_1477 : f32 to vector<16xf32>
      %max3A_1484 = arith.maximumf %masked_cummax3A_1482, %max3A_1483 : vector<16xf32>
      %swap3A_1485 = arith.constant 48 : index
      %swap3A_1486 = tpu.vector_load %arg9[%swap3A_1485] {strides = array<i32>} : memref<272xf32, #tpu.memory_space<vmem>>, vector<16xf32>,
      tpu.vector_store %arg9[%swap3A_1485], %max3A_1484 {strides = array<i32>} : memref<272xf32, #tpu.memory_space<vmem>>, vector<16xf32>,
      %reduce_max3A_1487 = arith.constant true
      %reduce_max3A_1488 = vector.broadcast %reduce_max3A_1487 : i1 to vector<16xi1>
      %reduce_max3A_1489 = tpu.scan <max>, %get3A_1479 masked %reduce_max3A_1488 : vector<16xf32>, vector<16xi1> -> vector<16xf32>
      %reduce_max3A_1490 = vector.extract %reduce_max3A_1489[15] : f32 from vector<16xf32>
      %max3A_1491 = arith.maximumf %max3A_1477, %reduce_max3A_1490 : f32
      %get3A_1492 = arith.constant 64 : index
      %get3A_1493 = tpu.vector_load %arg5[%get3A_1492] {strides = array<i32>} : memref<272xf32, #tpu.memory_space<vmem>>, vector<16xf32>,
      %broadcast_in_dim3A_1494 = arith.constant true
      %broadcast_in_dim3A_1495 = vector.broadcast %broadcast_in_dim3A_1494 : i1 to vector<16xi1>
      %masked_cummax3A_1496 = tpu.scan <max>, %get3A_1493 masked %broadcast_in_dim3A_1495 : vector<16xf32>, vector<16xi1> -> vector<16xf32>
      %max3A_1497 = vector.broadcast %max3A_1491 : f32 to vector<16xf32>
      %max3A_1498 = arith.maximumf %masked_cummax3A_1496, %max3A_1497 : vector<16xf32>
      %swap3A_1499 = arith.constant 64 : index
      %swap3A_1500 = tpu.vector_load %arg9[%swap3A_1499] {strides = array<i32>} : memref<272xf32, #tpu.memory_space<vmem>>, vector<16xf32>,
      tpu.vector_store %arg9[%swap3A_1499], %max3A_1498 {strides = array<i32>} : memref<272xf32, #tpu.memory_space<vmem>>, vector<16xf32>,
      %reduce_max3A_1501 = arith.constant true
      %reduce_max3A_1502 = vector.broadcast %reduce_max3A_1501 : i1 to vector<16xi1>
      %reduce_max3A_1503 = tpu.scan <max>, %get3A_1493 masked %reduce_max3A_1502 : vector<16xf32>, vector<16xi1> -> vector<16xf32>
      %reduce_max3A_1504 = vector.extract %reduce_max3A_1503[15] : f32 from vector<16xf32>
      %max3A_1505 = arith.maximumf %max3A_1491, %reduce_max3A_1504 : f32
      %get3A_1506 = arith.constant 80 : index
      %get3A_1507 = tpu.vector_load %arg5[%get3A_1506] {strides = array<i32>} : memref<272xf32, #tpu.memory_space<vmem>>, vector<16xf32>,
      %broadcast_in_dim3A_1508 = arith.constant true
      %broadcast_in_dim3A_1509 = vector.broadcast %broadcast_in_dim3A_1508 : i1 to vector<16xi1>
      %masked_cummax3A_1510 = tpu.scan <max>, %get3A_1507 masked %broadcast_in_dim3A_1509 : vector<16xf32>, vector<16xi1> -> vector<16xf32>
      %max3A_1511 = vector.broadcast %max3A_1505 : f32 to vector<16xf32>
      %max3A_1512 = arith.maximumf %masked_cummax3A_1510, %max3A_1511 : vector<16xf32>
      %swap3A_1513 = arith.constant 80 : index
      %swap3A_1514 = tpu.vector_load %arg9[%swap3A_1513] {strides = array<i32>} : memref<272xf32, #tpu.memory_space<vmem>>, vector<16xf32>,
      tpu.vector_store %arg9[%swap3A_1513], %max3A_1512 {strides = array<i32>} : memref<272xf32, #tpu.memory_space<vmem>>, vector<16xf32>,
      %reduce_max3A_1515 = arith.constant true
      %reduce_max3A_1516 = vector.broadcast %reduce_max3A_1515 : i1 to vector<16xi1>
      %reduce_max3A_1517 = tpu.scan <max>, %get3A_1507 masked %reduce_max3A_1516 : vector<16xf32>, vector<16xi1> -> vector<16xf32>
      %reduce_max3A_1518 = vector.extract %reduce_max3A_1517[15] : f32 from vector<16xf32>
      %max3A_1519 = arith.maximumf %max3A_1505, %reduce_max3A_1518 : f32
      %get3A_1520 = arith.constant 96 : index
      %get3A_1521 = tpu.vector_load %arg5[%get3A_1520] {strides = array<i32>} : memref<272xf32, #tpu.memory_space<vmem>>, vector<16xf32>,
      %broadcast_in_dim3A_1522 = arith.constant true
      %broadcast_in_dim3A_1523 = vector.broadcast %broadcast_in_dim3A_1522 : i1 to vector<16xi1>
      %masked_cummax3A_1524 = tpu.scan <max>, %get3A_1521 masked %broadcast_in_dim3A_1523 : vector<16xf32>, vector<16xi1> -> vector<16xf32>
      %max3A_1525 = vector.broadcast %max3A_1519 : f32 to vector<16xf32>
      %max3A_1526 = arith.maximumf %masked_cummax3A_1524, %max3A_1525 : vector<16xf32>
      %swap3A_1527 = arith.constant 96 : index
      %swap3A_1528 = tpu.vector_load %arg9[%swap3A_1527] {strides = array<i32>} : memref<272xf32, #tpu.memory_space<vmem>>, vector<16xf32>,
      tpu.vector_store %arg9[%swap3A_1527], %max3A_1526 {strides = array<i32>} : memref<272xf32, #tpu.memory_space<vmem>>, vector<16xf32>,
      %reduce_max3A_1529 = arith.constant true
      %reduce_max3A_1530 = vector.broadcast %reduce_max3A_1529 : i1 to vector<16xi1>
      %reduce_max3A_1531 = tpu.scan <max>, %get3A_1521 masked %reduce_max3A_1530 : vector<16xf32>, vector<16xi1> -> vector<16xf32>
      %reduce_max3A_1532 = vector.extract %reduce_max3A_1531[15] : f32 from vector<16xf32>
      %max3A_1533 = arith.maximumf %max3A_1519, %reduce_max3A_1532 : f32
      %get3A_1534 = arith.constant 112 : index
      %get3A_1535 = tpu.vector_load %arg5[%get3A_1534] {strides = array<i32>} : memref<272xf32, #tpu.memory_space<vmem>>, vector<16xf32>,
      %broadcast_in_dim3A_1536 = arith.constant true
      %broadcast_in_dim3A_1537 = vector.broadcast %broadcast_in_dim3A_1536 : i1 to vector<16xi1>
      %masked_cummax3A_1538 = tpu.scan <max>, %get3A_1535 masked %broadcast_in_dim3A_1537 : vector<16xf32>, vector<16xi1> -> vector<16xf32>
      %max3A_1539 = vector.broadcast %max3A_1533 : f32 to vector<16xf32>
      %max3A_1540 = arith.maximumf %masked_cummax3A_1538, %max3A_1539 : vector<16xf32>
      %swap3A_1541 = arith.constant 112 : index
      %swap3A_1542 = tpu.vector_load %arg9[%swap3A_1541] {strides = array<i32>} : memref<272xf32, #tpu.memory_space<vmem>>, vector<16xf32>,
      tpu.vector_store %arg9[%swap3A_1541], %max3A_1540 {strides = array<i32>} : memref<272xf32, #tpu.memory_space<vmem>>, vector<16xf32>,
      %reduce_max3A_1543 = arith.constant true
      %reduce_max3A_1544 = vector.broadcast %reduce_max3A_1543 : i1 to vector<16xi1>
      %reduce_max3A_1545 = tpu.scan <max>, %get3A_1535 masked %reduce_max3A_1544 : vector<16xf32>, vector<16xi1> -> vector<16xf32>
      %reduce_max3A_1546 = vector.extract %reduce_max3A_1545[15] : f32 from vector<16xf32>
      %max3A_1547 = arith.maximumf %max3A_1533, %reduce_max3A_1546 : f32
      %get3A_1548 = arith.constant 128 : index
      %get3A_1549 = tpu.vector_load %arg5[%get3A_1548] {strides = array<i32>} : memref<272xf32, #tpu.memory_space<vmem>>, vector<16xf32>,
      %broadcast_in_dim3A_1550 = arith.constant true
      %broadcast_in_dim3A_1551 = vector.broadcast %broadcast_in_dim3A_1550 : i1 to vector<16xi1>
      %masked_cummax3A_1552 = tpu.scan <max>, %get3A_1549 masked %broadcast_in_dim3A_1551 : vector<16xf32>, vector<16xi1> -> vector<16xf32>
      %max3A_1553 = vector.broadcast %max3A_1547 : f32 to vector<16xf32>
      %max3A_1554 = arith.maximumf %masked_cummax3A_1552, %max3A_1553 : vector<16xf32>
      %swap3A_1555 = arith.constant 128 : index
      %swap3A_1556 = tpu.vector_load %arg9[%swap3A_1555] {strides = array<i32>} : memref<272xf32, #tpu.memory_space<vmem>>, vector<16xf32>,
      tpu.vector_store %arg9[%swap3A_1555], %max3A_1554 {strides = array<i32>} : memref<272xf32, #tpu.memory_space<vmem>>, vector<16xf32>,
      %reduce_max3A_1557 = arith.constant true
      %reduce_max3A_1558 = vector.broadcast %reduce_max3A_1557 : i1 to vector<16xi1>
      %reduce_max3A_1559 = tpu.scan <max>, %get3A_1549 masked %reduce_max3A_1558 : vector<16xf32>, vector<16xi1> -> vector<16xf32>
      %reduce_max3A_1560 = vector.extract %reduce_max3A_1559[15] : f32 from vector<16xf32>
      %max3A_1561 = arith.maximumf %max3A_1547, %reduce_max3A_1560 : f32
      %get3A_1562 = arith.constant 144 : index
      %get3A_1563 = tpu.vector_load %arg5[%get3A_1562] {strides = array<i32>} : memref<272xf32, #tpu.memory_space<vmem>>, vector<16xf32>,
      %broadcast_in_dim3A_1564 = arith.constant true
      %broadcast_in_dim3A_1565 = vector.broadcast %broadcast_in_dim3A_1564 : i1 to vector<16xi1>
      %masked_cummax3A_1566 = tpu.scan <max>, %get3A_1563 masked %broadcast_in_dim3A_1565 : vector<16xf32>, vector<16xi1> -> vector<16xf32>
      %max3A_1567 = vector.broadcast %max3A_1561 : f32 to vector<16xf32>
      %max3A_1568 = arith.maximumf %masked_cummax3A_1566, %max3A_1567 : vector<16xf32>
      %swap3A_1569 = arith.constant 144 : index
      %swap3A_1570 = tpu.vector_load %arg9[%swap3A_1569] {strides = array<i32>} : memref<272xf32, #tpu.memory_space<vmem>>, vector<16xf32>,
      tpu.vector_store %arg9[%swap3A_1569], %max3A_1568 {strides = array<i32>} : memref<272xf32, #tpu.memory_space<vmem>>, vector<16xf32>,
      %reduce_max3A_1571 = arith.constant true
      %reduce_max3A_1572 = vector.broadcast %reduce_max3A_1571 : i1 to vector<16xi1>
      %reduce_max3A_1573 = tpu.scan <max>, %get3A_1563 masked %reduce_max3A_1572 : vector<16xf32>, vector<16xi1> -> vector<16xf32>
      %reduce_max3A_1574 = vector.extract %reduce_max3A_1573[15] : f32 from vector<16xf32>
      %max3A_1575 = arith.maximumf %max3A_1561, %reduce_max3A_1574 : f32
      %get3A_1576 = arith.constant 160 : index
      %get3A_1577 = tpu.vector_load %arg5[%get3A_1576] {strides = array<i32>} : memref<272xf32, #tpu.memory_space<vmem>>, vector<16xf32>,
      %broadcast_in_dim3A_1578 = arith.constant true
      %broadcast_in_dim3A_1579 = vector.broadcast %broadcast_in_dim3A_1578 : i1 to vector<16xi1>
      %masked_cummax3A_1580 = tpu.scan <max>, %get3A_1577 masked %broadcast_in_dim3A_1579 : vector<16xf32>, vector<16xi1> -> vector<16xf32>
      %max3A_1581 = vector.broadcast %max3A_1575 : f32 to vector<16xf32>
      %max3A_1582 = arith.maximumf %masked_cummax3A_1580, %max3A_1581 : vector<16xf32>
      %swap3A_1583 = arith.constant 160 : index
      %swap3A_1584 = tpu.vector_load %arg9[%swap3A_1583] {strides = array<i32>} : memref<272xf32, #tpu.memory_space<vmem>>, vector<16xf32>,
      tpu.vector_store %arg9[%swap3A_1583], %max3A_1582 {strides = array<i32>} : memref<272xf32, #tpu.memory_space<vmem>>, vector<16xf32>,
      %reduce_max3A_1585 = arith.constant true
      %reduce_max3A_1586 = vector.broadcast %reduce_max3A_1585 : i1 to vector<16xi1>
      %reduce_max3A_1587 = tpu.scan <max>, %get3A_1577 masked %reduce_max3A_1586 : vector<16xf32>, vector<16xi1> -> vector<16xf32>
      %reduce_max3A_1588 = vector.extract %reduce_max3A_1587[15] : f32 from vector<16xf32>
      %max3A_1589 = arith.maximumf %max3A_1575, %reduce_max3A_1588 : f32
      %get3A_1590 = arith.constant 176 : index
      %get3A_1591 = tpu.vector_load %arg5[%get3A_1590] {strides = array<i32>} : memref<272xf32, #tpu.memory_space<vmem>>, vector<16xf32>,
      %broadcast_in_dim3A_1592 = arith.constant true
      %broadcast_in_dim3A_1593 = vector.broadcast %broadcast_in_dim3A_1592 : i1 to vector<16xi1>
      %masked_cummax3A_1594 = tpu.scan <max>, %get3A_1591 masked %broadcast_in_dim3A_1593 : vector<16xf32>, vector<16xi1> -> vector<16xf32>
      %max3A_1595 = vector.broadcast %max3A_1589 : f32 to vector<16xf32>
      %max3A_1596 = arith.maximumf %masked_cummax3A_1594, %max3A_1595 : vector<16xf32>
      %swap3A_1597 = arith.constant 176 : index
      %swap3A_1598 = tpu.vector_load %arg9[%swap3A_1597] {strides = array<i32>} : memref<272xf32, #tpu.memory_space<vmem>>, vector<16xf32>,
      tpu.vector_store %arg9[%swap3A_1597], %max3A_1596 {strides = array<i32>} : memref<272xf32, #tpu.memory_space<vmem>>, vector<16xf32>,
      %reduce_max3A_1599 = arith.constant true
      %reduce_max3A_1600 = vector.broadcast %reduce_max3A_1599 : i1 to vector<16xi1>
      %reduce_max3A_1601 = tpu.scan <max>, %get3A_1591 masked %reduce_max3A_1600 : vector<16xf32>, vector<16xi1> -> vector<16xf32>
      %reduce_max3A_1602 = vector.extract %reduce_max3A_1601[15] : f32 from vector<16xf32>
      %max3A_1603 = arith.maximumf %max3A_1589, %reduce_max3A_1602 : f32
      %get3A_1604 = arith.constant 192 : index
      %get3A_1605 = tpu.vector_load %arg5[%get3A_1604] {strides = array<i32>} : memref<272xf32, #tpu.memory_space<vmem>>, vector<16xf32>,
      %broadcast_in_dim3A_1606 = arith.constant true
      %broadcast_in_dim3A_1607 = vector.broadcast %broadcast_in_dim3A_1606 : i1 to vector<16xi1>
      %masked_cummax3A_1608 = tpu.scan <max>, %get3A_1605 masked %broadcast_in_dim3A_1607 : vector<16xf32>, vector<16xi1> -> vector<16xf32>
      %max3A_1609 = vector.broadcast %max3A_1603 : f32 to vector<16xf32>
      %max3A_1610 = arith.maximumf %masked_cummax3A_1608, %max3A_1609 : vector<16xf32>
      %swap3A_1611 = arith.constant 192 : index
      %swap3A_1612 = tpu.vector_load %arg9[%swap3A_1611] {strides = array<i32>} : memref<272xf32, #tpu.memory_space<vmem>>, vector<16xf32>,
      tpu.vector_store %arg9[%swap3A_1611], %max3A_1610 {strides = array<i32>} : memref<272xf32, #tpu.memory_space<vmem>>, vector<16xf32>,
      %reduce_max3A_1613 = arith.constant true
      %reduce_max3A_1614 = vector.broadcast %reduce_max3A_1613 : i1 to vector<16xi1>
      %reduce_max3A_1615 = tpu.scan <max>, %get3A_1605 masked %reduce_max3A_1614 : vector<16xf32>, vector<16xi1> -> vector<16xf32>
      %reduce_max3A_1616 = vector.extract %reduce_max3A_1615[15] : f32 from vector<16xf32>
      %max3A_1617 = arith.maximumf %max3A_1603, %reduce_max3A_1616 : f32
      %get3A_1618 = arith.constant 208 : index
      %get3A_1619 = tpu.vector_load %arg5[%get3A_1618] {strides = array<i32>} : memref<272xf32, #tpu.memory_space<vmem>>, vector<16xf32>,
      %broadcast_in_dim3A_1620 = arith.constant true
      %broadcast_in_dim3A_1621 = vector.broadcast %broadcast_in_dim3A_1620 : i1 to vector<16xi1>
      %masked_cummax3A_1622 = tpu.scan <max>, %get3A_1619 masked %broadcast_in_dim3A_1621 : vector<16xf32>, vector<16xi1> -> vector<16xf32>
      %max3A_1623 = vector.broadcast %max3A_1617 : f32 to vector<16xf32>
      %max3A_1624 = arith.maximumf %masked_cummax3A_1622, %max3A_1623 : vector<16xf32>
      %swap3A_1625 = arith.constant 208 : index
      %swap3A_1626 = tpu.vector_load %arg9[%swap3A_1625] {strides = array<i32>} : memref<272xf32, #tpu.memory_space<vmem>>, vector<16xf32>,
      tpu.vector_store %arg9[%swap3A_1625], %max3A_1624 {strides = array<i32>} : memref<272xf32, #tpu.memory_space<vmem>>, vector<16xf32>,
      %reduce_max3A_1627 = arith.constant true
      %reduce_max3A_1628 = vector.broadcast %reduce_max3A_1627 : i1 to vector<16xi1>
      %reduce_max3A_1629 = tpu.scan <max>, %get3A_1619 masked %reduce_max3A_1628 : vector<16xf32>, vector<16xi1> -> vector<16xf32>
      %reduce_max3A_1630 = vector.extract %reduce_max3A_1629[15] : f32 from vector<16xf32>
      %max3A_1631 = arith.maximumf %max3A_1617, %reduce_max3A_1630 : f32
      %get3A_1632 = arith.constant 224 : index
      %get3A_1633 = tpu.vector_load %arg5[%get3A_1632] {strides = array<i32>} : memref<272xf32, #tpu.memory_space<vmem>>, vector<16xf32>,
      %broadcast_in_dim3A_1634 = arith.constant true
      %broadcast_in_dim3A_1635 = vector.broadcast %broadcast_in_dim3A_1634 : i1 to vector<16xi1>
      %masked_cummax3A_1636 = tpu.scan <max>, %get3A_1633 masked %broadcast_in_dim3A_1635 : vector<16xf32>, vector<16xi1> -> vector<16xf32>
      %max3A_1637 = vector.broadcast %max3A_1631 : f32 to vector<16xf32>
      %max3A_1638 = arith.maximumf %masked_cummax3A_1636, %max3A_1637 : vector<16xf32>
      %swap3A_1639 = arith.constant 224 : index
      %swap3A_1640 = tpu.vector_load %arg9[%swap3A_1639] {strides = array<i32>} : memref<272xf32, #tpu.memory_space<vmem>>, vector<16xf32>,
      tpu.vector_store %arg9[%swap3A_1639], %max3A_1638 {strides = array<i32>} : memref<272xf32, #tpu.memory_space<vmem>>, vector<16xf32>,
      %reduce_max3A_1641 = arith.constant true
      %reduce_max3A_1642 = vector.broadcast %reduce_max3A_1641 : i1 to vector<16xi1>
      %reduce_max3A_1643 = tpu.scan <max>, %get3A_1633 masked %reduce_max3A_1642 : vector<16xf32>, vector<16xi1> -> vector<16xf32>
      %reduce_max3A_1644 = vector.extract %reduce_max3A_1643[15] : f32 from vector<16xf32>
      %max3A_1645 = arith.maximumf %max3A_1631, %reduce_max3A_1644 : f32
      %get3A_1646 = arith.constant 240 : index
      %get3A_1647 = tpu.vector_load %arg5[%get3A_1646] {strides = array<i32>} : memref<272xf32, #tpu.memory_space<vmem>>, vector<16xf32>,
      %broadcast_in_dim3A_1648 = arith.constant true
      %broadcast_in_dim3A_1649 = vector.broadcast %broadcast_in_dim3A_1648 : i1 to vector<16xi1>
      %masked_cummax3A_1650 = tpu.scan <max>, %get3A_1647 masked %broadcast_in_dim3A_1649 : vector<16xf32>, vector<16xi1> -> vector<16xf32>
      %max3A_1651 = vector.broadcast %max3A_1645 : f32 to vector<16xf32>
      %max3A_1652 = arith.maximumf %masked_cummax3A_1650, %max3A_1651 : vector<16xf32>
      %swap3A_1653 = arith.constant 240 : index
      %swap3A_1654 = tpu.vector_load %arg9[%swap3A_1653] {strides = array<i32>} : memref<272xf32, #tpu.memory_space<vmem>>, vector<16xf32>,
      tpu.vector_store %arg9[%swap3A_1653], %max3A_1652 {strides = array<i32>} : memref<272xf32, #tpu.memory_space<vmem>>, vector<16xf32>,
      %reduce_max3A_1655 = arith.constant true
      %reduce_max3A_1656 = vector.broadcast %reduce_max3A_1655 : i1 to vector<16xi1>
      %reduce_max3A_1657 = tpu.scan <max>, %get3A_1647 masked %reduce_max3A_1656 : vector<16xf32>, vector<16xi1> -> vector<16xf32>
      %reduce_max3A_1658 = vector.extract %reduce_max3A_1657[15] : f32 from vector<16xf32>
      %max3A_1659 = arith.maximumf %max3A_1645, %reduce_max3A_1658 : f32
      %get3A_1660 = arith.constant 256 : index
      %get3A_1661 = tpu.vector_load %arg5[%get3A_1660] {strides = array<i32>} : memref<272xf32, #tpu.memory_space<vmem>>, vector<16xf32>,
      %broadcast_in_dim3A_1662 = arith.constant true
      %broadcast_in_dim3A_1663 = vector.broadcast %broadcast_in_dim3A_1662 : i1 to vector<16xi1>
      %masked_cummax3A_1664 = tpu.scan <max>, %get3A_1661 masked %broadcast_in_dim3A_1663 : vector<16xf32>, vector<16xi1> -> vector<16xf32>
      %max3A_1665 = vector.broadcast %max3A_1659 : f32 to vector<16xf32>
      %max3A_1666 = arith.maximumf %masked_cummax3A_1664, %max3A_1665 : vector<16xf32>
      %swap3A_1667 = arith.constant 256 : index
      %swap3A_1668 = tpu.vector_load %arg9[%swap3A_1667] {strides = array<i32>} : memref<272xf32, #tpu.memory_space<vmem>>, vector<16xf32>,
      tpu.vector_store %arg9[%swap3A_1667], %max3A_1666 {strides = array<i32>} : memref<272xf32, #tpu.memory_space<vmem>>, vector<16xf32>,
      %reduce_max3A_1669 = arith.constant true
      %reduce_max3A_1670 = vector.broadcast %reduce_max3A_1669 : i1 to vector<16xi1>
      %reduce_max3A_1671 = tpu.scan <max>, %get3A_1661 masked %reduce_max3A_1670 : vector<16xf32>, vector<16xi1> -> vector<16xf32>
      %reduce_max3A_1672 = vector.extract %reduce_max3A_1671[15] : f32 from vector<16xf32>
      %max3A_1673 = arith.maximumf %max3A_1659, %reduce_max3A_1672 : f32
      %get3A_1674 = arith.constant 256 : index
      %get3A_1675 = tpu.vector_load %arg6[%get3A_1674] {strides = array<i32>} : memref<272xf32, #tpu.memory_space<vmem>>, vector<16xf32>,
      %neg3A = arith.constant 0.000000e+00 : f32
      %neg3A_1676 = vector.broadcast %neg3A : f32 to vector<16xf32>
      %neg3A_1677 = arith.subf %neg3A_1676, %get3A_1675 : vector<16xf32>
      %rev3A = arith.constant 15 : i32
      %rev3A_1678 = vector.broadcast %rev3A : i32 to vector<16xi32>
      %rev3A_1679 = tpu.iota {dimensions = array<i32: 0>} : vector<16xi32>
      %rev3A_1680 = arith.subi %rev3A_1678, %rev3A_1679 : vector<16xi32>
      %rev3A_1681 = tpu.dynamic_gather %neg3A_1677[%rev3A_1680] in [0] : vector<16xf32>, vector<16xi32> -> vector<16xf32>
      %broadcast_in_dim3A_1682 = arith.constant true
      %broadcast_in_dim3A_1683 = vector.broadcast %broadcast_in_dim3A_1682 : i1 to vector<16xi1>
      %masked_cummax3A_1684 = tpu.scan <max>, %rev3A_1681 masked %broadcast_in_dim3A_1683 : vector<16xf32>, vector<16xi1> -> vector<16xf32>
      %rev3A_1685 = arith.constant 15 : i32
      %rev3A_1686 = vector.broadcast %rev3A_1685 : i32 to vector<16xi32>
      %rev3A_1687 = tpu.iota {dimensions = array<i32: 0>} : vector<16xi32>
      %rev3A_1688 = arith.subi %rev3A_1686, %rev3A_1687 : vector<16xi32>
      %rev3A_1689 = tpu.dynamic_gather %masked_cummax3A_1684[%rev3A_1688] in [0] : vector<16xf32>, vector<16xi32> -> vector<16xf32>
      %neg3A_1690 = arith.constant 0.000000e+00 : f32
      %neg3A_1691 = vector.broadcast %neg3A_1690 : f32 to vector<16xf32>
      %neg3A_1692 = arith.subf %neg3A_1691, %rev3A_1689 : vector<16xf32>
      %min3A_1693 = arith.constant 9.99999984E+17 : f32
      %min3A_1694 = vector.broadcast %min3A_1693 : f32 to vector<16xf32>
      %min3A_1695 = arith.minimumf %neg3A_1692, %min3A_1694 : vector<16xf32>
      %swap3A_1696 = arith.constant 256 : index
      %swap3A_1697 = tpu.vector_load %arg13[%swap3A_1696] {strides = array<i32>} : memref<272xf32, #tpu.memory_space<vmem>>, vector<16xf32>,
      tpu.vector_store %arg13[%swap3A_1696], %min3A_1695 {strides = array<i32>} : memref<272xf32, #tpu.memory_space<vmem>>, vector<16xf32>,
      %reduce_min3A = arith.constant true
      %reduce_min3A_1698 = vector.broadcast %reduce_min3A : i1 to vector<16xi1>
      %reduce_min3A_1699 = tpu.scan <min>, %get3A_1675 masked %reduce_min3A_1698 : vector<16xf32>, vector<16xi1> -> vector<16xf32>
      %reduce_min3A_1700 = vector.extract %reduce_min3A_1699[15] : f32 from vector<16xf32>
      %min3A_1701 = arith.constant 9.99999984E+17 : f32
      %min3A_1702 = arith.minimumf %min3A_1701, %reduce_min3A_1700 : f32
      %get3A_1703 = arith.constant 240 : index
      %get3A_1704 = tpu.vector_load %arg6[%get3A_1703] {strides = array<i32>} : memref<272xf32, #tpu.memory_space<vmem>>, vector<16xf32>,
      %neg3A_1705 = arith.constant 0.000000e+00 : f32
      %neg3A_1706 = vector.broadcast %neg3A_1705 : f32 to vector<16xf32>
      %neg3A_1707 = arith.subf %neg3A_1706, %get3A_1704 : vector<16xf32>
      %rev3A_1708 = arith.constant 15 : i32
      %rev3A_1709 = vector.broadcast %rev3A_1708 : i32 to vector<16xi32>
      %rev3A_1710 = tpu.iota {dimensions = array<i32: 0>} : vector<16xi32>
      %rev3A_1711 = arith.subi %rev3A_1709, %rev3A_1710 : vector<16xi32>
      %rev3A_1712 = tpu.dynamic_gather %neg3A_1707[%rev3A_1711] in [0] : vector<16xf32>, vector<16xi32> -> vector<16xf32>
      %broadcast_in_dim3A_1713 = arith.constant true
      %broadcast_in_dim3A_1714 = vector.broadcast %broadcast_in_dim3A_1713 : i1 to vector<16xi1>
      %masked_cummax3A_1715 = tpu.scan <max>, %rev3A_1712 masked %broadcast_in_dim3A_1714 : vector<16xf32>, vector<16xi1> -> vector<16xf32>
      %rev3A_1716 = arith.constant 15 : i32
      %rev3A_1717 = vector.broadcast %rev3A_1716 : i32 to vector<16xi32>
      %rev3A_1718 = tpu.iota {dimensions = array<i32: 0>} : vector<16xi32>
      %rev3A_1719 = arith.subi %rev3A_1717, %rev3A_1718 : vector<16xi32>
      %rev3A_1720 = tpu.dynamic_gather %masked_cummax3A_1715[%rev3A_1719] in [0] : vector<16xf32>, vector<16xi32> -> vector<16xf32>
      %neg3A_1721 = arith.constant 0.000000e+00 : f32
      %neg3A_1722 = vector.broadcast %neg3A_1721 : f32 to vector<16xf32>
      %neg3A_1723 = arith.subf %neg3A_1722, %rev3A_1720 : vector<16xf32>
      %min3A_1724 = vector.broadcast %min3A_1702 : f32 to vector<16xf32>
      %min3A_1725 = arith.minimumf %neg3A_1723, %min3A_1724 : vector<16xf32>
      %swap3A_1726 = arith.constant 240 : index
      %swap3A_1727 = tpu.vector_load %arg13[%swap3A_1726] {strides = array<i32>} : memref<272xf32, #tpu.memory_space<vmem>>, vector<16xf32>,
      tpu.vector_store %arg13[%swap3A_1726], %min3A_1725 {strides = array<i32>} : memref<272xf32, #tpu.memory_space<vmem>>, vector<16xf32>,
      %reduce_min3A_1728 = arith.constant true
      %reduce_min3A_1729 = vector.broadcast %reduce_min3A_1728 : i1 to vector<16xi1>
      %reduce_min3A_1730 = tpu.scan <min>, %get3A_1704 masked %reduce_min3A_1729 : vector<16xf32>, vector<16xi1> -> vector<16xf32>
      %reduce_min3A_1731 = vector.extract %reduce_min3A_1730[15] : f32 from vector<16xf32>
      %min3A_1732 = arith.minimumf %min3A_1702, %reduce_min3A_1731 : f32
      %get3A_1733 = arith.constant 224 : index
      %get3A_1734 = tpu.vector_load %arg6[%get3A_1733] {strides = array<i32>} : memref<272xf32, #tpu.memory_space<vmem>>, vector<16xf32>,
      %neg3A_1735 = arith.constant 0.000000e+00 : f32
      %neg3A_1736 = vector.broadcast %neg3A_1735 : f32 to vector<16xf32>
      %neg3A_1737 = arith.subf %neg3A_1736, %get3A_1734 : vector<16xf32>
      %rev3A_1738 = arith.constant 15 : i32
      %rev3A_1739 = vector.broadcast %rev3A_1738 : i32 to vector<16xi32>
      %rev3A_1740 = tpu.iota {dimensions = array<i32: 0>} : vector<16xi32>
      %rev3A_1741 = arith.subi %rev3A_1739, %rev3A_1740 : vector<16xi32>
      %rev3A_1742 = tpu.dynamic_gather %neg3A_1737[%rev3A_1741] in [0] : vector<16xf32>, vector<16xi32> -> vector<16xf32>
      %broadcast_in_dim3A_1743 = arith.constant true
      %broadcast_in_dim3A_1744 = vector.broadcast %broadcast_in_dim3A_1743 : i1 to vector<16xi1>
      %masked_cummax3A_1745 = tpu.scan <max>, %rev3A_1742 masked %broadcast_in_dim3A_1744 : vector<16xf32>, vector<16xi1> -> vector<16xf32>
      %rev3A_1746 = arith.constant 15 : i32
      %rev3A_1747 = vector.broadcast %rev3A_1746 : i32 to vector<16xi32>
      %rev3A_1748 = tpu.iota {dimensions = array<i32: 0>} : vector<16xi32>
      %rev3A_1749 = arith.subi %rev3A_1747, %rev3A_1748 : vector<16xi32>
      %rev3A_1750 = tpu.dynamic_gather %masked_cummax3A_1745[%rev3A_1749] in [0] : vector<16xf32>, vector<16xi32> -> vector<16xf32>
      %neg3A_1751 = arith.constant 0.000000e+00 : f32
      %neg3A_1752 = vector.broadcast %neg3A_1751 : f32 to vector<16xf32>
      %neg3A_1753 = arith.subf %neg3A_1752, %rev3A_1750 : vector<16xf32>
      %min3A_1754 = vector.broadcast %min3A_1732 : f32 to vector<16xf32>
      %min3A_1755 = arith.minimumf %neg3A_1753, %min3A_1754 : vector<16xf32>
      %swap3A_1756 = arith.constant 224 : index
      %swap3A_1757 = tpu.vector_load %arg13[%swap3A_1756] {strides = array<i32>} : memref<272xf32, #tpu.memory_space<vmem>>, vector<16xf32>,
      tpu.vector_store %arg13[%swap3A_1756], %min3A_1755 {strides = array<i32>} : memref<272xf32, #tpu.memory_space<vmem>>, vector<16xf32>,
      %reduce_min3A_1758 = arith.constant true
      %reduce_min3A_1759 = vector.broadcast %reduce_min3A_1758 : i1 to vector<16xi1>
      %reduce_min3A_1760 = tpu.scan <min>, %get3A_1734 masked %reduce_min3A_1759 : vector<16xf32>, vector<16xi1> -> vector<16xf32>
      %reduce_min3A_1761 = vector.extract %reduce_min3A_1760[15] : f32 from vector<16xf32>
      %min3A_1762 = arith.minimumf %min3A_1732, %reduce_min3A_1761 : f32
      %get3A_1763 = arith.constant 208 : index
      %get3A_1764 = tpu.vector_load %arg6[%get3A_1763] {strides = array<i32>} : memref<272xf32, #tpu.memory_space<vmem>>, vector<16xf32>,
      %neg3A_1765 = arith.constant 0.000000e+00 : f32
      %neg3A_1766 = vector.broadcast %neg3A_1765 : f32 to vector<16xf32>
      %neg3A_1767 = arith.subf %neg3A_1766, %get3A_1764 : vector<16xf32>
      %rev3A_1768 = arith.constant 15 : i32
      %rev3A_1769 = vector.broadcast %rev3A_1768 : i32 to vector<16xi32>
      %rev3A_1770 = tpu.iota {dimensions = array<i32: 0>} : vector<16xi32>
      %rev3A_1771 = arith.subi %rev3A_1769, %rev3A_1770 : vector<16xi32>
      %rev3A_1772 = tpu.dynamic_gather %neg3A_1767[%rev3A_1771] in [0] : vector<16xf32>, vector<16xi32> -> vector<16xf32>
      %broadcast_in_dim3A_1773 = arith.constant true
      %broadcast_in_dim3A_1774 = vector.broadcast %broadcast_in_dim3A_1773 : i1 to vector<16xi1>
      %masked_cummax3A_1775 = tpu.scan <max>, %rev3A_1772 masked %broadcast_in_dim3A_1774 : vector<16xf32>, vector<16xi1> -> vector<16xf32>
      %rev3A_1776 = arith.constant 15 : i32
      %rev3A_1777 = vector.broadcast %rev3A_1776 : i32 to vector<16xi32>
      %rev3A_1778 = tpu.iota {dimensions = array<i32: 0>} : vector<16xi32>
      %rev3A_1779 = arith.subi %rev3A_1777, %rev3A_1778 : vector<16xi32>
      %rev3A_1780 = tpu.dynamic_gather %masked_cummax3A_1775[%rev3A_1779] in [0] : vector<16xf32>, vector<16xi32> -> vector<16xf32>
      %neg3A_1781 = arith.constant 0.000000e+00 : f32
      %neg3A_1782 = vector.broadcast %neg3A_1781 : f32 to vector<16xf32>
      %neg3A_1783 = arith.subf %neg3A_1782, %rev3A_1780 : vector<16xf32>
      %min3A_1784 = vector.broadcast %min3A_1762 : f32 to vector<16xf32>
      %min3A_1785 = arith.minimumf %neg3A_1783, %min3A_1784 : vector<16xf32>
      %swap3A_1786 = arith.constant 208 : index
      %swap3A_1787 = tpu.vector_load %arg13[%swap3A_1786] {strides = array<i32>} : memref<272xf32, #tpu.memory_space<vmem>>, vector<16xf32>,
      tpu.vector_store %arg13[%swap3A_1786], %min3A_1785 {strides = array<i32>} : memref<272xf32, #tpu.memory_space<vmem>>, vector<16xf32>,
      %reduce_min3A_1788 = arith.constant true
      %reduce_min3A_1789 = vector.broadcast %reduce_min3A_1788 : i1 to vector<16xi1>
      %reduce_min3A_1790 = tpu.scan <min>, %get3A_1764 masked %reduce_min3A_1789 : vector<16xf32>, vector<16xi1> -> vector<16xf32>
      %reduce_min3A_1791 = vector.extract %reduce_min3A_1790[15] : f32 from vector<16xf32>
      %min3A_1792 = arith.minimumf %min3A_1762, %reduce_min3A_1791 : f32
      %get3A_1793 = arith.constant 192 : index
      %get3A_1794 = tpu.vector_load %arg6[%get3A_1793] {strides = array<i32>} : memref<272xf32, #tpu.memory_space<vmem>>, vector<16xf32>,
      %neg3A_1795 = arith.constant 0.000000e+00 : f32
      %neg3A_1796 = vector.broadcast %neg3A_1795 : f32 to vector<16xf32>
      %neg3A_1797 = arith.subf %neg3A_1796, %get3A_1794 : vector<16xf32>
      %rev3A_1798 = arith.constant 15 : i32
      %rev3A_1799 = vector.broadcast %rev3A_1798 : i32 to vector<16xi32>
      %rev3A_1800 = tpu.iota {dimensions = array<i32: 0>} : vector<16xi32>
      %rev3A_1801 = arith.subi %rev3A_1799, %rev3A_1800 : vector<16xi32>
      %rev3A_1802 = tpu.dynamic_gather %neg3A_1797[%rev3A_1801] in [0] : vector<16xf32>, vector<16xi32> -> vector<16xf32>
      %broadcast_in_dim3A_1803 = arith.constant true
      %broadcast_in_dim3A_1804 = vector.broadcast %broadcast_in_dim3A_1803 : i1 to vector<16xi1>
      %masked_cummax3A_1805 = tpu.scan <max>, %rev3A_1802 masked %broadcast_in_dim3A_1804 : vector<16xf32>, vector<16xi1> -> vector<16xf32>
      %rev3A_1806 = arith.constant 15 : i32
      %rev3A_1807 = vector.broadcast %rev3A_1806 : i32 to vector<16xi32>
      %rev3A_1808 = tpu.iota {dimensions = array<i32: 0>} : vector<16xi32>
      %rev3A_1809 = arith.subi %rev3A_1807, %rev3A_1808 : vector<16xi32>
      %rev3A_1810 = tpu.dynamic_gather %masked_cummax3A_1805[%rev3A_1809] in [0] : vector<16xf32>, vector<16xi32> -> vector<16xf32>
      %neg3A_1811 = arith.constant 0.000000e+00 : f32
      %neg3A_1812 = vector.broadcast %neg3A_1811 : f32 to vector<16xf32>
      %neg3A_1813 = arith.subf %neg3A_1812, %rev3A_1810 : vector<16xf32>
      %min3A_1814 = vector.broadcast %min3A_1792 : f32 to vector<16xf32>
      %min3A_1815 = arith.minimumf %neg3A_1813, %min3A_1814 : vector<16xf32>
      %swap3A_1816 = arith.constant 192 : index
      %swap3A_1817 = tpu.vector_load %arg13[%swap3A_1816] {strides = array<i32>} : memref<272xf32, #tpu.memory_space<vmem>>, vector<16xf32>,
      tpu.vector_store %arg13[%swap3A_1816], %min3A_1815 {strides = array<i32>} : memref<272xf32, #tpu.memory_space<vmem>>, vector<16xf32>,
      %reduce_min3A_1818 = arith.constant true
      %reduce_min3A_1819 = vector.broadcast %reduce_min3A_1818 : i1 to vector<16xi1>
      %reduce_min3A_1820 = tpu.scan <min>, %get3A_1794 masked %reduce_min3A_1819 : vector<16xf32>, vector<16xi1> -> vector<16xf32>
      %reduce_min3A_1821 = vector.extract %reduce_min3A_1820[15] : f32 from vector<16xf32>
      %min3A_1822 = arith.minimumf %min3A_1792, %reduce_min3A_1821 : f32
      %get3A_1823 = arith.constant 176 : index
      %get3A_1824 = tpu.vector_load %arg6[%get3A_1823] {strides = array<i32>} : memref<272xf32, #tpu.memory_space<vmem>>, vector<16xf32>,
      %neg3A_1825 = arith.constant 0.000000e+00 : f32
      %neg3A_1826 = vector.broadcast %neg3A_1825 : f32 to vector<16xf32>
      %neg3A_1827 = arith.subf %neg3A_1826, %get3A_1824 : vector<16xf32>
      %rev3A_1828 = arith.constant 15 : i32
      %rev3A_1829 = vector.broadcast %rev3A_1828 : i32 to vector<16xi32>
      %rev3A_1830 = tpu.iota {dimensions = array<i32: 0>} : vector<16xi32>
      %rev3A_1831 = arith.subi %rev3A_1829, %rev3A_1830 : vector<16xi32>
      %rev3A_1832 = tpu.dynamic_gather %neg3A_1827[%rev3A_1831] in [0] : vector<16xf32>, vector<16xi32> -> vector<16xf32>
      %broadcast_in_dim3A_1833 = arith.constant true
      %broadcast_in_dim3A_1834 = vector.broadcast %broadcast_in_dim3A_1833 : i1 to vector<16xi1>
      %masked_cummax3A_1835 = tpu.scan <max>, %rev3A_1832 masked %broadcast_in_dim3A_1834 : vector<16xf32>, vector<16xi1> -> vector<16xf32>
      %rev3A_1836 = arith.constant 15 : i32
      %rev3A_1837 = vector.broadcast %rev3A_1836 : i32 to vector<16xi32>
      %rev3A_1838 = tpu.iota {dimensions = array<i32: 0>} : vector<16xi32>
      %rev3A_1839 = arith.subi %rev3A_1837, %rev3A_1838 : vector<16xi32>
      %rev3A_1840 = tpu.dynamic_gather %masked_cummax3A_1835[%rev3A_1839] in [0] : vector<16xf32>, vector<16xi32> -> vector<16xf32>
      %neg3A_1841 = arith.constant 0.000000e+00 : f32
      %neg3A_1842 = vector.broadcast %neg3A_1841 : f32 to vector<16xf32>
      %neg3A_1843 = arith.subf %neg3A_1842, %rev3A_1840 : vector<16xf32>
      %min3A_1844 = vector.broadcast %min3A_1822 : f32 to vector<16xf32>
      %min3A_1845 = arith.minimumf %neg3A_1843, %min3A_1844 : vector<16xf32>
      %swap3A_1846 = arith.constant 176 : index
      %swap3A_1847 = tpu.vector_load %arg13[%swap3A_1846] {strides = array<i32>} : memref<272xf32, #tpu.memory_space<vmem>>, vector<16xf32>,
      tpu.vector_store %arg13[%swap3A_1846], %min3A_1845 {strides = array<i32>} : memref<272xf32, #tpu.memory_space<vmem>>, vector<16xf32>,
      %reduce_min3A_1848 = arith.constant true
      %reduce_min3A_1849 = vector.broadcast %reduce_min3A_1848 : i1 to vector<16xi1>
      %reduce_min3A_1850 = tpu.scan <min>, %get3A_1824 masked %reduce_min3A_1849 : vector<16xf32>, vector<16xi1> -> vector<16xf32>
      %reduce_min3A_1851 = vector.extract %reduce_min3A_1850[15] : f32 from vector<16xf32>
      %min3A_1852 = arith.minimumf %min3A_1822, %reduce_min3A_1851 : f32
      %get3A_1853 = arith.constant 160 : index
      %get3A_1854 = tpu.vector_load %arg6[%get3A_1853] {strides = array<i32>} : memref<272xf32, #tpu.memory_space<vmem>>, vector<16xf32>,
      %neg3A_1855 = arith.constant 0.000000e+00 : f32
      %neg3A_1856 = vector.broadcast %neg3A_1855 : f32 to vector<16xf32>
      %neg3A_1857 = arith.subf %neg3A_1856, %get3A_1854 : vector<16xf32>
      %rev3A_1858 = arith.constant 15 : i32
      %rev3A_1859 = vector.broadcast %rev3A_1858 : i32 to vector<16xi32>
      %rev3A_1860 = tpu.iota {dimensions = array<i32: 0>} : vector<16xi32>
      %rev3A_1861 = arith.subi %rev3A_1859, %rev3A_1860 : vector<16xi32>
      %rev3A_1862 = tpu.dynamic_gather %neg3A_1857[%rev3A_1861] in [0] : vector<16xf32>, vector<16xi32> -> vector<16xf32>
      %broadcast_in_dim3A_1863 = arith.constant true
      %broadcast_in_dim3A_1864 = vector.broadcast %broadcast_in_dim3A_1863 : i1 to vector<16xi1>
      %masked_cummax3A_1865 = tpu.scan <max>, %rev3A_1862 masked %broadcast_in_dim3A_1864 : vector<16xf32>, vector<16xi1> -> vector<16xf32>
      %rev3A_1866 = arith.constant 15 : i32
      %rev3A_1867 = vector.broadcast %rev3A_1866 : i32 to vector<16xi32>
      %rev3A_1868 = tpu.iota {dimensions = array<i32: 0>} : vector<16xi32>
      %rev3A_1869 = arith.subi %rev3A_1867, %rev3A_1868 : vector<16xi32>
      %rev3A_1870 = tpu.dynamic_gather %masked_cummax3A_1865[%rev3A_1869] in [0] : vector<16xf32>, vector<16xi32> -> vector<16xf32>
      %neg3A_1871 = arith.constant 0.000000e+00 : f32
      %neg3A_1872 = vector.broadcast %neg3A_1871 : f32 to vector<16xf32>
      %neg3A_1873 = arith.subf %neg3A_1872, %rev3A_1870 : vector<16xf32>
      %min3A_1874 = vector.broadcast %min3A_1852 : f32 to vector<16xf32>
      %min3A_1875 = arith.minimumf %neg3A_1873, %min3A_1874 : vector<16xf32>
      %swap3A_1876 = arith.constant 160 : index
      %swap3A_1877 = tpu.vector_load %arg13[%swap3A_1876] {strides = array<i32>} : memref<272xf32, #tpu.memory_space<vmem>>, vector<16xf32>,
      tpu.vector_store %arg13[%swap3A_1876], %min3A_1875 {strides = array<i32>} : memref<272xf32, #tpu.memory_space<vmem>>, vector<16xf32>,
      %reduce_min3A_1878 = arith.constant true
      %reduce_min3A_1879 = vector.broadcast %reduce_min3A_1878 : i1 to vector<16xi1>
      %reduce_min3A_1880 = tpu.scan <min>, %get3A_1854 masked %reduce_min3A_1879 : vector<16xf32>, vector<16xi1> -> vector<16xf32>
      %reduce_min3A_1881 = vector.extract %reduce_min3A_1880[15] : f32 from vector<16xf32>
      %min3A_1882 = arith.minimumf %min3A_1852, %reduce_min3A_1881 : f32
      %get3A_1883 = arith.constant 144 : index
      %get3A_1884 = tpu.vector_load %arg6[%get3A_1883] {strides = array<i32>} : memref<272xf32, #tpu.memory_space<vmem>>, vector<16xf32>,
      %neg3A_1885 = arith.constant 0.000000e+00 : f32
      %neg3A_1886 = vector.broadcast %neg3A_1885 : f32 to vector<16xf32>
      %neg3A_1887 = arith.subf %neg3A_1886, %get3A_1884 : vector<16xf32>
      %rev3A_1888 = arith.constant 15 : i32
      %rev3A_1889 = vector.broadcast %rev3A_1888 : i32 to vector<16xi32>
      %rev3A_1890 = tpu.iota {dimensions = array<i32: 0>} : vector<16xi32>
      %rev3A_1891 = arith.subi %rev3A_1889, %rev3A_1890 : vector<16xi32>
      %rev3A_1892 = tpu.dynamic_gather %neg3A_1887[%rev3A_1891] in [0] : vector<16xf32>, vector<16xi32> -> vector<16xf32>
      %broadcast_in_dim3A_1893 = arith.constant true
      %broadcast_in_dim3A_1894 = vector.broadcast %broadcast_in_dim3A_1893 : i1 to vector<16xi1>
      %masked_cummax3A_1895 = tpu.scan <max>, %rev3A_1892 masked %broadcast_in_dim3A_1894 : vector<16xf32>, vector<16xi1> -> vector<16xf32>
      %rev3A_1896 = arith.constant 15 : i32
      %rev3A_1897 = vector.broadcast %rev3A_1896 : i32 to vector<16xi32>
      %rev3A_1898 = tpu.iota {dimensions = array<i32: 0>} : vector<16xi32>
      %rev3A_1899 = arith.subi %rev3A_1897, %rev3A_1898 : vector<16xi32>
      %rev3A_1900 = tpu.dynamic_gather %masked_cummax3A_1895[%rev3A_1899] in [0] : vector<16xf32>, vector<16xi32> -> vector<16xf32>
      %neg3A_1901 = arith.constant 0.000000e+00 : f32
      %neg3A_1902 = vector.broadcast %neg3A_1901 : f32 to vector<16xf32>
      %neg3A_1903 = arith.subf %neg3A_1902, %rev3A_1900 : vector<16xf32>
      %min3A_1904 = vector.broadcast %min3A_1882 : f32 to vector<16xf32>
      %min3A_1905 = arith.minimumf %neg3A_1903, %min3A_1904 : vector<16xf32>
      %swap3A_1906 = arith.constant 144 : index
      %swap3A_1907 = tpu.vector_load %arg13[%swap3A_1906] {strides = array<i32>} : memref<272xf32, #tpu.memory_space<vmem>>, vector<16xf32>,
      tpu.vector_store %arg13[%swap3A_1906], %min3A_1905 {strides = array<i32>} : memref<272xf32, #tpu.memory_space<vmem>>, vector<16xf32>,
      %reduce_min3A_1908 = arith.constant true
      %reduce_min3A_1909 = vector.broadcast %reduce_min3A_1908 : i1 to vector<16xi1>
      %reduce_min3A_1910 = tpu.scan <min>, %get3A_1884 masked %reduce_min3A_1909 : vector<16xf32>, vector<16xi1> -> vector<16xf32>
      %reduce_min3A_1911 = vector.extract %reduce_min3A_1910[15] : f32 from vector<16xf32>
      %min3A_1912 = arith.minimumf %min3A_1882, %reduce_min3A_1911 : f32
      %get3A_1913 = arith.constant 128 : index
      %get3A_1914 = tpu.vector_load %arg6[%get3A_1913] {strides = array<i32>} : memref<272xf32, #tpu.memory_space<vmem>>, vector<16xf32>,
      %neg3A_1915 = arith.constant 0.000000e+00 : f32
      %neg3A_1916 = vector.broadcast %neg3A_1915 : f32 to vector<16xf32>
      %neg3A_1917 = arith.subf %neg3A_1916, %get3A_1914 : vector<16xf32>
      %rev3A_1918 = arith.constant 15 : i32
      %rev3A_1919 = vector.broadcast %rev3A_1918 : i32 to vector<16xi32>
      %rev3A_1920 = tpu.iota {dimensions = array<i32: 0>} : vector<16xi32>
      %rev3A_1921 = arith.subi %rev3A_1919, %rev3A_1920 : vector<16xi32>
      %rev3A_1922 = tpu.dynamic_gather %neg3A_1917[%rev3A_1921] in [0] : vector<16xf32>, vector<16xi32> -> vector<16xf32>
      %broadcast_in_dim3A_1923 = arith.constant true
      %broadcast_in_dim3A_1924 = vector.broadcast %broadcast_in_dim3A_1923 : i1 to vector<16xi1>
      %masked_cummax3A_1925 = tpu.scan <max>, %rev3A_1922 masked %broadcast_in_dim3A_1924 : vector<16xf32>, vector<16xi1> -> vector<16xf32>
      %rev3A_1926 = arith.constant 15 : i32
      %rev3A_1927 = vector.broadcast %rev3A_1926 : i32 to vector<16xi32>
      %rev3A_1928 = tpu.iota {dimensions = array<i32: 0>} : vector<16xi32>
      %rev3A_1929 = arith.subi %rev3A_1927, %rev3A_1928 : vector<16xi32>
      %rev3A_1930 = tpu.dynamic_gather %masked_cummax3A_1925[%rev3A_1929] in [0] : vector<16xf32>, vector<16xi32> -> vector<16xf32>
      %neg3A_1931 = arith.constant 0.000000e+00 : f32
      %neg3A_1932 = vector.broadcast %neg3A_1931 : f32 to vector<16xf32>
      %neg3A_1933 = arith.subf %neg3A_1932, %rev3A_1930 : vector<16xf32>
      %min3A_1934 = vector.broadcast %min3A_1912 : f32 to vector<16xf32>
      %min3A_1935 = arith.minimumf %neg3A_1933, %min3A_1934 : vector<16xf32>
      %swap3A_1936 = arith.constant 128 : index
      %swap3A_1937 = tpu.vector_load %arg13[%swap3A_1936] {strides = array<i32>} : memref<272xf32, #tpu.memory_space<vmem>>, vector<16xf32>,
      tpu.vector_store %arg13[%swap3A_1936], %min3A_1935 {strides = array<i32>} : memref<272xf32, #tpu.memory_space<vmem>>, vector<16xf32>,
      %reduce_min3A_1938 = arith.constant true
      %reduce_min3A_1939 = vector.broadcast %reduce_min3A_1938 : i1 to vector<16xi1>
      %reduce_min3A_1940 = tpu.scan <min>, %get3A_1914 masked %reduce_min3A_1939 : vector<16xf32>, vector<16xi1> -> vector<16xf32>
      %reduce_min3A_1941 = vector.extract %reduce_min3A_1940[15] : f32 from vector<16xf32>
      %min3A_1942 = arith.minimumf %min3A_1912, %reduce_min3A_1941 : f32
      %get3A_1943 = arith.constant 112 : index
      %get3A_1944 = tpu.vector_load %arg6[%get3A_1943] {strides = array<i32>} : memref<272xf32, #tpu.memory_space<vmem>>, vector<16xf32>,
      %neg3A_1945 = arith.constant 0.000000e+00 : f32
      %neg3A_1946 = vector.broadcast %neg3A_1945 : f32 to vector<16xf32>
      %neg3A_1947 = arith.subf %neg3A_1946, %get3A_1944 : vector<16xf32>
      %rev3A_1948 = arith.constant 15 : i32
      %rev3A_1949 = vector.broadcast %rev3A_1948 : i32 to vector<16xi32>
      %rev3A_1950 = tpu.iota {dimensions = array<i32: 0>} : vector<16xi32>
      %rev3A_1951 = arith.subi %rev3A_1949, %rev3A_1950 : vector<16xi32>
      %rev3A_1952 = tpu.dynamic_gather %neg3A_1947[%rev3A_1951] in [0] : vector<16xf32>, vector<16xi32> -> vector<16xf32>
      %broadcast_in_dim3A_1953 = arith.constant true
      %broadcast_in_dim3A_1954 = vector.broadcast %broadcast_in_dim3A_1953 : i1 to vector<16xi1>
      %masked_cummax3A_1955 = tpu.scan <max>, %rev3A_1952 masked %broadcast_in_dim3A_1954 : vector<16xf32>, vector<16xi1> -> vector<16xf32>
      %rev3A_1956 = arith.constant 15 : i32
      %rev3A_1957 = vector.broadcast %rev3A_1956 : i32 to vector<16xi32>
      %rev3A_1958 = tpu.iota {dimensions = array<i32: 0>} : vector<16xi32>
      %rev3A_1959 = arith.subi %rev3A_1957, %rev3A_1958 : vector<16xi32>
      %rev3A_1960 = tpu.dynamic_gather %masked_cummax3A_1955[%rev3A_1959] in [0] : vector<16xf32>, vector<16xi32> -> vector<16xf32>
      %neg3A_1961 = arith.constant 0.000000e+00 : f32
      %neg3A_1962 = vector.broadcast %neg3A_1961 : f32 to vector<16xf32>
      %neg3A_1963 = arith.subf %neg3A_1962, %rev3A_1960 : vector<16xf32>
      %min3A_1964 = vector.broadcast %min3A_1942 : f32 to vector<16xf32>
      %min3A_1965 = arith.minimumf %neg3A_1963, %min3A_1964 : vector<16xf32>
      %swap3A_1966 = arith.constant 112 : index
      %swap3A_1967 = tpu.vector_load %arg13[%swap3A_1966] {strides = array<i32>} : memref<272xf32, #tpu.memory_space<vmem>>, vector<16xf32>,
      tpu.vector_store %arg13[%swap3A_1966], %min3A_1965 {strides = array<i32>} : memref<272xf32, #tpu.memory_space<vmem>>, vector<16xf32>,
      %reduce_min3A_1968 = arith.constant true
      %reduce_min3A_1969 = vector.broadcast %reduce_min3A_1968 : i1 to vector<16xi1>
      %reduce_min3A_1970 = tpu.scan <min>, %get3A_1944 masked %reduce_min3A_1969 : vector<16xf32>, vector<16xi1> -> vector<16xf32>
      %reduce_min3A_1971 = vector.extract %reduce_min3A_1970[15] : f32 from vector<16xf32>
      %min3A_1972 = arith.minimumf %min3A_1942, %reduce_min3A_1971 : f32
      %get3A_1973 = arith.constant 96 : index
      %get3A_1974 = tpu.vector_load %arg6[%get3A_1973] {strides = array<i32>} : memref<272xf32, #tpu.memory_space<vmem>>, vector<16xf32>,
      %neg3A_1975 = arith.constant 0.000000e+00 : f32
      %neg3A_1976 = vector.broadcast %neg3A_1975 : f32 to vector<16xf32>
      %neg3A_1977 = arith.subf %neg3A_1976, %get3A_1974 : vector<16xf32>
      %rev3A_1978 = arith.constant 15 : i32
      %rev3A_1979 = vector.broadcast %rev3A_1978 : i32 to vector<16xi32>
      %rev3A_1980 = tpu.iota {dimensions = array<i32: 0>} : vector<16xi32>
      %rev3A_1981 = arith.subi %rev3A_1979, %rev3A_1980 : vector<16xi32>
      %rev3A_1982 = tpu.dynamic_gather %neg3A_1977[%rev3A_1981] in [0] : vector<16xf32>, vector<16xi32> -> vector<16xf32>
      %broadcast_in_dim3A_1983 = arith.constant true
      %broadcast_in_dim3A_1984 = vector.broadcast %broadcast_in_dim3A_1983 : i1 to vector<16xi1>
      %masked_cummax3A_1985 = tpu.scan <max>, %rev3A_1982 masked %broadcast_in_dim3A_1984 : vector<16xf32>, vector<16xi1> -> vector<16xf32>
      %rev3A_1986 = arith.constant 15 : i32
      %rev3A_1987 = vector.broadcast %rev3A_1986 : i32 to vector<16xi32>
      %rev3A_1988 = tpu.iota {dimensions = array<i32: 0>} : vector<16xi32>
      %rev3A_1989 = arith.subi %rev3A_1987, %rev3A_1988 : vector<16xi32>
      %rev3A_1990 = tpu.dynamic_gather %masked_cummax3A_1985[%rev3A_1989] in [0] : vector<16xf32>, vector<16xi32> -> vector<16xf32>
      %neg3A_1991 = arith.constant 0.000000e+00 : f32
      %neg3A_1992 = vector.broadcast %neg3A_1991 : f32 to vector<16xf32>
      %neg3A_1993 = arith.subf %neg3A_1992, %rev3A_1990 : vector<16xf32>
      %min3A_1994 = vector.broadcast %min3A_1972 : f32 to vector<16xf32>
      %min3A_1995 = arith.minimumf %neg3A_1993, %min3A_1994 : vector<16xf32>
      %swap3A_1996 = arith.constant 96 : index
      %swap3A_1997 = tpu.vector_load %arg13[%swap3A_1996] {strides = array<i32>} : memref<272xf32, #tpu.memory_space<vmem>>, vector<16xf32>,
      tpu.vector_store %arg13[%swap3A_1996], %min3A_1995 {strides = array<i32>} : memref<272xf32, #tpu.memory_space<vmem>>, vector<16xf32>,
      %reduce_min3A_1998 = arith.constant true
      %reduce_min3A_1999 = vector.broadcast %reduce_min3A_1998 : i1 to vector<16xi1>
      %reduce_min3A_2000 = tpu.scan <min>, %get3A_1974 masked %reduce_min3A_1999 : vector<16xf32>, vector<16xi1> -> vector<16xf32>
      %reduce_min3A_2001 = vector.extract %reduce_min3A_2000[15] : f32 from vector<16xf32>
      %min3A_2002 = arith.minimumf %min3A_1972, %reduce_min3A_2001 : f32
      %get3A_2003 = arith.constant 80 : index
      %get3A_2004 = tpu.vector_load %arg6[%get3A_2003] {strides = array<i32>} : memref<272xf32, #tpu.memory_space<vmem>>, vector<16xf32>,
      %neg3A_2005 = arith.constant 0.000000e+00 : f32
      %neg3A_2006 = vector.broadcast %neg3A_2005 : f32 to vector<16xf32>
      %neg3A_2007 = arith.subf %neg3A_2006, %get3A_2004 : vector<16xf32>
      %rev3A_2008 = arith.constant 15 : i32
      %rev3A_2009 = vector.broadcast %rev3A_2008 : i32 to vector<16xi32>
      %rev3A_2010 = tpu.iota {dimensions = array<i32: 0>} : vector<16xi32>
      %rev3A_2011 = arith.subi %rev3A_2009, %rev3A_2010 : vector<16xi32>
      %rev3A_2012 = tpu.dynamic_gather %neg3A_2007[%rev3A_2011] in [0] : vector<16xf32>, vector<16xi32> -> vector<16xf32>
      %broadcast_in_dim3A_2013 = arith.constant true
      %broadcast_in_dim3A_2014 = vector.broadcast %broadcast_in_dim3A_2013 : i1 to vector<16xi1>
      %masked_cummax3A_2015 = tpu.scan <max>, %rev3A_2012 masked %broadcast_in_dim3A_2014 : vector<16xf32>, vector<16xi1> -> vector<16xf32>
      %rev3A_2016 = arith.constant 15 : i32
      %rev3A_2017 = vector.broadcast %rev3A_2016 : i32 to vector<16xi32>
      %rev3A_2018 = tpu.iota {dimensions = array<i32: 0>} : vector<16xi32>
      %rev3A_2019 = arith.subi %rev3A_2017, %rev3A_2018 : vector<16xi32>
      %rev3A_2020 = tpu.dynamic_gather %masked_cummax3A_2015[%rev3A_2019] in [0] : vector<16xf32>, vector<16xi32> -> vector<16xf32>
      %neg3A_2021 = arith.constant 0.000000e+00 : f32
      %neg3A_2022 = vector.broadcast %neg3A_2021 : f32 to vector<16xf32>
      %neg3A_2023 = arith.subf %neg3A_2022, %rev3A_2020 : vector<16xf32>
      %min3A_2024 = vector.broadcast %min3A_2002 : f32 to vector<16xf32>
      %min3A_2025 = arith.minimumf %neg3A_2023, %min3A_2024 : vector<16xf32>
      %swap3A_2026 = arith.constant 80 : index
      %swap3A_2027 = tpu.vector_load %arg13[%swap3A_2026] {strides = array<i32>} : memref<272xf32, #tpu.memory_space<vmem>>, vector<16xf32>,
      tpu.vector_store %arg13[%swap3A_2026], %min3A_2025 {strides = array<i32>} : memref<272xf32, #tpu.memory_space<vmem>>, vector<16xf32>,
      %reduce_min3A_2028 = arith.constant true
      %reduce_min3A_2029 = vector.broadcast %reduce_min3A_2028 : i1 to vector<16xi1>
      %reduce_min3A_2030 = tpu.scan <min>, %get3A_2004 masked %reduce_min3A_2029 : vector<16xf32>, vector<16xi1> -> vector<16xf32>
      %reduce_min3A_2031 = vector.extract %reduce_min3A_2030[15] : f32 from vector<16xf32>
      %min3A_2032 = arith.minimumf %min3A_2002, %reduce_min3A_2031 : f32
      %get3A_2033 = arith.constant 64 : index
      %get3A_2034 = tpu.vector_load %arg6[%get3A_2033] {strides = array<i32>} : memref<272xf32, #tpu.memory_space<vmem>>, vector<16xf32>,
      %neg3A_2035 = arith.constant 0.000000e+00 : f32
      %neg3A_2036 = vector.broadcast %neg3A_2035 : f32 to vector<16xf32>
      %neg3A_2037 = arith.subf %neg3A_2036, %get3A_2034 : vector<16xf32>
      %rev3A_2038 = arith.constant 15 : i32
      %rev3A_2039 = vector.broadcast %rev3A_2038 : i32 to vector<16xi32>
      %rev3A_2040 = tpu.iota {dimensions = array<i32: 0>} : vector<16xi32>
      %rev3A_2041 = arith.subi %rev3A_2039, %rev3A_2040 : vector<16xi32>
      %rev3A_2042 = tpu.dynamic_gather %neg3A_2037[%rev3A_2041] in [0] : vector<16xf32>, vector<16xi32> -> vector<16xf32>
      %broadcast_in_dim3A_2043 = arith.constant true
      %broadcast_in_dim3A_2044 = vector.broadcast %broadcast_in_dim3A_2043 : i1 to vector<16xi1>
      %masked_cummax3A_2045 = tpu.scan <max>, %rev3A_2042 masked %broadcast_in_dim3A_2044 : vector<16xf32>, vector<16xi1> -> vector<16xf32>
      %rev3A_2046 = arith.constant 15 : i32
      %rev3A_2047 = vector.broadcast %rev3A_2046 : i32 to vector<16xi32>
      %rev3A_2048 = tpu.iota {dimensions = array<i32: 0>} : vector<16xi32>
      %rev3A_2049 = arith.subi %rev3A_2047, %rev3A_2048 : vector<16xi32>
      %rev3A_2050 = tpu.dynamic_gather %masked_cummax3A_2045[%rev3A_2049] in [0] : vector<16xf32>, vector<16xi32> -> vector<16xf32>
      %neg3A_2051 = arith.constant 0.000000e+00 : f32
      %neg3A_2052 = vector.broadcast %neg3A_2051 : f32 to vector<16xf32>
      %neg3A_2053 = arith.subf %neg3A_2052, %rev3A_2050 : vector<16xf32>
      %min3A_2054 = vector.broadcast %min3A_2032 : f32 to vector<16xf32>
      %min3A_2055 = arith.minimumf %neg3A_2053, %min3A_2054 : vector<16xf32>
      %swap3A_2056 = arith.constant 64 : index
      %swap3A_2057 = tpu.vector_load %arg13[%swap3A_2056] {strides = array<i32>} : memref<272xf32, #tpu.memory_space<vmem>>, vector<16xf32>,
      tpu.vector_store %arg13[%swap3A_2056], %min3A_2055 {strides = array<i32>} : memref<272xf32, #tpu.memory_space<vmem>>, vector<16xf32>,
      %reduce_min3A_2058 = arith.constant true
      %reduce_min3A_2059 = vector.broadcast %reduce_min3A_2058 : i1 to vector<16xi1>
      %reduce_min3A_2060 = tpu.scan <min>, %get3A_2034 masked %reduce_min3A_2059 : vector<16xf32>, vector<16xi1> -> vector<16xf32>
      %reduce_min3A_2061 = vector.extract %reduce_min3A_2060[15] : f32 from vector<16xf32>
      %min3A_2062 = arith.minimumf %min3A_2032, %reduce_min3A_2061 : f32
      %get3A_2063 = arith.constant 48 : index
      %get3A_2064 = tpu.vector_load %arg6[%get3A_2063] {strides = array<i32>} : memref<272xf32, #tpu.memory_space<vmem>>, vector<16xf32>,
      %neg3A_2065 = arith.constant 0.000000e+00 : f32
      %neg3A_2066 = vector.broadcast %neg3A_2065 : f32 to vector<16xf32>
      %neg3A_2067 = arith.subf %neg3A_2066, %get3A_2064 : vector<16xf32>
      %rev3A_2068 = arith.constant 15 : i32
      %rev3A_2069 = vector.broadcast %rev3A_2068 : i32 to vector<16xi32>
      %rev3A_2070 = tpu.iota {dimensions = array<i32: 0>} : vector<16xi32>
      %rev3A_2071 = arith.subi %rev3A_2069, %rev3A_2070 : vector<16xi32>
      %rev3A_2072 = tpu.dynamic_gather %neg3A_2067[%rev3A_2071] in [0] : vector<16xf32>, vector<16xi32> -> vector<16xf32>
      %broadcast_in_dim3A_2073 = arith.constant true
      %broadcast_in_dim3A_2074 = vector.broadcast %broadcast_in_dim3A_2073 : i1 to vector<16xi1>
      %masked_cummax3A_2075 = tpu.scan <max>, %rev3A_2072 masked %broadcast_in_dim3A_2074 : vector<16xf32>, vector<16xi1> -> vector<16xf32>
      %rev3A_2076 = arith.constant 15 : i32
      %rev3A_2077 = vector.broadcast %rev3A_2076 : i32 to vector<16xi32>
      %rev3A_2078 = tpu.iota {dimensions = array<i32: 0>} : vector<16xi32>
      %rev3A_2079 = arith.subi %rev3A_2077, %rev3A_2078 : vector<16xi32>
      %rev3A_2080 = tpu.dynamic_gather %masked_cummax3A_2075[%rev3A_2079] in [0] : vector<16xf32>, vector<16xi32> -> vector<16xf32>
      %neg3A_2081 = arith.constant 0.000000e+00 : f32
      %neg3A_2082 = vector.broadcast %neg3A_2081 : f32 to vector<16xf32>
      %neg3A_2083 = arith.subf %neg3A_2082, %rev3A_2080 : vector<16xf32>
      %min3A_2084 = vector.broadcast %min3A_2062 : f32 to vector<16xf32>
      %min3A_2085 = arith.minimumf %neg3A_2083, %min3A_2084 : vector<16xf32>
      %swap3A_2086 = arith.constant 48 : index
      %swap3A_2087 = tpu.vector_load %arg13[%swap3A_2086] {strides = array<i32>} : memref<272xf32, #tpu.memory_space<vmem>>, vector<16xf32>,
      tpu.vector_store %arg13[%swap3A_2086], %min3A_2085 {strides = array<i32>} : memref<272xf32, #tpu.memory_space<vmem>>, vector<16xf32>,
      %reduce_min3A_2088 = arith.constant true
      %reduce_min3A_2089 = vector.broadcast %reduce_min3A_2088 : i1 to vector<16xi1>
      %reduce_min3A_2090 = tpu.scan <min>, %get3A_2064 masked %reduce_min3A_2089 : vector<16xf32>, vector<16xi1> -> vector<16xf32>
      %reduce_min3A_2091 = vector.extract %reduce_min3A_2090[15] : f32 from vector<16xf32>
      %min3A_2092 = arith.minimumf %min3A_2062, %reduce_min3A_2091 : f32
      %get3A_2093 = arith.constant 32 : index
      %get3A_2094 = tpu.vector_load %arg6[%get3A_2093] {strides = array<i32>} : memref<272xf32, #tpu.memory_space<vmem>>, vector<16xf32>,
      %neg3A_2095 = arith.constant 0.000000e+00 : f32
      %neg3A_2096 = vector.broadcast %neg3A_2095 : f32 to vector<16xf32>
      %neg3A_2097 = arith.subf %neg3A_2096, %get3A_2094 : vector<16xf32>
      %rev3A_2098 = arith.constant 15 : i32
      %rev3A_2099 = vector.broadcast %rev3A_2098 : i32 to vector<16xi32>
      %rev3A_2100 = tpu.iota {dimensions = array<i32: 0>} : vector<16xi32>
      %rev3A_2101 = arith.subi %rev3A_2099, %rev3A_2100 : vector<16xi32>
      %rev3A_2102 = tpu.dynamic_gather %neg3A_2097[%rev3A_2101] in [0] : vector<16xf32>, vector<16xi32> -> vector<16xf32>
      %broadcast_in_dim3A_2103 = arith.constant true
      %broadcast_in_dim3A_2104 = vector.broadcast %broadcast_in_dim3A_2103 : i1 to vector<16xi1>
      %masked_cummax3A_2105 = tpu.scan <max>, %rev3A_2102 masked %broadcast_in_dim3A_2104 : vector<16xf32>, vector<16xi1> -> vector<16xf32>
      %rev3A_2106 = arith.constant 15 : i32
      %rev3A_2107 = vector.broadcast %rev3A_2106 : i32 to vector<16xi32>
      %rev3A_2108 = tpu.iota {dimensions = array<i32: 0>} : vector<16xi32>
      %rev3A_2109 = arith.subi %rev3A_2107, %rev3A_2108 : vector<16xi32>
      %rev3A_2110 = tpu.dynamic_gather %masked_cummax3A_2105[%rev3A_2109] in [0] : vector<16xf32>, vector<16xi32> -> vector<16xf32>
      %neg3A_2111 = arith.constant 0.000000e+00 : f32
      %neg3A_2112 = vector.broadcast %neg3A_2111 : f32 to vector<16xf32>
      %neg3A_2113 = arith.subf %neg3A_2112, %rev3A_2110 : vector<16xf32>
      %min3A_2114 = vector.broadcast %min3A_2092 : f32 to vector<16xf32>
      %min3A_2115 = arith.minimumf %neg3A_2113, %min3A_2114 : vector<16xf32>
      %swap3A_2116 = arith.constant 32 : index
      %swap3A_2117 = tpu.vector_load %arg13[%swap3A_2116] {strides = array<i32>} : memref<272xf32, #tpu.memory_space<vmem>>, vector<16xf32>,
      tpu.vector_store %arg13[%swap3A_2116], %min3A_2115 {strides = array<i32>} : memref<272xf32, #tpu.memory_space<vmem>>, vector<16xf32>,
      %reduce_min3A_2118 = arith.constant true
      %reduce_min3A_2119 = vector.broadcast %reduce_min3A_2118 : i1 to vector<16xi1>
      %reduce_min3A_2120 = tpu.scan <min>, %get3A_2094 masked %reduce_min3A_2119 : vector<16xf32>, vector<16xi1> -> vector<16xf32>
      %reduce_min3A_2121 = vector.extract %reduce_min3A_2120[15] : f32 from vector<16xf32>
      %min3A_2122 = arith.minimumf %min3A_2092, %reduce_min3A_2121 : f32
      %get3A_2123 = arith.constant 16 : index
      %get3A_2124 = tpu.vector_load %arg6[%get3A_2123] {strides = array<i32>} : memref<272xf32, #tpu.memory_space<vmem>>, vector<16xf32>,
      %neg3A_2125 = arith.constant 0.000000e+00 : f32
      %neg3A_2126 = vector.broadcast %neg3A_2125 : f32 to vector<16xf32>
      %neg3A_2127 = arith.subf %neg3A_2126, %get3A_2124 : vector<16xf32>
      %rev3A_2128 = arith.constant 15 : i32
      %rev3A_2129 = vector.broadcast %rev3A_2128 : i32 to vector<16xi32>
      %rev3A_2130 = tpu.iota {dimensions = array<i32: 0>} : vector<16xi32>
      %rev3A_2131 = arith.subi %rev3A_2129, %rev3A_2130 : vector<16xi32>
      %rev3A_2132 = tpu.dynamic_gather %neg3A_2127[%rev3A_2131] in [0] : vector<16xf32>, vector<16xi32> -> vector<16xf32>
      %broadcast_in_dim3A_2133 = arith.constant true
      %broadcast_in_dim3A_2134 = vector.broadcast %broadcast_in_dim3A_2133 : i1 to vector<16xi1>
      %masked_cummax3A_2135 = tpu.scan <max>, %rev3A_2132 masked %broadcast_in_dim3A_2134 : vector<16xf32>, vector<16xi1> -> vector<16xf32>
      %rev3A_2136 = arith.constant 15 : i32
      %rev3A_2137 = vector.broadcast %rev3A_2136 : i32 to vector<16xi32>
      %rev3A_2138 = tpu.iota {dimensions = array<i32: 0>} : vector<16xi32>
      %rev3A_2139 = arith.subi %rev3A_2137, %rev3A_2138 : vector<16xi32>
      %rev3A_2140 = tpu.dynamic_gather %masked_cummax3A_2135[%rev3A_2139] in [0] : vector<16xf32>, vector<16xi32> -> vector<16xf32>
      %neg3A_2141 = arith.constant 0.000000e+00 : f32
      %neg3A_2142 = vector.broadcast %neg3A_2141 : f32 to vector<16xf32>
      %neg3A_2143 = arith.subf %neg3A_2142, %rev3A_2140 : vector<16xf32>
      %min3A_2144 = vector.broadcast %min3A_2122 : f32 to vector<16xf32>
      %min3A_2145 = arith.minimumf %neg3A_2143, %min3A_2144 : vector<16xf32>
      %swap3A_2146 = arith.constant 16 : index
      %swap3A_2147 = tpu.vector_load %arg13[%swap3A_2146] {strides = array<i32>} : memref<272xf32, #tpu.memory_space<vmem>>, vector<16xf32>,
      tpu.vector_store %arg13[%swap3A_2146], %min3A_2145 {strides = array<i32>} : memref<272xf32, #tpu.memory_space<vmem>>, vector<16xf32>,
      %reduce_min3A_2148 = arith.constant true
      %reduce_min3A_2149 = vector.broadcast %reduce_min3A_2148 : i1 to vector<16xi1>
      %reduce_min3A_2150 = tpu.scan <min>, %get3A_2124 masked %reduce_min3A_2149 : vector<16xf32>, vector<16xi1> -> vector<16xf32>
      %reduce_min3A_2151 = vector.extract %reduce_min3A_2150[15] : f32 from vector<16xf32>
      %min3A_2152 = arith.minimumf %min3A_2122, %reduce_min3A_2151 : f32
      %get3A_2153 = arith.constant 0 : index
      %get3A_2154 = tpu.vector_load %arg6[%get3A_2153] {strides = array<i32>} : memref<272xf32, #tpu.memory_space<vmem>>, vector<16xf32>,
      %neg3A_2155 = arith.constant 0.000000e+00 : f32
      %neg3A_2156 = vector.broadcast %neg3A_2155 : f32 to vector<16xf32>
      %neg3A_2157 = arith.subf %neg3A_2156, %get3A_2154 : vector<16xf32>
      %rev3A_2158 = arith.constant 15 : i32
      %rev3A_2159 = vector.broadcast %rev3A_2158 : i32 to vector<16xi32>
      %rev3A_2160 = tpu.iota {dimensions = array<i32: 0>} : vector<16xi32>
      %rev3A_2161 = arith.subi %rev3A_2159, %rev3A_2160 : vector<16xi32>
      %rev3A_2162 = tpu.dynamic_gather %neg3A_2157[%rev3A_2161] in [0] : vector<16xf32>, vector<16xi32> -> vector<16xf32>
      %broadcast_in_dim3A_2163 = arith.constant true
      %broadcast_in_dim3A_2164 = vector.broadcast %broadcast_in_dim3A_2163 : i1 to vector<16xi1>
      %masked_cummax3A_2165 = tpu.scan <max>, %rev3A_2162 masked %broadcast_in_dim3A_2164 : vector<16xf32>, vector<16xi1> -> vector<16xf32>
      %rev3A_2166 = arith.constant 15 : i32
      %rev3A_2167 = vector.broadcast %rev3A_2166 : i32 to vector<16xi32>
      %rev3A_2168 = tpu.iota {dimensions = array<i32: 0>} : vector<16xi32>
      %rev3A_2169 = arith.subi %rev3A_2167, %rev3A_2168 : vector<16xi32>
      %rev3A_2170 = tpu.dynamic_gather %masked_cummax3A_2165[%rev3A_2169] in [0] : vector<16xf32>, vector<16xi32> -> vector<16xf32>
      %neg3A_2171 = arith.constant 0.000000e+00 : f32
      %neg3A_2172 = vector.broadcast %neg3A_2171 : f32 to vector<16xf32>
      %neg3A_2173 = arith.subf %neg3A_2172, %rev3A_2170 : vector<16xf32>
      %min3A_2174 = vector.broadcast %min3A_2152 : f32 to vector<16xf32>
      %min3A_2175 = arith.minimumf %neg3A_2173, %min3A_2174 : vector<16xf32>
      %swap3A_2176 = arith.constant 0 : index
      %swap3A_2177 = tpu.vector_load %arg13[%swap3A_2176] {strides = array<i32>} : memref<272xf32, #tpu.memory_space<vmem>>, vector<16xf32>,
      tpu.vector_store %arg13[%swap3A_2176], %min3A_2175 {strides = array<i32>} : memref<272xf32, #tpu.memory_space<vmem>>, vector<16xf32>,
      %reduce_min3A_2178 = arith.constant true
      %reduce_min3A_2179 = vector.broadcast %reduce_min3A_2178 : i1 to vector<16xi1>
      %reduce_min3A_2180 = tpu.scan <min>, %get3A_2154 masked %reduce_min3A_2179 : vector<16xf32>, vector<16xi1> -> vector<16xf32>
      %reduce_min3A_2181 = vector.extract %reduce_min3A_2180[15] : f32 from vector<16xf32>
      %min3A_2182 = arith.minimumf %min3A_2152, %reduce_min3A_2181 : f32
      %broadcast_in_dim3A_2183 = arith.constant 0.000000e+00 : f32
      %broadcast_in_dim3A_2184 = vector.broadcast %broadcast_in_dim3A_2183 : f32 to vector<16xf32>
      %broadcast_in_dim3A_2185 = arith.constant 0.000000e+00 : f32
      %broadcast_in_dim3A_2186 = vector.broadcast %broadcast_in_dim3A_2185 : f32 to vector<16xf32>
      %get3A_2187 = arith.constant 1 : index
      %get3A_2188 = tpu.vector_load %arg7[%get3A_2187] {strides = array<i32>} : memref<272xf32, #tpu.memory_space<vmem>>, vector<16xf32>,
      %get3A_2189 = arith.constant 0 : index
      %get3A_2190 = tpu.vector_load %arg9[%get3A_2189] {strides = array<i32>} : memref<272xf32, #tpu.memory_space<vmem>>, vector<16xf32>,
      %get3A_2191 = arith.constant 1 : index
      %get3A_2192 = tpu.vector_load %arg13[%get3A_2191] {strides = array<i32>} : memref<272xf32, #tpu.memory_space<vmem>>, vector<16xf32>,
      %sub3A = arith.subf %get3A_2188, %get3A_2190 : vector<16xf32>
      %sub3A_2193 = arith.subf %get3A_2192, %get3A_2188 : vector<16xf32>
      %mul3A_2194 = arith.mulf %sub3A, %sub3A : vector<16xf32>
      %mul3A_2195 = arith.mulf %sub3A_2193, %sub3A_2193 : vector<16xf32>
      %min3A_2196 = arith.minimumf %mul3A_2194, %mul3A_2195 : vector<16xf32>
      %add3A_2197 = arith.addf %broadcast_in_dim3A_2184, %min3A_2196 : vector<16xf32>
      %mul3A_2198 = arith.mulf %get3A_2188, %get3A_2188 : vector<16xf32>
      %min3A_2199 = arith.minimumf %min3A_2196, %mul3A_2198 : vector<16xf32>
      %add3A_2200 = arith.addf %broadcast_in_dim3A_2186, %min3A_2199 : vector<16xf32>
      %get3A_2201 = arith.constant 17 : index
      %get3A_2202 = tpu.vector_load %arg7[%get3A_2201] {strides = array<i32>} : memref<272xf32, #tpu.memory_space<vmem>>, vector<16xf32>,
      %get3A_2203 = arith.constant 16 : index
      %get3A_2204 = tpu.vector_load %arg9[%get3A_2203] {strides = array<i32>} : memref<272xf32, #tpu.memory_space<vmem>>, vector<16xf32>,
      %get3A_2205 = arith.constant 17 : index
      %get3A_2206 = tpu.vector_load %arg13[%get3A_2205] {strides = array<i32>} : memref<272xf32, #tpu.memory_space<vmem>>, vector<16xf32>,
      %sub3A_2207 = arith.subf %get3A_2202, %get3A_2204 : vector<16xf32>
      %sub3A_2208 = arith.subf %get3A_2206, %get3A_2202 : vector<16xf32>
      %mul3A_2209 = arith.mulf %sub3A_2207, %sub3A_2207 : vector<16xf32>
      %mul3A_2210 = arith.mulf %sub3A_2208, %sub3A_2208 : vector<16xf32>
      %min3A_2211 = arith.minimumf %mul3A_2209, %mul3A_2210 : vector<16xf32>
      %add3A_2212 = arith.addf %add3A_2197, %min3A_2211 : vector<16xf32>
      %mul3A_2213 = arith.mulf %get3A_2202, %get3A_2202 : vector<16xf32>
      %min3A_2214 = arith.minimumf %min3A_2211, %mul3A_2213 : vector<16xf32>
      %add3A_2215 = arith.addf %add3A_2200, %min3A_2214 : vector<16xf32>
      %get3A_2216 = arith.constant 33 : index
      %get3A_2217 = tpu.vector_load %arg7[%get3A_2216] {strides = array<i32>} : memref<272xf32, #tpu.memory_space<vmem>>, vector<16xf32>,
      %get3A_2218 = arith.constant 32 : index
      %get3A_2219 = tpu.vector_load %arg9[%get3A_2218] {strides = array<i32>} : memref<272xf32, #tpu.memory_space<vmem>>, vector<16xf32>,
      %get3A_2220 = arith.constant 33 : index
      %get3A_2221 = tpu.vector_load %arg13[%get3A_2220] {strides = array<i32>} : memref<272xf32, #tpu.memory_space<vmem>>, vector<16xf32>,
      %sub3A_2222 = arith.subf %get3A_2217, %get3A_2219 : vector<16xf32>
      %sub3A_2223 = arith.subf %get3A_2221, %get3A_2217 : vector<16xf32>
      %mul3A_2224 = arith.mulf %sub3A_2222, %sub3A_2222 : vector<16xf32>
      %mul3A_2225 = arith.mulf %sub3A_2223, %sub3A_2223 : vector<16xf32>
      %min3A_2226 = arith.minimumf %mul3A_2224, %mul3A_2225 : vector<16xf32>
      %add3A_2227 = arith.addf %add3A_2212, %min3A_2226 : vector<16xf32>
      %mul3A_2228 = arith.mulf %get3A_2217, %get3A_2217 : vector<16xf32>
      %min3A_2229 = arith.minimumf %min3A_2226, %mul3A_2228 : vector<16xf32>
      %add3A_2230 = arith.addf %add3A_2215, %min3A_2229 : vector<16xf32>
      %get3A_2231 = arith.constant 49 : index
      %get3A_2232 = tpu.vector_load %arg7[%get3A_2231] {strides = array<i32>} : memref<272xf32, #tpu.memory_space<vmem>>, vector<16xf32>,
      %get3A_2233 = arith.constant 48 : index
      %get3A_2234 = tpu.vector_load %arg9[%get3A_2233] {strides = array<i32>} : memref<272xf32, #tpu.memory_space<vmem>>, vector<16xf32>,
      %get3A_2235 = arith.constant 49 : index
      %get3A_2236 = tpu.vector_load %arg13[%get3A_2235] {strides = array<i32>} : memref<272xf32, #tpu.memory_space<vmem>>, vector<16xf32>,
      %sub3A_2237 = arith.subf %get3A_2232, %get3A_2234 : vector<16xf32>
      %sub3A_2238 = arith.subf %get3A_2236, %get3A_2232 : vector<16xf32>
      %mul3A_2239 = arith.mulf %sub3A_2237, %sub3A_2237 : vector<16xf32>
      %mul3A_2240 = arith.mulf %sub3A_2238, %sub3A_2238 : vector<16xf32>
      %min3A_2241 = arith.minimumf %mul3A_2239, %mul3A_2240 : vector<16xf32>
      %add3A_2242 = arith.addf %add3A_2227, %min3A_2241 : vector<16xf32>
      %mul3A_2243 = arith.mulf %get3A_2232, %get3A_2232 : vector<16xf32>
      %min3A_2244 = arith.minimumf %min3A_2241, %mul3A_2243 : vector<16xf32>
      %add3A_2245 = arith.addf %add3A_2230, %min3A_2244 : vector<16xf32>
      %get3A_2246 = arith.constant 65 : index
      %get3A_2247 = tpu.vector_load %arg7[%get3A_2246] {strides = array<i32>} : memref<272xf32, #tpu.memory_space<vmem>>, vector<16xf32>,
      %get3A_2248 = arith.constant 64 : index
      %get3A_2249 = tpu.vector_load %arg9[%get3A_2248] {strides = array<i32>} : memref<272xf32, #tpu.memory_space<vmem>>, vector<16xf32>,
      %get3A_2250 = arith.constant 65 : index
      %get3A_2251 = tpu.vector_load %arg13[%get3A_2250] {strides = array<i32>} : memref<272xf32, #tpu.memory_space<vmem>>, vector<16xf32>,
      %sub3A_2252 = arith.subf %get3A_2247, %get3A_2249 : vector<16xf32>
      %sub3A_2253 = arith.subf %get3A_2251, %get3A_2247 : vector<16xf32>
      %mul3A_2254 = arith.mulf %sub3A_2252, %sub3A_2252 : vector<16xf32>
      %mul3A_2255 = arith.mulf %sub3A_2253, %sub3A_2253 : vector<16xf32>
      %min3A_2256 = arith.minimumf %mul3A_2254, %mul3A_2255 : vector<16xf32>
      %add3A_2257 = arith.addf %add3A_2242, %min3A_2256 : vector<16xf32>
      %mul3A_2258 = arith.mulf %get3A_2247, %get3A_2247 : vector<16xf32>
      %min3A_2259 = arith.minimumf %min3A_2256, %mul3A_2258 : vector<16xf32>
      %add3A_2260 = arith.addf %add3A_2245, %min3A_2259 : vector<16xf32>
      %get3A_2261 = arith.constant 81 : index
      %get3A_2262 = tpu.vector_load %arg7[%get3A_2261] {strides = array<i32>} : memref<272xf32, #tpu.memory_space<vmem>>, vector<16xf32>,
      %get3A_2263 = arith.constant 80 : index
      %get3A_2264 = tpu.vector_load %arg9[%get3A_2263] {strides = array<i32>} : memref<272xf32, #tpu.memory_space<vmem>>, vector<16xf32>,
      %get3A_2265 = arith.constant 81 : index
      %get3A_2266 = tpu.vector_load %arg13[%get3A_2265] {strides = array<i32>} : memref<272xf32, #tpu.memory_space<vmem>>, vector<16xf32>,
      %sub3A_2267 = arith.subf %get3A_2262, %get3A_2264 : vector<16xf32>
      %sub3A_2268 = arith.subf %get3A_2266, %get3A_2262 : vector<16xf32>
      %mul3A_2269 = arith.mulf %sub3A_2267, %sub3A_2267 : vector<16xf32>
      %mul3A_2270 = arith.mulf %sub3A_2268, %sub3A_2268 : vector<16xf32>
      %min3A_2271 = arith.minimumf %mul3A_2269, %mul3A_2270 : vector<16xf32>
      %add3A_2272 = arith.addf %add3A_2257, %min3A_2271 : vector<16xf32>
      %mul3A_2273 = arith.mulf %get3A_2262, %get3A_2262 : vector<16xf32>
      %min3A_2274 = arith.minimumf %min3A_2271, %mul3A_2273 : vector<16xf32>
      %add3A_2275 = arith.addf %add3A_2260, %min3A_2274 : vector<16xf32>
      %get3A_2276 = arith.constant 97 : index
      %get3A_2277 = tpu.vector_load %arg7[%get3A_2276] {strides = array<i32>} : memref<272xf32, #tpu.memory_space<vmem>>, vector<16xf32>,
      %get3A_2278 = arith.constant 96 : index
      %get3A_2279 = tpu.vector_load %arg9[%get3A_2278] {strides = array<i32>} : memref<272xf32, #tpu.memory_space<vmem>>, vector<16xf32>,
      %get3A_2280 = arith.constant 97 : index
      %get3A_2281 = tpu.vector_load %arg13[%get3A_2280] {strides = array<i32>} : memref<272xf32, #tpu.memory_space<vmem>>, vector<16xf32>,
      %sub3A_2282 = arith.subf %get3A_2277, %get3A_2279 : vector<16xf32>
      %sub3A_2283 = arith.subf %get3A_2281, %get3A_2277 : vector<16xf32>
      %mul3A_2284 = arith.mulf %sub3A_2282, %sub3A_2282 : vector<16xf32>
      %mul3A_2285 = arith.mulf %sub3A_2283, %sub3A_2283 : vector<16xf32>
      %min3A_2286 = arith.minimumf %mul3A_2284, %mul3A_2285 : vector<16xf32>
      %add3A_2287 = arith.addf %add3A_2272, %min3A_2286 : vector<16xf32>
      %mul3A_2288 = arith.mulf %get3A_2277, %get3A_2277 : vector<16xf32>
      %min3A_2289 = arith.minimumf %min3A_2286, %mul3A_2288 : vector<16xf32>
      %add3A_2290 = arith.addf %add3A_2275, %min3A_2289 : vector<16xf32>
      %get3A_2291 = arith.constant 113 : index
      %get3A_2292 = tpu.vector_load %arg7[%get3A_2291] {strides = array<i32>} : memref<272xf32, #tpu.memory_space<vmem>>, vector<16xf32>,
      %get3A_2293 = arith.constant 112 : index
      %get3A_2294 = tpu.vector_load %arg9[%get3A_2293] {strides = array<i32>} : memref<272xf32, #tpu.memory_space<vmem>>, vector<16xf32>,
      %get3A_2295 = arith.constant 113 : index
      %get3A_2296 = tpu.vector_load %arg13[%get3A_2295] {strides = array<i32>} : memref<272xf32, #tpu.memory_space<vmem>>, vector<16xf32>,
      %sub3A_2297 = arith.subf %get3A_2292, %get3A_2294 : vector<16xf32>
      %sub3A_2298 = arith.subf %get3A_2296, %get3A_2292 : vector<16xf32>
      %mul3A_2299 = arith.mulf %sub3A_2297, %sub3A_2297 : vector<16xf32>
      %mul3A_2300 = arith.mulf %sub3A_2298, %sub3A_2298 : vector<16xf32>
      %min3A_2301 = arith.minimumf %mul3A_2299, %mul3A_2300 : vector<16xf32>
      %add3A_2302 = arith.addf %add3A_2287, %min3A_2301 : vector<16xf32>
      %mul3A_2303 = arith.mulf %get3A_2292, %get3A_2292 : vector<16xf32>
      %min3A_2304 = arith.minimumf %min3A_2301, %mul3A_2303 : vector<16xf32>
      %add3A_2305 = arith.addf %add3A_2290, %min3A_2304 : vector<16xf32>
      %get3A_2306 = arith.constant 129 : index
      %get3A_2307 = tpu.vector_load %arg7[%get3A_2306] {strides = array<i32>} : memref<272xf32, #tpu.memory_space<vmem>>, vector<16xf32>,
      %get3A_2308 = arith.constant 128 : index
      %get3A_2309 = tpu.vector_load %arg9[%get3A_2308] {strides = array<i32>} : memref<272xf32, #tpu.memory_space<vmem>>, vector<16xf32>,
      %get3A_2310 = arith.constant 129 : index
      %get3A_2311 = tpu.vector_load %arg13[%get3A_2310] {strides = array<i32>} : memref<272xf32, #tpu.memory_space<vmem>>, vector<16xf32>,
      %sub3A_2312 = arith.subf %get3A_2307, %get3A_2309 : vector<16xf32>
      %sub3A_2313 = arith.subf %get3A_2311, %get3A_2307 : vector<16xf32>
      %mul3A_2314 = arith.mulf %sub3A_2312, %sub3A_2312 : vector<16xf32>
      %mul3A_2315 = arith.mulf %sub3A_2313, %sub3A_2313 : vector<16xf32>
      %min3A_2316 = arith.minimumf %mul3A_2314, %mul3A_2315 : vector<16xf32>
      %add3A_2317 = arith.addf %add3A_2302, %min3A_2316 : vector<16xf32>
      %mul3A_2318 = arith.mulf %get3A_2307, %get3A_2307 : vector<16xf32>
      %min3A_2319 = arith.minimumf %min3A_2316, %mul3A_2318 : vector<16xf32>
      %add3A_2320 = arith.addf %add3A_2305, %min3A_2319 : vector<16xf32>
      %get3A_2321 = arith.constant 145 : index
      %get3A_2322 = tpu.vector_load %arg7[%get3A_2321] {strides = array<i32>} : memref<272xf32, #tpu.memory_space<vmem>>, vector<16xf32>,
      %get3A_2323 = arith.constant 144 : index
      %get3A_2324 = tpu.vector_load %arg9[%get3A_2323] {strides = array<i32>} : memref<272xf32, #tpu.memory_space<vmem>>, vector<16xf32>,
      %get3A_2325 = arith.constant 145 : index
      %get3A_2326 = tpu.vector_load %arg13[%get3A_2325] {strides = array<i32>} : memref<272xf32, #tpu.memory_space<vmem>>, vector<16xf32>,
      %sub3A_2327 = arith.subf %get3A_2322, %get3A_2324 : vector<16xf32>
      %sub3A_2328 = arith.subf %get3A_2326, %get3A_2322 : vector<16xf32>
      %mul3A_2329 = arith.mulf %sub3A_2327, %sub3A_2327 : vector<16xf32>
      %mul3A_2330 = arith.mulf %sub3A_2328, %sub3A_2328 : vector<16xf32>
      %min3A_2331 = arith.minimumf %mul3A_2329, %mul3A_2330 : vector<16xf32>
      %add3A_2332 = arith.addf %add3A_2317, %min3A_2331 : vector<16xf32>
      %mul3A_2333 = arith.mulf %get3A_2322, %get3A_2322 : vector<16xf32>
      %min3A_2334 = arith.minimumf %min3A_2331, %mul3A_2333 : vector<16xf32>
      %add3A_2335 = arith.addf %add3A_2320, %min3A_2334 : vector<16xf32>
      %get3A_2336 = arith.constant 161 : index
      %get3A_2337 = tpu.vector_load %arg7[%get3A_2336] {strides = array<i32>} : memref<272xf32, #tpu.memory_space<vmem>>, vector<16xf32>,
      %get3A_2338 = arith.constant 160 : index
      %get3A_2339 = tpu.vector_load %arg9[%get3A_2338] {strides = array<i32>} : memref<272xf32, #tpu.memory_space<vmem>>, vector<16xf32>,
      %get3A_2340 = arith.constant 161 : index
      %get3A_2341 = tpu.vector_load %arg13[%get3A_2340] {strides = array<i32>} : memref<272xf32, #tpu.memory_space<vmem>>, vector<16xf32>,
      %sub3A_2342 = arith.subf %get3A_2337, %get3A_2339 : vector<16xf32>
      %sub3A_2343 = arith.subf %get3A_2341, %get3A_2337 : vector<16xf32>
      %mul3A_2344 = arith.mulf %sub3A_2342, %sub3A_2342 : vector<16xf32>
      %mul3A_2345 = arith.mulf %sub3A_2343, %sub3A_2343 : vector<16xf32>
      %min3A_2346 = arith.minimumf %mul3A_2344, %mul3A_2345 : vector<16xf32>
      %add3A_2347 = arith.addf %add3A_2332, %min3A_2346 : vector<16xf32>
      %mul3A_2348 = arith.mulf %get3A_2337, %get3A_2337 : vector<16xf32>
      %min3A_2349 = arith.minimumf %min3A_2346, %mul3A_2348 : vector<16xf32>
      %add3A_2350 = arith.addf %add3A_2335, %min3A_2349 : vector<16xf32>
      %get3A_2351 = arith.constant 177 : index
      %get3A_2352 = tpu.vector_load %arg7[%get3A_2351] {strides = array<i32>} : memref<272xf32, #tpu.memory_space<vmem>>, vector<16xf32>,
      %get3A_2353 = arith.constant 176 : index
      %get3A_2354 = tpu.vector_load %arg9[%get3A_2353] {strides = array<i32>} : memref<272xf32, #tpu.memory_space<vmem>>, vector<16xf32>,
      %get3A_2355 = arith.constant 177 : index
      %get3A_2356 = tpu.vector_load %arg13[%get3A_2355] {strides = array<i32>} : memref<272xf32, #tpu.memory_space<vmem>>, vector<16xf32>,
      %sub3A_2357 = arith.subf %get3A_2352, %get3A_2354 : vector<16xf32>
      %sub3A_2358 = arith.subf %get3A_2356, %get3A_2352 : vector<16xf32>
      %mul3A_2359 = arith.mulf %sub3A_2357, %sub3A_2357 : vector<16xf32>
      %mul3A_2360 = arith.mulf %sub3A_2358, %sub3A_2358 : vector<16xf32>
      %min3A_2361 = arith.minimumf %mul3A_2359, %mul3A_2360 : vector<16xf32>
      %add3A_2362 = arith.addf %add3A_2347, %min3A_2361 : vector<16xf32>
      %mul3A_2363 = arith.mulf %get3A_2352, %get3A_2352 : vector<16xf32>
      %min3A_2364 = arith.minimumf %min3A_2361, %mul3A_2363 : vector<16xf32>
      %add3A_2365 = arith.addf %add3A_2350, %min3A_2364 : vector<16xf32>
      %get3A_2366 = arith.constant 193 : index
      %get3A_2367 = tpu.vector_load %arg7[%get3A_2366] {strides = array<i32>} : memref<272xf32, #tpu.memory_space<vmem>>, vector<16xf32>,
      %get3A_2368 = arith.constant 192 : index
      %get3A_2369 = tpu.vector_load %arg9[%get3A_2368] {strides = array<i32>} : memref<272xf32, #tpu.memory_space<vmem>>, vector<16xf32>,
      %get3A_2370 = arith.constant 193 : index
      %get3A_2371 = tpu.vector_load %arg13[%get3A_2370] {strides = array<i32>} : memref<272xf32, #tpu.memory_space<vmem>>, vector<16xf32>,
      %sub3A_2372 = arith.subf %get3A_2367, %get3A_2369 : vector<16xf32>
      %sub3A_2373 = arith.subf %get3A_2371, %get3A_2367 : vector<16xf32>
      %mul3A_2374 = arith.mulf %sub3A_2372, %sub3A_2372 : vector<16xf32>
      %mul3A_2375 = arith.mulf %sub3A_2373, %sub3A_2373 : vector<16xf32>
      %min3A_2376 = arith.minimumf %mul3A_2374, %mul3A_2375 : vector<16xf32>
      %add3A_2377 = arith.addf %add3A_2362, %min3A_2376 : vector<16xf32>
      %mul3A_2378 = arith.mulf %get3A_2367, %get3A_2367 : vector<16xf32>
      %min3A_2379 = arith.minimumf %min3A_2376, %mul3A_2378 : vector<16xf32>
      %add3A_2380 = arith.addf %add3A_2365, %min3A_2379 : vector<16xf32>
      %get3A_2381 = arith.constant 209 : index
      %get3A_2382 = tpu.vector_load %arg7[%get3A_2381] {strides = array<i32>} : memref<272xf32, #tpu.memory_space<vmem>>, vector<16xf32>,
      %get3A_2383 = arith.constant 208 : index
      %get3A_2384 = tpu.vector_load %arg9[%get3A_2383] {strides = array<i32>} : memref<272xf32, #tpu.memory_space<vmem>>, vector<16xf32>,
      %get3A_2385 = arith.constant 209 : index
      %get3A_2386 = tpu.vector_load %arg13[%get3A_2385] {strides = array<i32>} : memref<272xf32, #tpu.memory_space<vmem>>, vector<16xf32>,
      %sub3A_2387 = arith.subf %get3A_2382, %get3A_2384 : vector<16xf32>
      %sub3A_2388 = arith.subf %get3A_2386, %get3A_2382 : vector<16xf32>
      %mul3A_2389 = arith.mulf %sub3A_2387, %sub3A_2387 : vector<16xf32>
      %mul3A_2390 = arith.mulf %sub3A_2388, %sub3A_2388 : vector<16xf32>
      %min3A_2391 = arith.minimumf %mul3A_2389, %mul3A_2390 : vector<16xf32>
      %add3A_2392 = arith.addf %add3A_2377, %min3A_2391 : vector<16xf32>
      %mul3A_2393 = arith.mulf %get3A_2382, %get3A_2382 : vector<16xf32>
      %min3A_2394 = arith.minimumf %min3A_2391, %mul3A_2393 : vector<16xf32>
      %add3A_2395 = arith.addf %add3A_2380, %min3A_2394 : vector<16xf32>
      %get3A_2396 = arith.constant 225 : index
      %get3A_2397 = tpu.vector_load %arg7[%get3A_2396] {strides = array<i32>} : memref<272xf32, #tpu.memory_space<vmem>>, vector<16xf32>,
      %get3A_2398 = arith.constant 224 : index
      %get3A_2399 = tpu.vector_load %arg9[%get3A_2398] {strides = array<i32>} : memref<272xf32, #tpu.memory_space<vmem>>, vector<16xf32>,
      %get3A_2400 = arith.constant 225 : index
      %get3A_2401 = tpu.vector_load %arg13[%get3A_2400] {strides = array<i32>} : memref<272xf32, #tpu.memory_space<vmem>>, vector<16xf32>,
      %sub3A_2402 = arith.subf %get3A_2397, %get3A_2399 : vector<16xf32>
      %sub3A_2403 = arith.subf %get3A_2401, %get3A_2397 : vector<16xf32>
      %mul3A_2404 = arith.mulf %sub3A_2402, %sub3A_2402 : vector<16xf32>
      %mul3A_2405 = arith.mulf %sub3A_2403, %sub3A_2403 : vector<16xf32>
      %min3A_2406 = arith.minimumf %mul3A_2404, %mul3A_2405 : vector<16xf32>
      %add3A_2407 = arith.addf %add3A_2392, %min3A_2406 : vector<16xf32>
      %mul3A_2408 = arith.mulf %get3A_2397, %get3A_2397 : vector<16xf32>
      %min3A_2409 = arith.minimumf %min3A_2406, %mul3A_2408 : vector<16xf32>
      %add3A_2410 = arith.addf %add3A_2395, %min3A_2409 : vector<16xf32>
      %get3A_2411 = arith.constant 241 : index
      %get3A_2412 = tpu.vector_load %arg7[%get3A_2411] {strides = array<i32>} : memref<272xf32, #tpu.memory_space<vmem>>, vector<16xf32>,
      %get3A_2413 = arith.constant 240 : index
      %get3A_2414 = tpu.vector_load %arg9[%get3A_2413] {strides = array<i32>} : memref<272xf32, #tpu.memory_space<vmem>>, vector<16xf32>,
      %get3A_2415 = arith.constant 241 : index
      %get3A_2416 = tpu.vector_load %arg13[%get3A_2415] {strides = array<i32>} : memref<272xf32, #tpu.memory_space<vmem>>, vector<16xf32>,
      %sub3A_2417 = arith.subf %get3A_2412, %get3A_2414 : vector<16xf32>
      %sub3A_2418 = arith.subf %get3A_2416, %get3A_2412 : vector<16xf32>
      %mul3A_2419 = arith.mulf %sub3A_2417, %sub3A_2417 : vector<16xf32>
      %mul3A_2420 = arith.mulf %sub3A_2418, %sub3A_2418 : vector<16xf32>
      %min3A_2421 = arith.minimumf %mul3A_2419, %mul3A_2420 : vector<16xf32>
      %add3A_2422 = arith.addf %add3A_2407, %min3A_2421 : vector<16xf32>
      %mul3A_2423 = arith.mulf %get3A_2412, %get3A_2412 : vector<16xf32>
      %min3A_2424 = arith.minimumf %min3A_2421, %mul3A_2423 : vector<16xf32>
      %add3A_2425 = arith.addf %add3A_2410, %min3A_2424 : vector<16xf32>
      %reduce_sum3A = arith.constant true
      %reduce_sum3A_2426 = vector.broadcast %reduce_sum3A : i1 to vector<16xi1>
      %reduce_sum3A_2427 = tpu.scan <sum>, %add3A_2422 masked %reduce_sum3A_2426 : vector<16xf32>, vector<16xi1> -> vector<16xf32>
      %reduce_sum3A_2428 = vector.extract %reduce_sum3A_2427[15] : f32 from vector<16xf32>
      %reduce_sum3A_2429 = arith.constant true
      %reduce_sum3A_2430 = vector.broadcast %reduce_sum3A_2429 : i1 to vector<16xi1>
      %reduce_sum3A_2431 = tpu.scan <sum>, %add3A_2425 masked %reduce_sum3A_2430 : vector<16xf32>, vector<16xi1> -> vector<16xf32>
      %reduce_sum3A_2432 = vector.extract %reduce_sum3A_2431[15] : f32 from vector<16xf32>
      %get3A_2433 = arith.constant 0 : index
      %get3A_2434 = tpu.vector_load %arg7[%get3A_2433] {strides = array<i32>} : memref<272xf32, #tpu.memory_space<vmem>>, vector<16xf32>,
      %slice3A_2435 = vector.extract_strided_slice %get3A_2434 {offsets = [1], sizes = [1], strides = [1]} : vector<16xf32> to vector<1xf32>
      %squeeze3A_2436 = vector.extract %slice3A_2435[0] : f32 from vector<1xf32>
      %eq3A_2437 = arith.constant 0 : i32
      %eq3A_2438 = vector.broadcast %eq3A_2437 : i32 to vector<16xi32>
      %eq3A_2439 = arith.cmpi eq, %iota3A, %eq3A_2438 : vector<16xi32>
      %eq3A_2440 = arith.constant 1 : i32
      %eq3A_2441 = vector.broadcast %eq3A_2440 : i32 to vector<16xi32>
      %eq3A_2442 = arith.cmpi eq, %iota3A, %eq3A_2441 : vector<16xi32>
      %eq3A_2443 = arith.constant 2 : i32
      %eq3A_2444 = vector.broadcast %eq3A_2443 : i32 to vector<16xi32>
      %eq3A_2445 = arith.cmpi eq, %iota3A, %eq3A_2444 : vector<16xi32>
      %eq3A_2446 = arith.constant 3 : i32
      %eq3A_2447 = vector.broadcast %eq3A_2446 : i32 to vector<16xi32>
      %eq3A_2448 = arith.cmpi eq, %iota3A, %eq3A_2447 : vector<16xi32>
      %eq3A_2449 = arith.constant 4 : i32
      %eq3A_2450 = vector.broadcast %eq3A_2449 : i32 to vector<16xi32>
      %eq3A_2451 = arith.cmpi eq, %iota3A, %eq3A_2450 : vector<16xi32>
      %jit3A = arith.constant 0.000000e+00 : f32
      %broadcast_in_dim3A_2452 = vector.broadcast %squeeze3A_2436 : f32 to vector<16xf32>
      %broadcast_in_dim3A_2453 = vector.broadcast %jit3A : f32 to vector<16xf32>
      %select_n3A = arith.select %eq3A_2451, %broadcast_in_dim3A_2452, %broadcast_in_dim3A_2453 : vector<16xi1>, vector<16xf32>
      %broadcast_in_dim3A_2454 = vector.broadcast %squeeze3A_1436 : f32 to vector<16xf32>
      %select_n3A_2455 = arith.select %eq3A_2448, %broadcast_in_dim3A_2454, %select_n3A : vector<16xi1>, vector<16xf32>
      %broadcast_in_dim3A_2456 = vector.broadcast %squeeze3A : f32 to vector<16xf32>
      %select_n3A_2457 = arith.select %eq3A_2445, %broadcast_in_dim3A_2456, %select_n3A_2455 : vector<16xi1>, vector<16xf32>
      %broadcast_in_dim3A_2458 = vector.broadcast %reduce_sum3A_2432 : f32 to vector<16xf32>
      %select_n3A_2459 = arith.select %eq3A_2442, %broadcast_in_dim3A_2458, %select_n3A_2457 : vector<16xi1>, vector<16xf32>
      %broadcast_in_dim3A_2460 = vector.broadcast %reduce_sum3A_2428 : f32 to vector<16xf32>
      %select_n3A_2461 = arith.select %eq3A_2439, %broadcast_in_dim3A_2460, %select_n3A_2459 : vector<16xi1>, vector<16xf32>
      %swap3A_2462 = arith.constant 0 : index
      %swap3A_2463 = tpu.vector_load %arg14[%swap3A_2462] {strides = array<i32>} : memref<16xf32, #tpu.memory_space<vmem>>, vector<16xf32>,
      tpu.vector_store %arg14[%swap3A_2462], %select_n3A_2461 {strides = array<i32>} : memref<16xf32, #tpu.memory_space<vmem>>, vector<16xf32>,
      "tpu.region"() ({
        %run_scoped3A = tpu.sem_alloc : memref<!tpu.dma_semaphore, #tpu.memory_space<semaphore_mem>>
        %dma_start3A = arith.constant 0 : i32
        %dma_start3A_2464 = tpu.memref_slice %arg12[%arg1, %dma_start3A] : memref<16x16xf32, #tpu.memory_space<vmem_shared>> -> memref<1x16xf32, #tpu.memory_space<vmem_shared>>
        %dma_start3A_2465 = tpu.memref_squeeze %dma_start3A_2464 : memref<1x16xf32, #tpu.memory_space<vmem_shared>> -> memref<16xf32, #tpu.memory_space<vmem_shared>>
        %dma_start3A_2466 = arith.constant 0 : i32
        %dma_start3A_2467 = tpu.memref_slice %arg12[%arg1, %dma_start3A_2466] : memref<16x16xf32, #tpu.memory_space<vmem_shared>> -> memref<1x16xf32, #tpu.memory_space<vmem_shared>>
        %dma_start3A_2468 = tpu.memref_squeeze %dma_start3A_2467 : memref<1x16xf32, #tpu.memory_space<vmem_shared>> -> memref<16xf32, #tpu.memory_space<vmem_shared>>
        tpu.enqueue_dma source(%arg14 : memref<16xf32, #tpu.memory_space<vmem>>) target(%dma_start3A_2468 : memref<16xf32, #tpu.memory_space<vmem_shared>>) target_semaphore(%run_scoped3A : memref<!tpu.dma_semaphore, #tpu.memory_space<semaphore_mem>>)
        %dma_wait3A = arith.constant 0 : i32
        %dma_wait3A_2469 = tpu.memref_slice %arg12[%arg1, %dma_wait3A] : memref<16x16xf32, #tpu.memory_space<vmem_shared>> -> memref<1x16xf32, #tpu.memory_space<vmem_shared>>
        %dma_wait3A_2470 = tpu.memref_squeeze %dma_wait3A_2469 : memref<1x16xf32, #tpu.memory_space<vmem_shared>> -> memref<16xf32, #tpu.memory_space<vmem_shared>>
        %dma_wait3A_2471 = arith.constant 0 : i32
        %dma_wait3A_2472 = tpu.memref_slice %arg12[%arg1, %dma_wait3A_2471] : memref<16x16xf32, #tpu.memory_space<vmem_shared>> -> memref<1x16xf32, #tpu.memory_space<vmem_shared>>
        %dma_wait3A_2473 = tpu.memref_squeeze %dma_wait3A_2472 : memref<1x16xf32, #tpu.memory_space<vmem_shared>> -> memref<16xf32, #tpu.memory_space<vmem_shared>>
        tpu.wait_dma2 semaphore(%run_scoped3A : memref<!tpu.dma_semaphore, #tpu.memory_space<semaphore_mem>>) src(%arg14 : memref<16xf32, #tpu.memory_space<vmem>>) dst(%dma_wait3A_2473 : memref<16xf32, #tpu.memory_space<vmem_shared>>)
        tpu.yield
      }) : () -> ()
    } else {
    }
    %barrier3A = arith.constant 0 : index
    tpu.barrier barrier_id(%barrier3A)
    %eq3A = arith.constant 0 : i32
    %eq3A_2 = arith.cmpi eq, %arg1, %eq3A : i32
    %convert_element_type3A_3 = arith.extui %eq3A_2 : i1 to i32
    %cond3A_4 = arith.constant 0 : i32
    %cond3A_5 = arith.cmpi ne, %convert_element_type3A_3, %cond3A_4 : i32
    scf.if %cond3A_5 {
      "tpu.region"() ({
        %run_scoped3A = tpu.sem_alloc : memref<!tpu.dma_semaphore, #tpu.memory_space<semaphore_mem>>
        %dma_start3A = arith.constant 0 : i32
        %dma_start3A_110 = arith.constant 0 : i32
        %dma_start3A_111 = tpu.memref_slice %arg12[%dma_start3A, %dma_start3A_110] : memref<16x16xf32, #tpu.memory_space<vmem_shared>> -> memref<4x16xf32, #tpu.memory_space<vmem_shared>>
        %dma_start3A_112 = arith.constant 0 : i32
        %dma_start3A_113 = arith.constant 0 : i32
        %dma_start3A_114 = tpu.memref_slice %arg12[%dma_start3A_112, %dma_start3A_113] : memref<16x16xf32, #tpu.memory_space<vmem_shared>> -> memref<4x16xf32, #tpu.memory_space<vmem_shared>>
        tpu.enqueue_dma source(%dma_start3A_114 : memref<4x16xf32, #tpu.memory_space<vmem_shared>>) target(%arg10 : memref<4x16xf32, #tpu.memory_space<vmem>>) target_semaphore(%run_scoped3A : memref<!tpu.dma_semaphore, #tpu.memory_space<semaphore_mem>>)
        %dma_wait3A = arith.constant 0 : i32
        %dma_wait3A_115 = arith.constant 0 : i32
        %dma_wait3A_116 = tpu.memref_slice %arg12[%dma_wait3A, %dma_wait3A_115] : memref<16x16xf32, #tpu.memory_space<vmem_shared>> -> memref<4x16xf32, #tpu.memory_space<vmem_shared>>
        %dma_wait3A_117 = arith.constant 0 : i32
        %dma_wait3A_118 = arith.constant 0 : i32
        %dma_wait3A_119 = tpu.memref_slice %arg12[%dma_wait3A_117, %dma_wait3A_118] : memref<16x16xf32, #tpu.memory_space<vmem_shared>> -> memref<4x16xf32, #tpu.memory_space<vmem_shared>>
        tpu.wait_dma2 semaphore(%run_scoped3A : memref<!tpu.dma_semaphore, #tpu.memory_space<semaphore_mem>>) src(%dma_wait3A_119 : memref<4x16xf32, #tpu.memory_space<vmem_shared>>) dst(%arg10 : memref<4x16xf32, #tpu.memory_space<vmem>>)
        tpu.yield
      }) : () -> ()
      %get3A = arith.constant 0 : i32
      %get3A_6 = arith.index_cast %get3A : i32 to index
      %get3A_7 = arith.constant 0 : index
      %get3A_8 = tpu.vector_load %arg10[%get3A_6, %get3A_7] {strides = array<i32>} : memref<4x16xf32, #tpu.memory_space<vmem>>, vector<16xf32>,
      %get3A_9 = arith.constant 1 : i32
      %get3A_10 = arith.index_cast %get3A_9 : i32 to index
      %get3A_11 = arith.constant 0 : index
      %get3A_12 = tpu.vector_load %arg10[%get3A_10, %get3A_11] {strides = array<i32>} : memref<4x16xf32, #tpu.memory_space<vmem>>, vector<16xf32>,
      %get3A_13 = arith.constant 2 : i32
      %get3A_14 = arith.index_cast %get3A_13 : i32 to index
      %get3A_15 = arith.constant 0 : index
      %get3A_16 = tpu.vector_load %arg10[%get3A_14, %get3A_15] {strides = array<i32>} : memref<4x16xf32, #tpu.memory_space<vmem>>, vector<16xf32>,
      %get3A_17 = arith.constant 3 : i32
      %get3A_18 = arith.index_cast %get3A_17 : i32 to index
      %get3A_19 = arith.constant 0 : index
      %get3A_20 = tpu.vector_load %arg10[%get3A_18, %get3A_19] {strides = array<i32>} : memref<4x16xf32, #tpu.memory_space<vmem>>, vector<16xf32>,
      %slice3A = vector.extract_strided_slice %get3A_8 {offsets = [3], sizes = [1], strides = [1]} : vector<16xf32> to vector<1xf32>
      %squeeze3A = vector.extract %slice3A[0] : f32 from vector<1xf32>
      %slice3A_21 = vector.extract_strided_slice %get3A_12 {offsets = [3], sizes = [1], strides = [1]} : vector<16xf32> to vector<1xf32>
      %squeeze3A_22 = vector.extract %slice3A_21[0] : f32 from vector<1xf32>
      %slice3A_23 = vector.extract_strided_slice %get3A_16 {offsets = [3], sizes = [1], strides = [1]} : vector<16xf32> to vector<1xf32>
      %squeeze3A_24 = vector.extract %slice3A_23[0] : f32 from vector<1xf32>
      %slice3A_25 = vector.extract_strided_slice %get3A_20 {offsets = [3], sizes = [1], strides = [1]} : vector<16xf32> to vector<1xf32>
      %squeeze3A_26 = vector.extract %slice3A_25[0] : f32 from vector<1xf32>
      %max3A = arith.maximumf %squeeze3A, %squeeze3A_22 : f32
      %max3A_27 = arith.maximumf %max3A, %squeeze3A_24 : f32
      %max3A_28 = arith.maximumf %max3A_27, %squeeze3A_26 : f32
      %slice3A_29 = vector.extract_strided_slice %get3A_8 {offsets = [0], sizes = [1], strides = [1]} : vector<16xf32> to vector<1xf32>
      %squeeze3A_30 = vector.extract %slice3A_29[0] : f32 from vector<1xf32>
      %slice3A_31 = vector.extract_strided_slice %get3A_8 {offsets = [1], sizes = [1], strides = [1]} : vector<16xf32> to vector<1xf32>
      %squeeze3A_32 = vector.extract %slice3A_31[0] : f32 from vector<1xf32>
      %slice3A_33 = vector.extract_strided_slice %get3A_8 {offsets = [2], sizes = [1], strides = [1]} : vector<16xf32> to vector<1xf32>
      %squeeze3A_34 = vector.extract %slice3A_33[0] : f32 from vector<1xf32>
      %slice3A_35 = vector.extract_strided_slice %get3A_8 {offsets = [4], sizes = [1], strides = [1]} : vector<16xf32> to vector<1xf32>
      %squeeze3A_36 = vector.extract %slice3A_35[0] : f32 from vector<1xf32>
      %gt3A = arith.cmpf ogt, %max3A_28, %squeeze3A : f32
      %select_n3A = arith.select %gt3A, %squeeze3A_32, %squeeze3A_30 : f32
      %mul3A = arith.constant 3.906250e-03 : f32
      %mul3A_37 = arith.mulf %select_n3A, %mul3A : f32
      %add3A = arith.constant 0.000000e+00 : f32
      %add3A_38 = arith.addf %add3A, %mul3A_37 : f32
      %add3A_39 = arith.constant 0.000000e+00 : f32
      %add3A_40 = arith.addf %add3A_39, %squeeze3A_34 : f32
      %sub3A = arith.subf %max3A_28, %squeeze3A : f32
      %mul3A_41 = arith.mulf %sub3A, %squeeze3A_36 : f32
      %mul3A_42 = arith.mulf %mul3A_41, %squeeze3A_36 : f32
      %add3A_43 = arith.addf %add3A_40, %mul3A_42 : f32
      %slice3A_44 = vector.extract_strided_slice %get3A_12 {offsets = [0], sizes = [1], strides = [1]} : vector<16xf32> to vector<1xf32>
      %squeeze3A_45 = vector.extract %slice3A_44[0] : f32 from vector<1xf32>
      %slice3A_46 = vector.extract_strided_slice %get3A_12 {offsets = [1], sizes = [1], strides = [1]} : vector<16xf32> to vector<1xf32>
      %squeeze3A_47 = vector.extract %slice3A_46[0] : f32 from vector<1xf32>
      %slice3A_48 = vector.extract_strided_slice %get3A_12 {offsets = [2], sizes = [1], strides = [1]} : vector<16xf32> to vector<1xf32>
      %squeeze3A_49 = vector.extract %slice3A_48[0] : f32 from vector<1xf32>
      %slice3A_50 = vector.extract_strided_slice %get3A_12 {offsets = [4], sizes = [1], strides = [1]} : vector<16xf32> to vector<1xf32>
      %squeeze3A_51 = vector.extract %slice3A_50[0] : f32 from vector<1xf32>
      %gt3A_52 = arith.cmpf ogt, %max3A_28, %squeeze3A_22 : f32
      %select_n3A_53 = arith.select %gt3A_52, %squeeze3A_47, %squeeze3A_45 : f32
      %mul3A_54 = arith.constant 3.906250e-03 : f32
      %mul3A_55 = arith.mulf %select_n3A_53, %mul3A_54 : f32
      %add3A_56 = arith.addf %add3A_38, %mul3A_55 : f32
      %add3A_57 = arith.addf %add3A_43, %squeeze3A_49 : f32
      %sub3A_58 = arith.subf %max3A_28, %squeeze3A_22 : f32
      %mul3A_59 = arith.mulf %sub3A_58, %squeeze3A_51 : f32
      %mul3A_60 = arith.mulf %mul3A_59, %squeeze3A_51 : f32
      %add3A_61 = arith.addf %add3A_57, %mul3A_60 : f32
      %slice3A_62 = vector.extract_strided_slice %get3A_16 {offsets = [0], sizes = [1], strides = [1]} : vector<16xf32> to vector<1xf32>
      %squeeze3A_63 = vector.extract %slice3A_62[0] : f32 from vector<1xf32>
      %slice3A_64 = vector.extract_strided_slice %get3A_16 {offsets = [1], sizes = [1], strides = [1]} : vector<16xf32> to vector<1xf32>
      %squeeze3A_65 = vector.extract %slice3A_64[0] : f32 from vector<1xf32>
      %slice3A_66 = vector.extract_strided_slice %get3A_16 {offsets = [2], sizes = [1], strides = [1]} : vector<16xf32> to vector<1xf32>
      %squeeze3A_67 = vector.extract %slice3A_66[0] : f32 from vector<1xf32>
      %slice3A_68 = vector.extract_strided_slice %get3A_16 {offsets = [4], sizes = [1], strides = [1]} : vector<16xf32> to vector<1xf32>
      %squeeze3A_69 = vector.extract %slice3A_68[0] : f32 from vector<1xf32>
      %gt3A_70 = arith.cmpf ogt, %max3A_28, %squeeze3A_24 : f32
      %select_n3A_71 = arith.select %gt3A_70, %squeeze3A_65, %squeeze3A_63 : f32
      %mul3A_72 = arith.constant 3.906250e-03 : f32
      %mul3A_73 = arith.mulf %select_n3A_71, %mul3A_72 : f32
      %add3A_74 = arith.addf %add3A_56, %mul3A_73 : f32
      %add3A_75 = arith.addf %add3A_61, %squeeze3A_67 : f32
      %sub3A_76 = arith.subf %max3A_28, %squeeze3A_24 : f32
      %mul3A_77 = arith.mulf %sub3A_76, %squeeze3A_69 : f32
      %mul3A_78 = arith.mulf %mul3A_77, %squeeze3A_69 : f32
      %add3A_79 = arith.addf %add3A_75, %mul3A_78 : f32
      %slice3A_80 = vector.extract_strided_slice %get3A_20 {offsets = [0], sizes = [1], strides = [1]} : vector<16xf32> to vector<1xf32>
      %squeeze3A_81 = vector.extract %slice3A_80[0] : f32 from vector<1xf32>
      %slice3A_82 = vector.extract_strided_slice %get3A_20 {offsets = [1], sizes = [1], strides = [1]} : vector<16xf32> to vector<1xf32>
      %squeeze3A_83 = vector.extract %slice3A_82[0] : f32 from vector<1xf32>
      %slice3A_84 = vector.extract_strided_slice %get3A_20 {offsets = [2], sizes = [1], strides = [1]} : vector<16xf32> to vector<1xf32>
      %squeeze3A_85 = vector.extract %slice3A_84[0] : f32 from vector<1xf32>
      %slice3A_86 = vector.extract_strided_slice %get3A_20 {offsets = [4], sizes = [1], strides = [1]} : vector<16xf32> to vector<1xf32>
      %squeeze3A_87 = vector.extract %slice3A_86[0] : f32 from vector<1xf32>
      %gt3A_88 = arith.cmpf ogt, %max3A_28, %squeeze3A_26 : f32
      %select_n3A_89 = arith.select %gt3A_88, %squeeze3A_83, %squeeze3A_81 : f32
      %mul3A_90 = arith.constant 3.906250e-03 : f32
      %mul3A_91 = arith.mulf %select_n3A_89, %mul3A_90 : f32
      %add3A_92 = arith.addf %add3A_74, %mul3A_91 : f32
      %add3A_93 = arith.addf %add3A_79, %squeeze3A_85 : f32
      %sub3A_94 = arith.subf %max3A_28, %squeeze3A_26 : f32
      %mul3A_95 = arith.mulf %sub3A_94, %squeeze3A_87 : f32
      %mul3A_96 = arith.mulf %mul3A_95, %squeeze3A_87 : f32
      %add3A_97 = arith.addf %add3A_93, %mul3A_96 : f32
      %broadcast_in_dim3A = vector.broadcast %add3A_97 : f32 to vector<16xf32>
      %broadcast_in_dim3A_98 = vector.broadcast %max3A_28 : f32 to vector<16xf32>
      %div3A = arith.divf %broadcast_in_dim3A, %broadcast_in_dim3A_98 : vector<16xf32>
      %add3A_99 = vector.broadcast %add3A_92 : f32 to vector<16xf32>
      %add3A_100 = arith.addf %add3A_99, %div3A : vector<16xf32>
      %mul3A_101 = arith.constant 2.500000e-02 : f32
      %mul3A_102 = vector.broadcast %mul3A_101 : f32 to vector<16xf32>
      %mul3A_103 = arith.mulf %mul3A_102, %add3A_100 : vector<16xf32>
      %eq3A_104 = arith.constant 0 : i32
      %eq3A_105 = vector.broadcast %eq3A_104 : i32 to vector<16xi32>
      %eq3A_106 = arith.cmpi eq, %iota3A, %eq3A_105 : vector<16xi32>
      %jit3A = arith.constant 0.000000e+00 : f32
      %broadcast_in_dim3A_107 = vector.broadcast %jit3A : f32 to vector<16xf32>
      %select_n3A_108 = arith.select %eq3A_106, %mul3A_103, %broadcast_in_dim3A_107 : vector<16xi1>, vector<16xf32>
      %swap3A = arith.constant 0 : index
      %swap3A_109 = tpu.vector_load %arg8[%swap3A] {strides = array<i32>} : memref<16xf32, #tpu.memory_space<vmem>>, vector<16xf32>,
      tpu.vector_store %arg8[%swap3A], %select_n3A_108 {strides = array<i32>} : memref<16xf32, #tpu.memory_space<vmem>>, vector<16xf32>,
      "tpu.region"() ({
        %run_scoped3A = tpu.sem_alloc : memref<!tpu.dma_semaphore, #tpu.memory_space<semaphore_mem>>
        tpu.enqueue_dma source(%arg8 : memref<16xf32, #tpu.memory_space<vmem>>) target(%arg4 : memref<16xf32, #tpu.memory_space<hbm>>) target_semaphore(%run_scoped3A : memref<!tpu.dma_semaphore, #tpu.memory_space<semaphore_mem>>)
        tpu.wait_dma2 semaphore(%run_scoped3A : memref<!tpu.dma_semaphore, #tpu.memory_space<semaphore_mem>>) src(%arg8 : memref<16xf32, #tpu.memory_space<vmem>>) dst(%arg4 : memref<16xf32, #tpu.memory_space<hbm>>)
        tpu.yield
      }) : () -> ()
    } else {
    }
    return
  }
}

</mosaic_0001>

<sc_bundles>
// kernel: kernel.4.cloned.1.call-start
scs
__scs_entry_jumppad:
0x0: {  	(pc) =	sbr.rel $0x88, $3  }
0x1: {  	(tag) =	ssettag $0x0;
	lr =	simm.s32 $0x1  }
0x2: {  	[smem:$0x3F9F] =	sst lr;
	_ =	strace $0xD0000000  }
0x3: {  	_ = 	snop  }
0x4: {  	_ = 	snop  }
0x5: {  	_ = 	snop  }
0x6: {  	_ = 	snop  }
0x7: {  	_ = 	snop  }
__scs_overlays_trampoline_lowered:
0x8: {  	[smem:$0x3FAE] =	sst s0  }
0x9: {  	[smem:$0x3FAF] =	sst s1  }
0xa: {  	[smem:$0x3FB0] =	sst s2  }
0xb: {  	[smem:$0x3FB1] =	sst s3  }
0xc: {  	[smem:$0x3FB2] =	sst s4  }
0xd: {  	[smem:$0x3FB3] =	sst s5  }
0xe: {  	[smem:$0x3FB4] =	sst s6  }
0xf: {  	[smem:$0x3FB5] =	sst s7  }
0x10: {  	[smem:$0x3FB6] =	sst s8  }
0x11: {  	[smem:$0x3FB7] =	sst s9;
	s0 =	simm.s32 @!p0 $0x0  }
0x12: {  	s1 =	sld [smem:$0x3F9D];
	s0 =	simm.s32 @p0 $0x1  }
0x13: {  	[smem:$0x3FB8] =	sst s0;
	s0 =	simm.s32 @!p1 $0x0  }
0x14: {  	s2 =	sld [smem:$0x3F9C];
	s0 =	simm.s32 @p1 $0x1  }
0x15: {  	[smem:$0x3FB9] =	sst s0;
	s0 =	simm.s32 @!p2 $0x0  }
0x16: {  	s3 =	sld [smem:$0x3FDB];
	s0 =	simm.s32 @p2 $0x1  }
0x17: {  	s4 =	simm.s32 $0x1BF5;
	[smem:$0x3FBB] =	sst s0  }
0x18: {  	s0 =	sld [smem:$0x3F9E];
	_ =	swait.ge [sflag:s4], $0x0  }
0x19: {  	s7 =	sld [smem:$0x3F9F]  }
0x1a: {  	s8 =	sadd.s32 $0xFFFFE003, lr  }
0x1b: {  	s9 =	sadd.s32 $0xFFFFFEF7, lr;
	s5 =	simm.s32 $0xFFFFFFFF;
	p2 =	slt.u32 s8, $0xFFFFF086  }
0x1c: {  	p1 =	slt.u32 s9, $0xF7A;
	s5 =	simm.s32 @!p2 $0x0  }
0x1d: {  	s5 =	simm.s32 @p1 $0x1;
	p0 =	seq.s32 s7, s2  }
0x1e: {  	s7 =	smul.u32 @!p0 $0xF7A, s2;
	p2 =	seq.s32 @!p0 s5, $0x0  }
0x1f: {  	s9 =	smul.u32 $0xF7A, s1;
	s8 =	simm.s32 @!p0 $0x1BF5;
	p2 =	por !p2, p0  }
0x20: {  	[sflag:s8] =	ssyncset.s32 @!p0 $0xFFFFF086;
	s6 =	sadd.s32 @!p0 s3, s7;
	s7 =	simm.s32 @!p0 $0x108  }
0x21: {  	s3 =	sadd.s32 s3, s9;
	s6 =	sadd.s32 @!p0 $0x88, s6;
	s7 =	simm.s32 @p2 $0x1082  }
0x22: {  	[simem:s7], [sflag:s8] =	dma.local @!p0 [hbm:s6], $0xF7A  }
0x23: {  	s9 =	sor.u32 $0xD0000000, s2;
	s6 =	simm.s32 $0x108;
	_ =	swait.ge @!p0 [sflag:s8], $0x0  }
0x24: {  	s3 =	sadd.s32 $0x88, s3;
	s6 =	simm.s32 @!p1 $0x1082;
	[sflag:s4] =	ssyncset.s32 $0xFFFFF086  }
0x25: {  	[simem:s6], [sflag:s4] =	dma.local [hbm:s3], $0xF7A  }
0x26: {  	[smem:$0x3F9F] =	sst s1;
	(tag) =	ssettag s2;
	_ =	strace s9  }
0x27: {  	s1 =	sld [smem:$0x3FAF]  }
0x28: {  	s2 =	sld [smem:$0x3FB0]  }
0x29: {  	s4 =	sld [smem:$0x3FB2]  }
0x2a: {  	p0 =	seq.s32 s5, $0x0;
	s5 =	sld [smem:$0x3FB3]  }
0x2b: {  	s6 =	sld [smem:$0x3FB4]  }
0x2c: {  	s7 =	sld [smem:$0x3FB5]  }
0x2d: {  	s3 =	simm.s32 $0x108;
	s8 =	sld [smem:$0x3FB6]  }
0x2e: {  	s3 =	simm.s32 @!p0 $0x1082;
	s9 =	sld [smem:$0x3FB7]  }
0x2f: {  	lr =	sadd.s32 s0, s3;
	s0 =	sld [smem:$0x3FAE]  }
0x30: {  	s3 =	sld [smem:$0x3FB1]  }
0x31: {  	[smem:$0x3FBA] =	sst s10  }
0x32: {  	s10 =	sld [smem:$0x3FB8];
	_ =	sdelay $0x3  }
0x33: {  	p0 =	seq.s32 s10, $0x1;
	s10 =	sld [smem:$0x3FBA];
	_ =	sdelay $0x3  }
0x34: {  	[smem:$0x3FBA] =	sst s10  }
0x35: {  	s10 =	sld [smem:$0x3FB9];
	_ =	sdelay $0x3  }
0x36: {  	p1 =	seq.s32 s10, $0x1;
	s10 =	sld [smem:$0x3FBA];
	_ =	sdelay $0x3  }
0x37: {  	[smem:$0x3FBA] =	sst s10  }
0x38: {  	s10 =	sld [smem:$0x3FBB]  }
0x39: {  	_ = 	snop;
	(pc) =	sbr.ind lr, $3  }
0x3a: {  	_ = 	snop  }
0x3b: {  	_ = 	snop  }
0x3c: {  	p2 =	seq.s32 s10, $0x1;
	s10 =	sld [smem:$0x3FBA]  }
0x3d: {  	_ =	shalt  }
0x3e: {  	_ =	shalt  }
0x3f: {  	_ =	shalt  }
0x40: {  	_ =	shalt  }
0x41: {  	_ =	shalt  }
0x42: {  	_ =	shalt  }
0x43: {  	_ =	shalt  }
0x44: {  	_ =	shalt  }
0x45: {  	_ =	shalt  }
0x46: {  	_ =	shalt  }
0x47: {  	_ =	shalt  }
0x48: {  	_ =	shalt  }
0x49: {  	_ =	shalt  }
0x4a: {  	_ =	shalt  }
0x4b: {  	_ =	shalt  }
0x4c: {  	_ =	shalt  }
0x4d: {  	_ =	shalt  }
0x4e: {  	_ =	shalt  }
0x4f: {  	_ =	shalt  }
0x50: {  	_ =	shalt  }
0x51: {  	_ =	shalt  }
0x52: {  	_ =	shalt  }
0x53: {  	_ =	shalt  }
0x54: {  	_ =	shalt  }
0x55: {  	_ =	shalt  }
0x56: {  	_ =	shalt  }
0x57: {  	_ =	shalt  }
0x58: {  	_ =	shalt  }
0x59: {  	_ =	shalt  }
0x5a: {  	_ =	shalt  }
0x5b: {  	_ =	shalt  }
0x5c: {  	_ =	shalt  }
0x5d: {  	_ =	shalt  }
0x5e: {  	_ =	shalt  }
0x5f: {  	_ =	shalt  }
0x60: {  	_ =	shalt  }
0x61: {  	_ =	shalt  }
0x62: {  	_ =	shalt  }
0x63: {  	_ =	shalt  }
0x64: {  	_ =	shalt  }
0x65: {  	_ =	shalt  }
0x66: {  	_ =	shalt  }
0x67: {  	_ =	shalt  }
0x68: {  	_ =	shalt  }
0x69: {  	_ =	shalt  }
0x6a: {  	_ =	shalt  }
0x6b: {  	_ =	shalt  }
0x6c: {  	_ =	shalt  }
0x6d: {  	_ =	shalt  }
0x6e: {  	_ =	shalt  }
0x6f: {  	_ =	shalt  }
0x70: {  	_ =	shalt  }
0x71: {  	_ =	shalt  }
0x72: {  	_ =	shalt  }
0x73: {  	_ =	shalt  }
0x74: {  	_ =	shalt  }
0x75: {  	_ =	shalt  }
0x76: {  	_ =	shalt  }
0x77: {  	_ =	shalt  }
0x78: {  	_ =	shalt  }
0x79: {  	_ =	shalt  }
0x7a: {  	_ =	shalt  }
0x7b: {  	_ =	shalt  }
0x7c: {  	_ =	shalt  }
0x7d: {  	_ =	shalt  }
0x7e: {  	_ =	shalt  }
0x7f: {  	_ =	shalt  }
0x80: {  	_ =	shalt  }
0x81: {  	_ =	shalt  }
0x82: {  	_ =	shalt  }
0x83: {  	_ =	shalt  }
0x84: {  	_ =	shalt  }
0x85: {  	_ =	shalt  }
0x86: {  	_ =	shalt  }
0x87: {  	_ =	shalt  }
.Lfunc_end0:
.L_simem_size_0:
called_computation_lowered:
.L_overlay_start_0:
0x88: {  	s2 =	sld [smem:$0x3FD9]  }
0x89: {  	s3 =	sld [smem:$0x3FFE];
	_ =	sdelay $0x1  }
0x8a: {  	s1 =	srdreg.scid  }
0x8b: {  	s0 =	sand.u32 $0x1, s1  }
0x8c: {  	s16 =	sshll.u32 s0, $0xA;
	s2 =	sadd.s32 s3, s2  }
0x8d: {  	s2 =	sadd.s32 s2, s16  }
0x8e: {  	[smem:$0x3FC6] =	sst s2  }
0x8f: {  	_ = 	snop  }
0x90: {  	(tm) =	ssettm $0x1  }
0x91: {  	s17 =	sld [smem:$0x3FFB];
	_ =	sdelay $0x3  }
0x92: {  	_ =	strace s17  }
0x93: {  	s2 =	sld [smem:$0x3FFC];
	_ =	sdelay $0x3  }
0x94: {  	_ =	strace s2  }
0x95: {  	s2 =	sld [smem:$0x3FFD];
	_ =	sdelay $0x3  }
0x96: {  	_ =	strace s2  }
0x97: {  	_ =	strace $0x8FFFFFFF  }
0x98: {  	s18 =	sld [smem:$0x3FDB];
	_ =	sdelay $0x1  }
0x99: {  	s19 =	simm.s32 $_scs_section_size  }
0x9a: {  	s4 =	simm.s32 $_size__tile_overlayer_lowered;
	s5 =	simm.s32 $_tile_overlayer_lowered  }
0x9b: {  	s22 =	simm.s32 $0x1BFF;
	s21 =	sshll.u32 s5, $0x1;
	s2 =	sadd.s32 s19, s18  }
0x9c: {  	s6 =	simm.s32 $0x0;
	s20 =	sshll.u32 s4, $0x1;
	s4 =	sadd.s32 s21, s2  }
0x9d: {  	[timem:s6], [sflag:s22] =	dma.local [hbm:s4], s20  }
0x9e: {  	_ =	swait.ge [sflag:s22], s20  }
0x9f: {  	s3 =	ssub.s32 $0x0, s20;
	[sflag:s22] =	ssyncset.done $0x0  }
0xa0: {  	[sflag:s22] =	ssyncadd.s32 s3;
	_ =	sdelay $0x1  }
0xa1: {  	s23 =	simm.s32 $0x1B8B  }
0xa2: {  	_ =	swait.ge [sflag:s23], $0x1  }
0xa3: {  	[sflag:s23] =	ssyncset.done $0x0  }
0xa4: {  	s25 =	simm.s32 $0x1B8E;
	s24 =	sld [smem:$0x3FFE];
	[sflag:s23] =	ssyncadd.s32 $0xFFFFFFFF  }
0xa5: {  	s26 =	simm.s32 $execute0_lowered;
	[smem:$0x3FD2] =	sst s25  }
0xa6: {  	s4 =	sshll.u32 s26, $0x1;
	_ =	strace $0x80000046;
	[dreg:$0x1] =	wrdreg $0xFFFFFFFF  }
0xa7: {  	s28 =	simm.s32 $_size_execute0_lowered;
	s2 =	sadd.s32 s2, s4;
	[dreg:$0x0] =	wrdreg $0x0  }
0xa8: {  	s4 =	sshll.u32 s28, $0x1;
	[dreg:$0x2] =	wrdreg s2  }
0xa9: {  	[dreg:$0x3] =	wrdreg s4  }
0xaa: {  	[dreg:$0x4] =	wrdreg $0xC0  }
0xab: {  	_ =	task [dreg:s6], $0x5FFFF  }
0xac: {  	[dreg:$0x1] =	wrdreg $0xFFFFFFFF  }
0xad: {  	[dreg:$0x0] =	wrdreg $0x60  }
0xae: {  	[dreg:$0x2] =	wrdreg s24  }
0xaf: {  	[dreg:$0x3] =	wrdreg $0x9  }
0xb0: {  	_ =	task.clear_ibuf [dreg:s6], $0x4FFFF;
	_ =	strace $0x90000046  }
0xb1: {  	s29 =	simm.s32 $0x9;
	_ =	strace $0x80000048  }
0xb2: {  	_ =	swait.ge [sflag:s29], $0x1  }
0xb3: {  	[sflag:s29] =	ssyncadd.s32 $0xFFFFFFFF  }
0xb4: {  	_ =	strace $0x90000048  }
0xb5: {  	_ =	sfence  }
0xb6: {  	s30 =	sld [smem:$0x0];
	_ =	sdelay $0x2  }
0xb7: {  	s31 =	sshll.u32 s1, $0xD;
	s1 =	sshrl.u32 s1, $0x2  }
0xb8: {  	s3 =	sand.u32 $0x4000, s31;
	s1 =	sadd.s32 s1, s30  }
0xb9: {  	s0 =	sor.u32 s3, s0;
	s1 =	sshll.u32 s1, $0x11  }
0xba: {  	s0 =	sor.u32 s1, s0  }
0xbb: {  	s0 =	sadd.s32 $0x8F2B, s0  }
0xbc: {  	[sflag:s0] =	ssyncadd.remote.s32 $0x1  }
0xbd: {  	_ =	sfence.sel $0xFFFF  }
0xbe: {  	[dreg:$0x0] =	wrdreg $0xFFFFFFFF;
	(pc) =	sbr.abs _section_cstart, $3  }
0xbf: {  	[dreg:$0x1] =	wrdreg $0xFFFFFFFF  }
0xc0: {  	_ =	task.clear_ibuf [dreg:s6], $0x2FFFF;
	_ =	strace $0x9FFFFFFF  }
0xc1: {  	(tm) =	ssettm $0x7FFFFFFF  }
tec
execute0_lowered:
.L_overlay_start_1:
0x0: {  	(tag) =	ssettag $0x1  }
0x1: {  	s0 =	srdreg.scid  }
0x2: {  	s4 =	sand.u32 $0x1, s0  }
0x3: {  	s7 =	rddreg [dreg:$0x0];
	s0 =	stileid.u32;
	s1 =	sshll.u32 s4, $0x4  }
0x4: {  	s10 =	simm.s32 $0x3A0;
	s5 =	sand.u32 $0x7, s0;
	s3 =	sor.u32 s0, s1  }
0x5: {  	s11 =	simm.s32 $0x110;
	p1 =	sne.s32 s5, $0x0;
	p0 =	seq.s32 s3, $0x0  }
0x6: {  	s12 =	simm.s32 $0x240;
	s13 =	simm.s32 $0x390;
	p0 =	por !p1, !p0  }
0x7: {  	s4 =	ssub.s32 $0x2, s4;
	s1 =	simm.s32 $0x1;
	p0 =	por !p0, !p0  }
0x8: {  	s5 =	smul.u32 $0x2580, s5;
	s2 =	sshrl.u32 s3, $0x3;
	s1 =	simm.s32 @!p0 $0x0  }
0x9: {  	s9 =	sshrl.u32 s4, $0x1;
	s31 =	smul.u32 $0x280, s3;
	s6 =	ssub.s32 s2, s1  }
0xa: {  	s14 =	simm.s32 $0x0;
	s9 =	ssub.s32 s4, s9;
	s8 =	smul.u32 $0x12C00, s6  }
0xb: {  	s3 =	simm.s32 $0x1;
	s9 =	smax.u32 s9, $0x1;
	s2 =	simm.s32 $0x0  }
0xc: {  	v4 =	vimm.s32 $0x81;
	[smem:$0x7FF] =	sst s2;
	s6 =	smul.u32 $0x110, s6;
	s5 =	sadd.s32 s5, s8  }
0xd: {  	s1 =	rddreg [dreg:$0x1];
	_ =	strace $0x80000047;
	s5 =	sshrl.u32 s5, $0x3  }
0xe: {  	v0 =	vimm.f32 $-9.999999840e+17;
	v1 =	vimm.f32 $9.999999840e+17;
	v2 =	vimm.s32 $0xFFFFFFFF;
	s8 =	sshrl.u32 s31, $0x3;
	s6 =	sshrl.u32 s6, $0x3;
	s5 =	sadd.s32 s5, s7  }
0xf: {  	v3 =	vimm.f32 $0.0e+00;
	v5 =	vimm.s32 $0x0;
	v6 =	vimm.s32 $0x80;
	s8 =	sadd.s32 s8, s7;
	s4 =	sadd.s32 $0x200, s5;
	s5 =	sadd.s32 s7, s6  }
0x10: {  	v7 =	vimm.s32 $0x40;
	vm0 =	vcmask $0x704;
	vm1 =	vcmask $0x3F04;
	s6 =	sadd.s32 $0x9800, s8;
	s7 =	sadd.s32 $0x9826, s8;
	s8 =	sadd.s32 $0x984C, s8  }
.LBB2_1:
0x11: {  	[tilespmem:s10], [sflag:$0x1] =	stream.linear.gather [hbm4b:s4+s2], $0x2580, $0x38;
	[tilespmem:$0x2920] =	vst v63  }
0x12: {  	_ =	swait.ge [sflag:s3], $0x2580  }
0x13: {  	[sflag:s3] =	ssyncset.done $0x0  }
0x14: {  	[sflag:s3] =	ssyncadd.s32 $0xFFFFDA80  }
0x15: {  	[tilespmem:s2], [sflag:$0x1] =	stream.linear.gather [hbm4b:s5+s2], $0x110, $0x38;
	[tilespmem:$0x2920] =	vst v63  }
0x16: {  	_ =	swait.ge [sflag:s3], $0x110  }
0x17: {  	[sflag:s3] =	ssyncset.done $0x0  }
0x18: {  	[sflag:s3] =	ssyncadd.s32 $0xFFFFFEF0  }
0x19: {  	[tilespmem:$0x110] =	vst v0  }
0x1a: {  	[tilespmem:$0x240] =	vst v1  }
0x1b: {  	[tilespmem:$0x120] =	vst v0  }
0x1c: {  	[tilespmem:$0x250] =	vst v1  }
0x1d: {  	[tilespmem:$0x130] =	vst v0  }
0x1e: {  	[tilespmem:$0x260] =	vst v1  }
0x1f: {  	[tilespmem:$0x140] =	vst v0  }
0x20: {  	[tilespmem:$0x270] =	vst v1  }
0x21: {  	[tilespmem:$0x150] =	vst v0  }
0x22: {  	[tilespmem:$0x280] =	vst v1  }
0x23: {  	[tilespmem:$0x160] =	vst v0  }
0x24: {  	[tilespmem:$0x290] =	vst v1  }
0x25: {  	[tilespmem:$0x170] =	vst v0  }
0x26: {  	[tilespmem:$0x2A0] =	vst v1  }
0x27: {  	[tilespmem:$0x180] =	vst v0  }
0x28: {  	[tilespmem:$0x2B0] =	vst v1  }
0x29: {  	[tilespmem:$0x190] =	vst v0  }
0x2a: {  	[tilespmem:$0x2C0] =	vst v1  }
0x2b: {  	[tilespmem:$0x1A0] =	vst v0  }
0x2c: {  	[tilespmem:$0x2D0] =	vst v1  }
0x2d: {  	[tilespmem:$0x1B0] =	vst v0  }
0x2e: {  	[tilespmem:$0x2E0] =	vst v1  }
0x2f: {  	[tilespmem:$0x1C0] =	vst v0  }
0x30: {  	[tilespmem:$0x2F0] =	vst v1  }
0x31: {  	[tilespmem:$0x1D0] =	vst v0  }
0x32: {  	[tilespmem:$0x300] =	vst v1  }
0x33: {  	[tilespmem:$0x1E0] =	vst v0  }
0x34: {  	[tilespmem:$0x310] =	vst v1  }
0x35: {  	[tilespmem:$0x1F0] =	vst v0  }
0x36: {  	[tilespmem:$0x320] =	vst v1  }
0x37: {  	[tilespmem:$0x200] =	vst v0  }
0x38: {  	[tilespmem:$0x330] =	vst v1  }
0x39: {  	[tilespmem:$0x210] =	vst v0  }
0x3a: {  	[tilespmem:$0x340] =	vst v1  }
0x3b: {  	[tilespmem:$0x220] =	vst v0  }
0x3c: {  	[tilespmem:$0x350] =	vst v1  }
0x3d: {  	[tilespmem:$0x230] =	vst v0  }
0x3e: {  	[tilespmem:$0x360] =	vst v1  }
0x3f: {  	[tilespmem:$0x370] =	vst v2  }
0x40: {  	s15 =	simm.s32 $0x0;
	v8 =	vimm.f32 $0.0e+00;
	v9 =	vimm.f32 $0.0e+00;
	[tilespmem:$0x380] =	vst v2  }
.LBB2_2:
0x41: {  	s16 =	sshra.s32 s15, $0x2;
	v11 =	vld.idx.msk [tilespmem:v4+s2+$0x0], $0xffff  }
0x42: {  	v10 =	vld [tilespmem:s16+$0x3A0];
	_ =	sdelay $0x4  }
0x43: {  	vm2 =	vle.f32 v11, v10  }
0x44: {  	v11 =	vsel vm2, $0xC0, v7  }
0x45: {  	v12 =	vor.u32 $0x1, v11;
	_ =	sdelay $0x4  }
0x46: {  	v13 =	vld.idx.msk [tilespmem:v12+s2+$0x0], $0xffff;
	_ =	sdelay $0x4  }
0x47: {  	v14 =	vsel vm2, $0x100, v6;
	vm3 =	vle.f32 v13, v10  }
0x48: {  	v44 =	vsel vm2, $0x81, v5;
	v11 =	vsel vm3, v14, v11  }
0x49: {  	v12 =	vsel vm3, v12, v44;
	v45 =	vadd.s32 $0xFFFFFFFF, v11  }
0x4a: {  	v46 =	vxor.u32 v45, v12  }
0x4b: {  	v13 =	vor.u32 v45, v12;
	v14 =	vshrl.u32 v46, $0x1  }
0x4c: {  	v13 =	vsub.s32 v13, v14  }
0x4d: {  	v14 =	vor.u32 $0x1, v13;
	_ =	sdelay $0x4  }
0x4e: {  	v15 =	vld.idx.msk [tilespmem:v14+s2+$0x0], $0xffff;
	_ =	sdelay $0x4  }
0x4f: {  	vm2 =	vle.f32 v15, v10  }
0x50: {  	v12 =	vsel vm2, v14, v12;
	v11 =	vsel vm2, v11, v13  }
0x51: {  	v13 =	vxor.u32 v11, v12  }
0x52: {  	v14 =	vand.u32 v11, v12;
	v13 =	vshrl.u32 v13, $0x1  }
0x53: {  	v13 =	vadd.s32 v13, v14  }
0x54: {  	v14 =	vadd.s32 $0x1, v13;
	_ =	sdelay $0x4  }
0x55: {  	v47 =	vld.idx.msk [tilespmem:v14+s2+$0x0], $0xffff;
	_ =	sdelay $0x4  }
0x56: {  	vm2 =	vle.f32 v47, v10  }
0x57: {  	v12 =	vsel vm2, v14, v12;
	v11 =	vsel vm2, v11, v13  }
0x58: {  	v13 =	vadd.s32 v11, v12  }
0x59: {  	v13 =	vshrl.u32 v13, $0x1  }
0x5a: {  	v48 =	vadd.s32 $0x1, v13;
	_ =	sdelay $0x4  }
0x5b: {  	v49 =	vld.idx.msk [tilespmem:v48+s2+$0x0], $0xffff;
	_ =	sdelay $0x4  }
0x5c: {  	vm2 =	vle.f32 v49, v10  }
0x5d: {  	v12 =	vsel vm2, v48, v12;
	v11 =	vsel vm2, v11, v13  }
0x5e: {  	v13 =	vadd.s32 v11, v12  }
0x5f: {  	v13 =	vshrl.u32 v13, $0x1  }
0x60: {  	v50 =	vadd.s32 $0x1, v13;
	_ =	sdelay $0x4  }
0x61: {  	v51 =	vld.idx.msk [tilespmem:v50+s2+$0x0], $0xffff;
	_ =	sdelay $0x4  }
0x62: {  	vm2 =	vle.f32 v51, v10  }
0x63: {  	v12 =	vsel vm2, v50, v12;
	v11 =	vsel vm2, v11, v13  }
0x64: {  	v13 =	vadd.s32 v11, v12  }
0x65: {  	v13 =	vshrl.u32 v13, $0x1  }
0x66: {  	v52 =	vadd.s32 $0x1, v13;
	_ =	sdelay $0x4  }
0x67: {  	v53 =	vld.idx.msk [tilespmem:v52+s2+$0x0], $0xffff;
	_ =	sdelay $0x4  }
0x68: {  	vm2 =	vle.f32 v53, v10  }
0x69: {  	v12 =	vsel vm2, v52, v12;
	v11 =	vsel vm2, v11, v13  }
0x6a: {  	v13 =	vadd.s32 v11, v12  }
0x6b: {  	v13 =	vshrl.u32 v13, $0x1  }
0x6c: {  	v54 =	vadd.s32 $0x1, v13;
	_ =	sdelay $0x4  }
0x6d: {  	v55 =	vld.idx.msk [tilespmem:v54+s2+$0x0], $0xffff;
	_ =	sdelay $0x4  }
0x6e: {  	vm2 =	vle.f32 v55, v10  }
0x6f: {  	v12 =	vsel vm2, v54, v12;
	v11 =	vsel vm2, v11, v13  }
0x70: {  	v11 =	vadd.s32 v11, v12  }
0x71: {  	v11 =	vshrl.u32 v11, $0x1  }
0x72: {  	v11 =	vadd.s32 $0x1, v11;
	_ =	sdelay $0x4  }
0x73: {  	v56 =	vld.idx.msk [tilespmem:v11+s2+$0x0], $0xffff;
	_ =	sdelay $0x4  }
0x74: {  	vm2 =	vle.f32 v56, v10  }
0x75: {  	vm3 =	vge.f32 v10, $1.000000050e-03;
	v11 =	vsel vm2, v11, v12  }
0x76: {  	v57 =	vnsel vm3, $0x40000000, v10;
	v58 =	vnsel vm3, $0x12B, v11  }
0x77: {  	(xrf1) =	vsort.ascd.msk.f32 $0xffff, v57, v58;
	_ =	sdelay $0x9  }
0x78: {  	v59 =	vadd.s32 $0x1, v11;
	_ =	sdelay $0x3  }
0x79: {  	v11 =	vld.idx.msk [tilespmem:v11+s2+$0x0], $0xffff;
	v13, v60, _ =	vpop (xrf1)  }
0x7a: {  	v12 =	vld.idx.msk [tilespmem:v59+s2+$0x0], $0xffff;
	[tilespmem:$0x371] =	vst v60  }
0x7b: {  	v61 =	vld [tilespmem:$0x372];
	_ =	sdelay $0x4  }
0x7c: {  	v62 =	vld.idx.msk [tilespmem:v60+s11+$0x0], $0xffff;
	vm2 =	vne.s32 v60, v61;
	_ =	sdelay $0x1  }
0x7d: {  	v16 =	vld [tilespmem:$0x370];
	_ =	sdelay $0x2  }
0x7e: {  	v15 =	vmax.f32 v62, v13  }
0x7f: {  	[tilespmem:v60+s11+$0x0] =	vst.idx.msk vm2, v15  }
0x80: {  	v11 =	vsub.f32 v10, v11;
	v10 =	vsub.f32 v12, v10;
	vm2 =	vne.s32 v60, v16;
	v63 =	vld.idx.msk [tilespmem:v60+s12+$0x0], $0xffff  }
0x81: {  	p0 =	sne.s32 s15, $0x95C0  }
.Ltmp0:
0x82: {  	v10 =	vmin.f32 v11, v10;
	(pc) =	sbr.rel @p0 .LBB2_2-.Ltmp0, $3  }
0x83: {  	v10 =	vmul.f32 v10, v10;
	_ =	sdelay $0x1  }
0x84: {  	v11 =	vsel vm3, $0x3F800000, v3;
	v10 =	vnsel vm3, $0x0, v10;
	v12 =	vmin.f32 v63, v13  }
0x85: {  	s15 =	sadd.s32 $0x40, s15;
	v8 =	vadd.f32 v11, v8;
	v9 =	vadd.f32 v10, v9;
	[tilespmem:v60+s12+$0x0] =	vst.idx.msk vm2, v12  }
0x86: {  	_ = 	snop  }
0x87: {  	(xrf2) =	vadd.scan.msk.f32 $0xffff, v9  }
0x88: {  	(xrf2) =	vadd.scan.msk.f32 $0xffff, v8;
	_ =	sdelay $0x8  }
0x89: {  	v8, _, _ =	vpop (xrf2)  }
0x8a: {  	v63, _, _ =	vpop (xrf2)  }
0x8b: {  	v9 =	vbroadcast v63, $0xF  }
0x8c: {  	v8 =	vbroadcast v8, $0xF  }
0x8d: {  	v9 =	vnsel vm0, $0x0, v9  }
0x8e: {  	v8 =	vsel vm1, v9, v8  }
0x8f: {  	[tilespmem:$0x390] =	vst v8  }
0x90: {  	[hbm4b:s6+s2] =	stream.linear.scatter [tilespmem:s11], [sflag:$0x1], $0x130, $0x38;
	[tilespmem:$0x2920] =	vst v63  }
0x91: {  	_ =	swait.ge [sflag:s3], $0x130  }
0x92: {  	[sflag:s3] =	ssyncset.done $0x0  }
0x93: {  	[sflag:s3] =	ssyncadd.s32 $0xFFFFFED0  }
0x94: {  	[hbm4b:s7+s2] =	stream.linear.scatter [tilespmem:s12], [sflag:$0x1], $0x130, $0x38;
	[tilespmem:$0x2920] =	vst v63  }
0x95: {  	s14 =	sadd.s32 $0x1, s14;
	_ =	swait.ge [sflag:s3], $0x130  }
0x96: {  	p0 =	sne.s32 s14, s9;
	[sflag:s3] =	ssyncset.done $0x0  }
.Ltmp1:
0x97: {  	[sflag:s3] =	ssyncadd.s32 $0xFFFFFED0;
	(pc) =	sbr.rel @p0 .LBB2_1-.Ltmp1, $4  }
0x98: {  	[hbm4b:s8+s2] =	stream.linear.scatter [tilespmem:s13], [sflag:$0x1], $0x10, $0x38;
	[tilespmem:$0x2920] =	vst v63  }
0x99: {  	_ =	swait.ge [sflag:s3], $0x10  }
0x9a: {  	[sflag:s3] =	ssyncset.done $0x0  }
0x9b: {  	[sflag:s3] =	ssyncadd.s32 $0xFFFFFFF0  }
0x9c: {  	_ =	sfence.sel $0x180000  }
0x9d: {  	[bflag:$0x0] =	sbarrier.arrive $0xFFFF  }
0x9e: {  	p0 =	sne.s32 s0, $0x0;
	_ =	strace $0x90000047  }
0x9f: {  	s0 =	sadd.s32 @!p0 $0x100000, s1;
	[bflag:$0x2] =	sbarrier.arrive $0xFFFF  }
0xa0: {  	[sflag:s0] =	ssyncadd.tile.s32 @!p0 $0x1;
	_ =	shalt  }
.Lfunc_end2:
_tile_overlayer_lowered:
.L_overlay_start_2:
0xa1: {  	(tag) =	ssettag $0x2  }
0xa2: {  	s0 =	rddreg [dreg:$0x0];
	s2 =	stileid.u32  }
0xa3: {  	s1 =	rddreg [dreg:$0x1];
	p0 =	sne.s32 s2, $0x0  }
0xa4: {  	s3 =	rddreg [dreg:$0x2];
	[bflag:$0x3] =	sbarrier.arrive $0xFFFF;
	s2 =	simm.s32 @!p0 $0x1C01  }
0xa5: {  	[timem:s3], [sflag:s2] =	dma.local @!p0 [hbm:s0], s1  }
0xa6: {  	s0 =	simm.s32 @!p0 $0x1  }
0xa7: {  	_ =	swait.ge @!p0 [sflag:s0], s1  }
0xa8: {  	s1 =	ssub.s32 @!p0 $0x0, s1;
	[sflag:s0] =	ssyncset.done @!p0 $0x0  }
0xa9: {  	[sflag:s0] =	ssyncadd.s32 @!p0 s1  }
0xaa: {  	[bflag:$0x3] =	sbarrier.arrive $0xFFFF  }
0xab: {  	_ =	shalt  }

// kernel: kernel.7.cloned.1.call-start
scs
__scs_entry_jumppad:
0x0: {  	(pc) =	sbr.rel $0x88, $3  }
0x1: {  	(tag) =	ssettag $0x0;
	lr =	simm.s32 $0x1  }
0x2: {  	[smem:$0x3F9F] =	sst lr;
	_ =	strace $0xD0000000  }
0x3: {  	_ = 	snop  }
0x4: {  	_ = 	snop  }
0x5: {  	_ = 	snop  }
0x6: {  	_ = 	snop  }
0x7: {  	_ = 	snop  }
__scs_overlays_trampoline_lowered:
0x8: {  	[smem:$0x3FAE] =	sst s0  }
0x9: {  	[smem:$0x3FAF] =	sst s1  }
0xa: {  	[smem:$0x3FB0] =	sst s2  }
0xb: {  	[smem:$0x3FB1] =	sst s3  }
0xc: {  	[smem:$0x3FB2] =	sst s4  }
0xd: {  	[smem:$0x3FB3] =	sst s5  }
0xe: {  	[smem:$0x3FB4] =	sst s6  }
0xf: {  	[smem:$0x3FB5] =	sst s7  }
0x10: {  	[smem:$0x3FB6] =	sst s8  }
0x11: {  	[smem:$0x3FB7] =	sst s9;
	s0 =	simm.s32 @!p0 $0x0  }
0x12: {  	s1 =	sld [smem:$0x3F9D];
	s0 =	simm.s32 @p0 $0x1  }
0x13: {  	[smem:$0x3FB8] =	sst s0;
	s0 =	simm.s32 @!p1 $0x0  }
0x14: {  	s2 =	sld [smem:$0x3F9C];
	s0 =	simm.s32 @p1 $0x1  }
0x15: {  	[smem:$0x3FB9] =	sst s0;
	s0 =	simm.s32 @!p2 $0x0  }
0x16: {  	s3 =	sld [smem:$0x3FDB];
	s0 =	simm.s32 @p2 $0x1  }
0x17: {  	s4 =	simm.s32 $0x1BF5;
	[smem:$0x3FBB] =	sst s0  }
0x18: {  	s0 =	sld [smem:$0x3F9E];
	_ =	swait.ge [sflag:s4], $0x0  }
0x19: {  	s7 =	sld [smem:$0x3F9F]  }
0x1a: {  	s8 =	sadd.s32 $0xFFFFE003, lr  }
0x1b: {  	s9 =	sadd.s32 $0xFFFFFEF7, lr;
	s5 =	simm.s32 $0xFFFFFFFF;
	p2 =	slt.u32 s8, $0xFFFFF086  }
0x1c: {  	p1 =	slt.u32 s9, $0xF7A;
	s5 =	simm.s32 @!p2 $0x0  }
0x1d: {  	s5 =	simm.s32 @p1 $0x1;
	p0 =	seq.s32 s7, s2  }
0x1e: {  	s7 =	smul.u32 @!p0 $0xF7A, s2;
	p2 =	seq.s32 @!p0 s5, $0x0  }
0x1f: {  	s9 =	smul.u32 $0xF7A, s1;
	s8 =	simm.s32 @!p0 $0x1BF5;
	p2 =	por !p2, p0  }
0x20: {  	[sflag:s8] =	ssyncset.s32 @!p0 $0xFFFFF086;
	s6 =	sadd.s32 @!p0 s3, s7;
	s7 =	simm.s32 @!p0 $0x108  }
0x21: {  	s3 =	sadd.s32 s3, s9;
	s6 =	sadd.s32 @!p0 $0x88, s6;
	s7 =	simm.s32 @p2 $0x1082  }
0x22: {  	[simem:s7], [sflag:s8] =	dma.local @!p0 [hbm:s6], $0xF7A  }
0x23: {  	s9 =	sor.u32 $0xD0000000, s2;
	s6 =	simm.s32 $0x108;
	_ =	swait.ge @!p0 [sflag:s8], $0x0  }
0x24: {  	s3 =	sadd.s32 $0x88, s3;
	s6 =	simm.s32 @!p1 $0x1082;
	[sflag:s4] =	ssyncset.s32 $0xFFFFF086  }
0x25: {  	[simem:s6], [sflag:s4] =	dma.local [hbm:s3], $0xF7A  }
0x26: {  	[smem:$0x3F9F] =	sst s1;
	(tag) =	ssettag s2;
	_ =	strace s9  }
0x27: {  	s1 =	sld [smem:$0x3FAF]  }
0x28: {  	s2 =	sld [smem:$0x3FB0]  }
0x29: {  	s4 =	sld [smem:$0x3FB2]  }
0x2a: {  	p0 =	seq.s32 s5, $0x0;
	s5 =	sld [smem:$0x3FB3]  }
0x2b: {  	s6 =	sld [smem:$0x3FB4]  }
0x2c: {  	s7 =	sld [smem:$0x3FB5]  }
0x2d: {  	s3 =	simm.s32 $0x108;
	s8 =	sld [smem:$0x3FB6]  }
0x2e: {  	s3 =	simm.s32 @!p0 $0x1082;
	s9 =	sld [smem:$0x3FB7]  }
0x2f: {  	lr =	sadd.s32 s0, s3;
	s0 =	sld [smem:$0x3FAE]  }
0x30: {  	s3 =	sld [smem:$0x3FB1]  }
0x31: {  	[smem:$0x3FBA] =	sst s10  }
0x32: {  	s10 =	sld [smem:$0x3FB8];
	_ =	sdelay $0x3  }
0x33: {  	p0 =	seq.s32 s10, $0x1;
	s10 =	sld [smem:$0x3FBA];
	_ =	sdelay $0x3  }
0x34: {  	[smem:$0x3FBA] =	sst s10  }
0x35: {  	s10 =	sld [smem:$0x3FB9];
	_ =	sdelay $0x3  }
0x36: {  	p1 =	seq.s32 s10, $0x1;
	s10 =	sld [smem:$0x3FBA];
	_ =	sdelay $0x3  }
0x37: {  	[smem:$0x3FBA] =	sst s10  }
0x38: {  	s10 =	sld [smem:$0x3FBB]  }
0x39: {  	_ = 	snop;
	(pc) =	sbr.ind lr, $3  }
0x3a: {  	_ = 	snop  }
0x3b: {  	_ = 	snop  }
0x3c: {  	p2 =	seq.s32 s10, $0x1;
	s10 =	sld [smem:$0x3FBA]  }
0x3d: {  	_ =	shalt  }
0x3e: {  	_ =	shalt  }
0x3f: {  	_ =	shalt  }
0x40: {  	_ =	shalt  }
0x41: {  	_ =	shalt  }
0x42: {  	_ =	shalt  }
0x43: {  	_ =	shalt  }
0x44: {  	_ =	shalt  }
0x45: {  	_ =	shalt  }
0x46: {  	_ =	shalt  }
0x47: {  	_ =	shalt  }
0x48: {  	_ =	shalt  }
0x49: {  	_ =	shalt  }
0x4a: {  	_ =	shalt  }
0x4b: {  	_ =	shalt  }
0x4c: {  	_ =	shalt  }
0x4d: {  	_ =	shalt  }
0x4e: {  	_ =	shalt  }
0x4f: {  	_ =	shalt  }
0x50: {  	_ =	shalt  }
0x51: {  	_ =	shalt  }
0x52: {  	_ =	shalt  }
0x53: {  	_ =	shalt  }
0x54: {  	_ =	shalt  }
0x55: {  	_ =	shalt  }
0x56: {  	_ =	shalt  }
0x57: {  	_ =	shalt  }
0x58: {  	_ =	shalt  }
0x59: {  	_ =	shalt  }
0x5a: {  	_ =	shalt  }
0x5b: {  	_ =	shalt  }
0x5c: {  	_ =	shalt  }
0x5d: {  	_ =	shalt  }
0x5e: {  	_ =	shalt  }
0x5f: {  	_ =	shalt  }
0x60: {  	_ =	shalt  }
0x61: {  	_ =	shalt  }
0x62: {  	_ =	shalt  }
0x63: {  	_ =	shalt  }
0x64: {  	_ =	shalt  }
0x65: {  	_ =	shalt  }
0x66: {  	_ =	shalt  }
0x67: {  	_ =	shalt  }
0x68: {  	_ =	shalt  }
0x69: {  	_ =	shalt  }
0x6a: {  	_ =	shalt  }
0x6b: {  	_ =	shalt  }
0x6c: {  	_ =	shalt  }
0x6d: {  	_ =	shalt  }
0x6e: {  	_ =	shalt  }
0x6f: {  	_ =	shalt  }
0x70: {  	_ =	shalt  }
0x71: {  	_ =	shalt  }
0x72: {  	_ =	shalt  }
0x73: {  	_ =	shalt  }
0x74: {  	_ =	shalt  }
0x75: {  	_ =	shalt  }
0x76: {  	_ =	shalt  }
0x77: {  	_ =	shalt  }
0x78: {  	_ =	shalt  }
0x79: {  	_ =	shalt  }
0x7a: {  	_ =	shalt  }
0x7b: {  	_ =	shalt  }
0x7c: {  	_ =	shalt  }
0x7d: {  	_ =	shalt  }
0x7e: {  	_ =	shalt  }
0x7f: {  	_ =	shalt  }
0x80: {  	_ =	shalt  }
0x81: {  	_ =	shalt  }
0x82: {  	_ =	shalt  }
0x83: {  	_ =	shalt  }
0x84: {  	_ =	shalt  }
0x85: {  	_ =	shalt  }
0x86: {  	_ =	shalt  }
0x87: {  	_ =	shalt  }
.Lfunc_end0:
.L_simem_size_0:
called_computation.1_lowered:
.L_overlay_start_0:
0x88: {  	s0 =	sld [smem:$0x3FD9]  }
0x89: {  	s1 =	sld [smem:$0x3FFE];
	_ =	sdelay $0x3  }
0x8a: {  	s0 =	sadd.s32 s1, s0  }
0x8b: {  	[smem:$0x3FC6] =	sst s0  }
0x8c: {  	_ = 	snop  }
0x8d: {  	s0 =	sld [smem:$0x3FD0];
	(tm) =	ssettm $0x1  }
0x8e: {  	s16 =	sld [smem:$0x3FFB];
	_ =	sdelay $0x3  }
0x8f: {  	_ =	strace s16  }
0x90: {  	s1 =	sld [smem:$0x3FFC];
	_ =	sdelay $0x3  }
0x91: {  	_ =	strace s1  }
0x92: {  	s1 =	sld [smem:$0x3FFD];
	_ =	sdelay $0x3  }
0x93: {  	_ =	strace s1  }
0x94: {  	_ =	strace $0x8FFFFFFF  }
0x95: {  	s17 =	sld [smem:$0x3FDB];
	_ =	sdelay $0x1  }
0x96: {  	s2 =	simm.s32 $_scs_section_size  }
0x97: {  	s3 =	simm.s32 $_size__tile_overlayer_lowered;
	s4 =	simm.s32 $_tile_overlayer_lowered  }
0x98: {  	s20 =	simm.s32 $0x1BFF;
	s19 =	sshll.u32 s4, $0x1;
	s1 =	sadd.s32 s2, s17  }
0x99: {  	s5 =	simm.s32 $0x0;
	s18 =	sshll.u32 s3, $0x1;
	s3 =	sadd.s32 s19, s1  }
0x9a: {  	[timem:s5], [sflag:s20] =	dma.local [hbm:s3], s18  }
0x9b: {  	_ =	swait.ge [sflag:s20], s18  }
0x9c: {  	s2 =	ssub.s32 $0x0, s18;
	[sflag:s20] =	ssyncset.done $0x0  }
0x9d: {  	[sflag:s20] =	ssyncadd.s32 s2;
	_ =	sdelay $0x1  }
0x9e: {  	s21 =	simm.s32 $0x1B8B  }
0x9f: {  	_ =	swait.ge [sflag:s21], $0x1  }
0xa0: {  	[sflag:s21] =	ssyncset.done $0x0  }
0xa1: {  	s23 =	simm.s32 $0x1B8E;
	s22 =	sld [smem:$0x3FFE];
	[sflag:s21] =	ssyncadd.s32 $0xFFFFFFFF  }
0xa2: {  	s24 =	simm.s32 $execute0_lowered;
	[smem:$0x3FD2] =	sst s23  }
0xa3: {  	s3 =	sshll.u32 s24, $0x1;
	_ =	strace $0x80000049;
	[dreg:$0x1] =	wrdreg $0xFFFFFFFF  }
0xa4: {  	s25 =	simm.s32 $_size_execute0_lowered;
	s1 =	sadd.s32 s1, s3;
	[dreg:$0x0] =	wrdreg $0x0  }
0xa5: {  	s3 =	sshll.u32 s25, $0x1;
	[dreg:$0x2] =	wrdreg s1  }
0xa6: {  	[dreg:$0x3] =	wrdreg s3  }
0xa7: {  	[dreg:$0x4] =	wrdreg $0xC0  }
0xa8: {  	_ =	task [dreg:s5], $0x5FFFF  }
0xa9: {  	[dreg:$0x1] =	wrdreg $0xFFFFFFFF  }
0xaa: {  	[dreg:$0x0] =	wrdreg $0x60  }
0xab: {  	[dreg:$0x2] =	wrdreg s22  }
0xac: {  	[dreg:$0x3] =	wrdreg s0  }
0xad: {  	[dreg:$0x4] =	wrdreg $0x18900  }
0xae: {  	[dreg:$0x5] =	wrdreg $0x9  }
0xaf: {  	_ =	task.clear_ibuf [dreg:s5], $0x6FFFF;
	_ =	strace $0x90000049  }
0xb0: {  	s26 =	simm.s32 $0x9;
	_ =	strace $0x8000004B  }
0xb1: {  	_ =	swait.ge [sflag:s26], $0x1  }
0xb2: {  	[sflag:s26] =	ssyncadd.s32 $0xFFFFFFFF  }
0xb3: {  	_ =	strace $0x9000004B  }
0xb4: {  	_ =	sfence  }
0xb5: {  	s28 =	sld [smem:$0x0];
	_ =	sdelay $0x1  }
0xb6: {  	s29 =	srdreg.scid  }
0xb7: {  	s30 =	sshll.u32 s29, $0xD;
	s31 =	sshrl.u32 s29, $0x2  }
0xb8: {  	s2 =	sand.u32 $0x4000, s30;
	s1 =	sand.u32 $0x1, s29;
	s0 =	sadd.s32 s31, s28  }
0xb9: {  	s1 =	sor.u32 s2, s1;
	s0 =	sshll.u32 s0, $0x11  }
0xba: {  	s0 =	sor.u32 s0, s1  }
0xbb: {  	s0 =	sadd.s32 $0x8F2B, s0  }
0xbc: {  	[sflag:s0] =	ssyncadd.remote.s32 $0x1  }
0xbd: {  	_ =	sfence.sel $0xFFFF  }
0xbe: {  	[dreg:$0x0] =	wrdreg $0xFFFFFFFF;
	(pc) =	sbr.abs _section_cstart, $3  }
0xbf: {  	[dreg:$0x1] =	wrdreg $0xFFFFFFFF  }
0xc0: {  	_ =	task.clear_ibuf [dreg:s5], $0x2FFFF;
	_ =	strace $0x9FFFFFFF  }
0xc1: {  	(tm) =	ssettm $0x7FFFFFFF  }
tec
execute0_lowered:
.L_overlay_start_1:
0x0: {  	(tag) =	ssettag $0x1  }
0x1: {  	s1 =	stileid.u32  }
0x2: {  	p1 =	slt.u32 s1, $0x4  }
.Ltmp0:
0x3: {  	_ = 	snop;
	(pc) =	sbr.rel @!p1 .LBB2_1-.Ltmp0, $4  }
0x4: {  	s5 =	rddreg [dreg:$0x0]  }
0x5: {  	s0 =	rddreg [dreg:$0x2];
	s6 =	simm.s32 $0x0  }
0x6: {  	[smem:$0x7FF] =	sst s6  }
0x7: {  	s12 =	rddreg [dreg:$0x3];
	p0 =	sne.s32 s1, $0x0;
	_ =	strace $0x8000004A  }
0x8: {  	s2 =	smul.u32 $0x280, s1  }
0x9: {  	s7 =	sadd.s32 $0x9800, s5;
	s24 =	simm.s32 $0x490  }
0xa: {  	s25 =	stileid.u32;
	s26 =	simm.s32 $0x1;
	s2 =	sadd.s32 s7, s2  }
0xb: {  	[tilespmem:s24], [sflag:$0x1] =	stream.linear.gather [hbm4b:s2+s6], $0x1400, $0x38;
	[tilespmem:$0x19C0] =	vst v63  }
0xc: {  	s28 =	smul.u32 $0x22, s25;
	_ =	swait.ge [sflag:s26], $0x1400  }
0xd: {  	[sflag:s26] =	ssyncset.done $0x0  }
0xe: {  	s30 =	simm.s32 $0x220;
	s29 =	sadd.s32 s5, s28;
	[sflag:s26] =	ssyncadd.s32 $0xFFFFEC00  }
0xf: {  	[tilespmem:s30], [sflag:$0x1] =	stream.linear.gather [hbm4b:s29+s6], $0x110, $0x38;
	[tilespmem:$0x19C0] =	vst v63  }
0x10: {  	_ =	swait.ge [sflag:s26], $0x110  }
0x11: {  	[sflag:s26] =	ssyncset.done $0x0  }
0x12: {  	[sflag:s26] =	ssyncadd.s32 $0xFFFFFEF0  }
0x13: {  	v0 =	vld [tilespmem:$0x490]  }
0x14: {  	v1 =	vld [tilespmem:$0x5C0]  }
0x15: {  	v2 =	vld [tilespmem:$0x710]  }
0x16: {  	v3 =	vld [tilespmem:$0x840]  }
0x17: {  	v4 =	vld [tilespmem:$0x990]  }
0x18: {  	v5 =	vld [tilespmem:$0xAC0]  }
0x19: {  	v6 =	vld [tilespmem:$0xC10]  }
0x1a: {  	v7 =	vld [tilespmem:$0xD40]  }
0x1b: {  	v8 =	vld [tilespmem:$0xE90]  }
0x1c: {  	v9 =	vld [tilespmem:$0xFC0]  }
0x1d: {  	v10 =	vld [tilespmem:$0x1110]  }
0x1e: {  	v11 =	vld [tilespmem:$0x1240]  }
0x1f: {  	v12 =	vld [tilespmem:$0x1390]  }
0x20: {  	v13 =	vld [tilespmem:$0x14C0]  }
0x21: {  	v15 =	vld [tilespmem:$0x1610]  }
0x22: {  	v31 =	vld [tilespmem:$0x1740]  }
0x23: {  	v16 =	vld [tilespmem:$0x4A0]  }
0x24: {  	v17 =	vld [tilespmem:$0x5D0]  }
0x25: {  	v18 =	vld [tilespmem:$0x720]  }
0x26: {  	v19 =	vld [tilespmem:$0x850]  }
0x27: {  	v20 =	vld [tilespmem:$0x9A0]  }
0x28: {  	v21 =	vld [tilespmem:$0xAD0]  }
0x29: {  	v22 =	vld [tilespmem:$0xC20]  }
0x2a: {  	v23 =	vld [tilespmem:$0xD50]  }
0x2b: {  	v24 =	vld [tilespmem:$0xEA0]  }
0x2c: {  	v25 =	vld [tilespmem:$0xFD0]  }
0x2d: {  	v26 =	vld [tilespmem:$0x1120]  }
0x2e: {  	v27 =	vld [tilespmem:$0x1250]  }
0x2f: {  	v28 =	vld [tilespmem:$0x13A0]  }
0x30: {  	v29 =	vld [tilespmem:$0x14D0]  }
0x31: {  	v47 =	vld [tilespmem:$0x1620]  }
0x32: {  	v60 =	vld [tilespmem:$0x1750]  }
0x33: {  	v32 =	vld [tilespmem:$0x4B0]  }
0x34: {  	v33 =	vld [tilespmem:$0x5E0]  }
0x35: {  	v34 =	vld [tilespmem:$0x730]  }
0x36: {  	v35 =	vld [tilespmem:$0x860]  }
0x37: {  	v36 =	vld [tilespmem:$0x9B0]  }
0x38: {  	v37 =	vld [tilespmem:$0xAE0]  }
0x39: {  	v38 =	vld [tilespmem:$0xC30]  }
0x3a: {  	v39 =	vld [tilespmem:$0xD60]  }
0x3b: {  	v40 =	vld [tilespmem:$0xEB0]  }
0x3c: {  	v41 =	vld [tilespmem:$0xFE0]  }
0x3d: {  	v42 =	vld [tilespmem:$0x1130]  }
0x3e: {  	v43 =	vld [tilespmem:$0x1260]  }
0x3f: {  	v44 =	vld [tilespmem:$0x13B0]  }
0x40: {  	v45 =	vld [tilespmem:$0x14E0]  }
0x41: {  	v46 =	vld [tilespmem:$0x1630]  }
0x42: {  	v61 =	vld [tilespmem:$0x1760]  }
0x43: {  	v48 =	vld [tilespmem:$0x4C0]  }
0x44: {  	v49 =	vld [tilespmem:$0x5F0]  }
0x45: {  	v50 =	vld [tilespmem:$0x740]  }
0x46: {  	v51 =	vld [tilespmem:$0x870]  }
0x47: {  	v52 =	vld [tilespmem:$0x9C0]  }
0x48: {  	v53 =	vld [tilespmem:$0xAF0]  }
0x49: {  	v54 =	vld [tilespmem:$0xC40]  }
0x4a: {  	v55 =	vld [tilespmem:$0xD70]  }
0x4b: {  	v56 =	vld [tilespmem:$0xEC0]  }
0x4c: {  	v57 =	vld [tilespmem:$0xFF0]  }
0x4d: {  	v58 =	vld [tilespmem:$0x1140]  }
0x4e: {  	v14 =	vld [tilespmem:$0x1640]  }
0x4f: {  	v30 =	vld [tilespmem:$0x1770]  }
0x50: {  	v59 =	vld [tilespmem:$0x1270]  }
0x51: {  	v62 =	vld [tilespmem:$0x13C0]  }
0x52: {  	v63 =	vld [tilespmem:$0x14F0]  }
0x53: {  	[tilespmem:$0x1F9F0] =	vst v14;
	v14 =	vld [tilespmem:$0x4D0]  }
0x54: {  	[tilespmem:$0x1FA00] =	vst v30;
	v30 =	vld [tilespmem:$0x600]  }
0x55: {  	v0 =	vmax.f32 v0, v2;
	v2 =	vld [tilespmem:$0x750]  }
0x56: {  	v1 =	vmin.f32 v1, v3;
	v3 =	vld [tilespmem:$0x880]  }
0x57: {  	v19 =	vmin.f32 v17, v19;
	v17 =	vld [tilespmem:$0x1040]  }
0x58: {  	v0 =	vmax.f32 v0, v4;
	v4 =	vld [tilespmem:$0x9D0]  }
0x59: {  	v1 =	vmin.f32 v1, v5;
	v5 =	vld [tilespmem:$0xB00]  }
0x5a: {  	v18 =	vmax.f32 v16, v18;
	v0 =	vmax.f32 v0, v6;
	v6 =	vld [tilespmem:$0xC50]  }
0x5b: {  	v1 =	vmin.f32 v1, v7;
	v7 =	vmax.f32 v18, v20;
	v20 =	vld [tilespmem:$0x4F0]  }
0x5c: {  	v18 =	vld [tilespmem:$0x1190]  }
0x5d: {  	v1 =	vmin.f32 v1, v9;
	v9 =	vld [tilespmem:$0xD80]  }
0x5e: {  	v0 =	vmax.f32 v0, v8;
	v8 =	vmin.f32 v19, v21;
	v19 =	vld [tilespmem:$0x12C0]  }
0x5f: {  	v0 =	vmax.f32 v0, v10;
	v10 =	vld [tilespmem:$0xED0]  }
0x60: {  	v7 =	vmax.f32 v7, v22;
	v1 =	vmin.f32 v1, v11;
	v11 =	vld [tilespmem:$0x1000]  }
0x61: {  	v7 =	vmax.f32 v7, v24;
	v24 =	vld [tilespmem:$0x500]  }
0x62: {  	v8 =	vmin.f32 v8, v23;
	v23 =	vld [tilespmem:$0x790]  }
0x63: {  	v8 =	vmin.f32 v8, v25;
	v25 =	vld [tilespmem:$0x1150]  }
0x64: {  	v7 =	vmax.f32 v7, v26;
	v26 =	vmax.f32 v32, v34;
	v32 =	vld [tilespmem:$0x1500]  }
0x65: {  	v34 =	vld [tilespmem:$0x1780]  }
0x66: {  	v2 =	vmax.f32 v14, v2;
	v14 =	vld [tilespmem:$0x8B0]  }
0x67: {  	v0 =	vmax.f32 v0, v12;
	v12 =	vld [tilespmem:$0x1530]  }
0x68: {  	v3 =	vmin.f32 v30, v3;
	v30 =	vld [tilespmem:$0x1410]  }
0x69: {  	[tilespmem:$0x1FB50] =	vst v17;
	v17 =	vld [tilespmem:$0x8E0]  }
0x6a: {  	v1 =	vmin.f32 v1, v13;
	v8 =	vmin.f32 v8, v27;
	v27 =	vld [tilespmem:$0x1280]  }
0x6b: {  	v1 =	vmin.f32 v1, v31;
	v31 =	vld [tilespmem:$0x13D0]  }
0x6c: {  	v7 =	vmax.f32 v7, v28;
	v28 =	vmin.f32 v33, v35;
	v33 =	vld [tilespmem:$0x1650]  }
0x6d: {  	v13 =	vmax.f32 v26, v36;
	v36 =	vld [tilespmem:$0x4E0]  }
0x6e: {  	v35 =	vmax.f32 v48, v50;
	v48 =	vld [tilespmem:$0xD90]  }
0x6f: {  	v50 =	vld [tilespmem:$0xEE0]  }
0x70: {  	v2 =	vmax.f32 v2, v4;
	v4 =	vld [tilespmem:$0x1520]  }
0x71: {  	v3 =	vmin.f32 v3, v5;
	v5 =	vld [tilespmem:$0x1670]  }
0x72: {  	v26 =	vld [tilespmem:$0xA00]  }
0x73: {  	v0 =	vmax.f32 v0, v15;
	v15 =	vld [tilespmem:$0x1680]  }
0x74: {  	v13 =	vmax.f32 v13, v38;
	v38 =	vld [tilespmem:$0x610]  }
0x75: {  	v7 =	vmax.f32 v7, v47;
	v47 =	vld [tilespmem:$0xC60]  }
0x76: {  	v16 =	vmin.f32 v28, v37;
	v37 =	vmin.f32 v49, v51;
	v49 =	vld [tilespmem:$0x1F9F0]  }
0x77: {  	v51 =	vld [tilespmem:$0x1FA00]  }
0x78: {  	v28 =	vld [tilespmem:$0xDA0]  }
0x79: {  	v2 =	vmax.f32 v2, v6;
	v6 =	vld [tilespmem:$0x1180]  }
0x7a: {  	v8 =	vmin.f32 v8, v29;
	v29 =	vld [tilespmem:$0x510]  }
0x7b: {  	v21 =	vmax.f32 v35, v52;
	v35 =	vld [tilespmem:$0x650]  }
0x7c: {  	[tilespmem:$0x1FB60] =	vst v18;
	v18 =	vld [tilespmem:$0xA30]  }
0x7d: {  	v21 =	vmax.f32 v21, v54;
	v54 =	vld [tilespmem:$0x760]  }
0x7e: {  	v22 =	vmin.f32 v37, v53;
	v53 =	vld [tilespmem:$0x1010]  }
0x7f: {  	v8 =	vmin.f32 v8, v60;
	v60 =	vld [tilespmem:$0x1510]  }
0x80: {  	v3 =	vmin.f32 v3, v9;
	v9 =	vld [tilespmem:$0x770]  }
0x81: {  	[tilespmem:$0x10] =	vst v7;
	v7 =	vld [tilespmem:$0x8A0]  }
0x82: {  	v37 =	vld [tilespmem:$0x640]  }
0x83: {  	v16 =	vmin.f32 v16, v39;
	[tilespmem:$0x1FB70] =	vst v19;
	v19 =	vld [tilespmem:$0x16B0]  }
0x84: {  	v16 =	vmin.f32 v16, v41;
	v41 =	vld [tilespmem:$0x890]  }
0x85: {  	v3 =	vmin.f32 v3, v11;
	v11 =	vld [tilespmem:$0x620]  }
0x86: {  	v13 =	vmax.f32 v13, v40;
	v40 =	vmin.f32 v22, v55;
	v22 =	vld [tilespmem:$0xB20]  }
0x87: {  	[tilespmem:$0x120] =	vst v8;
	v8 =	vld [tilespmem:$0x12B0]  }
0x88: {  	v2 =	vmax.f32 v2, v10;
	v10 =	vld [tilespmem:$0x1400]  }
0x89: {  	v13 =	vmax.f32 v13, v42;
	v21 =	vmax.f32 v21, v56;
	v56 =	vld [tilespmem:$0x12D0]  }
0x8a: {  	v13 =	vmax.f32 v13, v44;
	v44 =	vld [tilespmem:$0x9E0]  }
0x8b: {  	v16 =	vmin.f32 v16, v43;
	v43 =	vmax.f32 v21, v58;
	v58 =	vld [tilespmem:$0x1160]  }
0x8c: {  	v21 =	vld [tilespmem:$0x9F0]  }
0x8d: {  	v2 =	vmax.f32 v2, v25;
	v25 =	vld [tilespmem:$0x630]  }
0x8e: {  	v42 =	vmin.f32 v40, v57;
	v40 =	vld [tilespmem:$0xC80]  }
0x8f: {  	[tilespmem:$0x1FB80] =	vst v30;
	v30 =	vld [tilespmem:$0x7A0]  }
0x90: {  	v57 =	vld [tilespmem:$0x1420]  }
0x91: {  	[tilespmem:$0x1FFC0] =	vst v12;
	v12 =	vld [tilespmem:$0x1560]  }
0x92: {  	v16 =	vmin.f32 v16, v45;
	v45 =	vld [tilespmem:$0xB10]  }
0x93: {  	[tilespmem:$0x1FA70] =	vst v48;
	v48 =	vld [tilespmem:$0x1290]  }
0x94: {  	[tilespmem:$0x110] =	vst v1;
	v1 =	vmin.f32 v42, v59;
	v59 =	vld [tilespmem:$0x13E0]  }
0x95: {  	[tilespmem:$0x1FA10] =	vst v36;
	v36 =	vld [tilespmem:$0xC70]  }
0x96: {  	[tilespmem:$0x1FA80] =	vst v50;
	v50 =	vld [tilespmem:$0xEF0]  }
0x97: {  	v13 =	vmax.f32 v13, v46;
	v46 =	vmax.f32 v43, v62;
	v62 =	vld [tilespmem:$0x12A0]  }
0x98: {  	v52 =	vmin.f32 v3, v27;
	v27 =	vld [tilespmem:$0xB30]  }
0x99: {  	[tilespmem:$0x1FB30] =	vst v15;
	v15 =	vld [tilespmem:$0x8C0]  }
0x9a: {  	v2 =	vmax.f32 v2, v31;
	v31 =	vld [tilespmem:$0xA10]  }
0x9b: {  	v42 =	vld [tilespmem:$0x520]  }
0x9c: {  	v43 =	vld [tilespmem:$0x8D0]  }
0x9d: {  	[tilespmem:$0x1FFE0] =	vst v4;
	v4 =	vld [tilespmem:$0x1060]  }
0x9e: {  	[tilespmem:$0x1FAF0] =	vst v5;
	v5 =	vld [tilespmem:$0x11B0]  }
0x9f: {  	v3 =	vld [tilespmem:$0x7D0]  }
0xa0: {  	v39 =	vmin.f32 v16, v61;
	v61 =	vld [tilespmem:$0x1660]  }
0xa1: {  	v1 =	vmin.f32 v1, v63;
	v63 =	vld [tilespmem:$0x13F0]  }
0xa2: {  	[tilespmem:$0x20] =	vst v13;
	v13 =	vld [tilespmem:$0x780]  }
0xa3: {  	[tilespmem:$0x1FA20] =	vst v38;
	v38 =	vld [tilespmem:$0xB40]  }
0xa4: {  	[tilespmem:$0x0] =	vst v0;
	v16 =	vld [tilespmem:$0xF10]  }
0xa5: {  	[tilespmem:$0x1FA60] =	vst v47;
	v55 =	vmax.f32 v2, v33;
	v33 =	vld [tilespmem:$0x1690]  }
0xa6: {  	v0 =	vmax.f32 v46, v49;
	[tilespmem:$0x1FB00] =	vst v6;
	v46 =	vld [tilespmem:$0xDD0]  }
0xa7: {  	[tilespmem:$0x1FB90] =	vst v35;
	v47 =	vld [tilespmem:$0xF20]  }
0xa8: {  	v49 =	vld [tilespmem:$0x1050];
	[tilespmem:$0x130] =	vst v39  }
0xa9: {  	v35 =	vld [tilespmem:$0xCB0];
	[tilespmem:$0x30] =	vst v0  }
0xaa: {  	v6 =	vld [tilespmem:$0x12E0];
	[tilespmem:$0x1FA90] =	vst v53  }
0xab: {  	v1 =	vmin.f32 v1, v51;
	[tilespmem:$0x40] =	vst v55;
	v51 =	vld [tilespmem:$0x1020]  }
0xac: {  	v0 =	vmin.f32 v52, v32;
	[tilespmem:$0x1FAB0] =	vst v60;
	v52 =	vld [tilespmem:$0xC90]  }
0xad: {  	v53 =	vld [tilespmem:$0xDC0];
	[tilespmem:$0x1FC70] =	vst v19  }
0xae: {  	v32 =	vld [tilespmem:$0x1540];
	[tilespmem:$0x1FA30] =	vst v41  }
0xaf: {  	v39 =	vld [tilespmem:$0xB50];
	[tilespmem:$0x140] =	vst v1  }
0xb0: {  	v55 =	vld [tilespmem:$0x11A0];
	[tilespmem:$0x1FB10] =	vst v8  }
0xb1: {  	v60 =	vld [tilespmem:$0x16A0];
	[tilespmem:$0x1FB20] =	vst v10  }
0xb2: {  	v19 =	vld [tilespmem:$0x16C0];
	[tilespmem:$0x1FF70] =	vst v56  }
0xb3: {  	v0 =	vmin.f32 v0, v34;
	v41 =	vld [tilespmem:$0xDB0];
	[tilespmem:$0x1FA40] =	vst v44  }
0xb4: {  	v34 =	vld [tilespmem:$0x17C0];
	[tilespmem:$0x150] =	vst v0  }
0xb5: {  	v10 =	vld [tilespmem:$0x7B0];
	[tilespmem:$0x1FC10] =	vst v57  }
0xb6: {  	v8 =	vld [tilespmem:$0x1430];
	[tilespmem:$0x1FF80] =	vst v12  }
0xb7: {  	v56 =	vld [tilespmem:$0x8F0];
	[tilespmem:$0x1FA50] =	vst v45  }
0xb8: {  	v44 =	vld [tilespmem:$0xA20];
	[tilespmem:$0x1FAA0] =	vst v59  }
0xb9: {  	v57 =	vld [tilespmem:$0xA40];
	[tilespmem:$0x1FAD0] =	vst v62  }
0xba: {  	v12 =	vld [tilespmem:$0x1570];
	[tilespmem:$0x1FC30] =	vst v4  }
0xbb: {  	v62 =	vld [tilespmem:$0xF00];
	[tilespmem:$0x1FC40] =	vst v5  }
0xbc: {  	v45 =	vld [tilespmem:$0xCA0];
	[tilespmem:$0x1FAC0] =	vst v61  }
0xbd: {  	v59 =	vld [tilespmem:$0x1550];
	[tilespmem:$0x1FAE0] =	vst v63  }
0xbe: {  	v4 =	vld [tilespmem:$0x1070];
	[tilespmem:$0x1FB40] =	vst v16  }
0xbf: {  	v5 =	vld [tilespmem:$0x11C0];
	[tilespmem:$0x1FBA0] =	vst v33  }
0xc0: {  	v61 =	vld [tilespmem:$0x1170];
	[tilespmem:$0x1FBD0] =	vst v46  }
0xc1: {  	v63 =	vld [tilespmem:$0x1030];
	[tilespmem:$0x1FBE0] =	vst v47  }
0xc2: {  	[tilespmem:$0x1FBF0] =	vst v49;
	v16 =	vld [tilespmem:$0x530]  }
0xc3: {  	v33 =	vld [tilespmem:$0x660];
	[tilespmem:$0x1FC50] =	vst v6  }
0xc4: {  	v47 =	vld [tilespmem:$0xDE0];
	[tilespmem:$0x1FFA0] =	vst v32  }
0xc5: {  	v49 =	vld [tilespmem:$0xF30];
	[tilespmem:$0x1FBB0] =	vst v39  }
0xc6: {  	v46 =	vld [tilespmem:$0xCC0];
	[tilespmem:$0x1FC00] =	vst v55  }
0xc7: {  	v6 =	vld [tilespmem:$0x12F0];
	[tilespmem:$0x1FC20] =	vst v60  }
0xc8: {  	v55 =	vld [tilespmem:$0x540];
	[tilespmem:$0x1FD30] =	vst v19  }
0xc9: {  	v32 =	vld [tilespmem:$0x670];
	[tilespmem:$0x1FFD0] =	vst v34  }
0xca: {  	v39 =	vld [tilespmem:$0xB70];
	[tilespmem:$0x1FC60] =	vst v8  }
0xcb: {  	v60 =	vld [tilespmem:$0xF40];
	[tilespmem:$0x1FF50] =	vst v12  }
0xcc: {  	v19 =	vld [tilespmem:$0x1450];
	[tilespmem:$0x1FBC0] =	vst v45  }
0xcd: {  	v34 =	vld [tilespmem:$0xB60];
	[tilespmem:$0x1FFB0] =	vst v59  }
0xce: {  	v8 =	vld [tilespmem:$0x1440];
	[tilespmem:$0x1FCD0] =	vst v4  }
0xcf: {  	v12 =	vld [tilespmem:$0xCD0];
	[tilespmem:$0x1FCE0] =	vst v5  }
0xd0: {  	v45 =	vld [tilespmem:$0x7C0];
	[tilespmem:$0x1FCA0] =	vst v46  }
0xd1: {  	v59 =	vld [tilespmem:$0xDF0];
	[tilespmem:$0x1FCF0] =	vst v6  }
0xd2: {  	v4 =	vld [tilespmem:$0x1080];
	[tilespmem:$0x1FC80] =	vst v32  }
0xd3: {  	v5 =	vld [tilespmem:$0x1300];
	[tilespmem:$0x1FC90] =	vst v39  }
0xd4: {  	v6 =	vld [tilespmem:$0x550];
	[tilespmem:$0x1FCC0] =	vst v60  }
0xd5: {  	v46 =	vld [tilespmem:$0xB80];
	[tilespmem:$0x1FD50] =	vst v19  }
0xd6: {  	v32 =	vld [tilespmem:$0x17F0];
	[tilespmem:$0x1FD10] =	vst v8  }
0xd7: {  	v39 =	vld [tilespmem:$0x680];
	[tilespmem:$0x1FCB0] =	vst v59  }
0xd8: {  	v60 =	vld [tilespmem:$0xE00];
	[tilespmem:$0x1FD60] =	vst v4  }
0xd9: {  	v19 =	vld [tilespmem:$0x690];
	[tilespmem:$0x1FF20] =	vst v5  }
0xda: {  	v4 =	vld [tilespmem:$0x1800];
	[tilespmem:$0x1FD20] =	vst v46  }
0xdb: {  	v5 =	vld [tilespmem:$0x560];
	[tilespmem:$0x1FF90] =	vst v32  }
0xdc: {  	[tilespmem:$0x1FD00] =	vst v39;
	v39 =	vld [tilespmem:$0x1580]  }
0xdd: {  	[tilespmem:$0x1FD40] =	vst v60;
	v60 =	vld [tilespmem:$0x16D0]  }
0xde: {  	[tilespmem:$0x1FD90] =	vst v19;
	v19 =	vld [tilespmem:$0xCE0]  }
0xdf: {  	[tilespmem:$0x1FF60] =	vst v4;
	v4 =	vld [tilespmem:$0xA60]  }
0xe0: {  	[tilespmem:$0x1FD80] =	vst v5;
	v5 =	vld [tilespmem:$0xB90]  }
0xe1: {  	[tilespmem:$0x1FF40] =	vst v39;
	v39 =	vld [tilespmem:$0x910]  }
0xe2: {  	v8 =	vld [tilespmem:$0xA50];
	[tilespmem:$0x1FD70] =	vst v60  }
0xe3: {  	v59 =	vld [tilespmem:$0x900];
	[tilespmem:$0x1FDD0] =	vst v19  }
0xe4: {  	v46 =	vld [tilespmem:$0x11D0];
	[tilespmem:$0x1FDB0] =	vst v4  }
0xe5: {  	v32 =	vld [tilespmem:$0xF50];
	[tilespmem:$0x1FDC0] =	vst v5  }
0xe6: {  	v60 =	vld [tilespmem:$0x7E0];
	[tilespmem:$0x1FDA0] =	vst v39  }
0xe7: {  	v0 =	vld [tilespmem:$0xE10];
	_ =	sdelay $0x4  }
0xe8: {  	[tilespmem:$0x1FDE0] =	vst v0;
	v0 =	vld [tilespmem:$0x10A0];
	_ =	sdelay $0x4  }
0xe9: {  	[tilespmem:$0x1FEA0] =	vst v0;
	v0 =	vld [tilespmem:$0x11F0];
	_ =	sdelay $0x4  }
0xea: {  	[tilespmem:$0x1FE50] =	vst v0;
	v0 =	vld [tilespmem:$0x1320];
	_ =	sdelay $0x4  }
0xeb: {  	[tilespmem:$0x1FEC0] =	vst v0;
	v0 =	vld [tilespmem:$0x1470];
	_ =	sdelay $0x4  }
0xec: {  	[tilespmem:$0x1FE80] =	vst v0;
	v0 =	vld [tilespmem:$0x1FA10];
	_ =	sdelay $0x4  }
0xed: {  	v0 =	vmax.f32 v0, v54;
	v54 =	vld [tilespmem:$0x15A0];
	_ =	sdelay $0x3  }
0xee: {  	v1 =	vld [tilespmem:$0x1FA20]  }
0xef: {  	[tilespmem:$0x1FEE0] =	vst v54;
	v54 =	vld [tilespmem:$0x1FA30]  }
0xf0: {  	v39 =	vld [tilespmem:$0xF60]  }
0xf1: {  	v4 =	vld [tilespmem:$0x1090]  }
0xf2: {  	v5 =	vld [tilespmem:$0x11E0]  }
0xf3: {  	v19 =	vld [tilespmem:$0x1310]  }
0xf4: {  	v1 =	vmin.f32 v1, v54;
	v54 =	vld [tilespmem:$0x1FA40]  }
0xf5: {  	v2 =	vld [tilespmem:$0x7F0]  }
0xf6: {  	v9 =	vmax.f32 v20, v9;
	v7 =	vmin.f32 v11, v7;
	v20 =	vld [tilespmem:$0x1FAA0]  }
0xf7: {  	v7 =	vmin.f32 v7, v22;
	v11 =	vld [tilespmem:$0x930]  }
0xf8: {  	v28 =	vmin.f32 v7, v28;
	v7 =	vld [tilespmem:$0xA80]  }
0xf9: {  	v0 =	vmax.f32 v0, v54;
	v54 =	vld [tilespmem:$0x16F0]  }
0xfa: {  	v13 =	vmax.f32 v24, v13;
	v24 =	vld [tilespmem:$0xD00]  }
0xfb: {  	v14 =	vmin.f32 v25, v14;
	v25 =	vld [tilespmem:$0xE30]  }
0xfc: {  	v28 =	vmin.f32 v28, v51;
	v51 =	vmin.f32 v14, v27;
	v27 =	vld [tilespmem:$0x1480]  }
0xfd: {  	v14 =	vld [tilespmem:$0x1700]  }
0xfe: {  	[tilespmem:$0x1FEB0] =	vst v54;
	v54 =	vld [tilespmem:$0x1FA50]  }
0xff: {  	v10 =	vmax.f32 v16, v10;
	v16 =	vld [tilespmem:$0x6C0]  }
0x100: {  	v10 =	vmax.f32 v10, v18;
	v18 =	vld [tilespmem:$0x810]  }
0x101: {  	v17 =	vmin.f32 v33, v17;
	v33 =	vld [tilespmem:$0x1FC00]  }
0x102: {  	v17 =	vmin.f32 v17, v34;
	v34 =	vld [tilespmem:$0x1FC10]  }
0x103: {  	v1 =	vmin.f32 v1, v54;
	v54 =	vld [tilespmem:$0x1FA60]  }
0x104: {  	v10 =	vmax.f32 v10, v35;
	v35 =	vld [tilespmem:$0x1FC20]  }
0x105: {  	v10 =	vmax.f32 v10, v49;
	v49 =	vld [tilespmem:$0x1FC70]  }
0x106: {  	v3 =	vmax.f32 v6, v3;
	v6 =	vld [tilespmem:$0xF90]  }
0x107: {  	v3 =	vmax.f32 v3, v8;
	v8 =	vld [tilespmem:$0x10C0]  }
0x108: {  	v0 =	vmax.f32 v0, v54;
	v54 =	vld [tilespmem:$0x1820]  }
0x109: {  	v17 =	vmin.f32 v17, v47;
	v47 =	vmax.f32 v55, v45;
	v55 =	vld [tilespmem:$0x1FCD0]  }
0x10a: {  	v3 =	vmax.f32 v3, v12;
	v12 =	vld [tilespmem:$0x1210]  }
0x10b: {  	v3 =	vmax.f32 v3, v32;
	v32 =	vld [tilespmem:$0x1340]  }
0x10c: {  	v45 =	vld [tilespmem:$0x1490]  }
0x10d: {  	[tilespmem:$0x1FF00] =	vst v54;
	v54 =	vld [tilespmem:$0x1FA70]  }
0x10e: {  	[tilespmem:$0x1FDF0] =	vst v39;
	v39 =	vld [tilespmem:$0x1460]  }
0x10f: {  	v3 =	vmax.f32 v3, v46;
	v46 =	vld [tilespmem:$0x1710]  }
0x110: {  	[tilespmem:$0x1FE00] =	vst v5;
	v5 =	vld [tilespmem:$0x16E0]  }
0x111: {  	[tilespmem:$0x1FEF0] =	vst v19;
	v19 =	vld [tilespmem:$0x1810]  }
0x112: {  	v1 =	vmin.f32 v1, v54;
	v54 =	vld [tilespmem:$0x1FA80]  }
0x113: {  	[tilespmem:$0x1FE30] =	vst v39;
	v39 =	vld [tilespmem:$0x6A0]  }
0x114: {  	[tilespmem:$0x1FE90] =	vst v4;
	v4 =	vld [tilespmem:$0x1590]  }
0x115: {  	[tilespmem:$0x1FE60] =	vst v5;
	v5 =	vld [tilespmem:$0x920]  }
0x116: {  	[tilespmem:$0x1FF30] =	vst v19;
	v19 =	vld [tilespmem:$0xBA0]  }
0x117: {  	v0 =	vmax.f32 v0, v54;
	v54 =	vld [tilespmem:$0x580]  }
0x118: {  	[tilespmem:$0x1FE10] =	vst v39;
	v39 =	vld [tilespmem:$0xE20]  }
0x119: {  	[tilespmem:$0x1FF10] =	vst v4;
	v4 =	vld [tilespmem:$0x570]  }
0x11a: {  	[tilespmem:$0x1FE20] =	vst v5;
	v5 =	vld [tilespmem:$0xA70]  }
0x11b: {  	[tilespmem:$0x1FE40] =	vst v19;
	v19 =	vld [tilespmem:$0xCF0]  }
0x11c: {  	[tilespmem:$0x1FED0] =	vst v54;
	v54 =	vld [tilespmem:$0x1FA90]  }
0x11d: {  	[tilespmem:$0x1FE70] =	vst v39;
	v39 =	vld [tilespmem:$0xF70]  }
0x11e: {  	v2 =	vmax.f32 v4, v2;
	v4 =	vld [tilespmem:$0x1840]  }
0x11f: {  	v2 =	vmax.f32 v2, v5;
	v5 =	vld [tilespmem:$0x0]  }
0x120: {  	v2 =	vmax.f32 v2, v19;
	v19 =	vld [tilespmem:$0x10]  }
0x121: {  	v1 =	vmin.f32 v1, v54;
	v54 =	vld [tilespmem:$0x1FAB0]  }
0x122: {  	v2 =	vmax.f32 v2, v39;
	v39 =	vld [tilespmem:$0x20]  }
0x123: {  	v0 =	vmax.f32 v0, v58;
	v58 =	vld [tilespmem:$0x6B0]  }
0x124: {  	v0 =	vmax.f32 v0, v20;
	v20 =	vld [tilespmem:$0xBB0]  }
0x125: {  	v9 =	vmax.f32 v9, v21;
	v1 =	vmin.f32 v1, v48;
	v48 =	vld [tilespmem:$0x800]  }
0x126: {  	v1 =	vmin.f32 v1, v54;
	v54 =	vmax.f32 v9, v36;
	v36 =	vld [tilespmem:$0x1FAC0]  }
0x127: {  	v54 =	vmax.f32 v54, v50;
	v50 =	vmax.f32 v13, v26;
	v26 =	vld [tilespmem:$0xF80]  }
0x128: {  	v13 =	vmin.f32 v51, v41;
	v41 =	vmax.f32 v29, v23;
	v29 =	vld [tilespmem:$0x1200]  }
0x129: {  	v51 =	vld [tilespmem:$0x1FB10]  }
0x12a: {  	v22 =	vmin.f32 v13, v63;
	v63 =	vld [tilespmem:$0x1FB30]  }
0x12b: {  	v21 =	vmax.f32 v0, v36;
	v36 =	vld [tilespmem:$0x1FAD0]  }
0x12c: {  	[tilespmem:$0x1FFF0] =	vst v1;
	v1 =	vmax.f32 v50, v40;
	v50 =	vmin.f32 v37, v15;
	v15 =	vld [tilespmem:$0x1FB40]  }
0x12d: {  	v0 =	vmax.f32 v54, v61;
	v54 =	vld [tilespmem:$0x1FAE0]  }
0x12e: {  	v61 =	vld [tilespmem:$0x1FAF0]  }
0x12f: {  	v23 =	vmin.f32 v22, v51;
	v22 =	vld [tilespmem:$0x1FB50]  }
0x130: {  	v9 =	vmin.f32 v28, v36;
	v36 =	vld [tilespmem:$0x10B0]  }
0x131: {  	v28 =	vld [tilespmem:$0x1FB00]  }
0x132: {  	v0 =	vmax.f32 v0, v54;
	v54 =	vmax.f32 v41, v31;
	v31 =	vld [tilespmem:$0x1FB60]  }
0x133: {  	v41 =	vmax.f32 v42, v30;
	v42 =	vld [tilespmem:$0x1FB80]  }
0x134: {  	v40 =	vmax.f32 v0, v61;
	v61 =	vmin.f32 v50, v38;
	v38 =	vld [tilespmem:$0x1FB70]  }
0x135: {  	v50 =	vld [tilespmem:$0x1FB90]  }
0x136: {  	v62 =	vmax.f32 v1, v62;
	v1 =	vmax.f32 v54, v52;
	v52 =	vld [tilespmem:$0x1FBA0]  }
0x137: {  	v54 =	vld [tilespmem:$0x1FBC0]  }
0x138: {  	v13 =	vmin.f32 v61, v53;
	v53 =	vld [tilespmem:$0x1FBB0]  }
0x139: {  	v0 =	vmax.f32 v62, v28;
	v62 =	vld [tilespmem:$0x1FB20]  }
0x13a: {  	v61 =	vld [tilespmem:$0x1FBD0]  }
0x13b: {  	v28 =	vld [tilespmem:$0x1330]  }
0x13c: {  	v51 =	vmin.f32 v50, v43;
	v43 =	vld [tilespmem:$0x1FC50]  }
0x13d: {  	v50 =	vld [tilespmem:$0x1FC80]  }
0x13e: {  	v0 =	vmax.f32 v0, v62;
	v62 =	vld [tilespmem:$0x1FBE0]  }
0x13f: {  	v37 =	vmax.f32 v0, v63;
	v0 =	vmax.f32 v1, v15;
	v15 =	vld [tilespmem:$0x15B0]  }
0x140: {  	v1 =	vmin.f32 v13, v22;
	v13 =	vld [tilespmem:$0x1830]  }
0x141: {  	v63 =	vld [tilespmem:$0x1FBF0]  }
0x142: {  	v0 =	vmax.f32 v0, v31;
	v31 =	vmin.f32 v1, v38;
	v38 =	vld [tilespmem:$0x590]  }
0x143: {  	v1 =	vmax.f32 v41, v44;
	v41 =	vld [tilespmem:$0x1FC30]  }
0x144: {  	v44 =	vld [tilespmem:$0x1FC60]  }
0x145: {  	v0 =	vmax.f32 v0, v42;
	v42 =	vld [tilespmem:$0x1FC40]  }
0x146: {  	v1 =	vmax.f32 v1, v54;
	v54 =	vld [tilespmem:$0x1FCC0]  }
0x147: {  	v30 =	vmax.f32 v0, v52;
	v0 =	vmin.f32 v51, v53;
	v51 =	vld [tilespmem:$0x1FC90]  }
0x148: {  	v52 =	vld [tilespmem:$0x1FCA0]  }
0x149: {  	v53 =	vld [tilespmem:$0x1FCB0]  }
0x14a: {  	v0 =	vmin.f32 v0, v61;
	v61 =	vld [tilespmem:$0x1FD00]  }
0x14b: {  	v1 =	vmax.f32 v1, v62;
	v62 =	vld [tilespmem:$0x1FD10]  }
0x14c: {  	v1 =	vmax.f32 v1, v33;
	v33 =	vld [tilespmem:$0x940]  }
0x14d: {  	v0 =	vmin.f32 v0, v63;
	v63 =	vld [tilespmem:$0x1FD20]  }
0x14e: {  	v1 =	vmax.f32 v1, v34;
	v34 =	vld [tilespmem:$0xA90]  }
0x14f: {  	v35 =	vmax.f32 v1, v35;
	v1 =	vmin.f32 v17, v41;
	v17 =	vld [tilespmem:$0xBC0]  }
0x150: {  	v41 =	vld [tilespmem:$0xD10]  }
0x151: {  	v10 =	vmax.f32 v10, v42;
	v22 =	vmin.f32 v1, v43;
	v43 =	vld [tilespmem:$0xE40]  }
0x152: {  	v1 =	vmax.f32 v10, v44;
	v10 =	vmax.f32 v47, v57;
	v57 =	vld [tilespmem:$0x1FCF0]  }
0x153: {  	v47 =	vld [tilespmem:$0x1FD30]  }
0x154: {  	v42 =	vmax.f32 v1, v49;
	v1 =	vmin.f32 v50, v56;
	v56 =	vld [tilespmem:$0x1FCE0]  }
0x155: {  	v49 =	vld [tilespmem:$0x1FD40]  }
0x156: {  	v50 =	vld [tilespmem:$0x1FD50]  }
0x157: {  	v10 =	vmax.f32 v10, v52;
	v52 =	vld [tilespmem:$0x1FD70]  }
0x158: {  	v44 =	vmin.f32 v61, v59;
	v59 =	vld [tilespmem:$0x1FDD0]  }
0x159: {  	v61 =	vld [tilespmem:$0x1FDF0]  }
0x15a: {  	v1 =	vmin.f32 v1, v51;
	v51 =	vld [tilespmem:$0x1FD60]  }
0x15b: {  	v10 =	vmax.f32 v10, v54;
	v54 =	vld [tilespmem:$0x1FD90]  }
0x15c: {  	v44 =	vmin.f32 v44, v63;
	v63 =	vld [tilespmem:$0x1FE10]  }
0x15d: {  	v1 =	vmin.f32 v1, v53;
	v53 =	vld [tilespmem:$0x1FD80]  }
0x15e: {  	v1 =	vmin.f32 v1, v55;
	v55 =	vld [tilespmem:$0x1FDA0]  }
0x15f: {  	v1 =	vmin.f32 v1, v57;
	v57 =	vld [tilespmem:$0x1FDC0]  }
0x160: {  	[tilespmem:$0x50] =	vst v21;
	v21 =	vmin.f32 v44, v49;
	v44 =	vld [tilespmem:$0x15C0]  }
0x161: {  	v10 =	vmax.f32 v10, v56;
	v56 =	vld [tilespmem:$0x1FDB0]  }
0x162: {  	v49 =	vld [tilespmem:$0x1FE30]  }
0x163: {  	v3 =	vmax.f32 v3, v50;
	v50 =	vld [tilespmem:$0x1FE40]  }
0x164: {  	v10 =	vmax.f32 v10, v62;
	v62 =	vld [tilespmem:$0x1FE00]  }
0x165: {  	v21 =	vmin.f32 v21, v51;
	v51 =	vld [tilespmem:$0x1FE50]  }
0x166: {  	v3 =	vmax.f32 v3, v52;
	v52 =	vld [tilespmem:$0x1FE60]  }
0x167: {  	[tilespmem:$0x60] =	vst v40;
	v40 =	vmax.f32 v53, v60;
	v60 =	vld [tilespmem:$0x1FDE0]  }
0x168: {  	v10 =	vmax.f32 v10, v47;
	v47 =	vld [tilespmem:$0x1FE20]  }
0x169: {  	v53 =	vld [tilespmem:$0x1FE70]  }
0x16a: {  	[tilespmem:$0x70] =	vst v37;
	v37 =	vmin.f32 v54, v55;
	v54 =	vld [tilespmem:$0x1FE80]  }
0x16b: {  	v55 =	vld [tilespmem:$0x40]  }
0x16c: {  	[tilespmem:$0x80] =	vst v30;
	v30 =	vmin.f32 v37, v57;
	v57 =	vld [tilespmem:$0x1FEA0]  }
0x16d: {  	v40 =	vmax.f32 v40, v56;
	v56 =	vld [tilespmem:$0x1FE90]  }
0x16e: {  	v37 =	vmax.f32 v40, v59;
	v59 =	vld [tilespmem:$0x1FEB0]  }
0x16f: {  	v2 =	vmax.f32 v2, v51;
	v51 =	vmax.f32 v38, v18;
	v38 =	vld [tilespmem:$0x1FF40]  }
0x170: {  	v40 =	vld [tilespmem:$0x1FF50]  }
0x171: {  	v30 =	vmin.f32 v30, v60;
	v60 =	vld [tilespmem:$0x50]  }
0x172: {  	[tilespmem:$0x90] =	vst v35;
	v35 =	vmax.f32 v37, v61;
	v61 =	vld [tilespmem:$0x1FEC0]  }
0x173: {  	v37 =	vmin.f32 v63, v47;
	v63 =	vld [tilespmem:$0x60]  }
0x174: {  	[tilespmem:$0xC0] =	vst v3;
	v35 =	vmax.f32 v35, v62;
	v62 =	vld [tilespmem:$0x1FED0]  }
0x175: {  	v11 =	vmin.f32 v58, v11;
	v47 =	vmin.f32 v16, v33;
	v2 =	vmax.f32 v2, v54;
	v54 =	vld [tilespmem:$0xC0]  }
0x176: {  	[tilespmem:$0xA0] =	vst v42;
	v42 =	vmin.f32 v11, v20;
	v11 =	vmin.f32 v47, v17;
	v17 =	vmax.f32 v51, v34;
	v34 =	vld [tilespmem:$0x1FEF0]  }
0x177: {  	v47 =	vld [tilespmem:$0x1FF80]  }
0x178: {  	[tilespmem:$0xB0] =	vst v10;
	v10 =	vmax.f32 v35, v49;
	v35 =	vmin.f32 v37, v50;
	v37 =	vld [tilespmem:$0x30]  }
0x179: {  	v49 =	vld [tilespmem:$0x80]  }
0x17a: {  	v50 =	vld [tilespmem:$0x90]  }
0x17b: {  	v17 =	vmax.f32 v17, v41;
	v41 =	vld [tilespmem:$0x1FF60]  }
0x17c: {  	v11 =	vmin.f32 v11, v43;
	v43 =	vld [tilespmem:$0x17D0]  }
0x17d: {  	v3 =	vmax.f32 v10, v52;
	v52 =	vld [tilespmem:$0xA0]  }
0x17e: {  	v10 =	vmin.f32 v35, v53;
	v53 =	vld [tilespmem:$0xB0]  }
0x17f: {  	v8 =	vmin.f32 v11, v8;
	v35 =	vld [tilespmem:$0x1FF00]  }
0x180: {  	v2 =	vmax.f32 v2, v59;
	v8 =	vmin.f32 v8, v32;
	v32 =	vld [tilespmem:$0x1FF30]  }
0x181: {  	[tilespmem:$0xE0] =	vst v2;
	v2 =	vmax.f32 v62, v48;
	v48 =	vld [tilespmem:$0x70]  }
0x182: {  	v30 =	vmin.f32 v30, v56;
	v6 =	vmax.f32 v17, v6;
	v56 =	vld [tilespmem:$0xE0]  }
0x183: {  	(xrf0) =	vmax.scan.msk.f32 $0xffff, v5;
	v6 =	vmax.f32 v6, v12;
	v62 =	vld [tilespmem:$0x1FF10]  }
0x184: {  	(xrf0) =	vmax.scan.msk.f32 $0xffff, v19;
	v58 =	vmax.f32 v6, v45;
	v6 =	vmin.f32 v30, v34;
	v30 =	vld [tilespmem:$0x1FF20]  }
0x185: {  	(xrf0) =	vmax.scan.msk.f32 $0xffff, v39;
	v8 =	vmin.f32 v8, v44;
	v34 =	vld [tilespmem:$0x1790];
	v2 =	vmax.f32 v2, v7;
	v7 =	vmin.f32 v42, v25  }
0x186: {  	[tilespmem:$0xD0] =	vst v3;
	v4 =	vmin.f32 v8, v4;
	(xrf0) =	vmax.scan.msk.f32 $0xffff, v37;
	v37 =	vld [tilespmem:$0x17E0];
	v7 =	vmin.f32 v7, v36  }
0x187: {  	[tilespmem:$0x210] =	vst v4;
	v2 =	vmax.f32 v2, v24;
	(xrf0) =	vmax.scan.msk.f32 $0xffff, v55;
	v55 =	vld [tilespmem:$0xD0];
	v7 =	vmin.f32 v7, v28  }
0x188: {  	v59 =	vld [tilespmem:$0x210];
	v2 =	vmax.f32 v2, v26;
	(xrf0) =	vmax.scan.msk.f32 $0xffff, v60;
	v7 =	vmin.f32 v7, v15  }
0x189: {  	v20, _, _ =	vpop (xrf0);
	v3 =	vmin.f32 v10, v57;
	v60 =	vld [tilespmem:$0x1FEE0];
	v2 =	vmax.f32 v2, v29;
	(xrf0) =	vmax.scan.msk.f32 $0xffff, v63;
	v57 =	vmin.f32 v7, v13  }
0x18a: {  	v18, _, _ =	vpop (xrf0);
	v2 =	vmax.f32 v2, v27;
	(xrf0) =	vmax.scan.msk.f32 $0xffff, v48;
	v48 =	vld [tilespmem:$0x1FF90];
	[tilespmem:$0x200] =	vst v57  }
0x18b: {  	v2 =	vmax.f32 v2, v14;
	v36 =	vld [tilespmem:$0x200]  }
0x18c: {  	[tilespmem:$0xF0] =	vst v2;
	v2 =	vmax.f32 v58, v46;
	v46 =	vld [tilespmem:$0x1FF70]  }
0x18d: {  	v3 =	vmin.f32 v3, v61;
	v17, _, _ =	vpop (xrf0);
	(xrf0) =	vmax.scan.msk.f32 $0xffff, v49;
	v61 =	vld [tilespmem:$0xF0]  }
0x18e: {  	v16, _, _ =	vpop (xrf0);
	(xrf0) =	vmax.scan.msk.f32 $0xffff, v50;
	v3 =	vmin.f32 v3, v60;
	[tilespmem:$0x100] =	vst v2;
	v2 =	vmin.f32 v6, v62;
	v62 =	vld [tilespmem:$0x1FFD0]  }
0x18f: {  	(v2sf) =	vpush v20, $0xF;
	v1 =	vmin.f32 v1, v40;
	v15, _, _ =	vpop (xrf0);
	(xrf0) =	vmax.scan.msk.f32 $0xffff, v52;
	v3 =	vmin.f32 v3, v35;
	v63 =	vld [tilespmem:$0x100]  }
0x190: {  	v29 =	vlaneseq.u32;
	v7 =	vmin.f32 v21, v30;
	v14, _, _ =	vpop (xrf0);
	(xrf0) =	vmax.scan.msk.f32 $0xffff, v53;
	v53 =	vld [tilespmem:$0x1FFA0];
	[tilespmem:$0x1F0] =	vst v3  }
0x191: {  	v7 =	vmin.f32 v7, v38;
	v6 =	vmul.u32 $0xFFFFFFFF, v29;
	v2 =	vmin.f32 v2, v32;
	v13, _, _ =	vpop (xrf0);
	(xrf0) =	vmax.scan.msk.f32 $0xffff, v54;
	v33 =	vld [tilespmem:$0x1F0]  }
0x192: {  	v39 =	vsub.f32 $0.0e+00, v59;
	v7 =	vmin.f32 v7, v41;
	[tilespmem:$0x1E0] =	vst v2;
	v12, _, _ =	vpop (xrf0);
	(xrf0) =	vmax.scan.msk.f32 $0xffff, v55;
	v55 =	vld [tilespmem:$0x1FFB0]  }
0x193: {  	[tilespmem:$0x1D0] =	vst v7;
	v2 =	vadd.s32 $0xF, v6;
	v1 =	vmin.f32 v1, v48;
	v42 =	vld [tilespmem:$0x1E0];
	v11, _, _ =	vpop (xrf0);
	(xrf0) =	vmax.scan.msk.f32 $0xffff, v56  }
0x194: {  	v49 =	vld [tilespmem:$0x1D0];
	v44 =	vperm.xlane v39, v2;
	[tilespmem:$0x1C0] =	vst v1;
	v45 =	vsub.f32 $0.0e+00, v36;
	v8, _, _ =	vpop (xrf0);
	(xrf0) =	vmax.scan.msk.f32 $0xffff, v61  }
0x195: {  	(v2sf) =	vpush v18, $0xF;
	v22 =	vmin.f32 v22, v47;
	v0 =	vmin.f32 v0, v46;
	v57 =	vld [tilespmem:$0x1C0];
	v7, _, _ =	vpop (xrf0);
	(xrf0) =	vmax.scan.msk.f32 $0xffff, v63  }
0x196: {  	v56 =	vmin.f32 v22, v37;
	v37 =	vld [tilespmem:$0x1FFE0];
	v51 =	vperm.xlane v45, v2;
	v6, _, _ =	vpop (xrf0);
	(xrf0) =	vmax.scan.msk.f32 $0xffff, v44;
	v52 =	vsub.f32 $0.0e+00, v33  }
0x197: {  	[tilespmem:$0x1B0] =	vst v56;
	v61 =	vld [tilespmem:$0x1FFC0];
	v54 =	vmin.f32 v31, v53;
	v0 =	vmin.f32 v0, v55;
	v5, _, _ =	vpop (xrf0);
	(xrf0) =	vmin.scan.msk.f32 $0xffff, v59  }
0x198: {  	v50 =	vld [tilespmem:$0x17B0];
	v60 =	vsub.f32 $0.0e+00, v42;
	v4, _, _ =	vpop (xrf0);
	(xrf0) =	vmax.scan.msk.f32 $0xffff, v51;
	v0 =	vmin.f32 v0, v43;
	v59 =	vperm.xlane v52, v2  }
0x199: {  	(v2sf) =	vpush v17, $0xF;
	v63 =	vld [tilespmem:$0x1B0];
	v29 =	vmin.f32 v54, v62;
	v3, _, _ =	vpop (xrf0);
	(xrf0) =	vmin.scan.msk.f32 $0xffff, v36  }
0x19a: {  	v58 =	vld [tilespmem:$0x17A0];
	[tilespmem:$0x1A0] =	vst v0;
	v35 =	vperm.xlane v60, v2;
	v36 =	vsub.f32 $0.0e+00, v49;
	v1, _, _ =	vpop (xrf0);
	(xrf0) =	vmax.scan.msk.f32 $0xffff, v59  }
0x19b: {  	(v2sf) =	vpush v16, $0xF;
	[tilespmem:$0x190] =	vst v29;
	v38 =	vmin.f32 v9, v37;
	v39 =	vld [tilespmem:$0x1A0];
	v0, _, _ =	vpop (xrf0);
	(xrf0) =	vmin.scan.msk.f32 $0xffff, v33  }
0x19c: {  	v45 =	vld [tilespmem:$0x1FFF0];
	v41 =	vsub.f32 $0.0e+00, v57;
	v23 =	vmin.f32 v23, v61;
	v40 =	vperm.xlane v36, v2;
	v9, _, _ =	vpop (xrf0);
	(xrf0) =	vmax.scan.msk.f32 $0xffff, v35  }
0x19d: {  	(v2sf) =	vpush v15, $0xF;
	v23 =	vmin.f32 v23, v50;
	v30, _, _ =	vpop (xrf0);
	(xrf0) =	vmin.scan.msk.f32 $0xffff, v42;
	v42 =	vld [tilespmem:$0x190]  }
0x19e: {  	v43 =	vperm.xlane v41, v2;
	v44 =	vsub.f32 $0.0e+00, v63;
	[tilespmem:$0x180] =	vst v23;
	v10, _, _ =	vpop (xrf0);
	(xrf0) =	vmax.scan.msk.f32 $0xffff, v40  }
0x19f: {  	(v2sf) =	vpush v14, $0xF;
	v22 =	vmin.f32 v38, v58;
	v46 =	vld [tilespmem:$0x180];
	v31, _, _ =	vpop (xrf0);
	(xrf0) =	vmin.scan.msk.f32 $0xffff, v49  }
0x1a0: {  	[tilespmem:$0x170] =	vst v22;
	v47 =	vperm.xlane v44, v2;
	v48 =	vsub.f32 $0.0e+00, v39;
	v19, _, _ =	vpop (xrf0);
	(xrf0) =	vmax.scan.msk.f32 $0xffff, v43  }
0x1a1: {  	(v2sf) =	vpush v13, $0xF;
	v29 =	vmin.f32 v45, v34;
	v49 =	vld [tilespmem:$0x170];
	v26, _, _ =	vpop (xrf0);
	(xrf0) =	vmin.scan.msk.f32 $0xffff, v57  }
0x1a2: {  	[tilespmem:$0x160] =	vst v29;
	v50 =	vperm.xlane v48, v2;
	v21, _, _ =	vpop (xrf0);
	(xrf0) =	vmax.scan.msk.f32 $0xffff, v47;
	v51 =	vsub.f32 $0.0e+00, v42  }
0x1a3: {  	(v2sf) =	vpush v12, $0xF;
	v52 =	vld [tilespmem:$0x160];
	v32, _, _ =	vpop (xrf0);
	(xrf0) =	vmin.scan.msk.f32 $0xffff, v63  }
0x1a4: {  	(v2sf) =	vpush v11, $0xF;
	v53 =	vsub.f32 $0.0e+00, v46;
	v33, _, _ =	vpop (xrf0);
	(xrf0) =	vmax.scan.msk.f32 $0xffff, v50;
	v25 =	vperm.xlane v51, v2  }
0x1a5: {  	(v2sf) =	vpush v8, $0xF;
	v55 =	vld [tilespmem:$0x150];
	v54, _, _ =	vpop (xrf0);
	(xrf0) =	vmin.scan.msk.f32 $0xffff, v39  }
0x1a6: {  	(v2sf) =	vpush v7, $0xF;
	v56 =	vperm.xlane v53, v2;
	v57 =	vsub.f32 $0.0e+00, v49;
	v22, _, _ =	vpop (xrf0);
	(xrf0) =	vmax.scan.msk.f32 $0xffff, v25  }
0x1a7: {  	(v2sf) =	vpush v6, $0xF;
	v59 =	vld [tilespmem:$0x140];
	v58, _, _ =	vpop (xrf0);
	(xrf0) =	vmin.scan.msk.f32 $0xffff, v42  }
0x1a8: {  	(v2sf) =	vpush v5, $0xF;
	v61 =	vsub.f32 $0.0e+00, v52;
	v60 =	vperm.xlane v57, v2;
	v23, _, _ =	vpop (xrf0);
	(xrf0) =	vmax.scan.msk.f32 $0xffff, v56  }
0x1a9: {  	(v2sf) =	vpush v4, $0xF;
	v63 =	vld [tilespmem:$0x130];
	v62, _, _ =	vpop (xrf0);
	(xrf0) =	vmin.scan.msk.f32 $0xffff, v46  }
0x1aa: {  	(v2sf) =	vpush v3, $0xF;
	v45 =	vsub.f32 $0.0e+00, v55;
	v44 =	vperm.xlane v61, v2;
	v39, _, _ =	vpop (xrf0);
	(xrf0) =	vmax.scan.msk.f32 $0xffff, v60  }
0x1ab: {  	s21 =	spop (v2sf);
	(v2sf) =	vpush v1, $0xF;
	v47 =	vld [tilespmem:$0x120];
	v46, _, _ =	vpop (xrf0);
	(xrf0) =	vmin.scan.msk.f32 $0xffff, v49  }
0x1ac: {  	s20 =	spop (v2sf);
	(v2sf) =	vpush v30, $0xF;
	v48 =	vperm.xlane v45, v2;
	v49 =	vsub.f32 $0.0e+00, v59;
	v30, _, _ =	vpop (xrf0);
	(xrf0) =	vmax.scan.msk.f32 $0xffff, v44  }
0x1ad: {  	s19 =	spop (v2sf);
	(v2sf) =	vpush v31, $0xF;
	v50, _, _ =	vpop (xrf0);
	(xrf0) =	vmin.scan.msk.f32 $0xffff, v52  }
0x1ae: {  	s17 =	spop (v2sf);
	(v2sf) =	vpush v26, $0xF;
	v51 =	vperm.xlane v49, v2;
	v52 =	vsub.f32 $0.0e+00, v63;
	v26, _, _ =	vpop (xrf0);
	(xrf0) =	vmax.scan.msk.f32 $0xffff, v48  }
0x1af: {  	s18 =	spop (v2sf);
	(v2sf) =	vpush v32, $0xF;
	v53, _, _ =	vpop (xrf0);
	(xrf0) =	vmin.scan.msk.f32 $0xffff, v55  }
0x1b0: {  	s16 =	spop (v2sf);
	(v2sf) =	vpush v54, $0xF;
	v54 =	vperm.xlane v52, v2;
	v55 =	vsub.f32 $0.0e+00, v47;
	v28, _, _ =	vpop (xrf0);
	(xrf0) =	vmax.scan.msk.f32 $0xffff, v51  }
0x1b1: {  	s15 =	spop (v2sf);
	(v2sf) =	vpush v58, $0xF;
	v56, _, _ =	vpop (xrf0);
	(xrf0) =	vmin.scan.msk.f32 $0xffff, v59  }
0x1b2: {  	s14 =	spop (v2sf);
	(v2sf) =	vpush v62, $0xF;
	v57 =	vperm.xlane v55, v2;
	v35, _, _ =	vpop (xrf0);
	(xrf0) =	vmax.scan.msk.f32 $0xffff, v54  }
0x1b3: {  	s13 =	spop (v2sf);
	(v2sf) =	vpush v46, $0xF;
	v58, _, _ =	vpop (xrf0);
	(xrf0) =	vmin.scan.msk.f32 $0xffff, v63  }
0x1b4: {  	s4 =	smov.u32 s12;
	s12 =	spop (v2sf);
	(v2sf) =	vpush v50, $0xF;
	v59, _, _ =	vpop (xrf0);
	(xrf0) =	vmax.scan.msk.f32 $0xffff, v57  }
0x1b5: {  	s11 =	spop (v2sf);
	(v2sf) =	vpush v53, $0xF;
	v60, _, _ =	vpop (xrf0);
	(xrf0) =	vmin.scan.msk.f32 $0xffff, v47  }
0x1b6: {  	s10 =	spop (v2sf);
	(v2sf) =	vpush v56, $0xF;
	v61, _, _ =	vpop (xrf0)  }
0x1b7: {  	s9 =	spop (v2sf);
	(v2sf) =	vpush v58, $0xF;
	v62, _, _ =	vpop (xrf0)  }
0x1b8: {  	v37 =	vld [tilespmem:$0x110];
	s8 =	spop (v2sf);
	(v2sf) =	vpush v60, $0xF;
	v63, _, _ =	vpop (xrf0)  }
0x1b9: {  	s7 =	spop (v2sf);
	(v2sf) =	vpush v62, $0xF;
	v36, _, _ =	vpop (xrf0)  }
0x1ba: {  	s5 =	spop (v2sf);
	v38, _, _ =	vpop (xrf0)  }
0x1bb: {  	s21 =	smax.f32 s21, $-9.999999840e+17;
	s31 =	spop (v2sf);
	(v2sf) =	vpush v36, $0xF;
	v40, _, _ =	vpop (xrf0)  }
0x1bc: {  	s6 =	smin.f32 s31, $9.999999840e+17;
	s22 =	spop (v2sf);
	(v2sf) =	vpush v40, $0xF  }
0x1bd: {  	v20 =	vmax.f32 v20, $-9.999999840e+17;
	v41 =	vsub.f32 $0.0e+00, v37;
	v19 =	vperm.xlane v19, v2;
	s26 =	smin.f32 s6, s22;
	s23 =	spop (v2sf)  }
0x1be: {  	v18 =	vmax.f32 v18, s21;
	v9 =	vperm.xlane v9, v2;
	v21 =	vperm.xlane v21, v2;
	s28 =	smin.f32 s26, s23;
	s1 =	spop (v2sf)  }
0x1bf: {  	v19 =	vsub.f32 $0.0e+00, v19;
	v25 =	vperm.xlane v41, v2;
	v23 =	vperm.xlane v23, v2;
	s29 =	smin.f32 s28, s1;
	s2 =	spop (v2sf)  }
0x1c0: {  	v21 =	vsub.f32 $0.0e+00, v21;
	v44 =	vperm.xlane v22, v2;
	v30 =	vperm.xlane v30, v2;
	s30 =	smin.f32 s29, s2;
	s3 =	spop (v2sf)  }
0x1c1: {  	v42 =	vperm.xlane v33, v2;
	v23 =	vsub.f32 $0.0e+00, v23;
	v49 =	vperm.xlane v39, v2;
	s31 =	smin.f32 s30, s3;
	s24 =	spop (v2sf)  }
0x1c2: {  	v32 =	vsub.f32 $0.0e+00, v44;
	v30 =	vsub.f32 $0.0e+00, v30;
	v26 =	vperm.xlane v26, v2;
	v55 =	vld [tilespmem:$0x231];
	s1 =	smin.f32 s31, s24;
	s25 =	spop (v2sf);
	(xrf0) =	vmax.scan.msk.f32 $0xffff, v25  }
0x1c3: {  	v19 =	vmin.f32 v19, s26;
	v51 =	vsub.f32 $0.0e+00, v49;
	v28 =	vperm.xlane v28, v2;
	s2 =	smov.u32 s0;
	s3 =	smin.f32 s1, s25;
	s0 =	spop (v2sf)  }
0x1c4: {  	v41 =	vld [tilespmem:$0x251];
	v26 =	vsub.f32 $0.0e+00, v26;
	v35 =	vperm.xlane v35, v2;
	v24 =	vperm.xlane v59, v2;
	s25 =	smin.f32 s3, s0;
	s23 =	spop (v2sf)  }
0x1c5: {  	v48 =	vld [tilespmem:$0x6F0];
	v21 =	vmin.f32 v21, s28;
	v58 =	vsub.f32 $0.0e+00, v28;
	v29 =	vperm.xlane v61, v2;
	s22 =	smin.f32 s25, s23;
	s24 =	spop (v2sf)  }
0x1c6: {  	v50 =	vld [tilespmem:$0x970];
	v35 =	vsub.f32 $0.0e+00, v35;
	v24 =	vsub.f32 $0.0e+00, v24;
	v27 =	vperm.xlane v63, v2;
	s23 =	smin.f32 s22, s24;
	s24 =	spop (v2sf)  }
0x1c7: {  	[tilespmem:$0x350] =	vst v18;
	v52 =	vld [tilespmem:$0x221];
	v18 =	vmul.f32 v55, v55;
	v29 =	vsub.f32 $0.0e+00, v29;
	v25 =	vsub.f32 $0.0e+00, v42;
	s24 =	smin.f32 s23, s24;
	s0 =	spop (v2sf)  }
0x1c8: {  	[tilespmem:$0x340] =	vst v20;
	v56 =	vld [tilespmem:$0x350];
	v43 =	vperm.xlane v38, v2;
	v27 =	vsub.f32 $0.0e+00, v27;
	v45, _, _ =	vpop (xrf0);
	v24 =	vmin.f32 v24, s24;
	s0 =	smin.f32 s24, s0;
	s28 =	spop (v2sf)  }
0x1c9: {  	v53 =	vld [tilespmem:$0x340];
	v20 =	vmin.f32 v32, s30;
	v47 =	vperm.xlane v45, v2;
	[tilespmem:$0x18E0] =	vst v24;
	v29 =	vmin.f32 v29, s0;
	s26 =	smin.f32 s0, s28  }
0x1ca: {  	v59 =	vld [tilespmem:$0x241];
	v22 =	vmin.f32 v25, s29;
	v46 =	vsub.f32 $0.0e+00, v43;
	[tilespmem:$0x18D0] =	vst v29;
	s29 =	spop (v2sf);
	v27 =	vmin.f32 v27, s26  }
0x1cb: {  	v23 =	vmin.f32 v23, s31;
	v2 =	vperm.xlane v10, v2;
	v31 =	vsub.f32 $0.0e+00, v47;
	v44 =	vld [tilespmem:$0x18D1];
	s28 =	smin.f32 s26, s29;
	[tilespmem:$0x18C0] =	vst v27;
	s29 =	spop (v2sf)  }
0x1cc: {  	v32 =	vmin.f32 v51, s1;
	v30 =	vmin.f32 v30, s3;
	v25 =	vmin.f32 v46, s28;
	v61 =	vld [tilespmem:$0x18C1];
	s28 =	smin.f32 s28, s29  }
0x1cd: {  	v2 =	vsub.f32 $0.0e+00, v2;
	v27 =	vsub.f32 v55, v56;
	v46 =	vld [tilespmem:$0x261];
	[tilespmem:$0x18B0] =	vst v25;
	v31 =	vmin.f32 v31, s28;
	s28 =	smax.f32 s21, s20  }
0x1ce: {  	v26 =	vmin.f32 v26, s25;
	v35 =	vmin.f32 v35, s23;
	v57 =	vld [tilespmem:$0x18B1];
	[tilespmem:$0x18A0] =	vst v31;
	v17 =	vmax.f32 v17, s28  }
0x1cf: {  	v2 =	vmin.f32 v2, s6;
	v25 =	vmul.f32 v52, v52;
	v27 =	vmul.f32 v27, v27;
	s1 =	smax.f32 s28, s19;
	v54 =	vld [tilespmem:$0x18A1];
	[tilespmem:$0x360] =	vst v17  }
0x1d0: {  	[tilespmem:$0x18F0] =	vst v35;
	v31 =	vsub.f32 v52, v53;
	v53 =	vmul.f32 v59, v59;
	v16 =	vmax.f32 v16, s1;
	s29 =	smax.f32 s1, s17;
	v60 =	vld [tilespmem:$0x360]  }
0x1d1: {  	[tilespmem:$0x1950] =	vst v20;
	v17 =	vmin.f32 v58, s22;
	v62 =	vmax.f32 v15, s29;
	s0 =	smax.f32 s29, s18;
	v15 =	vadd.f32 v50, v48;
	v50 =	vld [tilespmem:$0x18E1]  }
0x1d2: {  	[tilespmem:$0x370] =	vst v16;
	v63 =	vmul.f32 v31, v31;
	v45 =	vsub.f32 v61, v59;
	v14 =	vmax.f32 v14, s0;
	s0 =	smax.f32 s0, s16  }
0x1d3: {  	v43 =	vld [tilespmem:$0x370];
	[tilespmem:$0x380] =	vst v62;
	v42 =	vsub.f32 v57, v55;
	v13 =	vmax.f32 v13, s0;
	v57 =	vsub.f32 v44, v41;
	s0 =	smax.f32 s0, s15  }
0x1d4: {  	[tilespmem:$0x1940] =	vst v23;
	v47 =	vld [tilespmem:$0x380];
	v49 =	vmul.f32 v45, v45;
	v12 =	vmax.f32 v12, s0;
	s0 =	smax.f32 s0, s14;
	v34 =	vsub.f32 v54, v52  }
0x1d5: {  	v37 =	vld [tilespmem:$0x1941];
	[tilespmem:$0x390] =	vst v14;
	v24 =	vmul.f32 v42, v42;
	v61 =	vmul.f32 v57, v57;
	v11 =	vmax.f32 v11, s0  }
0x1d6: {  	[tilespmem:$0x1910] =	vst v26;
	v58 =	vld [tilespmem:$0x390];
	s0 =	smax.f32 s0, s13;
	v42 =	vmul.f32 v46, v46;
	v29 =	vsub.f32 v59, v60;
	v35 =	vsub.f32 v50, v46  }
0x1d7: {  	[tilespmem:$0x1900] =	vst v17;
	v54 =	vld [tilespmem:$0x271];
	v8 =	vmax.f32 v8, s0;
	s0 =	smax.f32 s0, s12;
	v40 =	vmul.f32 v34, v34;
	v24 =	vmin.f32 v27, v24  }
0x1d8: {  	v38 =	vld [tilespmem:$0x1901];
	v56 =	vsub.f32 v41, v43;
	v7 =	vmax.f32 v7, s0;
	v48 =	vmul.f32 v29, v29  }
0x1d9: {  	[tilespmem:$0x3A0] =	vst v13;
	v59 =	vld [tilespmem:$0x18F1];
	s0 =	smax.f32 s0, s11;
	v52 =	vmin.f32 v24, v18;
	v33 =	vsub.f32 v46, v47;
	v39 =	vmul.f32 v35, v35  }
0x1da: {  	v36 =	vld [tilespmem:$0x3A0];
	v6 =	vmax.f32 v6, s0;
	s0 =	smax.f32 s0, s10;
	v16 =	vmin.f32 v63, v40;
	v60 =	vmul.f32 v56, v56  }
0x1db: {  	[tilespmem:$0x1930] =	vst v32;
	v34 =	vld [tilespmem:$0x281];
	v63 =	vmul.f32 v41, v41;
	v5 =	vmax.f32 v5, s0;
	v25 =	vmin.f32 v16, v25  }
0x1dc: {  	v28 =	vld [tilespmem:$0x1931];
	[tilespmem:$0x3B0] =	vst v12;
	s0 =	smax.f32 s0, s9;
	v51 =	vadd.f32 v24, v16;
	v55 =	vmin.f32 v48, v49;
	v40 =	vsub.f32 v54, v58  }
0x1dd: {  	v43 =	vld [tilespmem:$0x3B0];
	v47 =	vmul.f32 v54, v54;
	v4 =	vmax.f32 v4, s0;
	v16 =	vadd.f32 v52, v25  }
0x1de: {  	[tilespmem:$0x1920] =	vst v30;
	v41 =	vld [tilespmem:$0x291];
	s0 =	smax.f32 s0, s8;
	v17 =	vmin.f32 v55, v53;
	v25 =	vmin.f32 v60, v61;
	v18 =	vsub.f32 v59, v54  }
0x1df: {  	v45 =	vld [tilespmem:$0x1911];
	v3 =	vmax.f32 v3, s0;
	v14 =	vadd.f32 v55, v51;
	v44 =	vmul.f32 v40, v40  }
0x1e0: {  	v48 =	vld [tilespmem:$0x2A1];
	s7 =	smax.f32 s0, s7;
	v49 =	vsub.f32 v34, v36;
	v50 =	vsub.f32 v38, v34;
	v56 =	vmul.f32 v34, v34  }
0x1e1: {  	v53 =	vld [tilespmem:$0x1921];
	v1 =	vmax.f32 v1, s7;
	v62 =	vadd.f32 v17, v16;
	v16 =	vmin.f32 v25, v63  }
0x1e2: {  	[tilespmem:$0x3C0] =	vst v11;
	v60 =	vld [tilespmem:$0x2B1];
	v17 =	vmul.f32 v33, v33;
	v18 =	vmul.f32 v18, v18;
	v14 =	vadd.f32 v25, v14  }
0x1e3: {  	v51 =	vld [tilespmem:$0x3C0];
	v54 =	vmul.f32 v49, v49;
	v55 =	vmul.f32 v50, v50;
	v57 =	vsub.f32 v41, v43  }
0x1e4: {  	v33 =	vld [tilespmem:$0x2C1];
	v59 =	vsub.f32 v45, v41;
	v30 =	vmul.f32 v41, v41;
	v13 =	vadd.f32 v16, v62  }
0x1e5: {  	[tilespmem:$0x3F0] =	vst v6;
	v41 =	vld [tilespmem:$0x2D1];
	v12 =	vmin.f32 v17, v39;
	v17 =	vmin.f32 v44, v18;
	v38 =	vmul.f32 v48, v48  }
0x1e6: {  	v43 =	vld [tilespmem:$0x3F0];
	v46 =	vadd.f32 v12, v14;
	v12 =	vmin.f32 v12, v42;
	v52 =	vmin.f32 v17, v47  }
0x1e7: {  	[tilespmem:$0x400] =	vst v5;
	v49 =	vld [tilespmem:$0x2E1];
	v58 =	vmin.f32 v54, v55;
	v14 =	vsub.f32 v53, v48;
	v40 =	vsub.f32 v28, v60  }
0x1e8: {  	[tilespmem:$0x3D0] =	vst v8;
	v50 =	vld [tilespmem:$0x400];
	v61 =	vmul.f32 v57, v57;
	v47 =	vsub.f32 $0.0e+00, v9;
	v12 =	vadd.f32 v12, v13  }
0x1e9: {  	[tilespmem:$0x3E0] =	vst v7;
	v62 =	vld [tilespmem:$0x3D0];
	v8 =	vmin.f32 v58, v56;
	v63 =	vsub.f32 v48, v51;
	v48 =	vmul.f32 v60, v60  }
0x1ea: {  	[tilespmem:$0x1970] =	vst v21;
	v35 =	vld [tilespmem:$0x3E0];
	v11 =	vadd.f32 v17, v46;
	v17 =	vmul.f32 v59, v59;
	v14 =	vmul.f32 v14, v14  }
0x1eb: {  	[tilespmem:$0x410] =	vst v4;
	v55 =	vld [tilespmem:$0x2F1];
	v45 =	vmul.f32 v40, v40;
	v13 =	vsub.f32 v37, v33;
	v5 =	vmin.f32 v47, $9.999999840e+17  }
0x1ec: {  	[tilespmem:$0x1960] =	vst v22;
	v57 =	vld [tilespmem:$0x410];
	v12 =	vadd.f32 v52, v12;
	v32 =	vmul.f32 v63, v63;
	v10 =	vsub.f32 v41, v43  }
0x1ed: {  	v51 =	vld [tilespmem:$0x1961];
	v20 =	vmul.f32 v41, v41;
	v21 =	vsub.f32 v49, v50;
	v11 =	vadd.f32 v58, v11  }
0x1ee: {  	[tilespmem:$0x1980] =	vst v19;
	v46 =	vld [tilespmem:$0x1951];
	v31 =	vmin.f32 v61, v17;
	v39 =	vsub.f32 v60, v62;
	v54 =	vmul.f32 v13, v13  }
0x1ef: {  	[tilespmem:$0x420] =	vst v3;
	v59 =	vld [tilespmem:$0x1971];
	v58 =	vmul.f32 v33, v33;
	v8 =	vadd.f32 v8, v12;
	v7 =	vmin.f32 v31, v30  }
0x1f0: {  	v22 =	vld [tilespmem:$0x420];
	v36 =	vmin.f32 v32, v14;
	v61 =	vmul.f32 v10, v10;
	v27 =	vmul.f32 v21, v21  }
0x1f1: {  	[tilespmem:$0x1990] =	vst v2;
	v63 =	vld [tilespmem:$0x301];
	v30 =	vsub.f32 v55, v57;
	v37 =	vmul.f32 v55, v55;
	v34 =	vadd.f32 v31, v11  }
0x1f2: {  	v24 =	vld [tilespmem:$0x1981];
	v6 =	vmin.f32 v36, v38;
	v44 =	vmul.f32 v39, v39;
	v11 =	vsub.f32 v33, v35  }
0x1f3: {  	v23 =	vsub.f32 v51, v49;
	v33 =	vmul.f32 v49, v49;
	v7 =	vadd.f32 v7, v8  }
0x1f4: {  	v56 =	vsub.f32 v46, v41;
	v31 =	vsub.f32 v59, v55;
	v35 =	vmul.f32 v30, v30  }
0x1f5: {  	v42 =	vadd.f32 v36, v34;
	v12 =	vmin.f32 v44, v45;
	v53 =	vmul.f32 v11, v11  }
0x1f6: {  	v29 =	vmul.f32 v23, v23;
	v38 =	vsub.f32 v63, v22;
	v6 =	vadd.f32 v6, v7  }
0x1f7: {  	[tilespmem:$0x430] =	vst v1;
	v28 =	vld [tilespmem:$0x311];
	v40 =	vsub.f32 v24, v63;
	v7 =	vmin.f32 v12, v48;
	v8 =	vadd.f32 v12, v42  }
0x1f8: {  	[tilespmem:$0x19A0] =	vst v5;
	v32 =	vld [tilespmem:$0x430];
	v62 =	vmul.f32 v56, v56;
	v52 =	vadd.f32 v7, v6;
	v6 =	vmin.f32 v53, v54  }
0x1f9: {  	v34 =	vld [tilespmem:$0x1991];
	v45 =	vmul.f32 v63, v63;
	v60 =	vadd.f32 v6, v8;
	v19 =	vmin.f32 v6, v58  }
0x1fa: {  	v36 =	vmul.f32 v31, v31;
	v8 =	vmin.f32 v61, v62;
	v25 =	vadd.f32 v19, v52  }
0x1fb: {  	v4 =	vmin.f32 v27, v29;
	v26 =	vmin.f32 v8, v20;
	v3 =	vadd.f32 v8, v60  }
0x1fc: {  	v42 =	vmul.f32 v38, v38;
	v5 =	vmul.f32 v40, v40;
	v1 =	vadd.f32 v26, v25  }
0x1fd: {  	v44 =	vsub.f32 v28, v32;
	v2 =	vmin.f32 v4, v33;
	v3 =	vadd.f32 v4, v3  }
0x1fe: {  	v43 =	vld [tilespmem:$0xBF0];
	v39 =	vmin.f32 v35, v36;
	v8 =	vsub.f32 v34, v28;
	v1 =	vadd.f32 v2, v1  }
0x1ff: {  	v41 =	vmin.f32 v39, v37;
	v46 =	vmin.f32 v42, v5;
	v3 =	vadd.f32 v39, v3  }
0x200: {  	v47 =	vld [tilespmem:$0xE70];
	v48 =	vmul.f32 v44, v44;
	v8 =	vmul.f32 v8, v8;
	v1 =	vadd.f32 v41, v1  }
0x201: {  	v49 =	vmul.f32 v28, v28;
	v2 =	vmin.f32 v46, v45;
	v3 =	vadd.f32 v46, v3  }
0x202: {  	v51 =	vld [tilespmem:$0x10F0];
	v50 =	vmin.f32 v48, v8;
	v1 =	vadd.f32 v2, v1  }
0x203: {  	v52 =	vadd.f32 v43, v15;
	v2 =	vmin.f32 v50, v49;
	v3 =	vadd.f32 v50, v3  }
0x204: {  	v53 =	vld [tilespmem:$0x1370];
	v1 =	vadd.f32 v2, v1  }
0x205: {  	v54 =	vadd.f32 v47, v52;
	(xrf2) =	vadd.scan.msk.f32 $0xffff, v3  }
0x206: {  	v55 =	vld [tilespmem:$0x15F0];
	(xrf2) =	vadd.scan.msk.f32 $0xffff, v1  }
0x207: {  	v56 =	vadd.f32 v51, v54  }
0x208: {  	v57 =	vld [tilespmem:$0x1870]  }
0x209: {  	v58 =	vld [tilespmem:$0x220];
	v1 =	vadd.f32 v53, v56;
	_ =	sdelay $0x1  }
0x20a: {  	v1 =	vadd.f32 v55, v1;
	_ =	sdelay $0x1  }
0x20b: {  	v1 =	vadd.f32 v57, v1  }
0x20c: {  	v2 =	vbroadcast v58, $0x1  }
0x20d: {  	vm0 =	vcmask $0x1310;
	v4 =	vbroadcast v1, $0x1;
	v59, _, _ =	vpop (xrf2)  }
0x20e: {  	vm12 =	vcmask $0x3F10;
	v2 =	vnsel vm0, $0x0, v2;
	v1 =	vbroadcast v1, $0x0;
	v60, _, _ =	vpop (xrf2)  }
0x20f: {  	vm13 =	vcmask $0x3F0C;
	v2 =	vsel vm12, v2, v4;
	v61 =	vbroadcast v60, $0xF  }
0x210: {  	vm14 =	vcmask $0x3F08;
	s0 =	smax.f32 s7, s5;
	v1 =	vsel vm13, v2, v1;
	v62 =	vbroadcast v59, $0xF  }
0x211: {  	vm15 =	vcmask $0x3F04;
	s30 =	stileid.u32;
	v0 =	vmax.f32 v0, s0;
	v1 =	vsel vm14, v1, v61  }
0x212: {  	s3 =	smov.u32 s2;
	s0 =	sshll.u32 s30, $0x4;
	[tilespmem:$0x440] =	vst v0;
	v63 =	vsel vm15, v1, v62  }
0x213: {  	s31 =	simm.s32 $0x19B0;
	s2 =	simm.s32 $0x1;
	s0 =	sadd.s32 s0, s3;
	[tilespmem:$0x19B0] =	vst v63  }
0x214: {  	[spmem:s0] =	stream.linear.scatter [tilespmem:s31], [sflag:$0x1], $0x10, $0x38;
	[tilespmem:$0x19C0] =	vst v63  }
.Ltmp1:
0x215: {  	_ =	swait.ge [sflag:s2], $0x10;
	(pc) =	sbr.rel @p0 .LBB2_4-.Ltmp1, $4  }
0x216: {  	[sflag:s2] =	ssyncset.done $0x0  }
0x217: {  	[sflag:s2] =	ssyncadd.s32 $0xFFFFFFF0  }
0x218: {  	[bflag:$0x0] =	sbarrier.arrive $0xFFFF  }
0x219: {  	s12 =	smov.u32 s4  }
0x21a: {  	s0 =	simm.s32 $0x450  }
0x21b: {  	[tilespmem:s0], [sflag:$0x1] =	stream.linear.gather [spmem:s3], $0x40, $0x38;
	[tilespmem:$0x19C0] =	vst v63  }
0x21c: {  	_ =	swait.ge [sflag:s2], $0x40  }
0x21d: {  	[sflag:s2] =	ssyncset.done $0x0  }
0x21e: {  	[sflag:s2] =	ssyncadd.s32 $0xFFFFFFC0  }
0x21f: {  	v0 =	vld [tilespmem:$0x450]  }
0x220: {  	v1 =	vld [tilespmem:$0x460]  }
0x221: {  	v2 =	vld [tilespmem:$0x470]  }
0x222: {  	v3 =	vld [tilespmem:$0x480];
	_ =	sdelay $0x1  }
0x223: {  	(v2sf) =	vpush v0, $0x3  }
0x224: {  	(v2sf) =	vpush v1, $0x3  }
0x225: {  	(v2sf) =	vpush v2, $0x3  }
0x226: {  	(v2sf) =	vpush v3, $0x3  }
0x227: {  	(v2sf) =	vpush v0, $0x0  }
0x228: {  	(v2sf) =	vpush v0, $0x1;
	_ =	sdelay $0x1  }
0x229: {  	(v2sf) =	vpush v0, $0x2  }
0x22a: {  	(v2sf) =	vpush v0, $0x4;
	_ =	sdelay $0x2  }
0x22b: {  	(v2sf) =	vpush v1, $0x0  }
0x22c: {  	(v2sf) =	vpush v1, $0x1  }
0x22d: {  	(v2sf) =	vpush v1, $0x2  }
0x22e: {  	(v2sf) =	vpush v1, $0x4  }
0x22f: {  	s13 =	spop (v2sf)  }
0x230: {  	(v2sf) =	vpush v2, $0x0;
	s1 =	spop (v2sf)  }
0x231: {  	(v2sf) =	vpush v2, $0x1;
	s14 =	spop (v2sf)  }
0x232: {  	(v2sf) =	vpush v2, $0x2;
	s5 =	smax.f32 s13, s1;
	s4 =	spop (v2sf)  }
0x233: {  	(v2sf) =	vpush v2, $0x4;
	s5 =	smax.f32 s5, s14;
	s6 =	spop (v2sf)  }
0x234: {  	(v2sf) =	vpush v3, $0x0;
	s5 =	smax.f32 s5, s4;
	s7 =	spop (v2sf)  }
0x235: {  	(v2sf) =	vpush v3, $0x1;
	s9 =	ssub.f32 s5, s13;
	p1 =	sgt.f32 s5, s13  }
0x236: {  	(v2sf) =	vpush v3, $0x2;
	s21 =	ssub.f32 s5, s14;
	s8 =	spop (v2sf)  }
0x237: {  	s23 =	ssub.f32 s5, s4;
	(v2sf) =	vpush v3, $0x4;
	s10 =	spop (v2sf)  }
0x238: {  	s15 =	sadd.f32 $0.0e+00, s8;
	s6 =	smov.u32 @p1 s7;
	p1 =	sgt.f32 s5, s1  }
0x239: {  	s1 =	ssub.f32 s5, s1;
	s9 =	smul.f32 s9, s10  }
0x23a: {  	s11 =	spop (v2sf);
	s6 =	smul.f32 $3.906250000e-03, s6  }
0x23b: {  	s16 =	smul.f32 s9, s10;
	s9 =	spop (v2sf)  }
0x23c: {  	s6 =	sadd.f32 $0.0e+00, s6;
	s17 =	spop (v2sf)  }
0x23d: {  	s18 =	spop (v2sf);
	s0 =	sadd.f32 s16, s15  }
0x23e: {  	s11 =	smov.u32 @p1 s9;
	p1 =	sgt.f32 s5, s14;
	s1 =	smul.f32 s1, s18  }
0x23f: {  	s8 =	spop (v2sf);
	s0 =	sadd.f32 s0, s17  }
0x240: {  	s1 =	smul.f32 s1, s18;
	s7 =	spop (v2sf)  }
0x241: {  	s9 =	smul.f32 $3.906250000e-03, s11;
	s19 =	spop (v2sf)  }
0x242: {  	v63 =	vmov s5;
	s0 =	sadd.f32 s0, s1;
	s20 =	spop (v2sf)  }
0x243: {  	(erf) = vrcp.f32 v63;
	s11 =	spop (v2sf);
	s10 =	smul.f32 s21, s20  }
0x244: {  	s3 =	spop (v2sf);
	s0 =	sadd.f32 s0, s19  }
0x245: {  	s22 =	spop (v2sf);
	s1 =	smul.f32 s10, s20  }
0x246: {  	s6 =	sadd.f32 s6, s9;
	s24 =	spop (v2sf)  }
0x247: {  	s8 =	smov.u32 @p1 s7;
	s0 =	sadd.f32 s0, s1;
	s25 =	smul.f32 s23, s24  }
0x248: {  	p1 =	sgt.f32 s5, s4;
	s8 =	smul.f32 $3.906250000e-03, s8  }
0x249: {  	s0 =	sadd.f32 s0, s22;
	s1 =	smul.f32 s25, s24  }
0x24a: {  	s26 =	sadd.f32 s6, s8;
	s11 =	smov.u32 @p1 s3  }
0x24b: {  	s3 =	smul.f32 $3.906250000e-03, s11;
	s0 =	sadd.f32 s0, s1  }
0x24c: {  	v0 =	vpop (erf)  }
0x24d: {  	s28 =	sadd.f32 s26, s3;
	v0 =	vmul.f32 s0, v0;
	_ =	sdelay $0x1  }
0x24e: {  	v0 =	vadd.f32 s28, v0;
	_ =	sdelay $0x1  }
0x24f: {  	v0 =	vmul.f32 $2.500000040e-02, v0  }
0x250: {  	vm0 =	vmmov $0x1  }
0x251: {  	s29 =	simm.s32 $0x0;
	v0 =	vnsel vm0, $0x0, v0  }
.Ltmp2:
0x252: {  	s30 =	simm.s32 $0x330;
	s31 =	rddreg [dreg:$0x1];
	[tilespmem:$0x330] =	vst v0;
	(pc) =	sbr.rel .LBB2_4-.Ltmp2, $4  }
0x253: {  	[hbm4b:s31+s29] =	stream.linear.scatter [tilespmem:s30], [sflag:$0x1], $0x10, $0x38;
	[tilespmem:$0x19C0] =	vst v63  }
0x254: {  	_ =	swait.ge [sflag:s2], $0x10  }
0x255: {  	[sflag:s2] =	ssyncset.done $0x0  }
0x256: {  	[sflag:s2] =	ssyncadd.s32 $0xFFFFFFF0  }
.LBB2_1:
0x257: {  	[bflag:$0x0] =	sbarrier.arrive $0xFFFF  }
.LBB2_4:
0x258: {  	_ =	sfence.sel $0x180000  }
0x259: {  	[bflag:$0x0] =	sbarrier.arrive $0xFFFF  }
0x25a: {  	_ =	strace $0x9000004A  }
0x25b: {  	s0 =	sadd.s32 @!p0 $0x100000, s12;
	[bflag:$0x2] =	sbarrier.arrive $0xFFFF  }
0x25c: {  	[sflag:s0] =	ssyncadd.tile.s32 @!p0 $0x1;
	_ =	shalt  }
.Lfunc_end2:
_tile_overlayer_lowered:
.L_overlay_start_2:
0x25d: {  	(tag) =	ssettag $0x2  }
0x25e: {  	s0 =	rddreg [dreg:$0x0];
	s2 =	stileid.u32  }
0x25f: {  	s1 =	rddreg [dreg:$0x1];
	p0 =	sne.s32 s2, $0x0  }
0x260: {  	s3 =	rddreg [dreg:$0x2];
	[bflag:$0x3] =	sbarrier.arrive $0xFFFF;
	s2 =	simm.s32 @!p0 $0x1C01  }
0x261: {  	[timem:s3], [sflag:s2] =	dma.local @!p0 [hbm:s0], s1  }
0x262: {  	s0 =	simm.s32 @!p0 $0x1  }
0x263: {  	_ =	swait.ge @!p0 [sflag:s0], s1  }
0x264: {  	s1 =	ssub.s32 @!p0 $0x0, s1;
	[sflag:s0] =	ssyncset.done @!p0 $0x0  }
0x265: {  	[sflag:s0] =	ssyncadd.s32 @!p0 s1  }
0x266: {  	[bflag:$0x3] =	sbarrier.arrive $0xFFFF  }
0x267: {  	_ =	shalt  }

</sc_bundles>
